<compile_context>
chip_gen: v7x
topology: tpu7x:2x2x1
jax: 0.10.2.dev20260603
libtpu: 0.0.44.dev20260713+nightly
codegen_flags: <defaults>
</compile_context>

<pallas_src>
import functools

import jax
import jax.numpy as jnp
from jax import lax
from jax.experimental import pallas as pl
from jax.experimental.pallas import tpu as pltpu
from jax.experimental.pallas import tpu_sc as plsc

N = 10000
E = 320000
D = 128

NC = 2
NS = 16

ROWS_PER_TILE = 624
ROWS_TAIL = N - NS * ROWS_PER_TILE
EDGES_PER_TILE = E // NS
C = 160
N_CHUNKS = EDGES_PER_TILE // C
CD = 250
DEG_CHUNKS = EDGES_PER_TILE // CD

def _copy_tile_rows(src_ref, dst_ref, s):
    st = pl.multiple_of(s * ROWS_PER_TILE, 8)
    pltpu.sync_copy(src_ref.at[pl.ds(st, ROWS_PER_TILE)],
                    dst_ref.at[pl.ds(st, ROWS_PER_TILE)])

    @pl.when(s == NS - 1)
    def _():
        base = NS * ROWS_PER_TILE
        pltpu.sync_copy(src_ref.at[pl.ds(base, ROWS_TAIL)],
                        dst_ref.at[pl.ds(base, ROWS_TAIL)])



def _deg_core(dstR, ones_hbm, z, dout, s, di0, di1, ones_v, acc, isem):
    _copy_tile_rows(z, acc, s)
    pltpu.sync_copy(ones_hbm, ones_v)
    plsc.subcore_barrier()
    base = s * DEG_CHUNKS

    pltpu.sync_copy(dstR.at[base], di0)

    def step(i, me, nx):
        @pl.when(i + 1 < DEG_CHUNKS)
        def _():
            pltpu.async_copy(dstR.at[base + i + 1], nx, isem)
        pltpu.sync_copy(ones_v, acc.at[me], add=True)

        @pl.when(i + 1 < DEG_CHUNKS)
        def _():
            pltpu.make_async_copy(dstR.at[base + i + 1], nx, isem).wait()

    @pl.loop(0, DEG_CHUNKS)
    def _(i):
        par = lax.rem(i, 2)

        @pl.when(par == 0)
        def _():
            step(i, di0, di1)

        @pl.when(par == 1)
        def _():
            step(i, di1, di0)

    plsc.subcore_barrier()
    _copy_tile_rows(acc, dout, s)


def _deg_body(dst0, dst1, ones_hbm, z, d0out, d1out,
              di0, di1, ones_v, acc, isem):
    c = lax.axis_index("c")
    s = lax.axis_index("s")

    @pl.when(c == 0)
    def _():
        _deg_core(dst0, ones_hbm, z, d0out, s, di0, di1, ones_v, acc, isem)

    @pl.when(c == 1)
    def _():
        _deg_core(dst1, ones_hbm, z, d1out, s, di0, di1, ones_v, acc, isem)


@functools.cache
def _sc_mesh():
    return plsc.VectorSubcoreMesh(
        core_axis_name="c", subcore_axis_name="s",
        num_cores=NC, num_subcores=NS,
    )


@functools.cache
def _deg_call():
    return pl.kernel(
        _deg_body,
        out_type=(
            jax.ShapeDtypeStruct((N, D), jnp.float32),
            jax.ShapeDtypeStruct((N, D), jnp.float32),
        ),
        mesh=_sc_mesh(),
        scratch_types=[
            pltpu.VMEM((CD,), jnp.int32),
            pltpu.VMEM((CD,), jnp.int32),
            pltpu.VMEM((CD, D), jnp.float32),
            pltpu.VMEM_SHARED((N, D), jnp.float32),
            pltpu.SemaphoreType.DMA,
        ],
    )



def _scat_core(srcR, dstR, g, z, pout, s,
               si0, si1, di0, di1, rows0, rows1, acc, gsem, isem):
    _copy_tile_rows(z, acc, s)
    plsc.subcore_barrier()
    base = s * N_CHUNKS

    pltpu.sync_copy(srcR.at[base], si0)
    pltpu.sync_copy(dstR.at[base], di0)
    pltpu.async_copy(g.at[si0], rows0, gsem)

    def step(i, me_si, me_di, me_rows, nx_si, nx_di, nx_rows):
        @pl.when(i + 1 < N_CHUNKS)
        def _():
            pltpu.async_copy(srcR.at[base + i + 1], nx_si, isem)
            pltpu.async_copy(dstR.at[base + i + 1], nx_di, isem)
        pltpu.make_async_copy(g.at[me_si], me_rows, gsem).wait()

        @pl.when(i + 1 < N_CHUNKS)
        def _():
            pltpu.make_async_copy(srcR.at[base + i + 1], nx_si, isem).wait()
            pltpu.make_async_copy(dstR.at[base + i + 1], nx_di, isem).wait()
            pltpu.async_copy(g.at[nx_si], nx_rows, gsem)
        pltpu.sync_copy(me_rows, acc.at[me_di], add=True)

    @pl.loop(0, N_CHUNKS)
    def _(i):
        par = lax.rem(i, 2)

        @pl.when(par == 0)
        def _():
            step(i, si0, di0, rows0, si1, di1, rows1)

        @pl.when(par == 1)
        def _():
            step(i, si1, di1, rows1, si0, di0, rows0)

    plsc.subcore_barrier()
    _copy_tile_rows(acc, pout, s)


def _scat_body(srcR0, dstR0, srcR1, dstR1, g0, g1, z, p0, p1,
               si0, si1, di0, di1, rows0, rows1, acc, gsem, isem):
    c = lax.axis_index("c")
    s = lax.axis_index("s")

    @pl.when(c == 0)
    def _():
        _scat_core(srcR0, dstR0, g0, z, p0, s,
                   si0, si1, di0, di1, rows0, rows1, acc, gsem, isem)

    @pl.when(c == 1)
    def _():
        _scat_core(srcR1, dstR1, g1, z, p1, s,
                   si0, si1, di0, di1, rows0, rows1, acc, gsem, isem)


@functools.cache
def _scat_call():
    return pl.kernel(
        _scat_body,
        out_type=(
            jax.ShapeDtypeStruct((N, D), jnp.float32),
            jax.ShapeDtypeStruct((N, D), jnp.float32),
        ),
        mesh=_sc_mesh(),
        scratch_types=[
            pltpu.VMEM((C,), jnp.int32),
            pltpu.VMEM((C,), jnp.int32),
            pltpu.VMEM((C,), jnp.int32),
            pltpu.VMEM((C,), jnp.int32),
            pltpu.VMEM((C, D), jnp.float32),
            pltpu.VMEM((C, D), jnp.float32),
            pltpu.VMEM_SHARED((N, D), jnp.float32),
            pltpu.SemaphoreType.DMA,
            pltpu.SemaphoreType.DMA,
        ],
    )



BM = 1000


def _dinv_of(deg_blk):
    return lax.rsqrt(deg_blk[:, 0:1] + 1.0)


def _mm_g_body(x_ref, w_ref, deg_ref, h_ref, g_ref):
    x = x_ref[0]
    h = jnp.dot(x, w_ref[...], preferred_element_type=jnp.float32)
    dinv = _dinv_of(deg_ref[0])
    h_ref[0] = h
    g_ref[0] = h * dinv


def _mm_g(x, w, deg):
    return pl.pallas_call(
        _mm_g_body,
        grid=(2, N // BM),
        in_specs=[
            pl.BlockSpec((1, BM, D), lambda a, i: (a, i, 0)),
            pl.BlockSpec((D, D), lambda a, i: (0, 0)),
            pl.BlockSpec((1, BM, D), lambda a, i: (a, i, 0)),
        ],
        out_specs=[
            pl.BlockSpec((1, BM, D), lambda a, i: (a, i, 0)),
            pl.BlockSpec((1, BM, D), lambda a, i: (a, i, 0)),
        ],
        out_shape=[
            jax.ShapeDtypeStruct((2, N, D), jnp.float32),
            jax.ShapeDtypeStruct((2, N, D), jnp.float32),
        ],
    )(x, w, deg)


def _fused_body(p_ref, hp_ref, deg_ref, b_ref, w_ref, h_ref, g_ref):
    dinv = _dinv_of(deg_ref[0])
    x = dinv * p_ref[0] + (dinv * dinv) * hp_ref[0] + b_ref[...]
    x = jnp.maximum(x, 0.0)
    h = jnp.dot(x, w_ref[...], preferred_element_type=jnp.float32)
    h_ref[0] = h
    g_ref[0] = h * dinv


def _fused(p, hp, deg, b, w):
    return pl.pallas_call(
        _fused_body,
        grid=(2, N // BM),
        in_specs=[
            pl.BlockSpec((1, BM, D), lambda a, i: (a, i, 0)),
            pl.BlockSpec((1, BM, D), lambda a, i: (a, i, 0)),
            pl.BlockSpec((1, BM, D), lambda a, i: (a, i, 0)),
            pl.BlockSpec((1, D), lambda a, i: (0, 0)),
            pl.BlockSpec((D, D), lambda a, i: (0, 0)),
        ],
        out_specs=[
            pl.BlockSpec((1, BM, D), lambda a, i: (a, i, 0)),
            pl.BlockSpec((1, BM, D), lambda a, i: (a, i, 0)),
        ],
        out_shape=[
            jax.ShapeDtypeStruct((2, N, D), jnp.float32),
            jax.ShapeDtypeStruct((2, N, D), jnp.float32),
        ],
    )(p, hp, deg, b, w)


_LAST_BLK = N // 8 - 1


def _head_body(p_ref, hp_ref, deg_ref, b_ref, wm_ref, bm_ref, o_ref):
    dinv0 = _dinv_of(deg_ref[0])[7:8]
    dinv1 = _dinv_of(deg_ref[1])[7:8]
    p0 = p_ref[0, 7:8, :]
    p1 = p_ref[1, 7:8, :]
    l = dinv0 * p0 + (dinv0 * dinv0) * hp_ref[0, 7:8, :] + b_ref[...]
    r = dinv1 * p1 + (dinv1 * dinv1) * hp_ref[1, 7:8, :] + b_ref[...]
    o_ref[...] = (
        jnp.dot(l, wm_ref[0:D, :], preferred_element_type=jnp.float32)
        + jnp.dot(r, wm_ref[D:2 * D, :], preferred_element_type=jnp.float32)
        + bm_ref[...]
    )


def _head(p, hp, deg, b, wm_pad, bm_pad):
    return pl.pallas_call(
        _head_body,
        grid=(1,),
        in_specs=[
            pl.BlockSpec((2, 8, D), lambda i: (0, _LAST_BLK, 0)),
            pl.BlockSpec((2, 8, D), lambda i: (0, _LAST_BLK, 0)),
            pl.BlockSpec((2, 8, D), lambda i: (0, _LAST_BLK, 0)),
            pl.BlockSpec((1, D), lambda i: (0, 0)),
            pl.BlockSpec((2 * D, D), lambda i: (0, 0)),
            pl.BlockSpec((1, D), lambda i: (0, 0)),
        ],
        out_specs=pl.BlockSpec((1, D), lambda i: (0, 0)),
        out_shape=jax.ShapeDtypeStruct((1, D), jnp.float32),
    )(p, hp, deg, b, wm_pad, bm_pad)



def kernel(left_x, left_edge_index, right_x, right_edge_index,
           W1, b1, W2, b2, W3, b3, Wm, bm):
    src0 = left_edge_index[0].astype(jnp.int32)
    dst0 = left_edge_index[1].astype(jnp.int32)
    src1 = right_edge_index[0].astype(jnp.int32)
    dst1 = right_edge_index[1].astype(jnp.int32)

    srcC0 = src0.reshape(-1, C)
    dstC0 = dst0.reshape(-1, C)
    srcC1 = src1.reshape(-1, C)
    dstC1 = dst1.reshape(-1, C)
    dstR0 = dst0.reshape(-1, CD)
    dstR1 = dst1.reshape(-1, CD)

    x = jnp.stack([left_x, right_x])

    zeros = jnp.zeros((N, D), jnp.float32)
    ones_rows = jnp.ones((CD, D), jnp.float32)

    d0, d1 = _deg_call()(dstR0, dstR1, ones_rows, zeros)
    deg = jnp.stack([d0, d1])

    b1r = b1.reshape(1, D)
    b2r = b2.reshape(1, D)
    b3r = b3.reshape(1, D)
    wm_pad = jnp.zeros((2 * D, D), jnp.float32).at[:, :2].set(Wm)
    bm_pad = jnp.zeros((1, D), jnp.float32).at[0, :2].set(bm)

    h, g = _mm_g(x, W1, deg)
    p0, p1 = _scat_call()(srcC0, dstC0, srcC1, dstC1, g[0], g[1], zeros)
    p = jnp.stack([p0, p1])
    h, g = _fused(p, h, deg, b1r, W2)
    p0, p1 = _scat_call()(srcC0, dstC0, srcC1, dstC1, g[0], g[1], zeros)
    p = jnp.stack([p0, p1])
    h, g = _fused(p, h, deg, b2r, W3)
    p0, p1 = _scat_call()(srcC0, dstC0, srcC1, dstC1, g[0], g[1], zeros)
    p = jnp.stack([p0, p1])
    out = _head(p, h, deg, b3r, wm_pad, bm_pad)
    return out[:, :2]

# --- scband reference (transcript-rebuilt; emitter-appended) ---
"""Pipeline reference for scband-gcn-only-83708912599730 (READ-ONLY COPY).

The authoritative reference and input builder live on the scoring server;
editing this copy changes nothing except your own understanding.
"""

import jax, jax.numpy as jnp
import numpy as np

N_NODES = 10000
N_EDGES = 320000
D_IN = 128
D_OUT = 128
N_LAYERS = 3


def setup_inputs(seed: int = 0) -> dict:
    key = jax.random.key(seed)
    ks = jax.random.split(key, 16)
    left_x = jax.random.normal(ks[0], (N_NODES, D_IN), dtype=jnp.float32)
    right_x = jax.random.normal(ks[1], (N_NODES, D_IN), dtype=jnp.float32)
    left_edge_index = jax.random.randint(ks[2], (2, N_EDGES), 0, N_NODES, dtype=jnp.int64) if jax.config.jax_enable_x64 else jax.random.randint(ks[2], (2, N_EDGES), 0, N_NODES).astype(jnp.int32)
    right_edge_index = jax.random.randint(ks[3], (2, N_EDGES), 0, N_NODES).astype(left_edge_index.dtype)
    dims = [D_IN] + [D_OUT] * N_LAYERS
    params = {}
    for i in range(N_LAYERS):
        fan_in = dims[i]
        scale = 1.0 / np.sqrt(fan_in)
        params[f'W{i+1}'] = jax.random.uniform(ks[4 + 2 * i], (dims[i], dims[i + 1]), minval=-scale, maxval=scale, dtype=jnp.float32)
        params[f'b{i+1}'] = jnp.zeros((dims[i + 1],), dtype=jnp.float32)
    scale = 1.0 / np.sqrt(2 * D_OUT)
    params['Wm'] = jax.random.uniform(ks[12], (2 * D_OUT, 2), minval=-scale, maxval=scale, dtype=jnp.float32)
    params['bm'] = jnp.zeros((2,), dtype=jnp.float32)
    inp = {'left_x': left_x, 'left_edge_index': left_edge_index, 'right_x': right_x, 'right_edge_index': right_edge_index}
    inp.update(params)
    return inp


def _gcn_conv(x, src, dst, W, b, n_nodes):
    # GCNConv: D^{-1/2} (A + I) D^{-1/2} X W + b, with self-loops added
    loop = jnp.arange(n_nodes, dtype=src.dtype)
    s = jnp.concatenate([src, loop])
    d = jnp.concatenate([dst, loop])
    deg = jnp.zeros((n_nodes,), dtype=x.dtype).at[d].add(1.0)
    dinv = jnp.where(deg > 0, jax.lax.rsqrt(deg), 0.0)
    norm = dinv[s] * dinv[d]
    h = x @ W
    msg = h[s] * norm[:, None]
    out = jnp.zeros((n_nodes, h.shape[1]), dtype=x.dtype).at[d].add(msg)
    return out + b


def _gcn(x, edge_index, layer_params):
    n_nodes = x.shape[0]
    src = edge_index[0]
    dst = edge_index[1]
    n_layers = len(layer_params)
    for i, (W, b) in enumerate(layer_params):
        x = _gcn_conv(x, src, dst, W, b, n_nodes)
        if i < n_layers - 1:
            x = jax.nn.relu(x)
    return x


def reference(left_x, left_edge_index, right_x, right_edge_index, W1, b1, W2, b2, W3, b3, Wm, bm):
    layer_params = [(W1, b1), (W2, b2), (W3, b3)]
    left_vecs = _gcn(left_x, left_edge_index, layer_params)
    right_vecs = _gcn(right_x, right_edge_index, layer_params)
    left_vec = left_vecs[-1]
    right_vec = right_vecs[-1]
    vec_cat = jnp.concatenate([left_vec, right_vec])
    out = (vec_cat @ Wm + bm)[None, :]
    return out

if __name__ == "__main__":
    import jax
    _d = setup_inputs()
    print(jax.jit(kernel)(*tuple(_d.values())))

</pallas_src>

<mosaic_0001>
#map = affine_map<(d0, d1) -> (0, 0)>
module attributes {stable_mosaic.version = 14 : i64} {
  func.func @_deg_body(%arg0: i32, %arg1: i32, %arg2: memref<1280x250xi32, #tpu.memory_space<hbm>>, %arg3: memref<1280x250xi32, #tpu.memory_space<hbm>>, %arg4: memref<250x128xf32, #tpu.memory_space<hbm>>, %arg5: memref<10000x128xf32, #tpu.memory_space<hbm>>, %arg6: memref<10000x128xf32, #tpu.memory_space<hbm>>, %arg7: memref<10000x128xf32, #tpu.memory_space<hbm>>, %arg8: memref<250xi32, #tpu.memory_space<vmem>>, %arg9: memref<250xi32, #tpu.memory_space<vmem>>, %arg10: memref<250x128xf32, #tpu.memory_space<vmem>>, %arg11: memref<10000x128xf32, #tpu.memory_space<vmem_shared>>, %arg12: memref<!tpu.dma_semaphore, #tpu.memory_space<semaphore_mem>>) attributes {dimension_semantics = [#tpu.dimension_semantics<core_parallel>, #tpu.dimension_semantics<subcore_parallel>], iteration_bounds = array<i64: 2, 16>, scalar_prefetch = 0 : i64, scratch_operands = 5 : i64, tpu.core_type = #tpu.core_type<sc_vector_subcore>, window_params = [{transform_indices = #map}, {transform_indices = #map}, {transform_indices = #map}, {transform_indices = #map}, {transform_indices = #map}, {transform_indices = #map}]} {
    %eq3A = arith.constant 0 : i32
    %eq3A_0 = arith.cmpi eq, %arg0, %eq3A : i32
    %convert_element_type3A = arith.extui %eq3A_0 : i1 to i32
    %cond3A = arith.constant 0 : i32
    %cond3A_1 = arith.cmpi ne, %convert_element_type3A, %cond3A : i32
    scf.if %cond3A_1 {
      %mul3A = arith.constant 624 : i32
      %mul3A_7 = arith.muli %arg1, %mul3A : i32
      %multiple_of3A = tpu.assume_multiple %mul3A_7, 8 : i32
      "tpu.region"() ({
        %run_scoped3A = tpu.sem_alloc : memref<!tpu.dma_semaphore, #tpu.memory_space<semaphore_mem>>
        %dma_start3A = arith.constant 0 : i32
        %dma_start3A_28 = tpu.memref_slice %arg11[%multiple_of3A, %dma_start3A] : memref<10000x128xf32, #tpu.memory_space<vmem_shared>> -> memref<624x128xf32, #tpu.memory_space<vmem_shared>>
        %dma_start3A_29 = arith.constant 0 : i32
        %dma_start3A_30 = tpu.memref_slice %arg5[%multiple_of3A, %dma_start3A_29] : memref<10000x128xf32, #tpu.memory_space<hbm>> -> memref<624x128xf32, #tpu.memory_space<hbm>>
        tpu.enqueue_dma source(%dma_start3A_30 : memref<624x128xf32, #tpu.memory_space<hbm>>) target(%dma_start3A_28 : memref<624x128xf32, #tpu.memory_space<vmem_shared>>) target_semaphore(%run_scoped3A : memref<!tpu.dma_semaphore, #tpu.memory_space<semaphore_mem>>)
        %dma_wait3A = arith.constant 0 : i32
        %dma_wait3A_31 = tpu.memref_slice %arg11[%multiple_of3A, %dma_wait3A] : memref<10000x128xf32, #tpu.memory_space<vmem_shared>> -> memref<624x128xf32, #tpu.memory_space<vmem_shared>>
        %dma_wait3A_32 = arith.constant 0 : i32
        %dma_wait3A_33 = tpu.memref_slice %arg5[%multiple_of3A, %dma_wait3A_32] : memref<10000x128xf32, #tpu.memory_space<hbm>> -> memref<624x128xf32, #tpu.memory_space<hbm>>
        tpu.wait_dma2 semaphore(%run_scoped3A : memref<!tpu.dma_semaphore, #tpu.memory_space<semaphore_mem>>) src(%dma_wait3A_33 : memref<624x128xf32, #tpu.memory_space<hbm>>) dst(%dma_wait3A_31 : memref<624x128xf32, #tpu.memory_space<vmem_shared>>)
        tpu.yield
      }) : () -> ()
      %eq3A_8 = arith.constant 15 : i32
      %eq3A_9 = arith.cmpi eq, %arg1, %eq3A_8 : i32
      %convert_element_type3A_10 = arith.extui %eq3A_9 : i1 to i32
      %cond3A_11 = arith.constant 0 : i32
      %cond3A_12 = arith.cmpi ne, %convert_element_type3A_10, %cond3A_11 : i32
      scf.if %cond3A_12 {
        "tpu.region"() ({
          %run_scoped3A = tpu.sem_alloc : memref<!tpu.dma_semaphore, #tpu.memory_space<semaphore_mem>>
          %dma_start3A = arith.constant 9984 : i32
          %dma_start3A_28 = arith.constant 0 : i32
          %dma_start3A_29 = tpu.memref_slice %arg11[%dma_start3A, %dma_start3A_28] : memref<10000x128xf32, #tpu.memory_space<vmem_shared>> -> memref<16x128xf32, #tpu.memory_space<vmem_shared>>
          %dma_start3A_30 = arith.constant 9984 : i32
          %dma_start3A_31 = arith.constant 0 : i32
          %dma_start3A_32 = tpu.memref_slice %arg5[%dma_start3A_30, %dma_start3A_31] : memref<10000x128xf32, #tpu.memory_space<hbm>> -> memref<16x128xf32, #tpu.memory_space<hbm>>
          tpu.enqueue_dma source(%dma_start3A_32 : memref<16x128xf32, #tpu.memory_space<hbm>>) target(%dma_start3A_29 : memref<16x128xf32, #tpu.memory_space<vmem_shared>>) target_semaphore(%run_scoped3A : memref<!tpu.dma_semaphore, #tpu.memory_space<semaphore_mem>>)
          %dma_wait3A = arith.constant 9984 : i32
          %dma_wait3A_33 = arith.constant 0 : i32
          %dma_wait3A_34 = tpu.memref_slice %arg11[%dma_wait3A, %dma_wait3A_33] : memref<10000x128xf32, #tpu.memory_space<vmem_shared>> -> memref<16x128xf32, #tpu.memory_space<vmem_shared>>
          %dma_wait3A_35 = arith.constant 9984 : i32
          %dma_wait3A_36 = arith.constant 0 : i32
          %dma_wait3A_37 = tpu.memref_slice %arg5[%dma_wait3A_35, %dma_wait3A_36] : memref<10000x128xf32, #tpu.memory_space<hbm>> -> memref<16x128xf32, #tpu.memory_space<hbm>>
          tpu.wait_dma2 semaphore(%run_scoped3A : memref<!tpu.dma_semaphore, #tpu.memory_space<semaphore_mem>>) src(%dma_wait3A_37 : memref<16x128xf32, #tpu.memory_space<hbm>>) dst(%dma_wait3A_34 : memref<16x128xf32, #tpu.memory_space<vmem_shared>>)
          tpu.yield
        }) : () -> ()
      } else {
      }
      "tpu.region"() ({
        %run_scoped3A = tpu.sem_alloc : memref<!tpu.dma_semaphore, #tpu.memory_space<semaphore_mem>>
        tpu.enqueue_dma source(%arg4 : memref<250x128xf32, #tpu.memory_space<hbm>>) target(%arg10 : memref<250x128xf32, #tpu.memory_space<vmem>>) target_semaphore(%run_scoped3A : memref<!tpu.dma_semaphore, #tpu.memory_space<semaphore_mem>>)
        tpu.wait_dma2 semaphore(%run_scoped3A : memref<!tpu.dma_semaphore, #tpu.memory_space<semaphore_mem>>) src(%arg4 : memref<250x128xf32, #tpu.memory_space<hbm>>) dst(%arg10 : memref<250x128xf32, #tpu.memory_space<vmem>>)
        tpu.yield
      }) : () -> ()
      %barrier3A = arith.constant 0 : index
      tpu.barrier barrier_id(%barrier3A)
      %mul3A_13 = arith.constant 80 : i32
      %mul3A_14 = arith.muli %arg1, %mul3A_13 : i32
      "tpu.region"() ({
        %run_scoped3A = tpu.sem_alloc : memref<!tpu.dma_semaphore, #tpu.memory_space<semaphore_mem>>
        %dma_start3A = arith.constant 0 : i32
        %dma_start3A_28 = tpu.memref_slice %arg2[%mul3A_14, %dma_start3A] : memref<1280x250xi32, #tpu.memory_space<hbm>> -> memref<1x250xi32, #tpu.memory_space<hbm>>
        %dma_start3A_29 = tpu.memref_squeeze %dma_start3A_28 : memref<1x250xi32, #tpu.memory_space<hbm>> -> memref<250xi32, #tpu.memory_space<hbm>>
        %dma_start3A_30 = arith.constant 0 : i32
        %dma_start3A_31 = tpu.memref_slice %arg2[%mul3A_14, %dma_start3A_30] : memref<1280x250xi32, #tpu.memory_space<hbm>> -> memref<1x250xi32, #tpu.memory_space<hbm>>
        %dma_start3A_32 = tpu.memref_squeeze %dma_start3A_31 : memref<1x250xi32, #tpu.memory_space<hbm>> -> memref<250xi32, #tpu.memory_space<hbm>>
        tpu.enqueue_dma source(%dma_start3A_32 : memref<250xi32, #tpu.memory_space<hbm>>) target(%arg8 : memref<250xi32, #tpu.memory_space<vmem>>) target_semaphore(%run_scoped3A : memref<!tpu.dma_semaphore, #tpu.memory_space<semaphore_mem>>)
        %dma_wait3A = arith.constant 0 : i32
        %dma_wait3A_33 = tpu.memref_slice %arg2[%mul3A_14, %dma_wait3A] : memref<1280x250xi32, #tpu.memory_space<hbm>> -> memref<1x250xi32, #tpu.memory_space<hbm>>
        %dma_wait3A_34 = tpu.memref_squeeze %dma_wait3A_33 : memref<1x250xi32, #tpu.memory_space<hbm>> -> memref<250xi32, #tpu.memory_space<hbm>>
        %dma_wait3A_35 = arith.constant 0 : i32
        %dma_wait3A_36 = tpu.memref_slice %arg2[%mul3A_14, %dma_wait3A_35] : memref<1280x250xi32, #tpu.memory_space<hbm>> -> memref<1x250xi32, #tpu.memory_space<hbm>>
        %dma_wait3A_37 = tpu.memref_squeeze %dma_wait3A_36 : memref<1x250xi32, #tpu.memory_space<hbm>> -> memref<250xi32, #tpu.memory_space<hbm>>
        tpu.wait_dma2 semaphore(%run_scoped3A : memref<!tpu.dma_semaphore, #tpu.memory_space<semaphore_mem>>) src(%dma_wait3A_37 : memref<250xi32, #tpu.memory_space<hbm>>) dst(%arg8 : memref<250xi32, #tpu.memory_space<vmem>>)
        tpu.yield
      }) : () -> ()
      %scan3A = arith.constant 0 : i32
      %scan3A_15 = arith.constant 80 : i32
      %scan3A_16 = arith.addi %scan3A, %scan3A_15 : i32
      %scan3A_17 = arith.constant 1 : i32
      scf.for %scan3A_28 = %scan3A to %scan3A_16 step %scan3A_17  : i32 {
        %mul3A_29 = arith.constant 1 : i32
        %mul3A_30 = arith.muli %scan3A_28, %mul3A_29 : i32
        %add3A = arith.constant 0 : i32
        %add3A_31 = arith.addi %add3A, %mul3A_30 : i32
        %rem3A = arith.constant 2 : i32
        %rem3A_32 = arith.remsi %add3A_31, %rem3A : i32
        %eq3A_33 = arith.constant 0 : i32
        %eq3A_34 = arith.cmpi eq, %rem3A_32, %eq3A_33 : i32
        %convert_element_type3A_35 = arith.extui %eq3A_34 : i1 to i32
        %cond3A_36 = arith.constant 0 : i32
        %cond3A_37 = arith.cmpi ne, %convert_element_type3A_35, %cond3A_36 : i32
        scf.if %cond3A_37 {
          %add3A_43 = arith.constant 1 : i32
          %add3A_44 = arith.addi %add3A_31, %add3A_43 : i32
          %lt3A = arith.constant 80 : i32
          %lt3A_45 = arith.cmpi slt, %add3A_44, %lt3A : i32
          %convert_element_type3A_46 = arith.extui %lt3A_45 : i1 to i32
          %cond3A_47 = arith.constant 0 : i32
          %cond3A_48 = arith.cmpi ne, %convert_element_type3A_46, %cond3A_47 : i32
          scf.if %cond3A_48 {
            %add3A_56 = arith.addi %mul3A_14, %add3A_31 : i32
            %add3A_57 = arith.constant 1 : i32
            %add3A_58 = arith.addi %add3A_56, %add3A_57 : i32
            %dma_start3A = arith.constant 0 : i32
            %dma_start3A_59 = tpu.memref_slice %arg2[%add3A_58, %dma_start3A] : memref<1280x250xi32, #tpu.memory_space<hbm>> -> memref<1x250xi32, #tpu.memory_space<hbm>>
            %dma_start3A_60 = tpu.memref_squeeze %dma_start3A_59 : memref<1x250xi32, #tpu.memory_space<hbm>> -> memref<250xi32, #tpu.memory_space<hbm>>
            %dma_start3A_61 = arith.constant 0 : i32
            %dma_start3A_62 = tpu.memref_slice %arg2[%add3A_58, %dma_start3A_61] : memref<1280x250xi32, #tpu.memory_space<hbm>> -> memref<1x250xi32, #tpu.memory_space<hbm>>
            %dma_start3A_63 = tpu.memref_squeeze %dma_start3A_62 : memref<1x250xi32, #tpu.memory_space<hbm>> -> memref<250xi32, #tpu.memory_space<hbm>>
            tpu.enqueue_dma source(%dma_start3A_63 : memref<250xi32, #tpu.memory_space<hbm>>) target(%arg9 : memref<250xi32, #tpu.memory_space<vmem>>) target_semaphore(%arg12 : memref<!tpu.dma_semaphore, #tpu.memory_space<semaphore_mem>>)
          } else {
          }
          "tpu.region"() ({
            %run_scoped3A = tpu.sem_alloc : memref<!tpu.dma_semaphore, #tpu.memory_space<semaphore_mem>>
            %dma_start3A = arith.constant 0 : i32
            %dma_start3A_56 = arith.constant 0 : i32
            %dma_start3A_57 = tpu.memref_slice %arg11[%dma_start3A, %dma_start3A_56] : memref<10000x128xf32, #tpu.memory_space<vmem_shared>> -> memref<10000x128xf32, #tpu.memory_space<vmem_shared>>
            tpu.enqueue_indirect_dma source(%arg10 : memref<250x128xf32, #tpu.memory_space<vmem>>) target(%dma_start3A_57 : memref<10000x128xf32, #tpu.memory_space<vmem_shared>>) offsets(%arg8 : memref<250xi32, #tpu.memory_space<vmem>>) semaphore(%run_scoped3A : memref<!tpu.dma_semaphore, #tpu.memory_space<semaphore_mem>>) {add = true}
            %dma_wait3A = arith.constant 0 : i32
            %dma_wait3A_58 = arith.constant 0 : i32
            %dma_wait3A_59 = tpu.memref_slice %arg11[%dma_wait3A, %dma_wait3A_58] : memref<10000x128xf32, #tpu.memory_space<vmem_shared>> -> memref<10000x128xf32, #tpu.memory_space<vmem_shared>>
            tpu.wait_indirect_dma semaphore(%run_scoped3A : memref<!tpu.dma_semaphore, #tpu.memory_space<semaphore_mem>>) src(%arg10 : memref<250x128xf32, #tpu.memory_space<vmem>>) dst(%dma_wait3A_59 : memref<10000x128xf32, #tpu.memory_space<vmem_shared>>)
            tpu.yield
          }) : () -> ()
          %add3A_49 = arith.constant 1 : i32
          %add3A_50 = arith.addi %add3A_31, %add3A_49 : i32
          %lt3A_51 = arith.constant 80 : i32
          %lt3A_52 = arith.cmpi slt, %add3A_50, %lt3A_51 : i32
          %convert_element_type3A_53 = arith.extui %lt3A_52 : i1 to i32
          %cond3A_54 = arith.constant 0 : i32
          %cond3A_55 = arith.cmpi ne, %convert_element_type3A_53, %cond3A_54 : i32
          scf.if %cond3A_55 {
            %add3A_56 = arith.addi %mul3A_14, %add3A_31 : i32
            %add3A_57 = arith.constant 1 : i32
            %add3A_58 = arith.addi %add3A_56, %add3A_57 : i32
            %dma_wait3A = arith.constant 0 : i32
            %dma_wait3A_59 = tpu.memref_slice %arg2[%add3A_58, %dma_wait3A] : memref<1280x250xi32, #tpu.memory_space<hbm>> -> memref<1x250xi32, #tpu.memory_space<hbm>>
            %dma_wait3A_60 = tpu.memref_squeeze %dma_wait3A_59 : memref<1x250xi32, #tpu.memory_space<hbm>> -> memref<250xi32, #tpu.memory_space<hbm>>
            %dma_wait3A_61 = arith.constant 0 : i32
            %dma_wait3A_62 = tpu.memref_slice %arg2[%add3A_58, %dma_wait3A_61] : memref<1280x250xi32, #tpu.memory_space<hbm>> -> memref<1x250xi32, #tpu.memory_space<hbm>>
            %dma_wait3A_63 = tpu.memref_squeeze %dma_wait3A_62 : memref<1x250xi32, #tpu.memory_space<hbm>> -> memref<250xi32, #tpu.memory_space<hbm>>
            tpu.wait_dma2 semaphore(%arg12 : memref<!tpu.dma_semaphore, #tpu.memory_space<semaphore_mem>>) src(%dma_wait3A_63 : memref<250xi32, #tpu.memory_space<hbm>>) dst(%arg9 : memref<250xi32, #tpu.memory_space<vmem>>)
          } else {
          }
        } else {
        }
        %eq3A_38 = arith.constant 1 : i32
        %eq3A_39 = arith.cmpi eq, %rem3A_32, %eq3A_38 : i32
        %convert_element_type3A_40 = arith.extui %eq3A_39 : i1 to i32
        %cond3A_41 = arith.constant 0 : i32
        %cond3A_42 = arith.cmpi ne, %convert_element_type3A_40, %cond3A_41 : i32
        scf.if %cond3A_42 {
          %add3A_43 = arith.constant 1 : i32
          %add3A_44 = arith.addi %add3A_31, %add3A_43 : i32
          %lt3A = arith.constant 80 : i32
          %lt3A_45 = arith.cmpi slt, %add3A_44, %lt3A : i32
          %convert_element_type3A_46 = arith.extui %lt3A_45 : i1 to i32
          %cond3A_47 = arith.constant 0 : i32
          %cond3A_48 = arith.cmpi ne, %convert_element_type3A_46, %cond3A_47 : i32
          scf.if %cond3A_48 {
            %add3A_56 = arith.addi %mul3A_14, %add3A_31 : i32
            %add3A_57 = arith.constant 1 : i32
            %add3A_58 = arith.addi %add3A_56, %add3A_57 : i32
            %dma_start3A = arith.constant 0 : i32
            %dma_start3A_59 = tpu.memref_slice %arg2[%add3A_58, %dma_start3A] : memref<1280x250xi32, #tpu.memory_space<hbm>> -> memref<1x250xi32, #tpu.memory_space<hbm>>
            %dma_start3A_60 = tpu.memref_squeeze %dma_start3A_59 : memref<1x250xi32, #tpu.memory_space<hbm>> -> memref<250xi32, #tpu.memory_space<hbm>>
            %dma_start3A_61 = arith.constant 0 : i32
            %dma_start3A_62 = tpu.memref_slice %arg2[%add3A_58, %dma_start3A_61] : memref<1280x250xi32, #tpu.memory_space<hbm>> -> memref<1x250xi32, #tpu.memory_space<hbm>>
            %dma_start3A_63 = tpu.memref_squeeze %dma_start3A_62 : memref<1x250xi32, #tpu.memory_space<hbm>> -> memref<250xi32, #tpu.memory_space<hbm>>
            tpu.enqueue_dma source(%dma_start3A_63 : memref<250xi32, #tpu.memory_space<hbm>>) target(%arg8 : memref<250xi32, #tpu.memory_space<vmem>>) target_semaphore(%arg12 : memref<!tpu.dma_semaphore, #tpu.memory_space<semaphore_mem>>)
          } else {
          }
          "tpu.region"() ({
            %run_scoped3A = tpu.sem_alloc : memref<!tpu.dma_semaphore, #tpu.memory_space<semaphore_mem>>
            %dma_start3A = arith.constant 0 : i32
            %dma_start3A_56 = arith.constant 0 : i32
            %dma_start3A_57 = tpu.memref_slice %arg11[%dma_start3A, %dma_start3A_56] : memref<10000x128xf32, #tpu.memory_space<vmem_shared>> -> memref<10000x128xf32, #tpu.memory_space<vmem_shared>>
            tpu.enqueue_indirect_dma source(%arg10 : memref<250x128xf32, #tpu.memory_space<vmem>>) target(%dma_start3A_57 : memref<10000x128xf32, #tpu.memory_space<vmem_shared>>) offsets(%arg9 : memref<250xi32, #tpu.memory_space<vmem>>) semaphore(%run_scoped3A : memref<!tpu.dma_semaphore, #tpu.memory_space<semaphore_mem>>) {add = true}
            %dma_wait3A = arith.constant 0 : i32
            %dma_wait3A_58 = arith.constant 0 : i32
            %dma_wait3A_59 = tpu.memref_slice %arg11[%dma_wait3A, %dma_wait3A_58] : memref<10000x128xf32, #tpu.memory_space<vmem_shared>> -> memref<10000x128xf32, #tpu.memory_space<vmem_shared>>
            tpu.wait_indirect_dma semaphore(%run_scoped3A : memref<!tpu.dma_semaphore, #tpu.memory_space<semaphore_mem>>) src(%arg10 : memref<250x128xf32, #tpu.memory_space<vmem>>) dst(%dma_wait3A_59 : memref<10000x128xf32, #tpu.memory_space<vmem_shared>>)
            tpu.yield
          }) : () -> ()
          %add3A_49 = arith.constant 1 : i32
          %add3A_50 = arith.addi %add3A_31, %add3A_49 : i32
          %lt3A_51 = arith.constant 80 : i32
          %lt3A_52 = arith.cmpi slt, %add3A_50, %lt3A_51 : i32
          %convert_element_type3A_53 = arith.extui %lt3A_52 : i1 to i32
          %cond3A_54 = arith.constant 0 : i32
          %cond3A_55 = arith.cmpi ne, %convert_element_type3A_53, %cond3A_54 : i32
          scf.if %cond3A_55 {
            %add3A_56 = arith.addi %mul3A_14, %add3A_31 : i32
            %add3A_57 = arith.constant 1 : i32
            %add3A_58 = arith.addi %add3A_56, %add3A_57 : i32
            %dma_wait3A = arith.constant 0 : i32
            %dma_wait3A_59 = tpu.memref_slice %arg2[%add3A_58, %dma_wait3A] : memref<1280x250xi32, #tpu.memory_space<hbm>> -> memref<1x250xi32, #tpu.memory_space<hbm>>
            %dma_wait3A_60 = tpu.memref_squeeze %dma_wait3A_59 : memref<1x250xi32, #tpu.memory_space<hbm>> -> memref<250xi32, #tpu.memory_space<hbm>>
            %dma_wait3A_61 = arith.constant 0 : i32
            %dma_wait3A_62 = tpu.memref_slice %arg2[%add3A_58, %dma_wait3A_61] : memref<1280x250xi32, #tpu.memory_space<hbm>> -> memref<1x250xi32, #tpu.memory_space<hbm>>
            %dma_wait3A_63 = tpu.memref_squeeze %dma_wait3A_62 : memref<1x250xi32, #tpu.memory_space<hbm>> -> memref<250xi32, #tpu.memory_space<hbm>>
            tpu.wait_dma2 semaphore(%arg12 : memref<!tpu.dma_semaphore, #tpu.memory_space<semaphore_mem>>) src(%dma_wait3A_63 : memref<250xi32, #tpu.memory_space<hbm>>) dst(%arg8 : memref<250xi32, #tpu.memory_space<vmem>>)
          } else {
          }
        } else {
        }
      }
      %scan3A_18 = arith.constant 80 : i32
      %barrier3A_19 = arith.constant 0 : index
      tpu.barrier barrier_id(%barrier3A_19)
      %mul3A_20 = arith.constant 624 : i32
      %mul3A_21 = arith.muli %arg1, %mul3A_20 : i32
      %multiple_of3A_22 = tpu.assume_multiple %mul3A_21, 8 : i32
      "tpu.region"() ({
        %run_scoped3A = tpu.sem_alloc : memref<!tpu.dma_semaphore, #tpu.memory_space<semaphore_mem>>
        %dma_start3A = arith.constant 0 : i32
        %dma_start3A_28 = tpu.memref_slice %arg6[%multiple_of3A_22, %dma_start3A] : memref<10000x128xf32, #tpu.memory_space<hbm>> -> memref<624x128xf32, #tpu.memory_space<hbm>>
        %dma_start3A_29 = arith.constant 0 : i32
        %dma_start3A_30 = tpu.memref_slice %arg11[%multiple_of3A_22, %dma_start3A_29] : memref<10000x128xf32, #tpu.memory_space<vmem_shared>> -> memref<624x128xf32, #tpu.memory_space<vmem_shared>>
        tpu.enqueue_dma source(%dma_start3A_30 : memref<624x128xf32, #tpu.memory_space<vmem_shared>>) target(%dma_start3A_28 : memref<624x128xf32, #tpu.memory_space<hbm>>) target_semaphore(%run_scoped3A : memref<!tpu.dma_semaphore, #tpu.memory_space<semaphore_mem>>)
        %dma_wait3A = arith.constant 0 : i32
        %dma_wait3A_31 = tpu.memref_slice %arg6[%multiple_of3A_22, %dma_wait3A] : memref<10000x128xf32, #tpu.memory_space<hbm>> -> memref<624x128xf32, #tpu.memory_space<hbm>>
        %dma_wait3A_32 = arith.constant 0 : i32
        %dma_wait3A_33 = tpu.memref_slice %arg11[%multiple_of3A_22, %dma_wait3A_32] : memref<10000x128xf32, #tpu.memory_space<vmem_shared>> -> memref<624x128xf32, #tpu.memory_space<vmem_shared>>
        tpu.wait_dma2 semaphore(%run_scoped3A : memref<!tpu.dma_semaphore, #tpu.memory_space<semaphore_mem>>) src(%dma_wait3A_33 : memref<624x128xf32, #tpu.memory_space<vmem_shared>>) dst(%dma_wait3A_31 : memref<624x128xf32, #tpu.memory_space<hbm>>)
        tpu.yield
      }) : () -> ()
      %eq3A_23 = arith.constant 15 : i32
      %eq3A_24 = arith.cmpi eq, %arg1, %eq3A_23 : i32
      %convert_element_type3A_25 = arith.extui %eq3A_24 : i1 to i32
      %cond3A_26 = arith.constant 0 : i32
      %cond3A_27 = arith.cmpi ne, %convert_element_type3A_25, %cond3A_26 : i32
      scf.if %cond3A_27 {
        "tpu.region"() ({
          %run_scoped3A = tpu.sem_alloc : memref<!tpu.dma_semaphore, #tpu.memory_space<semaphore_mem>>
          %dma_start3A = arith.constant 9984 : i32
          %dma_start3A_28 = arith.constant 0 : i32
          %dma_start3A_29 = tpu.memref_slice %arg6[%dma_start3A, %dma_start3A_28] : memref<10000x128xf32, #tpu.memory_space<hbm>> -> memref<16x128xf32, #tpu.memory_space<hbm>>
          %dma_start3A_30 = arith.constant 9984 : i32
          %dma_start3A_31 = arith.constant 0 : i32
          %dma_start3A_32 = tpu.memref_slice %arg11[%dma_start3A_30, %dma_start3A_31] : memref<10000x128xf32, #tpu.memory_space<vmem_shared>> -> memref<16x128xf32, #tpu.memory_space<vmem_shared>>
          tpu.enqueue_dma source(%dma_start3A_32 : memref<16x128xf32, #tpu.memory_space<vmem_shared>>) target(%dma_start3A_29 : memref<16x128xf32, #tpu.memory_space<hbm>>) target_semaphore(%run_scoped3A : memref<!tpu.dma_semaphore, #tpu.memory_space<semaphore_mem>>)
          %dma_wait3A = arith.constant 9984 : i32
          %dma_wait3A_33 = arith.constant 0 : i32
          %dma_wait3A_34 = tpu.memref_slice %arg6[%dma_wait3A, %dma_wait3A_33] : memref<10000x128xf32, #tpu.memory_space<hbm>> -> memref<16x128xf32, #tpu.memory_space<hbm>>
          %dma_wait3A_35 = arith.constant 9984 : i32
          %dma_wait3A_36 = arith.constant 0 : i32
          %dma_wait3A_37 = tpu.memref_slice %arg11[%dma_wait3A_35, %dma_wait3A_36] : memref<10000x128xf32, #tpu.memory_space<vmem_shared>> -> memref<16x128xf32, #tpu.memory_space<vmem_shared>>
          tpu.wait_dma2 semaphore(%run_scoped3A : memref<!tpu.dma_semaphore, #tpu.memory_space<semaphore_mem>>) src(%dma_wait3A_37 : memref<16x128xf32, #tpu.memory_space<vmem_shared>>) dst(%dma_wait3A_34 : memref<16x128xf32, #tpu.memory_space<hbm>>)
          tpu.yield
        }) : () -> ()
      } else {
      }
    } else {
    }
    %eq3A_2 = arith.constant 1 : i32
    %eq3A_3 = arith.cmpi eq, %arg0, %eq3A_2 : i32
    %convert_element_type3A_4 = arith.extui %eq3A_3 : i1 to i32
    %cond3A_5 = arith.constant 0 : i32
    %cond3A_6 = arith.cmpi ne, %convert_element_type3A_4, %cond3A_5 : i32
    scf.if %cond3A_6 {
      %mul3A = arith.constant 624 : i32
      %mul3A_7 = arith.muli %arg1, %mul3A : i32
      %multiple_of3A = tpu.assume_multiple %mul3A_7, 8 : i32
      "tpu.region"() ({
        %run_scoped3A = tpu.sem_alloc : memref<!tpu.dma_semaphore, #tpu.memory_space<semaphore_mem>>
        %dma_start3A = arith.constant 0 : i32
        %dma_start3A_28 = tpu.memref_slice %arg11[%multiple_of3A, %dma_start3A] : memref<10000x128xf32, #tpu.memory_space<vmem_shared>> -> memref<624x128xf32, #tpu.memory_space<vmem_shared>>
        %dma_start3A_29 = arith.constant 0 : i32
        %dma_start3A_30 = tpu.memref_slice %arg5[%multiple_of3A, %dma_start3A_29] : memref<10000x128xf32, #tpu.memory_space<hbm>> -> memref<624x128xf32, #tpu.memory_space<hbm>>
        tpu.enqueue_dma source(%dma_start3A_30 : memref<624x128xf32, #tpu.memory_space<hbm>>) target(%dma_start3A_28 : memref<624x128xf32, #tpu.memory_space<vmem_shared>>) target_semaphore(%run_scoped3A : memref<!tpu.dma_semaphore, #tpu.memory_space<semaphore_mem>>)
        %dma_wait3A = arith.constant 0 : i32
        %dma_wait3A_31 = tpu.memref_slice %arg11[%multiple_of3A, %dma_wait3A] : memref<10000x128xf32, #tpu.memory_space<vmem_shared>> -> memref<624x128xf32, #tpu.memory_space<vmem_shared>>
        %dma_wait3A_32 = arith.constant 0 : i32
        %dma_wait3A_33 = tpu.memref_slice %arg5[%multiple_of3A, %dma_wait3A_32] : memref<10000x128xf32, #tpu.memory_space<hbm>> -> memref<624x128xf32, #tpu.memory_space<hbm>>
        tpu.wait_dma2 semaphore(%run_scoped3A : memref<!tpu.dma_semaphore, #tpu.memory_space<semaphore_mem>>) src(%dma_wait3A_33 : memref<624x128xf32, #tpu.memory_space<hbm>>) dst(%dma_wait3A_31 : memref<624x128xf32, #tpu.memory_space<vmem_shared>>)
        tpu.yield
      }) : () -> ()
      %eq3A_8 = arith.constant 15 : i32
      %eq3A_9 = arith.cmpi eq, %arg1, %eq3A_8 : i32
      %convert_element_type3A_10 = arith.extui %eq3A_9 : i1 to i32
      %cond3A_11 = arith.constant 0 : i32
      %cond3A_12 = arith.cmpi ne, %convert_element_type3A_10, %cond3A_11 : i32
      scf.if %cond3A_12 {
        "tpu.region"() ({
          %run_scoped3A = tpu.sem_alloc : memref<!tpu.dma_semaphore, #tpu.memory_space<semaphore_mem>>
          %dma_start3A = arith.constant 9984 : i32
          %dma_start3A_28 = arith.constant 0 : i32
          %dma_start3A_29 = tpu.memref_slice %arg11[%dma_start3A, %dma_start3A_28] : memref<10000x128xf32, #tpu.memory_space<vmem_shared>> -> memref<16x128xf32, #tpu.memory_space<vmem_shared>>
          %dma_start3A_30 = arith.constant 9984 : i32
          %dma_start3A_31 = arith.constant 0 : i32
          %dma_start3A_32 = tpu.memref_slice %arg5[%dma_start3A_30, %dma_start3A_31] : memref<10000x128xf32, #tpu.memory_space<hbm>> -> memref<16x128xf32, #tpu.memory_space<hbm>>
          tpu.enqueue_dma source(%dma_start3A_32 : memref<16x128xf32, #tpu.memory_space<hbm>>) target(%dma_start3A_29 : memref<16x128xf32, #tpu.memory_space<vmem_shared>>) target_semaphore(%run_scoped3A : memref<!tpu.dma_semaphore, #tpu.memory_space<semaphore_mem>>)
          %dma_wait3A = arith.constant 9984 : i32
          %dma_wait3A_33 = arith.constant 0 : i32
          %dma_wait3A_34 = tpu.memref_slice %arg11[%dma_wait3A, %dma_wait3A_33] : memref<10000x128xf32, #tpu.memory_space<vmem_shared>> -> memref<16x128xf32, #tpu.memory_space<vmem_shared>>
          %dma_wait3A_35 = arith.constant 9984 : i32
          %dma_wait3A_36 = arith.constant 0 : i32
          %dma_wait3A_37 = tpu.memref_slice %arg5[%dma_wait3A_35, %dma_wait3A_36] : memref<10000x128xf32, #tpu.memory_space<hbm>> -> memref<16x128xf32, #tpu.memory_space<hbm>>
          tpu.wait_dma2 semaphore(%run_scoped3A : memref<!tpu.dma_semaphore, #tpu.memory_space<semaphore_mem>>) src(%dma_wait3A_37 : memref<16x128xf32, #tpu.memory_space<hbm>>) dst(%dma_wait3A_34 : memref<16x128xf32, #tpu.memory_space<vmem_shared>>)
          tpu.yield
        }) : () -> ()
      } else {
      }
      "tpu.region"() ({
        %run_scoped3A = tpu.sem_alloc : memref<!tpu.dma_semaphore, #tpu.memory_space<semaphore_mem>>
        tpu.enqueue_dma source(%arg4 : memref<250x128xf32, #tpu.memory_space<hbm>>) target(%arg10 : memref<250x128xf32, #tpu.memory_space<vmem>>) target_semaphore(%run_scoped3A : memref<!tpu.dma_semaphore, #tpu.memory_space<semaphore_mem>>)
        tpu.wait_dma2 semaphore(%run_scoped3A : memref<!tpu.dma_semaphore, #tpu.memory_space<semaphore_mem>>) src(%arg4 : memref<250x128xf32, #tpu.memory_space<hbm>>) dst(%arg10 : memref<250x128xf32, #tpu.memory_space<vmem>>)
        tpu.yield
      }) : () -> ()
      %barrier3A = arith.constant 0 : index
      tpu.barrier barrier_id(%barrier3A)
      %mul3A_13 = arith.constant 80 : i32
      %mul3A_14 = arith.muli %arg1, %mul3A_13 : i32
      "tpu.region"() ({
        %run_scoped3A = tpu.sem_alloc : memref<!tpu.dma_semaphore, #tpu.memory_space<semaphore_mem>>
        %dma_start3A = arith.constant 0 : i32
        %dma_start3A_28 = tpu.memref_slice %arg3[%mul3A_14, %dma_start3A] : memref<1280x250xi32, #tpu.memory_space<hbm>> -> memref<1x250xi32, #tpu.memory_space<hbm>>
        %dma_start3A_29 = tpu.memref_squeeze %dma_start3A_28 : memref<1x250xi32, #tpu.memory_space<hbm>> -> memref<250xi32, #tpu.memory_space<hbm>>
        %dma_start3A_30 = arith.constant 0 : i32
        %dma_start3A_31 = tpu.memref_slice %arg3[%mul3A_14, %dma_start3A_30] : memref<1280x250xi32, #tpu.memory_space<hbm>> -> memref<1x250xi32, #tpu.memory_space<hbm>>
        %dma_start3A_32 = tpu.memref_squeeze %dma_start3A_31 : memref<1x250xi32, #tpu.memory_space<hbm>> -> memref<250xi32, #tpu.memory_space<hbm>>
        tpu.enqueue_dma source(%dma_start3A_32 : memref<250xi32, #tpu.memory_space<hbm>>) target(%arg8 : memref<250xi32, #tpu.memory_space<vmem>>) target_semaphore(%run_scoped3A : memref<!tpu.dma_semaphore, #tpu.memory_space<semaphore_mem>>)
        %dma_wait3A = arith.constant 0 : i32
        %dma_wait3A_33 = tpu.memref_slice %arg3[%mul3A_14, %dma_wait3A] : memref<1280x250xi32, #tpu.memory_space<hbm>> -> memref<1x250xi32, #tpu.memory_space<hbm>>
        %dma_wait3A_34 = tpu.memref_squeeze %dma_wait3A_33 : memref<1x250xi32, #tpu.memory_space<hbm>> -> memref<250xi32, #tpu.memory_space<hbm>>
        %dma_wait3A_35 = arith.constant 0 : i32
        %dma_wait3A_36 = tpu.memref_slice %arg3[%mul3A_14, %dma_wait3A_35] : memref<1280x250xi32, #tpu.memory_space<hbm>> -> memref<1x250xi32, #tpu.memory_space<hbm>>
        %dma_wait3A_37 = tpu.memref_squeeze %dma_wait3A_36 : memref<1x250xi32, #tpu.memory_space<hbm>> -> memref<250xi32, #tpu.memory_space<hbm>>
        tpu.wait_dma2 semaphore(%run_scoped3A : memref<!tpu.dma_semaphore, #tpu.memory_space<semaphore_mem>>) src(%dma_wait3A_37 : memref<250xi32, #tpu.memory_space<hbm>>) dst(%arg8 : memref<250xi32, #tpu.memory_space<vmem>>)
        tpu.yield
      }) : () -> ()
      %scan3A = arith.constant 0 : i32
      %scan3A_15 = arith.constant 80 : i32
      %scan3A_16 = arith.addi %scan3A, %scan3A_15 : i32
      %scan3A_17 = arith.constant 1 : i32
      scf.for %scan3A_28 = %scan3A to %scan3A_16 step %scan3A_17  : i32 {
        %mul3A_29 = arith.constant 1 : i32
        %mul3A_30 = arith.muli %scan3A_28, %mul3A_29 : i32
        %add3A = arith.constant 0 : i32
        %add3A_31 = arith.addi %add3A, %mul3A_30 : i32
        %rem3A = arith.constant 2 : i32
        %rem3A_32 = arith.remsi %add3A_31, %rem3A : i32
        %eq3A_33 = arith.constant 0 : i32
        %eq3A_34 = arith.cmpi eq, %rem3A_32, %eq3A_33 : i32
        %convert_element_type3A_35 = arith.extui %eq3A_34 : i1 to i32
        %cond3A_36 = arith.constant 0 : i32
        %cond3A_37 = arith.cmpi ne, %convert_element_type3A_35, %cond3A_36 : i32
        scf.if %cond3A_37 {
          %add3A_43 = arith.constant 1 : i32
          %add3A_44 = arith.addi %add3A_31, %add3A_43 : i32
          %lt3A = arith.constant 80 : i32
          %lt3A_45 = arith.cmpi slt, %add3A_44, %lt3A : i32
          %convert_element_type3A_46 = arith.extui %lt3A_45 : i1 to i32
          %cond3A_47 = arith.constant 0 : i32
          %cond3A_48 = arith.cmpi ne, %convert_element_type3A_46, %cond3A_47 : i32
          scf.if %cond3A_48 {
            %add3A_56 = arith.addi %mul3A_14, %add3A_31 : i32
            %add3A_57 = arith.constant 1 : i32
            %add3A_58 = arith.addi %add3A_56, %add3A_57 : i32
            %dma_start3A = arith.constant 0 : i32
            %dma_start3A_59 = tpu.memref_slice %arg3[%add3A_58, %dma_start3A] : memref<1280x250xi32, #tpu.memory_space<hbm>> -> memref<1x250xi32, #tpu.memory_space<hbm>>
            %dma_start3A_60 = tpu.memref_squeeze %dma_start3A_59 : memref<1x250xi32, #tpu.memory_space<hbm>> -> memref<250xi32, #tpu.memory_space<hbm>>
            %dma_start3A_61 = arith.constant 0 : i32
            %dma_start3A_62 = tpu.memref_slice %arg3[%add3A_58, %dma_start3A_61] : memref<1280x250xi32, #tpu.memory_space<hbm>> -> memref<1x250xi32, #tpu.memory_space<hbm>>
            %dma_start3A_63 = tpu.memref_squeeze %dma_start3A_62 : memref<1x250xi32, #tpu.memory_space<hbm>> -> memref<250xi32, #tpu.memory_space<hbm>>
            tpu.enqueue_dma source(%dma_start3A_63 : memref<250xi32, #tpu.memory_space<hbm>>) target(%arg9 : memref<250xi32, #tpu.memory_space<vmem>>) target_semaphore(%arg12 : memref<!tpu.dma_semaphore, #tpu.memory_space<semaphore_mem>>)
          } else {
          }
          "tpu.region"() ({
            %run_scoped3A = tpu.sem_alloc : memref<!tpu.dma_semaphore, #tpu.memory_space<semaphore_mem>>
            %dma_start3A = arith.constant 0 : i32
            %dma_start3A_56 = arith.constant 0 : i32
            %dma_start3A_57 = tpu.memref_slice %arg11[%dma_start3A, %dma_start3A_56] : memref<10000x128xf32, #tpu.memory_space<vmem_shared>> -> memref<10000x128xf32, #tpu.memory_space<vmem_shared>>
            tpu.enqueue_indirect_dma source(%arg10 : memref<250x128xf32, #tpu.memory_space<vmem>>) target(%dma_start3A_57 : memref<10000x128xf32, #tpu.memory_space<vmem_shared>>) offsets(%arg8 : memref<250xi32, #tpu.memory_space<vmem>>) semaphore(%run_scoped3A : memref<!tpu.dma_semaphore, #tpu.memory_space<semaphore_mem>>) {add = true}
            %dma_wait3A = arith.constant 0 : i32
            %dma_wait3A_58 = arith.constant 0 : i32
            %dma_wait3A_59 = tpu.memref_slice %arg11[%dma_wait3A, %dma_wait3A_58] : memref<10000x128xf32, #tpu.memory_space<vmem_shared>> -> memref<10000x128xf32, #tpu.memory_space<vmem_shared>>
            tpu.wait_indirect_dma semaphore(%run_scoped3A : memref<!tpu.dma_semaphore, #tpu.memory_space<semaphore_mem>>) src(%arg10 : memref<250x128xf32, #tpu.memory_space<vmem>>) dst(%dma_wait3A_59 : memref<10000x128xf32, #tpu.memory_space<vmem_shared>>)
            tpu.yield
          }) : () -> ()
          %add3A_49 = arith.constant 1 : i32
          %add3A_50 = arith.addi %add3A_31, %add3A_49 : i32
          %lt3A_51 = arith.constant 80 : i32
          %lt3A_52 = arith.cmpi slt, %add3A_50, %lt3A_51 : i32
          %convert_element_type3A_53 = arith.extui %lt3A_52 : i1 to i32
          %cond3A_54 = arith.constant 0 : i32
          %cond3A_55 = arith.cmpi ne, %convert_element_type3A_53, %cond3A_54 : i32
          scf.if %cond3A_55 {
            %add3A_56 = arith.addi %mul3A_14, %add3A_31 : i32
            %add3A_57 = arith.constant 1 : i32
            %add3A_58 = arith.addi %add3A_56, %add3A_57 : i32
            %dma_wait3A = arith.constant 0 : i32
            %dma_wait3A_59 = tpu.memref_slice %arg3[%add3A_58, %dma_wait3A] : memref<1280x250xi32, #tpu.memory_space<hbm>> -> memref<1x250xi32, #tpu.memory_space<hbm>>
            %dma_wait3A_60 = tpu.memref_squeeze %dma_wait3A_59 : memref<1x250xi32, #tpu.memory_space<hbm>> -> memref<250xi32, #tpu.memory_space<hbm>>
            %dma_wait3A_61 = arith.constant 0 : i32
            %dma_wait3A_62 = tpu.memref_slice %arg3[%add3A_58, %dma_wait3A_61] : memref<1280x250xi32, #tpu.memory_space<hbm>> -> memref<1x250xi32, #tpu.memory_space<hbm>>
            %dma_wait3A_63 = tpu.memref_squeeze %dma_wait3A_62 : memref<1x250xi32, #tpu.memory_space<hbm>> -> memref<250xi32, #tpu.memory_space<hbm>>
            tpu.wait_dma2 semaphore(%arg12 : memref<!tpu.dma_semaphore, #tpu.memory_space<semaphore_mem>>) src(%dma_wait3A_63 : memref<250xi32, #tpu.memory_space<hbm>>) dst(%arg9 : memref<250xi32, #tpu.memory_space<vmem>>)
          } else {
          }
        } else {
        }
        %eq3A_38 = arith.constant 1 : i32
        %eq3A_39 = arith.cmpi eq, %rem3A_32, %eq3A_38 : i32
        %convert_element_type3A_40 = arith.extui %eq3A_39 : i1 to i32
        %cond3A_41 = arith.constant 0 : i32
        %cond3A_42 = arith.cmpi ne, %convert_element_type3A_40, %cond3A_41 : i32
        scf.if %cond3A_42 {
          %add3A_43 = arith.constant 1 : i32
          %add3A_44 = arith.addi %add3A_31, %add3A_43 : i32
          %lt3A = arith.constant 80 : i32
          %lt3A_45 = arith.cmpi slt, %add3A_44, %lt3A : i32
          %convert_element_type3A_46 = arith.extui %lt3A_45 : i1 to i32
          %cond3A_47 = arith.constant 0 : i32
          %cond3A_48 = arith.cmpi ne, %convert_element_type3A_46, %cond3A_47 : i32
          scf.if %cond3A_48 {
            %add3A_56 = arith.addi %mul3A_14, %add3A_31 : i32
            %add3A_57 = arith.constant 1 : i32
            %add3A_58 = arith.addi %add3A_56, %add3A_57 : i32
            %dma_start3A = arith.constant 0 : i32
            %dma_start3A_59 = tpu.memref_slice %arg3[%add3A_58, %dma_start3A] : memref<1280x250xi32, #tpu.memory_space<hbm>> -> memref<1x250xi32, #tpu.memory_space<hbm>>
            %dma_start3A_60 = tpu.memref_squeeze %dma_start3A_59 : memref<1x250xi32, #tpu.memory_space<hbm>> -> memref<250xi32, #tpu.memory_space<hbm>>
            %dma_start3A_61 = arith.constant 0 : i32
            %dma_start3A_62 = tpu.memref_slice %arg3[%add3A_58, %dma_start3A_61] : memref<1280x250xi32, #tpu.memory_space<hbm>> -> memref<1x250xi32, #tpu.memory_space<hbm>>
            %dma_start3A_63 = tpu.memref_squeeze %dma_start3A_62 : memref<1x250xi32, #tpu.memory_space<hbm>> -> memref<250xi32, #tpu.memory_space<hbm>>
            tpu.enqueue_dma source(%dma_start3A_63 : memref<250xi32, #tpu.memory_space<hbm>>) target(%arg8 : memref<250xi32, #tpu.memory_space<vmem>>) target_semaphore(%arg12 : memref<!tpu.dma_semaphore, #tpu.memory_space<semaphore_mem>>)
          } else {
          }
          "tpu.region"() ({
            %run_scoped3A = tpu.sem_alloc : memref<!tpu.dma_semaphore, #tpu.memory_space<semaphore_mem>>
            %dma_start3A = arith.constant 0 : i32
            %dma_start3A_56 = arith.constant 0 : i32
            %dma_start3A_57 = tpu.memref_slice %arg11[%dma_start3A, %dma_start3A_56] : memref<10000x128xf32, #tpu.memory_space<vmem_shared>> -> memref<10000x128xf32, #tpu.memory_space<vmem_shared>>
            tpu.enqueue_indirect_dma source(%arg10 : memref<250x128xf32, #tpu.memory_space<vmem>>) target(%dma_start3A_57 : memref<10000x128xf32, #tpu.memory_space<vmem_shared>>) offsets(%arg9 : memref<250xi32, #tpu.memory_space<vmem>>) semaphore(%run_scoped3A : memref<!tpu.dma_semaphore, #tpu.memory_space<semaphore_mem>>) {add = true}
            %dma_wait3A = arith.constant 0 : i32
            %dma_wait3A_58 = arith.constant 0 : i32
            %dma_wait3A_59 = tpu.memref_slice %arg11[%dma_wait3A, %dma_wait3A_58] : memref<10000x128xf32, #tpu.memory_space<vmem_shared>> -> memref<10000x128xf32, #tpu.memory_space<vmem_shared>>
            tpu.wait_indirect_dma semaphore(%run_scoped3A : memref<!tpu.dma_semaphore, #tpu.memory_space<semaphore_mem>>) src(%arg10 : memref<250x128xf32, #tpu.memory_space<vmem>>) dst(%dma_wait3A_59 : memref<10000x128xf32, #tpu.memory_space<vmem_shared>>)
            tpu.yield
          }) : () -> ()
          %add3A_49 = arith.constant 1 : i32
          %add3A_50 = arith.addi %add3A_31, %add3A_49 : i32
          %lt3A_51 = arith.constant 80 : i32
          %lt3A_52 = arith.cmpi slt, %add3A_50, %lt3A_51 : i32
          %convert_element_type3A_53 = arith.extui %lt3A_52 : i1 to i32
          %cond3A_54 = arith.constant 0 : i32
          %cond3A_55 = arith.cmpi ne, %convert_element_type3A_53, %cond3A_54 : i32
          scf.if %cond3A_55 {
            %add3A_56 = arith.addi %mul3A_14, %add3A_31 : i32
            %add3A_57 = arith.constant 1 : i32
            %add3A_58 = arith.addi %add3A_56, %add3A_57 : i32
            %dma_wait3A = arith.constant 0 : i32
            %dma_wait3A_59 = tpu.memref_slice %arg3[%add3A_58, %dma_wait3A] : memref<1280x250xi32, #tpu.memory_space<hbm>> -> memref<1x250xi32, #tpu.memory_space<hbm>>
            %dma_wait3A_60 = tpu.memref_squeeze %dma_wait3A_59 : memref<1x250xi32, #tpu.memory_space<hbm>> -> memref<250xi32, #tpu.memory_space<hbm>>
            %dma_wait3A_61 = arith.constant 0 : i32
            %dma_wait3A_62 = tpu.memref_slice %arg3[%add3A_58, %dma_wait3A_61] : memref<1280x250xi32, #tpu.memory_space<hbm>> -> memref<1x250xi32, #tpu.memory_space<hbm>>
            %dma_wait3A_63 = tpu.memref_squeeze %dma_wait3A_62 : memref<1x250xi32, #tpu.memory_space<hbm>> -> memref<250xi32, #tpu.memory_space<hbm>>
            tpu.wait_dma2 semaphore(%arg12 : memref<!tpu.dma_semaphore, #tpu.memory_space<semaphore_mem>>) src(%dma_wait3A_63 : memref<250xi32, #tpu.memory_space<hbm>>) dst(%arg8 : memref<250xi32, #tpu.memory_space<vmem>>)
          } else {
          }
        } else {
        }
      }
      %scan3A_18 = arith.constant 80 : i32
      %barrier3A_19 = arith.constant 0 : index
      tpu.barrier barrier_id(%barrier3A_19)
      %mul3A_20 = arith.constant 624 : i32
      %mul3A_21 = arith.muli %arg1, %mul3A_20 : i32
      %multiple_of3A_22 = tpu.assume_multiple %mul3A_21, 8 : i32
      "tpu.region"() ({
        %run_scoped3A = tpu.sem_alloc : memref<!tpu.dma_semaphore, #tpu.memory_space<semaphore_mem>>
        %dma_start3A = arith.constant 0 : i32
        %dma_start3A_28 = tpu.memref_slice %arg7[%multiple_of3A_22, %dma_start3A] : memref<10000x128xf32, #tpu.memory_space<hbm>> -> memref<624x128xf32, #tpu.memory_space<hbm>>
        %dma_start3A_29 = arith.constant 0 : i32
        %dma_start3A_30 = tpu.memref_slice %arg11[%multiple_of3A_22, %dma_start3A_29] : memref<10000x128xf32, #tpu.memory_space<vmem_shared>> -> memref<624x128xf32, #tpu.memory_space<vmem_shared>>
        tpu.enqueue_dma source(%dma_start3A_30 : memref<624x128xf32, #tpu.memory_space<vmem_shared>>) target(%dma_start3A_28 : memref<624x128xf32, #tpu.memory_space<hbm>>) target_semaphore(%run_scoped3A : memref<!tpu.dma_semaphore, #tpu.memory_space<semaphore_mem>>)
        %dma_wait3A = arith.constant 0 : i32
        %dma_wait3A_31 = tpu.memref_slice %arg7[%multiple_of3A_22, %dma_wait3A] : memref<10000x128xf32, #tpu.memory_space<hbm>> -> memref<624x128xf32, #tpu.memory_space<hbm>>
        %dma_wait3A_32 = arith.constant 0 : i32
        %dma_wait3A_33 = tpu.memref_slice %arg11[%multiple_of3A_22, %dma_wait3A_32] : memref<10000x128xf32, #tpu.memory_space<vmem_shared>> -> memref<624x128xf32, #tpu.memory_space<vmem_shared>>
        tpu.wait_dma2 semaphore(%run_scoped3A : memref<!tpu.dma_semaphore, #tpu.memory_space<semaphore_mem>>) src(%dma_wait3A_33 : memref<624x128xf32, #tpu.memory_space<vmem_shared>>) dst(%dma_wait3A_31 : memref<624x128xf32, #tpu.memory_space<hbm>>)
        tpu.yield
      }) : () -> ()
      %eq3A_23 = arith.constant 15 : i32
      %eq3A_24 = arith.cmpi eq, %arg1, %eq3A_23 : i32
      %convert_element_type3A_25 = arith.extui %eq3A_24 : i1 to i32
      %cond3A_26 = arith.constant 0 : i32
      %cond3A_27 = arith.cmpi ne, %convert_element_type3A_25, %cond3A_26 : i32
      scf.if %cond3A_27 {
        "tpu.region"() ({
          %run_scoped3A = tpu.sem_alloc : memref<!tpu.dma_semaphore, #tpu.memory_space<semaphore_mem>>
          %dma_start3A = arith.constant 9984 : i32
          %dma_start3A_28 = arith.constant 0 : i32
          %dma_start3A_29 = tpu.memref_slice %arg7[%dma_start3A, %dma_start3A_28] : memref<10000x128xf32, #tpu.memory_space<hbm>> -> memref<16x128xf32, #tpu.memory_space<hbm>>
          %dma_start3A_30 = arith.constant 9984 : i32
          %dma_start3A_31 = arith.constant 0 : i32
          %dma_start3A_32 = tpu.memref_slice %arg11[%dma_start3A_30, %dma_start3A_31] : memref<10000x128xf32, #tpu.memory_space<vmem_shared>> -> memref<16x128xf32, #tpu.memory_space<vmem_shared>>
          tpu.enqueue_dma source(%dma_start3A_32 : memref<16x128xf32, #tpu.memory_space<vmem_shared>>) target(%dma_start3A_29 : memref<16x128xf32, #tpu.memory_space<hbm>>) target_semaphore(%run_scoped3A : memref<!tpu.dma_semaphore, #tpu.memory_space<semaphore_mem>>)
          %dma_wait3A = arith.constant 9984 : i32
          %dma_wait3A_33 = arith.constant 0 : i32
          %dma_wait3A_34 = tpu.memref_slice %arg7[%dma_wait3A, %dma_wait3A_33] : memref<10000x128xf32, #tpu.memory_space<hbm>> -> memref<16x128xf32, #tpu.memory_space<hbm>>
          %dma_wait3A_35 = arith.constant 9984 : i32
          %dma_wait3A_36 = arith.constant 0 : i32
          %dma_wait3A_37 = tpu.memref_slice %arg11[%dma_wait3A_35, %dma_wait3A_36] : memref<10000x128xf32, #tpu.memory_space<vmem_shared>> -> memref<16x128xf32, #tpu.memory_space<vmem_shared>>
          tpu.wait_dma2 semaphore(%run_scoped3A : memref<!tpu.dma_semaphore, #tpu.memory_space<semaphore_mem>>) src(%dma_wait3A_37 : memref<16x128xf32, #tpu.memory_space<vmem_shared>>) dst(%dma_wait3A_34 : memref<16x128xf32, #tpu.memory_space<hbm>>)
          tpu.yield
        }) : () -> ()
      } else {
      }
    } else {
    }
    return
  }
}

#map = affine_map<(d0, d1) -> (0, 0)>
module attributes {stable_mosaic.version = 14 : i64} {
  func.func @_scat_body(%arg0: i32, %arg1: i32, %arg2: memref<2000x160xi32, #tpu.memory_space<hbm>>, %arg3: memref<2000x160xi32, #tpu.memory_space<hbm>>, %arg4: memref<2000x160xi32, #tpu.memory_space<hbm>>, %arg5: memref<2000x160xi32, #tpu.memory_space<hbm>>, %arg6: memref<10000x128xf32, #tpu.memory_space<hbm>>, %arg7: memref<10000x128xf32, #tpu.memory_space<hbm>>, %arg8: memref<10000x128xf32, #tpu.memory_space<hbm>>, %arg9: memref<10000x128xf32, #tpu.memory_space<hbm>>, %arg10: memref<10000x128xf32, #tpu.memory_space<hbm>>, %arg11: memref<160xi32, #tpu.memory_space<vmem>>, %arg12: memref<160xi32, #tpu.memory_space<vmem>>, %arg13: memref<160xi32, #tpu.memory_space<vmem>>, %arg14: memref<160xi32, #tpu.memory_space<vmem>>, %arg15: memref<160x128xf32, #tpu.memory_space<vmem>>, %arg16: memref<160x128xf32, #tpu.memory_space<vmem>>, %arg17: memref<10000x128xf32, #tpu.memory_space<vmem_shared>>, %arg18: memref<!tpu.dma_semaphore, #tpu.memory_space<semaphore_mem>>, %arg19: memref<!tpu.dma_semaphore, #tpu.memory_space<semaphore_mem>>) attributes {dimension_semantics = [#tpu.dimension_semantics<core_parallel>, #tpu.dimension_semantics<subcore_parallel>], iteration_bounds = array<i64: 2, 16>, scalar_prefetch = 0 : i64, scratch_operands = 9 : i64, tpu.core_type = #tpu.core_type<sc_vector_subcore>, window_params = [{transform_indices = #map}, {transform_indices = #map}, {transform_indices = #map}, {transform_indices = #map}, {transform_indices = #map}, {transform_indices = #map}, {transform_indices = #map}, {transform_indices = #map}, {transform_indices = #map}]} {
    %eq3A = arith.constant 0 : i32
    %eq3A_0 = arith.cmpi eq, %arg0, %eq3A : i32
    %convert_element_type3A = arith.extui %eq3A_0 : i1 to i32
    %cond3A = arith.constant 0 : i32
    %cond3A_1 = arith.cmpi ne, %convert_element_type3A, %cond3A : i32
    scf.if %cond3A_1 {
      %mul3A = arith.constant 624 : i32
      %mul3A_7 = arith.muli %arg1, %mul3A : i32
      %multiple_of3A = tpu.assume_multiple %mul3A_7, 8 : i32
      "tpu.region"() ({
        %run_scoped3A = tpu.sem_alloc : memref<!tpu.dma_semaphore, #tpu.memory_space<semaphore_mem>>
        %dma_start3A_30 = arith.constant 0 : i32
        %dma_start3A_31 = tpu.memref_slice %arg17[%multiple_of3A, %dma_start3A_30] : memref<10000x128xf32, #tpu.memory_space<vmem_shared>> -> memref<624x128xf32, #tpu.memory_space<vmem_shared>>
        %dma_start3A_32 = arith.constant 0 : i32
        %dma_start3A_33 = tpu.memref_slice %arg8[%multiple_of3A, %dma_start3A_32] : memref<10000x128xf32, #tpu.memory_space<hbm>> -> memref<624x128xf32, #tpu.memory_space<hbm>>
        tpu.enqueue_dma source(%dma_start3A_33 : memref<624x128xf32, #tpu.memory_space<hbm>>) target(%dma_start3A_31 : memref<624x128xf32, #tpu.memory_space<vmem_shared>>) target_semaphore(%run_scoped3A : memref<!tpu.dma_semaphore, #tpu.memory_space<semaphore_mem>>)
        %dma_wait3A = arith.constant 0 : i32
        %dma_wait3A_34 = tpu.memref_slice %arg17[%multiple_of3A, %dma_wait3A] : memref<10000x128xf32, #tpu.memory_space<vmem_shared>> -> memref<624x128xf32, #tpu.memory_space<vmem_shared>>
        %dma_wait3A_35 = arith.constant 0 : i32
        %dma_wait3A_36 = tpu.memref_slice %arg8[%multiple_of3A, %dma_wait3A_35] : memref<10000x128xf32, #tpu.memory_space<hbm>> -> memref<624x128xf32, #tpu.memory_space<hbm>>
        tpu.wait_dma2 semaphore(%run_scoped3A : memref<!tpu.dma_semaphore, #tpu.memory_space<semaphore_mem>>) src(%dma_wait3A_36 : memref<624x128xf32, #tpu.memory_space<hbm>>) dst(%dma_wait3A_34 : memref<624x128xf32, #tpu.memory_space<vmem_shared>>)
        tpu.yield
      }) : () -> ()
      %eq3A_8 = arith.constant 15 : i32
      %eq3A_9 = arith.cmpi eq, %arg1, %eq3A_8 : i32
      %convert_element_type3A_10 = arith.extui %eq3A_9 : i1 to i32
      %cond3A_11 = arith.constant 0 : i32
      %cond3A_12 = arith.cmpi ne, %convert_element_type3A_10, %cond3A_11 : i32
      scf.if %cond3A_12 {
        "tpu.region"() ({
          %run_scoped3A = tpu.sem_alloc : memref<!tpu.dma_semaphore, #tpu.memory_space<semaphore_mem>>
          %dma_start3A_30 = arith.constant 9984 : i32
          %dma_start3A_31 = arith.constant 0 : i32
          %dma_start3A_32 = tpu.memref_slice %arg17[%dma_start3A_30, %dma_start3A_31] : memref<10000x128xf32, #tpu.memory_space<vmem_shared>> -> memref<16x128xf32, #tpu.memory_space<vmem_shared>>
          %dma_start3A_33 = arith.constant 9984 : i32
          %dma_start3A_34 = arith.constant 0 : i32
          %dma_start3A_35 = tpu.memref_slice %arg8[%dma_start3A_33, %dma_start3A_34] : memref<10000x128xf32, #tpu.memory_space<hbm>> -> memref<16x128xf32, #tpu.memory_space<hbm>>
          tpu.enqueue_dma source(%dma_start3A_35 : memref<16x128xf32, #tpu.memory_space<hbm>>) target(%dma_start3A_32 : memref<16x128xf32, #tpu.memory_space<vmem_shared>>) target_semaphore(%run_scoped3A : memref<!tpu.dma_semaphore, #tpu.memory_space<semaphore_mem>>)
          %dma_wait3A = arith.constant 9984 : i32
          %dma_wait3A_36 = arith.constant 0 : i32
          %dma_wait3A_37 = tpu.memref_slice %arg17[%dma_wait3A, %dma_wait3A_36] : memref<10000x128xf32, #tpu.memory_space<vmem_shared>> -> memref<16x128xf32, #tpu.memory_space<vmem_shared>>
          %dma_wait3A_38 = arith.constant 9984 : i32
          %dma_wait3A_39 = arith.constant 0 : i32
          %dma_wait3A_40 = tpu.memref_slice %arg8[%dma_wait3A_38, %dma_wait3A_39] : memref<10000x128xf32, #tpu.memory_space<hbm>> -> memref<16x128xf32, #tpu.memory_space<hbm>>
          tpu.wait_dma2 semaphore(%run_scoped3A : memref<!tpu.dma_semaphore, #tpu.memory_space<semaphore_mem>>) src(%dma_wait3A_40 : memref<16x128xf32, #tpu.memory_space<hbm>>) dst(%dma_wait3A_37 : memref<16x128xf32, #tpu.memory_space<vmem_shared>>)
          tpu.yield
        }) : () -> ()
      } else {
      }
      %barrier3A = arith.constant 0 : index
      tpu.barrier barrier_id(%barrier3A)
      %mul3A_13 = arith.constant 125 : i32
      %mul3A_14 = arith.muli %arg1, %mul3A_13 : i32
      "tpu.region"() ({
        %run_scoped3A = tpu.sem_alloc : memref<!tpu.dma_semaphore, #tpu.memory_space<semaphore_mem>>
        %dma_start3A_30 = arith.constant 0 : i32
        %dma_start3A_31 = tpu.memref_slice %arg2[%mul3A_14, %dma_start3A_30] : memref<2000x160xi32, #tpu.memory_space<hbm>> -> memref<1x160xi32, #tpu.memory_space<hbm>>
        %dma_start3A_32 = tpu.memref_squeeze %dma_start3A_31 : memref<1x160xi32, #tpu.memory_space<hbm>> -> memref<160xi32, #tpu.memory_space<hbm>>
        %dma_start3A_33 = arith.constant 0 : i32
        %dma_start3A_34 = tpu.memref_slice %arg2[%mul3A_14, %dma_start3A_33] : memref<2000x160xi32, #tpu.memory_space<hbm>> -> memref<1x160xi32, #tpu.memory_space<hbm>>
        %dma_start3A_35 = tpu.memref_squeeze %dma_start3A_34 : memref<1x160xi32, #tpu.memory_space<hbm>> -> memref<160xi32, #tpu.memory_space<hbm>>
        tpu.enqueue_dma source(%dma_start3A_35 : memref<160xi32, #tpu.memory_space<hbm>>) target(%arg11 : memref<160xi32, #tpu.memory_space<vmem>>) target_semaphore(%run_scoped3A : memref<!tpu.dma_semaphore, #tpu.memory_space<semaphore_mem>>)
        %dma_wait3A = arith.constant 0 : i32
        %dma_wait3A_36 = tpu.memref_slice %arg2[%mul3A_14, %dma_wait3A] : memref<2000x160xi32, #tpu.memory_space<hbm>> -> memref<1x160xi32, #tpu.memory_space<hbm>>
        %dma_wait3A_37 = tpu.memref_squeeze %dma_wait3A_36 : memref<1x160xi32, #tpu.memory_space<hbm>> -> memref<160xi32, #tpu.memory_space<hbm>>
        %dma_wait3A_38 = arith.constant 0 : i32
        %dma_wait3A_39 = tpu.memref_slice %arg2[%mul3A_14, %dma_wait3A_38] : memref<2000x160xi32, #tpu.memory_space<hbm>> -> memref<1x160xi32, #tpu.memory_space<hbm>>
        %dma_wait3A_40 = tpu.memref_squeeze %dma_wait3A_39 : memref<1x160xi32, #tpu.memory_space<hbm>> -> memref<160xi32, #tpu.memory_space<hbm>>
        tpu.wait_dma2 semaphore(%run_scoped3A : memref<!tpu.dma_semaphore, #tpu.memory_space<semaphore_mem>>) src(%dma_wait3A_40 : memref<160xi32, #tpu.memory_space<hbm>>) dst(%arg11 : memref<160xi32, #tpu.memory_space<vmem>>)
        tpu.yield
      }) : () -> ()
      "tpu.region"() ({
        %run_scoped3A = tpu.sem_alloc : memref<!tpu.dma_semaphore, #tpu.memory_space<semaphore_mem>>
        %dma_start3A_30 = arith.constant 0 : i32
        %dma_start3A_31 = tpu.memref_slice %arg3[%mul3A_14, %dma_start3A_30] : memref<2000x160xi32, #tpu.memory_space<hbm>> -> memref<1x160xi32, #tpu.memory_space<hbm>>
        %dma_start3A_32 = tpu.memref_squeeze %dma_start3A_31 : memref<1x160xi32, #tpu.memory_space<hbm>> -> memref<160xi32, #tpu.memory_space<hbm>>
        %dma_start3A_33 = arith.constant 0 : i32
        %dma_start3A_34 = tpu.memref_slice %arg3[%mul3A_14, %dma_start3A_33] : memref<2000x160xi32, #tpu.memory_space<hbm>> -> memref<1x160xi32, #tpu.memory_space<hbm>>
        %dma_start3A_35 = tpu.memref_squeeze %dma_start3A_34 : memref<1x160xi32, #tpu.memory_space<hbm>> -> memref<160xi32, #tpu.memory_space<hbm>>
        tpu.enqueue_dma source(%dma_start3A_35 : memref<160xi32, #tpu.memory_space<hbm>>) target(%arg13 : memref<160xi32, #tpu.memory_space<vmem>>) target_semaphore(%run_scoped3A : memref<!tpu.dma_semaphore, #tpu.memory_space<semaphore_mem>>)
        %dma_wait3A = arith.constant 0 : i32
        %dma_wait3A_36 = tpu.memref_slice %arg3[%mul3A_14, %dma_wait3A] : memref<2000x160xi32, #tpu.memory_space<hbm>> -> memref<1x160xi32, #tpu.memory_space<hbm>>
        %dma_wait3A_37 = tpu.memref_squeeze %dma_wait3A_36 : memref<1x160xi32, #tpu.memory_space<hbm>> -> memref<160xi32, #tpu.memory_space<hbm>>
        %dma_wait3A_38 = arith.constant 0 : i32
        %dma_wait3A_39 = tpu.memref_slice %arg3[%mul3A_14, %dma_wait3A_38] : memref<2000x160xi32, #tpu.memory_space<hbm>> -> memref<1x160xi32, #tpu.memory_space<hbm>>
        %dma_wait3A_40 = tpu.memref_squeeze %dma_wait3A_39 : memref<1x160xi32, #tpu.memory_space<hbm>> -> memref<160xi32, #tpu.memory_space<hbm>>
        tpu.wait_dma2 semaphore(%run_scoped3A : memref<!tpu.dma_semaphore, #tpu.memory_space<semaphore_mem>>) src(%dma_wait3A_40 : memref<160xi32, #tpu.memory_space<hbm>>) dst(%arg13 : memref<160xi32, #tpu.memory_space<vmem>>)
        tpu.yield
      }) : () -> ()
      %dma_start3A = arith.constant 0 : i32
      %dma_start3A_15 = arith.constant 0 : i32
      %dma_start3A_16 = tpu.memref_slice %arg6[%dma_start3A, %dma_start3A_15] : memref<10000x128xf32, #tpu.memory_space<hbm>> -> memref<10000x128xf32, #tpu.memory_space<hbm>>
      tpu.enqueue_indirect_dma source(%dma_start3A_16 : memref<10000x128xf32, #tpu.memory_space<hbm>>) target(%arg15 : memref<160x128xf32, #tpu.memory_space<vmem>>) offsets(%arg11 : memref<160xi32, #tpu.memory_space<vmem>>) semaphore(%arg18 : memref<!tpu.dma_semaphore, #tpu.memory_space<semaphore_mem>>)
      %scan3A = arith.constant 0 : i32
      %scan3A_17 = arith.constant 125 : i32
      %scan3A_18 = arith.addi %scan3A, %scan3A_17 : i32
      %scan3A_19 = arith.constant 1 : i32
      scf.for %scan3A_30 = %scan3A to %scan3A_18 step %scan3A_19  : i32 {
        %mul3A_31 = arith.constant 1 : i32
        %mul3A_32 = arith.muli %scan3A_30, %mul3A_31 : i32
        %add3A = arith.constant 0 : i32
        %add3A_33 = arith.addi %add3A, %mul3A_32 : i32
        %rem3A = arith.constant 2 : i32
        %rem3A_34 = arith.remsi %add3A_33, %rem3A : i32
        %eq3A_35 = arith.constant 0 : i32
        %eq3A_36 = arith.cmpi eq, %rem3A_34, %eq3A_35 : i32
        %convert_element_type3A_37 = arith.extui %eq3A_36 : i1 to i32
        %cond3A_38 = arith.constant 0 : i32
        %cond3A_39 = arith.cmpi ne, %convert_element_type3A_37, %cond3A_38 : i32
        scf.if %cond3A_39 {
          %add3A_45 = arith.constant 1 : i32
          %add3A_46 = arith.addi %add3A_33, %add3A_45 : i32
          %lt3A = arith.constant 125 : i32
          %lt3A_47 = arith.cmpi slt, %add3A_46, %lt3A : i32
          %convert_element_type3A_48 = arith.extui %lt3A_47 : i1 to i32
          %cond3A_49 = arith.constant 0 : i32
          %cond3A_50 = arith.cmpi ne, %convert_element_type3A_48, %cond3A_49 : i32
          scf.if %cond3A_50 {
            %add3A_60 = arith.addi %mul3A_14, %add3A_33 : i32
            %add3A_61 = arith.constant 1 : i32
            %add3A_62 = arith.addi %add3A_60, %add3A_61 : i32
            %dma_start3A_63 = arith.constant 0 : i32
            %dma_start3A_64 = tpu.memref_slice %arg2[%add3A_62, %dma_start3A_63] : memref<2000x160xi32, #tpu.memory_space<hbm>> -> memref<1x160xi32, #tpu.memory_space<hbm>>
            %dma_start3A_65 = tpu.memref_squeeze %dma_start3A_64 : memref<1x160xi32, #tpu.memory_space<hbm>> -> memref<160xi32, #tpu.memory_space<hbm>>
            %dma_start3A_66 = arith.constant 0 : i32
            %dma_start3A_67 = tpu.memref_slice %arg2[%add3A_62, %dma_start3A_66] : memref<2000x160xi32, #tpu.memory_space<hbm>> -> memref<1x160xi32, #tpu.memory_space<hbm>>
            %dma_start3A_68 = tpu.memref_squeeze %dma_start3A_67 : memref<1x160xi32, #tpu.memory_space<hbm>> -> memref<160xi32, #tpu.memory_space<hbm>>
            tpu.enqueue_dma source(%dma_start3A_68 : memref<160xi32, #tpu.memory_space<hbm>>) target(%arg12 : memref<160xi32, #tpu.memory_space<vmem>>) target_semaphore(%arg19 : memref<!tpu.dma_semaphore, #tpu.memory_space<semaphore_mem>>)
            %add3A_69 = arith.addi %mul3A_14, %add3A_33 : i32
            %add3A_70 = arith.constant 1 : i32
            %add3A_71 = arith.addi %add3A_69, %add3A_70 : i32
            %dma_start3A_72 = arith.constant 0 : i32
            %dma_start3A_73 = tpu.memref_slice %arg3[%add3A_71, %dma_start3A_72] : memref<2000x160xi32, #tpu.memory_space<hbm>> -> memref<1x160xi32, #tpu.memory_space<hbm>>
            %dma_start3A_74 = tpu.memref_squeeze %dma_start3A_73 : memref<1x160xi32, #tpu.memory_space<hbm>> -> memref<160xi32, #tpu.memory_space<hbm>>
            %dma_start3A_75 = arith.constant 0 : i32
            %dma_start3A_76 = tpu.memref_slice %arg3[%add3A_71, %dma_start3A_75] : memref<2000x160xi32, #tpu.memory_space<hbm>> -> memref<1x160xi32, #tpu.memory_space<hbm>>
            %dma_start3A_77 = tpu.memref_squeeze %dma_start3A_76 : memref<1x160xi32, #tpu.memory_space<hbm>> -> memref<160xi32, #tpu.memory_space<hbm>>
            tpu.enqueue_dma source(%dma_start3A_77 : memref<160xi32, #tpu.memory_space<hbm>>) target(%arg14 : memref<160xi32, #tpu.memory_space<vmem>>) target_semaphore(%arg19 : memref<!tpu.dma_semaphore, #tpu.memory_space<semaphore_mem>>)
          } else {
          }
          %dma_wait3A = arith.constant 0 : i32
          %dma_wait3A_51 = arith.constant 0 : i32
          %dma_wait3A_52 = tpu.memref_slice %arg6[%dma_wait3A, %dma_wait3A_51] : memref<10000x128xf32, #tpu.memory_space<hbm>> -> memref<10000x128xf32, #tpu.memory_space<hbm>>
          tpu.wait_indirect_dma semaphore(%arg18 : memref<!tpu.dma_semaphore, #tpu.memory_space<semaphore_mem>>) src(%dma_wait3A_52 : memref<10000x128xf32, #tpu.memory_space<hbm>>) dst(%arg15 : memref<160x128xf32, #tpu.memory_space<vmem>>)
          %add3A_53 = arith.constant 1 : i32
          %add3A_54 = arith.addi %add3A_33, %add3A_53 : i32
          %lt3A_55 = arith.constant 125 : i32
          %lt3A_56 = arith.cmpi slt, %add3A_54, %lt3A_55 : i32
          %convert_element_type3A_57 = arith.extui %lt3A_56 : i1 to i32
          %cond3A_58 = arith.constant 0 : i32
          %cond3A_59 = arith.cmpi ne, %convert_element_type3A_57, %cond3A_58 : i32
          scf.if %cond3A_59 {
            %add3A_60 = arith.addi %mul3A_14, %add3A_33 : i32
            %add3A_61 = arith.constant 1 : i32
            %add3A_62 = arith.addi %add3A_60, %add3A_61 : i32
            %dma_wait3A_63 = arith.constant 0 : i32
            %dma_wait3A_64 = tpu.memref_slice %arg2[%add3A_62, %dma_wait3A_63] : memref<2000x160xi32, #tpu.memory_space<hbm>> -> memref<1x160xi32, #tpu.memory_space<hbm>>
            %dma_wait3A_65 = tpu.memref_squeeze %dma_wait3A_64 : memref<1x160xi32, #tpu.memory_space<hbm>> -> memref<160xi32, #tpu.memory_space<hbm>>
            %dma_wait3A_66 = arith.constant 0 : i32
            %dma_wait3A_67 = tpu.memref_slice %arg2[%add3A_62, %dma_wait3A_66] : memref<2000x160xi32, #tpu.memory_space<hbm>> -> memref<1x160xi32, #tpu.memory_space<hbm>>
            %dma_wait3A_68 = tpu.memref_squeeze %dma_wait3A_67 : memref<1x160xi32, #tpu.memory_space<hbm>> -> memref<160xi32, #tpu.memory_space<hbm>>
            tpu.wait_dma2 semaphore(%arg19 : memref<!tpu.dma_semaphore, #tpu.memory_space<semaphore_mem>>) src(%dma_wait3A_68 : memref<160xi32, #tpu.memory_space<hbm>>) dst(%arg12 : memref<160xi32, #tpu.memory_space<vmem>>)
            %add3A_69 = arith.addi %mul3A_14, %add3A_33 : i32
            %add3A_70 = arith.constant 1 : i32
            %add3A_71 = arith.addi %add3A_69, %add3A_70 : i32
            %dma_wait3A_72 = arith.constant 0 : i32
            %dma_wait3A_73 = tpu.memref_slice %arg3[%add3A_71, %dma_wait3A_72] : memref<2000x160xi32, #tpu.memory_space<hbm>> -> memref<1x160xi32, #tpu.memory_space<hbm>>
            %dma_wait3A_74 = tpu.memref_squeeze %dma_wait3A_73 : memref<1x160xi32, #tpu.memory_space<hbm>> -> memref<160xi32, #tpu.memory_space<hbm>>
            %dma_wait3A_75 = arith.constant 0 : i32
            %dma_wait3A_76 = tpu.memref_slice %arg3[%add3A_71, %dma_wait3A_75] : memref<2000x160xi32, #tpu.memory_space<hbm>> -> memref<1x160xi32, #tpu.memory_space<hbm>>
            %dma_wait3A_77 = tpu.memref_squeeze %dma_wait3A_76 : memref<1x160xi32, #tpu.memory_space<hbm>> -> memref<160xi32, #tpu.memory_space<hbm>>
            tpu.wait_dma2 semaphore(%arg19 : memref<!tpu.dma_semaphore, #tpu.memory_space<semaphore_mem>>) src(%dma_wait3A_77 : memref<160xi32, #tpu.memory_space<hbm>>) dst(%arg14 : memref<160xi32, #tpu.memory_space<vmem>>)
            %dma_start3A_78 = arith.constant 0 : i32
            %dma_start3A_79 = arith.constant 0 : i32
            %dma_start3A_80 = tpu.memref_slice %arg6[%dma_start3A_78, %dma_start3A_79] : memref<10000x128xf32, #tpu.memory_space<hbm>> -> memref<10000x128xf32, #tpu.memory_space<hbm>>
            tpu.enqueue_indirect_dma source(%dma_start3A_80 : memref<10000x128xf32, #tpu.memory_space<hbm>>) target(%arg16 : memref<160x128xf32, #tpu.memory_space<vmem>>) offsets(%arg12 : memref<160xi32, #tpu.memory_space<vmem>>) semaphore(%arg18 : memref<!tpu.dma_semaphore, #tpu.memory_space<semaphore_mem>>)
          } else {
          }
          "tpu.region"() ({
            %run_scoped3A = tpu.sem_alloc : memref<!tpu.dma_semaphore, #tpu.memory_space<semaphore_mem>>
            %dma_start3A_60 = arith.constant 0 : i32
            %dma_start3A_61 = arith.constant 0 : i32
            %dma_start3A_62 = tpu.memref_slice %arg17[%dma_start3A_60, %dma_start3A_61] : memref<10000x128xf32, #tpu.memory_space<vmem_shared>> -> memref<10000x128xf32, #tpu.memory_space<vmem_shared>>
            tpu.enqueue_indirect_dma source(%arg15 : memref<160x128xf32, #tpu.memory_space<vmem>>) target(%dma_start3A_62 : memref<10000x128xf32, #tpu.memory_space<vmem_shared>>) offsets(%arg13 : memref<160xi32, #tpu.memory_space<vmem>>) semaphore(%run_scoped3A : memref<!tpu.dma_semaphore, #tpu.memory_space<semaphore_mem>>) {add = true}
            %dma_wait3A_63 = arith.constant 0 : i32
            %dma_wait3A_64 = arith.constant 0 : i32
            %dma_wait3A_65 = tpu.memref_slice %arg17[%dma_wait3A_63, %dma_wait3A_64] : memref<10000x128xf32, #tpu.memory_space<vmem_shared>> -> memref<10000x128xf32, #tpu.memory_space<vmem_shared>>
            tpu.wait_indirect_dma semaphore(%run_scoped3A : memref<!tpu.dma_semaphore, #tpu.memory_space<semaphore_mem>>) src(%arg15 : memref<160x128xf32, #tpu.memory_space<vmem>>) dst(%dma_wait3A_65 : memref<10000x128xf32, #tpu.memory_space<vmem_shared>>)
            tpu.yield
          }) : () -> ()
        } else {
        }
        %eq3A_40 = arith.constant 1 : i32
        %eq3A_41 = arith.cmpi eq, %rem3A_34, %eq3A_40 : i32
        %convert_element_type3A_42 = arith.extui %eq3A_41 : i1 to i32
        %cond3A_43 = arith.constant 0 : i32
        %cond3A_44 = arith.cmpi ne, %convert_element_type3A_42, %cond3A_43 : i32
        scf.if %cond3A_44 {
          %add3A_45 = arith.constant 1 : i32
          %add3A_46 = arith.addi %add3A_33, %add3A_45 : i32
          %lt3A = arith.constant 125 : i32
          %lt3A_47 = arith.cmpi slt, %add3A_46, %lt3A : i32
          %convert_element_type3A_48 = arith.extui %lt3A_47 : i1 to i32
          %cond3A_49 = arith.constant 0 : i32
          %cond3A_50 = arith.cmpi ne, %convert_element_type3A_48, %cond3A_49 : i32
          scf.if %cond3A_50 {
            %add3A_60 = arith.addi %mul3A_14, %add3A_33 : i32
            %add3A_61 = arith.constant 1 : i32
            %add3A_62 = arith.addi %add3A_60, %add3A_61 : i32
            %dma_start3A_63 = arith.constant 0 : i32
            %dma_start3A_64 = tpu.memref_slice %arg2[%add3A_62, %dma_start3A_63] : memref<2000x160xi32, #tpu.memory_space<hbm>> -> memref<1x160xi32, #tpu.memory_space<hbm>>
            %dma_start3A_65 = tpu.memref_squeeze %dma_start3A_64 : memref<1x160xi32, #tpu.memory_space<hbm>> -> memref<160xi32, #tpu.memory_space<hbm>>
            %dma_start3A_66 = arith.constant 0 : i32
            %dma_start3A_67 = tpu.memref_slice %arg2[%add3A_62, %dma_start3A_66] : memref<2000x160xi32, #tpu.memory_space<hbm>> -> memref<1x160xi32, #tpu.memory_space<hbm>>
            %dma_start3A_68 = tpu.memref_squeeze %dma_start3A_67 : memref<1x160xi32, #tpu.memory_space<hbm>> -> memref<160xi32, #tpu.memory_space<hbm>>
            tpu.enqueue_dma source(%dma_start3A_68 : memref<160xi32, #tpu.memory_space<hbm>>) target(%arg11 : memref<160xi32, #tpu.memory_space<vmem>>) target_semaphore(%arg19 : memref<!tpu.dma_semaphore, #tpu.memory_space<semaphore_mem>>)
            %add3A_69 = arith.addi %mul3A_14, %add3A_33 : i32
            %add3A_70 = arith.constant 1 : i32
            %add3A_71 = arith.addi %add3A_69, %add3A_70 : i32
            %dma_start3A_72 = arith.constant 0 : i32
            %dma_start3A_73 = tpu.memref_slice %arg3[%add3A_71, %dma_start3A_72] : memref<2000x160xi32, #tpu.memory_space<hbm>> -> memref<1x160xi32, #tpu.memory_space<hbm>>
            %dma_start3A_74 = tpu.memref_squeeze %dma_start3A_73 : memref<1x160xi32, #tpu.memory_space<hbm>> -> memref<160xi32, #tpu.memory_space<hbm>>
            %dma_start3A_75 = arith.constant 0 : i32
            %dma_start3A_76 = tpu.memref_slice %arg3[%add3A_71, %dma_start3A_75] : memref<2000x160xi32, #tpu.memory_space<hbm>> -> memref<1x160xi32, #tpu.memory_space<hbm>>
            %dma_start3A_77 = tpu.memref_squeeze %dma_start3A_76 : memref<1x160xi32, #tpu.memory_space<hbm>> -> memref<160xi32, #tpu.memory_space<hbm>>
            tpu.enqueue_dma source(%dma_start3A_77 : memref<160xi32, #tpu.memory_space<hbm>>) target(%arg13 : memref<160xi32, #tpu.memory_space<vmem>>) target_semaphore(%arg19 : memref<!tpu.dma_semaphore, #tpu.memory_space<semaphore_mem>>)
          } else {
          }
          %dma_wait3A = arith.constant 0 : i32
          %dma_wait3A_51 = arith.constant 0 : i32
          %dma_wait3A_52 = tpu.memref_slice %arg6[%dma_wait3A, %dma_wait3A_51] : memref<10000x128xf32, #tpu.memory_space<hbm>> -> memref<10000x128xf32, #tpu.memory_space<hbm>>
          tpu.wait_indirect_dma semaphore(%arg18 : memref<!tpu.dma_semaphore, #tpu.memory_space<semaphore_mem>>) src(%dma_wait3A_52 : memref<10000x128xf32, #tpu.memory_space<hbm>>) dst(%arg16 : memref<160x128xf32, #tpu.memory_space<vmem>>)
          %add3A_53 = arith.constant 1 : i32
          %add3A_54 = arith.addi %add3A_33, %add3A_53 : i32
          %lt3A_55 = arith.constant 125 : i32
          %lt3A_56 = arith.cmpi slt, %add3A_54, %lt3A_55 : i32
          %convert_element_type3A_57 = arith.extui %lt3A_56 : i1 to i32
          %cond3A_58 = arith.constant 0 : i32
          %cond3A_59 = arith.cmpi ne, %convert_element_type3A_57, %cond3A_58 : i32
          scf.if %cond3A_59 {
            %add3A_60 = arith.addi %mul3A_14, %add3A_33 : i32
            %add3A_61 = arith.constant 1 : i32
            %add3A_62 = arith.addi %add3A_60, %add3A_61 : i32
            %dma_wait3A_63 = arith.constant 0 : i32
            %dma_wait3A_64 = tpu.memref_slice %arg2[%add3A_62, %dma_wait3A_63] : memref<2000x160xi32, #tpu.memory_space<hbm>> -> memref<1x160xi32, #tpu.memory_space<hbm>>
            %dma_wait3A_65 = tpu.memref_squeeze %dma_wait3A_64 : memref<1x160xi32, #tpu.memory_space<hbm>> -> memref<160xi32, #tpu.memory_space<hbm>>
            %dma_wait3A_66 = arith.constant 0 : i32
            %dma_wait3A_67 = tpu.memref_slice %arg2[%add3A_62, %dma_wait3A_66] : memref<2000x160xi32, #tpu.memory_space<hbm>> -> memref<1x160xi32, #tpu.memory_space<hbm>>
            %dma_wait3A_68 = tpu.memref_squeeze %dma_wait3A_67 : memref<1x160xi32, #tpu.memory_space<hbm>> -> memref<160xi32, #tpu.memory_space<hbm>>
            tpu.wait_dma2 semaphore(%arg19 : memref<!tpu.dma_semaphore, #tpu.memory_space<semaphore_mem>>) src(%dma_wait3A_68 : memref<160xi32, #tpu.memory_space<hbm>>) dst(%arg11 : memref<160xi32, #tpu.memory_space<vmem>>)
            %add3A_69 = arith.addi %mul3A_14, %add3A_33 : i32
            %add3A_70 = arith.constant 1 : i32
            %add3A_71 = arith.addi %add3A_69, %add3A_70 : i32
            %dma_wait3A_72 = arith.constant 0 : i32
            %dma_wait3A_73 = tpu.memref_slice %arg3[%add3A_71, %dma_wait3A_72] : memref<2000x160xi32, #tpu.memory_space<hbm>> -> memref<1x160xi32, #tpu.memory_space<hbm>>
            %dma_wait3A_74 = tpu.memref_squeeze %dma_wait3A_73 : memref<1x160xi32, #tpu.memory_space<hbm>> -> memref<160xi32, #tpu.memory_space<hbm>>
            %dma_wait3A_75 = arith.constant 0 : i32
            %dma_wait3A_76 = tpu.memref_slice %arg3[%add3A_71, %dma_wait3A_75] : memref<2000x160xi32, #tpu.memory_space<hbm>> -> memref<1x160xi32, #tpu.memory_space<hbm>>
            %dma_wait3A_77 = tpu.memref_squeeze %dma_wait3A_76 : memref<1x160xi32, #tpu.memory_space<hbm>> -> memref<160xi32, #tpu.memory_space<hbm>>
            tpu.wait_dma2 semaphore(%arg19 : memref<!tpu.dma_semaphore, #tpu.memory_space<semaphore_mem>>) src(%dma_wait3A_77 : memref<160xi32, #tpu.memory_space<hbm>>) dst(%arg13 : memref<160xi32, #tpu.memory_space<vmem>>)
            %dma_start3A_78 = arith.constant 0 : i32
            %dma_start3A_79 = arith.constant 0 : i32
            %dma_start3A_80 = tpu.memref_slice %arg6[%dma_start3A_78, %dma_start3A_79] : memref<10000x128xf32, #tpu.memory_space<hbm>> -> memref<10000x128xf32, #tpu.memory_space<hbm>>
            tpu.enqueue_indirect_dma source(%dma_start3A_80 : memref<10000x128xf32, #tpu.memory_space<hbm>>) target(%arg15 : memref<160x128xf32, #tpu.memory_space<vmem>>) offsets(%arg11 : memref<160xi32, #tpu.memory_space<vmem>>) semaphore(%arg18 : memref<!tpu.dma_semaphore, #tpu.memory_space<semaphore_mem>>)
          } else {
          }
          "tpu.region"() ({
            %run_scoped3A = tpu.sem_alloc : memref<!tpu.dma_semaphore, #tpu.memory_space<semaphore_mem>>
            %dma_start3A_60 = arith.constant 0 : i32
            %dma_start3A_61 = arith.constant 0 : i32
            %dma_start3A_62 = tpu.memref_slice %arg17[%dma_start3A_60, %dma_start3A_61] : memref<10000x128xf32, #tpu.memory_space<vmem_shared>> -> memref<10000x128xf32, #tpu.memory_space<vmem_shared>>
            tpu.enqueue_indirect_dma source(%arg16 : memref<160x128xf32, #tpu.memory_space<vmem>>) target(%dma_start3A_62 : memref<10000x128xf32, #tpu.memory_space<vmem_shared>>) offsets(%arg14 : memref<160xi32, #tpu.memory_space<vmem>>) semaphore(%run_scoped3A : memref<!tpu.dma_semaphore, #tpu.memory_space<semaphore_mem>>) {add = true}
            %dma_wait3A_63 = arith.constant 0 : i32
            %dma_wait3A_64 = arith.constant 0 : i32
            %dma_wait3A_65 = tpu.memref_slice %arg17[%dma_wait3A_63, %dma_wait3A_64] : memref<10000x128xf32, #tpu.memory_space<vmem_shared>> -> memref<10000x128xf32, #tpu.memory_space<vmem_shared>>
            tpu.wait_indirect_dma semaphore(%run_scoped3A : memref<!tpu.dma_semaphore, #tpu.memory_space<semaphore_mem>>) src(%arg16 : memref<160x128xf32, #tpu.memory_space<vmem>>) dst(%dma_wait3A_65 : memref<10000x128xf32, #tpu.memory_space<vmem_shared>>)
            tpu.yield
          }) : () -> ()
        } else {
        }
      }
      %scan3A_20 = arith.constant 125 : i32
      %barrier3A_21 = arith.constant 0 : index
      tpu.barrier barrier_id(%barrier3A_21)
      %mul3A_22 = arith.constant 624 : i32
      %mul3A_23 = arith.muli %arg1, %mul3A_22 : i32
      %multiple_of3A_24 = tpu.assume_multiple %mul3A_23, 8 : i32
      "tpu.region"() ({
        %run_scoped3A = tpu.sem_alloc : memref<!tpu.dma_semaphore, #tpu.memory_space<semaphore_mem>>
        %dma_start3A_30 = arith.constant 0 : i32
        %dma_start3A_31 = tpu.memref_slice %arg9[%multiple_of3A_24, %dma_start3A_30] : memref<10000x128xf32, #tpu.memory_space<hbm>> -> memref<624x128xf32, #tpu.memory_space<hbm>>
        %dma_start3A_32 = arith.constant 0 : i32
        %dma_start3A_33 = tpu.memref_slice %arg17[%multiple_of3A_24, %dma_start3A_32] : memref<10000x128xf32, #tpu.memory_space<vmem_shared>> -> memref<624x128xf32, #tpu.memory_space<vmem_shared>>
        tpu.enqueue_dma source(%dma_start3A_33 : memref<624x128xf32, #tpu.memory_space<vmem_shared>>) target(%dma_start3A_31 : memref<624x128xf32, #tpu.memory_space<hbm>>) target_semaphore(%run_scoped3A : memref<!tpu.dma_semaphore, #tpu.memory_space<semaphore_mem>>)
        %dma_wait3A = arith.constant 0 : i32
        %dma_wait3A_34 = tpu.memref_slice %arg9[%multiple_of3A_24, %dma_wait3A] : memref<10000x128xf32, #tpu.memory_space<hbm>> -> memref<624x128xf32, #tpu.memory_space<hbm>>
        %dma_wait3A_35 = arith.constant 0 : i32
        %dma_wait3A_36 = tpu.memref_slice %arg17[%multiple_of3A_24, %dma_wait3A_35] : memref<10000x128xf32, #tpu.memory_space<vmem_shared>> -> memref<624x128xf32, #tpu.memory_space<vmem_shared>>
        tpu.wait_dma2 semaphore(%run_scoped3A : memref<!tpu.dma_semaphore, #tpu.memory_space<semaphore_mem>>) src(%dma_wait3A_36 : memref<624x128xf32, #tpu.memory_space<vmem_shared>>) dst(%dma_wait3A_34 : memref<624x128xf32, #tpu.memory_space<hbm>>)
        tpu.yield
      }) : () -> ()
      %eq3A_25 = arith.constant 15 : i32
      %eq3A_26 = arith.cmpi eq, %arg1, %eq3A_25 : i32
      %convert_element_type3A_27 = arith.extui %eq3A_26 : i1 to i32
      %cond3A_28 = arith.constant 0 : i32
      %cond3A_29 = arith.cmpi ne, %convert_element_type3A_27, %cond3A_28 : i32
      scf.if %cond3A_29 {
        "tpu.region"() ({
          %run_scoped3A = tpu.sem_alloc : memref<!tpu.dma_semaphore, #tpu.memory_space<semaphore_mem>>
          %dma_start3A_30 = arith.constant 9984 : i32
          %dma_start3A_31 = arith.constant 0 : i32
          %dma_start3A_32 = tpu.memref_slice %arg9[%dma_start3A_30, %dma_start3A_31] : memref<10000x128xf32, #tpu.memory_space<hbm>> -> memref<16x128xf32, #tpu.memory_space<hbm>>
          %dma_start3A_33 = arith.constant 9984 : i32
          %dma_start3A_34 = arith.constant 0 : i32
          %dma_start3A_35 = tpu.memref_slice %arg17[%dma_start3A_33, %dma_start3A_34] : memref<10000x128xf32, #tpu.memory_space<vmem_shared>> -> memref<16x128xf32, #tpu.memory_space<vmem_shared>>
          tpu.enqueue_dma source(%dma_start3A_35 : memref<16x128xf32, #tpu.memory_space<vmem_shared>>) target(%dma_start3A_32 : memref<16x128xf32, #tpu.memory_space<hbm>>) target_semaphore(%run_scoped3A : memref<!tpu.dma_semaphore, #tpu.memory_space<semaphore_mem>>)
          %dma_wait3A = arith.constant 9984 : i32
          %dma_wait3A_36 = arith.constant 0 : i32
          %dma_wait3A_37 = tpu.memref_slice %arg9[%dma_wait3A, %dma_wait3A_36] : memref<10000x128xf32, #tpu.memory_space<hbm>> -> memref<16x128xf32, #tpu.memory_space<hbm>>
          %dma_wait3A_38 = arith.constant 9984 : i32
          %dma_wait3A_39 = arith.constant 0 : i32
          %dma_wait3A_40 = tpu.memref_slice %arg17[%dma_wait3A_38, %dma_wait3A_39] : memref<10000x128xf32, #tpu.memory_space<vmem_shared>> -> memref<16x128xf32, #tpu.memory_space<vmem_shared>>
          tpu.wait_dma2 semaphore(%run_scoped3A : memref<!tpu.dma_semaphore, #tpu.memory_space<semaphore_mem>>) src(%dma_wait3A_40 : memref<16x128xf32, #tpu.memory_space<vmem_shared>>) dst(%dma_wait3A_37 : memref<16x128xf32, #tpu.memory_space<hbm>>)
          tpu.yield
        }) : () -> ()
      } else {
      }
    } else {
    }
    %eq3A_2 = arith.constant 1 : i32
    %eq3A_3 = arith.cmpi eq, %arg0, %eq3A_2 : i32
    %convert_element_type3A_4 = arith.extui %eq3A_3 : i1 to i32
    %cond3A_5 = arith.constant 0 : i32
    %cond3A_6 = arith.cmpi ne, %convert_element_type3A_4, %cond3A_5 : i32
    scf.if %cond3A_6 {
      %mul3A = arith.constant 624 : i32
      %mul3A_7 = arith.muli %arg1, %mul3A : i32
      %multiple_of3A = tpu.assume_multiple %mul3A_7, 8 : i32
      "tpu.region"() ({
        %run_scoped3A = tpu.sem_alloc : memref<!tpu.dma_semaphore, #tpu.memory_space<semaphore_mem>>
        %dma_start3A_30 = arith.constant 0 : i32
        %dma_start3A_31 = tpu.memref_slice %arg17[%multiple_of3A, %dma_start3A_30] : memref<10000x128xf32, #tpu.memory_space<vmem_shared>> -> memref<624x128xf32, #tpu.memory_space<vmem_shared>>
        %dma_start3A_32 = arith.constant 0 : i32
        %dma_start3A_33 = tpu.memref_slice %arg8[%multiple_of3A, %dma_start3A_32] : memref<10000x128xf32, #tpu.memory_space<hbm>> -> memref<624x128xf32, #tpu.memory_space<hbm>>
        tpu.enqueue_dma source(%dma_start3A_33 : memref<624x128xf32, #tpu.memory_space<hbm>>) target(%dma_start3A_31 : memref<624x128xf32, #tpu.memory_space<vmem_shared>>) target_semaphore(%run_scoped3A : memref<!tpu.dma_semaphore, #tpu.memory_space<semaphore_mem>>)
        %dma_wait3A = arith.constant 0 : i32
        %dma_wait3A_34 = tpu.memref_slice %arg17[%multiple_of3A, %dma_wait3A] : memref<10000x128xf32, #tpu.memory_space<vmem_shared>> -> memref<624x128xf32, #tpu.memory_space<vmem_shared>>
        %dma_wait3A_35 = arith.constant 0 : i32
        %dma_wait3A_36 = tpu.memref_slice %arg8[%multiple_of3A, %dma_wait3A_35] : memref<10000x128xf32, #tpu.memory_space<hbm>> -> memref<624x128xf32, #tpu.memory_space<hbm>>
        tpu.wait_dma2 semaphore(%run_scoped3A : memref<!tpu.dma_semaphore, #tpu.memory_space<semaphore_mem>>) src(%dma_wait3A_36 : memref<624x128xf32, #tpu.memory_space<hbm>>) dst(%dma_wait3A_34 : memref<624x128xf32, #tpu.memory_space<vmem_shared>>)
        tpu.yield
      }) : () -> ()
      %eq3A_8 = arith.constant 15 : i32
      %eq3A_9 = arith.cmpi eq, %arg1, %eq3A_8 : i32
      %convert_element_type3A_10 = arith.extui %eq3A_9 : i1 to i32
      %cond3A_11 = arith.constant 0 : i32
      %cond3A_12 = arith.cmpi ne, %convert_element_type3A_10, %cond3A_11 : i32
      scf.if %cond3A_12 {
        "tpu.region"() ({
          %run_scoped3A = tpu.sem_alloc : memref<!tpu.dma_semaphore, #tpu.memory_space<semaphore_mem>>
          %dma_start3A_30 = arith.constant 9984 : i32
          %dma_start3A_31 = arith.constant 0 : i32
          %dma_start3A_32 = tpu.memref_slice %arg17[%dma_start3A_30, %dma_start3A_31] : memref<10000x128xf32, #tpu.memory_space<vmem_shared>> -> memref<16x128xf32, #tpu.memory_space<vmem_shared>>
          %dma_start3A_33 = arith.constant 9984 : i32
          %dma_start3A_34 = arith.constant 0 : i32
          %dma_start3A_35 = tpu.memref_slice %arg8[%dma_start3A_33, %dma_start3A_34] : memref<10000x128xf32, #tpu.memory_space<hbm>> -> memref<16x128xf32, #tpu.memory_space<hbm>>
          tpu.enqueue_dma source(%dma_start3A_35 : memref<16x128xf32, #tpu.memory_space<hbm>>) target(%dma_start3A_32 : memref<16x128xf32, #tpu.memory_space<vmem_shared>>) target_semaphore(%run_scoped3A : memref<!tpu.dma_semaphore, #tpu.memory_space<semaphore_mem>>)
          %dma_wait3A = arith.constant 9984 : i32
          %dma_wait3A_36 = arith.constant 0 : i32
          %dma_wait3A_37 = tpu.memref_slice %arg17[%dma_wait3A, %dma_wait3A_36] : memref<10000x128xf32, #tpu.memory_space<vmem_shared>> -> memref<16x128xf32, #tpu.memory_space<vmem_shared>>
          %dma_wait3A_38 = arith.constant 9984 : i32
          %dma_wait3A_39 = arith.constant 0 : i32
          %dma_wait3A_40 = tpu.memref_slice %arg8[%dma_wait3A_38, %dma_wait3A_39] : memref<10000x128xf32, #tpu.memory_space<hbm>> -> memref<16x128xf32, #tpu.memory_space<hbm>>
          tpu.wait_dma2 semaphore(%run_scoped3A : memref<!tpu.dma_semaphore, #tpu.memory_space<semaphore_mem>>) src(%dma_wait3A_40 : memref<16x128xf32, #tpu.memory_space<hbm>>) dst(%dma_wait3A_37 : memref<16x128xf32, #tpu.memory_space<vmem_shared>>)
          tpu.yield
        }) : () -> ()
      } else {
      }
      %barrier3A = arith.constant 0 : index
      tpu.barrier barrier_id(%barrier3A)
      %mul3A_13 = arith.constant 125 : i32
      %mul3A_14 = arith.muli %arg1, %mul3A_13 : i32
      "tpu.region"() ({
        %run_scoped3A = tpu.sem_alloc : memref<!tpu.dma_semaphore, #tpu.memory_space<semaphore_mem>>
        %dma_start3A_30 = arith.constant 0 : i32
        %dma_start3A_31 = tpu.memref_slice %arg4[%mul3A_14, %dma_start3A_30] : memref<2000x160xi32, #tpu.memory_space<hbm>> -> memref<1x160xi32, #tpu.memory_space<hbm>>
        %dma_start3A_32 = tpu.memref_squeeze %dma_start3A_31 : memref<1x160xi32, #tpu.memory_space<hbm>> -> memref<160xi32, #tpu.memory_space<hbm>>
        %dma_start3A_33 = arith.constant 0 : i32
        %dma_start3A_34 = tpu.memref_slice %arg4[%mul3A_14, %dma_start3A_33] : memref<2000x160xi32, #tpu.memory_space<hbm>> -> memref<1x160xi32, #tpu.memory_space<hbm>>
        %dma_start3A_35 = tpu.memref_squeeze %dma_start3A_34 : memref<1x160xi32, #tpu.memory_space<hbm>> -> memref<160xi32, #tpu.memory_space<hbm>>
        tpu.enqueue_dma source(%dma_start3A_35 : memref<160xi32, #tpu.memory_space<hbm>>) target(%arg11 : memref<160xi32, #tpu.memory_space<vmem>>) target_semaphore(%run_scoped3A : memref<!tpu.dma_semaphore, #tpu.memory_space<semaphore_mem>>)
        %dma_wait3A = arith.constant 0 : i32
        %dma_wait3A_36 = tpu.memref_slice %arg4[%mul3A_14, %dma_wait3A] : memref<2000x160xi32, #tpu.memory_space<hbm>> -> memref<1x160xi32, #tpu.memory_space<hbm>>
        %dma_wait3A_37 = tpu.memref_squeeze %dma_wait3A_36 : memref<1x160xi32, #tpu.memory_space<hbm>> -> memref<160xi32, #tpu.memory_space<hbm>>
        %dma_wait3A_38 = arith.constant 0 : i32
        %dma_wait3A_39 = tpu.memref_slice %arg4[%mul3A_14, %dma_wait3A_38] : memref<2000x160xi32, #tpu.memory_space<hbm>> -> memref<1x160xi32, #tpu.memory_space<hbm>>
        %dma_wait3A_40 = tpu.memref_squeeze %dma_wait3A_39 : memref<1x160xi32, #tpu.memory_space<hbm>> -> memref<160xi32, #tpu.memory_space<hbm>>
        tpu.wait_dma2 semaphore(%run_scoped3A : memref<!tpu.dma_semaphore, #tpu.memory_space<semaphore_mem>>) src(%dma_wait3A_40 : memref<160xi32, #tpu.memory_space<hbm>>) dst(%arg11 : memref<160xi32, #tpu.memory_space<vmem>>)
        tpu.yield
      }) : () -> ()
      "tpu.region"() ({
        %run_scoped3A = tpu.sem_alloc : memref<!tpu.dma_semaphore, #tpu.memory_space<semaphore_mem>>
        %dma_start3A_30 = arith.constant 0 : i32
        %dma_start3A_31 = tpu.memref_slice %arg5[%mul3A_14, %dma_start3A_30] : memref<2000x160xi32, #tpu.memory_space<hbm>> -> memref<1x160xi32, #tpu.memory_space<hbm>>
        %dma_start3A_32 = tpu.memref_squeeze %dma_start3A_31 : memref<1x160xi32, #tpu.memory_space<hbm>> -> memref<160xi32, #tpu.memory_space<hbm>>
        %dma_start3A_33 = arith.constant 0 : i32
        %dma_start3A_34 = tpu.memref_slice %arg5[%mul3A_14, %dma_start3A_33] : memref<2000x160xi32, #tpu.memory_space<hbm>> -> memref<1x160xi32, #tpu.memory_space<hbm>>
        %dma_start3A_35 = tpu.memref_squeeze %dma_start3A_34 : memref<1x160xi32, #tpu.memory_space<hbm>> -> memref<160xi32, #tpu.memory_space<hbm>>
        tpu.enqueue_dma source(%dma_start3A_35 : memref<160xi32, #tpu.memory_space<hbm>>) target(%arg13 : memref<160xi32, #tpu.memory_space<vmem>>) target_semaphore(%run_scoped3A : memref<!tpu.dma_semaphore, #tpu.memory_space<semaphore_mem>>)
        %dma_wait3A = arith.constant 0 : i32
        %dma_wait3A_36 = tpu.memref_slice %arg5[%mul3A_14, %dma_wait3A] : memref<2000x160xi32, #tpu.memory_space<hbm>> -> memref<1x160xi32, #tpu.memory_space<hbm>>
        %dma_wait3A_37 = tpu.memref_squeeze %dma_wait3A_36 : memref<1x160xi32, #tpu.memory_space<hbm>> -> memref<160xi32, #tpu.memory_space<hbm>>
        %dma_wait3A_38 = arith.constant 0 : i32
        %dma_wait3A_39 = tpu.memref_slice %arg5[%mul3A_14, %dma_wait3A_38] : memref<2000x160xi32, #tpu.memory_space<hbm>> -> memref<1x160xi32, #tpu.memory_space<hbm>>
        %dma_wait3A_40 = tpu.memref_squeeze %dma_wait3A_39 : memref<1x160xi32, #tpu.memory_space<hbm>> -> memref<160xi32, #tpu.memory_space<hbm>>
        tpu.wait_dma2 semaphore(%run_scoped3A : memref<!tpu.dma_semaphore, #tpu.memory_space<semaphore_mem>>) src(%dma_wait3A_40 : memref<160xi32, #tpu.memory_space<hbm>>) dst(%arg13 : memref<160xi32, #tpu.memory_space<vmem>>)
        tpu.yield
      }) : () -> ()
      %dma_start3A = arith.constant 0 : i32
      %dma_start3A_15 = arith.constant 0 : i32
      %dma_start3A_16 = tpu.memref_slice %arg7[%dma_start3A, %dma_start3A_15] : memref<10000x128xf32, #tpu.memory_space<hbm>> -> memref<10000x128xf32, #tpu.memory_space<hbm>>
      tpu.enqueue_indirect_dma source(%dma_start3A_16 : memref<10000x128xf32, #tpu.memory_space<hbm>>) target(%arg15 : memref<160x128xf32, #tpu.memory_space<vmem>>) offsets(%arg11 : memref<160xi32, #tpu.memory_space<vmem>>) semaphore(%arg18 : memref<!tpu.dma_semaphore, #tpu.memory_space<semaphore_mem>>)
      %scan3A = arith.constant 0 : i32
      %scan3A_17 = arith.constant 125 : i32
      %scan3A_18 = arith.addi %scan3A, %scan3A_17 : i32
      %scan3A_19 = arith.constant 1 : i32
      scf.for %scan3A_30 = %scan3A to %scan3A_18 step %scan3A_19  : i32 {
        %mul3A_31 = arith.constant 1 : i32
        %mul3A_32 = arith.muli %scan3A_30, %mul3A_31 : i32
        %add3A = arith.constant 0 : i32
        %add3A_33 = arith.addi %add3A, %mul3A_32 : i32
        %rem3A = arith.constant 2 : i32
        %rem3A_34 = arith.remsi %add3A_33, %rem3A : i32
        %eq3A_35 = arith.constant 0 : i32
        %eq3A_36 = arith.cmpi eq, %rem3A_34, %eq3A_35 : i32
        %convert_element_type3A_37 = arith.extui %eq3A_36 : i1 to i32
        %cond3A_38 = arith.constant 0 : i32
        %cond3A_39 = arith.cmpi ne, %convert_element_type3A_37, %cond3A_38 : i32
        scf.if %cond3A_39 {
          %add3A_45 = arith.constant 1 : i32
          %add3A_46 = arith.addi %add3A_33, %add3A_45 : i32
          %lt3A = arith.constant 125 : i32
          %lt3A_47 = arith.cmpi slt, %add3A_46, %lt3A : i32
          %convert_element_type3A_48 = arith.extui %lt3A_47 : i1 to i32
          %cond3A_49 = arith.constant 0 : i32
          %cond3A_50 = arith.cmpi ne, %convert_element_type3A_48, %cond3A_49 : i32
          scf.if %cond3A_50 {
            %add3A_60 = arith.addi %mul3A_14, %add3A_33 : i32
            %add3A_61 = arith.constant 1 : i32
            %add3A_62 = arith.addi %add3A_60, %add3A_61 : i32
            %dma_start3A_63 = arith.constant 0 : i32
            %dma_start3A_64 = tpu.memref_slice %arg4[%add3A_62, %dma_start3A_63] : memref<2000x160xi32, #tpu.memory_space<hbm>> -> memref<1x160xi32, #tpu.memory_space<hbm>>
            %dma_start3A_65 = tpu.memref_squeeze %dma_start3A_64 : memref<1x160xi32, #tpu.memory_space<hbm>> -> memref<160xi32, #tpu.memory_space<hbm>>
            %dma_start3A_66 = arith.constant 0 : i32
            %dma_start3A_67 = tpu.memref_slice %arg4[%add3A_62, %dma_start3A_66] : memref<2000x160xi32, #tpu.memory_space<hbm>> -> memref<1x160xi32, #tpu.memory_space<hbm>>
            %dma_start3A_68 = tpu.memref_squeeze %dma_start3A_67 : memref<1x160xi32, #tpu.memory_space<hbm>> -> memref<160xi32, #tpu.memory_space<hbm>>
            tpu.enqueue_dma source(%dma_start3A_68 : memref<160xi32, #tpu.memory_space<hbm>>) target(%arg12 : memref<160xi32, #tpu.memory_space<vmem>>) target_semaphore(%arg19 : memref<!tpu.dma_semaphore, #tpu.memory_space<semaphore_mem>>)
            %add3A_69 = arith.addi %mul3A_14, %add3A_33 : i32
            %add3A_70 = arith.constant 1 : i32
            %add3A_71 = arith.addi %add3A_69, %add3A_70 : i32
            %dma_start3A_72 = arith.constant 0 : i32
            %dma_start3A_73 = tpu.memref_slice %arg5[%add3A_71, %dma_start3A_72] : memref<2000x160xi32, #tpu.memory_space<hbm>> -> memref<1x160xi32, #tpu.memory_space<hbm>>
            %dma_start3A_74 = tpu.memref_squeeze %dma_start3A_73 : memref<1x160xi32, #tpu.memory_space<hbm>> -> memref<160xi32, #tpu.memory_space<hbm>>
            %dma_start3A_75 = arith.constant 0 : i32
            %dma_start3A_76 = tpu.memref_slice %arg5[%add3A_71, %dma_start3A_75] : memref<2000x160xi32, #tpu.memory_space<hbm>> -> memref<1x160xi32, #tpu.memory_space<hbm>>
            %dma_start3A_77 = tpu.memref_squeeze %dma_start3A_76 : memref<1x160xi32, #tpu.memory_space<hbm>> -> memref<160xi32, #tpu.memory_space<hbm>>
            tpu.enqueue_dma source(%dma_start3A_77 : memref<160xi32, #tpu.memory_space<hbm>>) target(%arg14 : memref<160xi32, #tpu.memory_space<vmem>>) target_semaphore(%arg19 : memref<!tpu.dma_semaphore, #tpu.memory_space<semaphore_mem>>)
          } else {
          }
          %dma_wait3A = arith.constant 0 : i32
          %dma_wait3A_51 = arith.constant 0 : i32
          %dma_wait3A_52 = tpu.memref_slice %arg7[%dma_wait3A, %dma_wait3A_51] : memref<10000x128xf32, #tpu.memory_space<hbm>> -> memref<10000x128xf32, #tpu.memory_space<hbm>>
          tpu.wait_indirect_dma semaphore(%arg18 : memref<!tpu.dma_semaphore, #tpu.memory_space<semaphore_mem>>) src(%dma_wait3A_52 : memref<10000x128xf32, #tpu.memory_space<hbm>>) dst(%arg15 : memref<160x128xf32, #tpu.memory_space<vmem>>)
          %add3A_53 = arith.constant 1 : i32
          %add3A_54 = arith.addi %add3A_33, %add3A_53 : i32
          %lt3A_55 = arith.constant 125 : i32
          %lt3A_56 = arith.cmpi slt, %add3A_54, %lt3A_55 : i32
          %convert_element_type3A_57 = arith.extui %lt3A_56 : i1 to i32
          %cond3A_58 = arith.constant 0 : i32
          %cond3A_59 = arith.cmpi ne, %convert_element_type3A_57, %cond3A_58 : i32
          scf.if %cond3A_59 {
            %add3A_60 = arith.addi %mul3A_14, %add3A_33 : i32
            %add3A_61 = arith.constant 1 : i32
            %add3A_62 = arith.addi %add3A_60, %add3A_61 : i32
            %dma_wait3A_63 = arith.constant 0 : i32
            %dma_wait3A_64 = tpu.memref_slice %arg4[%add3A_62, %dma_wait3A_63] : memref<2000x160xi32, #tpu.memory_space<hbm>> -> memref<1x160xi32, #tpu.memory_space<hbm>>
            %dma_wait3A_65 = tpu.memref_squeeze %dma_wait3A_64 : memref<1x160xi32, #tpu.memory_space<hbm>> -> memref<160xi32, #tpu.memory_space<hbm>>
            %dma_wait3A_66 = arith.constant 0 : i32
            %dma_wait3A_67 = tpu.memref_slice %arg4[%add3A_62, %dma_wait3A_66] : memref<2000x160xi32, #tpu.memory_space<hbm>> -> memref<1x160xi32, #tpu.memory_space<hbm>>
            %dma_wait3A_68 = tpu.memref_squeeze %dma_wait3A_67 : memref<1x160xi32, #tpu.memory_space<hbm>> -> memref<160xi32, #tpu.memory_space<hbm>>
            tpu.wait_dma2 semaphore(%arg19 : memref<!tpu.dma_semaphore, #tpu.memory_space<semaphore_mem>>) src(%dma_wait3A_68 : memref<160xi32, #tpu.memory_space<hbm>>) dst(%arg12 : memref<160xi32, #tpu.memory_space<vmem>>)
            %add3A_69 = arith.addi %mul3A_14, %add3A_33 : i32
            %add3A_70 = arith.constant 1 : i32
            %add3A_71 = arith.addi %add3A_69, %add3A_70 : i32
            %dma_wait3A_72 = arith.constant 0 : i32
            %dma_wait3A_73 = tpu.memref_slice %arg5[%add3A_71, %dma_wait3A_72] : memref<2000x160xi32, #tpu.memory_space<hbm>> -> memref<1x160xi32, #tpu.memory_space<hbm>>
            %dma_wait3A_74 = tpu.memref_squeeze %dma_wait3A_73 : memref<1x160xi32, #tpu.memory_space<hbm>> -> memref<160xi32, #tpu.memory_space<hbm>>
            %dma_wait3A_75 = arith.constant 0 : i32
            %dma_wait3A_76 = tpu.memref_slice %arg5[%add3A_71, %dma_wait3A_75] : memref<2000x160xi32, #tpu.memory_space<hbm>> -> memref<1x160xi32, #tpu.memory_space<hbm>>
            %dma_wait3A_77 = tpu.memref_squeeze %dma_wait3A_76 : memref<1x160xi32, #tpu.memory_space<hbm>> -> memref<160xi32, #tpu.memory_space<hbm>>
            tpu.wait_dma2 semaphore(%arg19 : memref<!tpu.dma_semaphore, #tpu.memory_space<semaphore_mem>>) src(%dma_wait3A_77 : memref<160xi32, #tpu.memory_space<hbm>>) dst(%arg14 : memref<160xi32, #tpu.memory_space<vmem>>)
            %dma_start3A_78 = arith.constant 0 : i32
            %dma_start3A_79 = arith.constant 0 : i32
            %dma_start3A_80 = tpu.memref_slice %arg7[%dma_start3A_78, %dma_start3A_79] : memref<10000x128xf32, #tpu.memory_space<hbm>> -> memref<10000x128xf32, #tpu.memory_space<hbm>>
            tpu.enqueue_indirect_dma source(%dma_start3A_80 : memref<10000x128xf32, #tpu.memory_space<hbm>>) target(%arg16 : memref<160x128xf32, #tpu.memory_space<vmem>>) offsets(%arg12 : memref<160xi32, #tpu.memory_space<vmem>>) semaphore(%arg18 : memref<!tpu.dma_semaphore, #tpu.memory_space<semaphore_mem>>)
          } else {
          }
          "tpu.region"() ({
            %run_scoped3A = tpu.sem_alloc : memref<!tpu.dma_semaphore, #tpu.memory_space<semaphore_mem>>
            %dma_start3A_60 = arith.constant 0 : i32
            %dma_start3A_61 = arith.constant 0 : i32
            %dma_start3A_62 = tpu.memref_slice %arg17[%dma_start3A_60, %dma_start3A_61] : memref<10000x128xf32, #tpu.memory_space<vmem_shared>> -> memref<10000x128xf32, #tpu.memory_space<vmem_shared>>
            tpu.enqueue_indirect_dma source(%arg15 : memref<160x128xf32, #tpu.memory_space<vmem>>) target(%dma_start3A_62 : memref<10000x128xf32, #tpu.memory_space<vmem_shared>>) offsets(%arg13 : memref<160xi32, #tpu.memory_space<vmem>>) semaphore(%run_scoped3A : memref<!tpu.dma_semaphore, #tpu.memory_space<semaphore_mem>>) {add = true}
            %dma_wait3A_63 = arith.constant 0 : i32
            %dma_wait3A_64 = arith.constant 0 : i32
            %dma_wait3A_65 = tpu.memref_slice %arg17[%dma_wait3A_63, %dma_wait3A_64] : memref<10000x128xf32, #tpu.memory_space<vmem_shared>> -> memref<10000x128xf32, #tpu.memory_space<vmem_shared>>
            tpu.wait_indirect_dma semaphore(%run_scoped3A : memref<!tpu.dma_semaphore, #tpu.memory_space<semaphore_mem>>) src(%arg15 : memref<160x128xf32, #tpu.memory_space<vmem>>) dst(%dma_wait3A_65 : memref<10000x128xf32, #tpu.memory_space<vmem_shared>>)
            tpu.yield
          }) : () -> ()
        } else {
        }
        %eq3A_40 = arith.constant 1 : i32
        %eq3A_41 = arith.cmpi eq, %rem3A_34, %eq3A_40 : i32
        %convert_element_type3A_42 = arith.extui %eq3A_41 : i1 to i32
        %cond3A_43 = arith.constant 0 : i32
        %cond3A_44 = arith.cmpi ne, %convert_element_type3A_42, %cond3A_43 : i32
        scf.if %cond3A_44 {
          %add3A_45 = arith.constant 1 : i32
          %add3A_46 = arith.addi %add3A_33, %add3A_45 : i32
          %lt3A = arith.constant 125 : i32
          %lt3A_47 = arith.cmpi slt, %add3A_46, %lt3A : i32
          %convert_element_type3A_48 = arith.extui %lt3A_47 : i1 to i32
          %cond3A_49 = arith.constant 0 : i32
          %cond3A_50 = arith.cmpi ne, %convert_element_type3A_48, %cond3A_49 : i32
          scf.if %cond3A_50 {
            %add3A_60 = arith.addi %mul3A_14, %add3A_33 : i32
            %add3A_61 = arith.constant 1 : i32
            %add3A_62 = arith.addi %add3A_60, %add3A_61 : i32
            %dma_start3A_63 = arith.constant 0 : i32
            %dma_start3A_64 = tpu.memref_slice %arg4[%add3A_62, %dma_start3A_63] : memref<2000x160xi32, #tpu.memory_space<hbm>> -> memref<1x160xi32, #tpu.memory_space<hbm>>
            %dma_start3A_65 = tpu.memref_squeeze %dma_start3A_64 : memref<1x160xi32, #tpu.memory_space<hbm>> -> memref<160xi32, #tpu.memory_space<hbm>>
            %dma_start3A_66 = arith.constant 0 : i32
            %dma_start3A_67 = tpu.memref_slice %arg4[%add3A_62, %dma_start3A_66] : memref<2000x160xi32, #tpu.memory_space<hbm>> -> memref<1x160xi32, #tpu.memory_space<hbm>>
            %dma_start3A_68 = tpu.memref_squeeze %dma_start3A_67 : memref<1x160xi32, #tpu.memory_space<hbm>> -> memref<160xi32, #tpu.memory_space<hbm>>
            tpu.enqueue_dma source(%dma_start3A_68 : memref<160xi32, #tpu.memory_space<hbm>>) target(%arg11 : memref<160xi32, #tpu.memory_space<vmem>>) target_semaphore(%arg19 : memref<!tpu.dma_semaphore, #tpu.memory_space<semaphore_mem>>)
            %add3A_69 = arith.addi %mul3A_14, %add3A_33 : i32
            %add3A_70 = arith.constant 1 : i32
            %add3A_71 = arith.addi %add3A_69, %add3A_70 : i32
            %dma_start3A_72 = arith.constant 0 : i32
            %dma_start3A_73 = tpu.memref_slice %arg5[%add3A_71, %dma_start3A_72] : memref<2000x160xi32, #tpu.memory_space<hbm>> -> memref<1x160xi32, #tpu.memory_space<hbm>>
            %dma_start3A_74 = tpu.memref_squeeze %dma_start3A_73 : memref<1x160xi32, #tpu.memory_space<hbm>> -> memref<160xi32, #tpu.memory_space<hbm>>
            %dma_start3A_75 = arith.constant 0 : i32
            %dma_start3A_76 = tpu.memref_slice %arg5[%add3A_71, %dma_start3A_75] : memref<2000x160xi32, #tpu.memory_space<hbm>> -> memref<1x160xi32, #tpu.memory_space<hbm>>
            %dma_start3A_77 = tpu.memref_squeeze %dma_start3A_76 : memref<1x160xi32, #tpu.memory_space<hbm>> -> memref<160xi32, #tpu.memory_space<hbm>>
            tpu.enqueue_dma source(%dma_start3A_77 : memref<160xi32, #tpu.memory_space<hbm>>) target(%arg13 : memref<160xi32, #tpu.memory_space<vmem>>) target_semaphore(%arg19 : memref<!tpu.dma_semaphore, #tpu.memory_space<semaphore_mem>>)
          } else {
          }
          %dma_wait3A = arith.constant 0 : i32
          %dma_wait3A_51 = arith.constant 0 : i32
          %dma_wait3A_52 = tpu.memref_slice %arg7[%dma_wait3A, %dma_wait3A_51] : memref<10000x128xf32, #tpu.memory_space<hbm>> -> memref<10000x128xf32, #tpu.memory_space<hbm>>
          tpu.wait_indirect_dma semaphore(%arg18 : memref<!tpu.dma_semaphore, #tpu.memory_space<semaphore_mem>>) src(%dma_wait3A_52 : memref<10000x128xf32, #tpu.memory_space<hbm>>) dst(%arg16 : memref<160x128xf32, #tpu.memory_space<vmem>>)
          %add3A_53 = arith.constant 1 : i32
          %add3A_54 = arith.addi %add3A_33, %add3A_53 : i32
          %lt3A_55 = arith.constant 125 : i32
          %lt3A_56 = arith.cmpi slt, %add3A_54, %lt3A_55 : i32
          %convert_element_type3A_57 = arith.extui %lt3A_56 : i1 to i32
          %cond3A_58 = arith.constant 0 : i32
          %cond3A_59 = arith.cmpi ne, %convert_element_type3A_57, %cond3A_58 : i32
          scf.if %cond3A_59 {
            %add3A_60 = arith.addi %mul3A_14, %add3A_33 : i32
            %add3A_61 = arith.constant 1 : i32
            %add3A_62 = arith.addi %add3A_60, %add3A_61 : i32
            %dma_wait3A_63 = arith.constant 0 : i32
            %dma_wait3A_64 = tpu.memref_slice %arg4[%add3A_62, %dma_wait3A_63] : memref<2000x160xi32, #tpu.memory_space<hbm>> -> memref<1x160xi32, #tpu.memory_space<hbm>>
            %dma_wait3A_65 = tpu.memref_squeeze %dma_wait3A_64 : memref<1x160xi32, #tpu.memory_space<hbm>> -> memref<160xi32, #tpu.memory_space<hbm>>
            %dma_wait3A_66 = arith.constant 0 : i32
            %dma_wait3A_67 = tpu.memref_slice %arg4[%add3A_62, %dma_wait3A_66] : memref<2000x160xi32, #tpu.memory_space<hbm>> -> memref<1x160xi32, #tpu.memory_space<hbm>>
            %dma_wait3A_68 = tpu.memref_squeeze %dma_wait3A_67 : memref<1x160xi32, #tpu.memory_space<hbm>> -> memref<160xi32, #tpu.memory_space<hbm>>
            tpu.wait_dma2 semaphore(%arg19 : memref<!tpu.dma_semaphore, #tpu.memory_space<semaphore_mem>>) src(%dma_wait3A_68 : memref<160xi32, #tpu.memory_space<hbm>>) dst(%arg11 : memref<160xi32, #tpu.memory_space<vmem>>)
            %add3A_69 = arith.addi %mul3A_14, %add3A_33 : i32
            %add3A_70 = arith.constant 1 : i32
            %add3A_71 = arith.addi %add3A_69, %add3A_70 : i32
            %dma_wait3A_72 = arith.constant 0 : i32
            %dma_wait3A_73 = tpu.memref_slice %arg5[%add3A_71, %dma_wait3A_72] : memref<2000x160xi32, #tpu.memory_space<hbm>> -> memref<1x160xi32, #tpu.memory_space<hbm>>
            %dma_wait3A_74 = tpu.memref_squeeze %dma_wait3A_73 : memref<1x160xi32, #tpu.memory_space<hbm>> -> memref<160xi32, #tpu.memory_space<hbm>>
            %dma_wait3A_75 = arith.constant 0 : i32
            %dma_wait3A_76 = tpu.memref_slice %arg5[%add3A_71, %dma_wait3A_75] : memref<2000x160xi32, #tpu.memory_space<hbm>> -> memref<1x160xi32, #tpu.memory_space<hbm>>
            %dma_wait3A_77 = tpu.memref_squeeze %dma_wait3A_76 : memref<1x160xi32, #tpu.memory_space<hbm>> -> memref<160xi32, #tpu.memory_space<hbm>>
            tpu.wait_dma2 semaphore(%arg19 : memref<!tpu.dma_semaphore, #tpu.memory_space<semaphore_mem>>) src(%dma_wait3A_77 : memref<160xi32, #tpu.memory_space<hbm>>) dst(%arg13 : memref<160xi32, #tpu.memory_space<vmem>>)
            %dma_start3A_78 = arith.constant 0 : i32
            %dma_start3A_79 = arith.constant 0 : i32
            %dma_start3A_80 = tpu.memref_slice %arg7[%dma_start3A_78, %dma_start3A_79] : memref<10000x128xf32, #tpu.memory_space<hbm>> -> memref<10000x128xf32, #tpu.memory_space<hbm>>
            tpu.enqueue_indirect_dma source(%dma_start3A_80 : memref<10000x128xf32, #tpu.memory_space<hbm>>) target(%arg15 : memref<160x128xf32, #tpu.memory_space<vmem>>) offsets(%arg11 : memref<160xi32, #tpu.memory_space<vmem>>) semaphore(%arg18 : memref<!tpu.dma_semaphore, #tpu.memory_space<semaphore_mem>>)
          } else {
          }
          "tpu.region"() ({
            %run_scoped3A = tpu.sem_alloc : memref<!tpu.dma_semaphore, #tpu.memory_space<semaphore_mem>>
            %dma_start3A_60 = arith.constant 0 : i32
            %dma_start3A_61 = arith.constant 0 : i32
            %dma_start3A_62 = tpu.memref_slice %arg17[%dma_start3A_60, %dma_start3A_61] : memref<10000x128xf32, #tpu.memory_space<vmem_shared>> -> memref<10000x128xf32, #tpu.memory_space<vmem_shared>>
            tpu.enqueue_indirect_dma source(%arg16 : memref<160x128xf32, #tpu.memory_space<vmem>>) target(%dma_start3A_62 : memref<10000x128xf32, #tpu.memory_space<vmem_shared>>) offsets(%arg14 : memref<160xi32, #tpu.memory_space<vmem>>) semaphore(%run_scoped3A : memref<!tpu.dma_semaphore, #tpu.memory_space<semaphore_mem>>) {add = true}
            %dma_wait3A_63 = arith.constant 0 : i32
            %dma_wait3A_64 = arith.constant 0 : i32
            %dma_wait3A_65 = tpu.memref_slice %arg17[%dma_wait3A_63, %dma_wait3A_64] : memref<10000x128xf32, #tpu.memory_space<vmem_shared>> -> memref<10000x128xf32, #tpu.memory_space<vmem_shared>>
            tpu.wait_indirect_dma semaphore(%run_scoped3A : memref<!tpu.dma_semaphore, #tpu.memory_space<semaphore_mem>>) src(%arg16 : memref<160x128xf32, #tpu.memory_space<vmem>>) dst(%dma_wait3A_65 : memref<10000x128xf32, #tpu.memory_space<vmem_shared>>)
            tpu.yield
          }) : () -> ()
        } else {
        }
      }
      %scan3A_20 = arith.constant 125 : i32
      %barrier3A_21 = arith.constant 0 : index
      tpu.barrier barrier_id(%barrier3A_21)
      %mul3A_22 = arith.constant 624 : i32
      %mul3A_23 = arith.muli %arg1, %mul3A_22 : i32
      %multiple_of3A_24 = tpu.assume_multiple %mul3A_23, 8 : i32
      "tpu.region"() ({
        %run_scoped3A = tpu.sem_alloc : memref<!tpu.dma_semaphore, #tpu.memory_space<semaphore_mem>>
        %dma_start3A_30 = arith.constant 0 : i32
        %dma_start3A_31 = tpu.memref_slice %arg10[%multiple_of3A_24, %dma_start3A_30] : memref<10000x128xf32, #tpu.memory_space<hbm>> -> memref<624x128xf32, #tpu.memory_space<hbm>>
        %dma_start3A_32 = arith.constant 0 : i32
        %dma_start3A_33 = tpu.memref_slice %arg17[%multiple_of3A_24, %dma_start3A_32] : memref<10000x128xf32, #tpu.memory_space<vmem_shared>> -> memref<624x128xf32, #tpu.memory_space<vmem_shared>>
        tpu.enqueue_dma source(%dma_start3A_33 : memref<624x128xf32, #tpu.memory_space<vmem_shared>>) target(%dma_start3A_31 : memref<624x128xf32, #tpu.memory_space<hbm>>) target_semaphore(%run_scoped3A : memref<!tpu.dma_semaphore, #tpu.memory_space<semaphore_mem>>)
        %dma_wait3A = arith.constant 0 : i32
        %dma_wait3A_34 = tpu.memref_slice %arg10[%multiple_of3A_24, %dma_wait3A] : memref<10000x128xf32, #tpu.memory_space<hbm>> -> memref<624x128xf32, #tpu.memory_space<hbm>>
        %dma_wait3A_35 = arith.constant 0 : i32
        %dma_wait3A_36 = tpu.memref_slice %arg17[%multiple_of3A_24, %dma_wait3A_35] : memref<10000x128xf32, #tpu.memory_space<vmem_shared>> -> memref<624x128xf32, #tpu.memory_space<vmem_shared>>
        tpu.wait_dma2 semaphore(%run_scoped3A : memref<!tpu.dma_semaphore, #tpu.memory_space<semaphore_mem>>) src(%dma_wait3A_36 : memref<624x128xf32, #tpu.memory_space<vmem_shared>>) dst(%dma_wait3A_34 : memref<624x128xf32, #tpu.memory_space<hbm>>)
        tpu.yield
      }) : () -> ()
      %eq3A_25 = arith.constant 15 : i32
      %eq3A_26 = arith.cmpi eq, %arg1, %eq3A_25 : i32
      %convert_element_type3A_27 = arith.extui %eq3A_26 : i1 to i32
      %cond3A_28 = arith.constant 0 : i32
      %cond3A_29 = arith.cmpi ne, %convert_element_type3A_27, %cond3A_28 : i32
      scf.if %cond3A_29 {
        "tpu.region"() ({
          %run_scoped3A = tpu.sem_alloc : memref<!tpu.dma_semaphore, #tpu.memory_space<semaphore_mem>>
          %dma_start3A_30 = arith.constant 9984 : i32
          %dma_start3A_31 = arith.constant 0 : i32
          %dma_start3A_32 = tpu.memref_slice %arg10[%dma_start3A_30, %dma_start3A_31] : memref<10000x128xf32, #tpu.memory_space<hbm>> -> memref<16x128xf32, #tpu.memory_space<hbm>>
          %dma_start3A_33 = arith.constant 9984 : i32
          %dma_start3A_34 = arith.constant 0 : i32
          %dma_start3A_35 = tpu.memref_slice %arg17[%dma_start3A_33, %dma_start3A_34] : memref<10000x128xf32, #tpu.memory_space<vmem_shared>> -> memref<16x128xf32, #tpu.memory_space<vmem_shared>>
          tpu.enqueue_dma source(%dma_start3A_35 : memref<16x128xf32, #tpu.memory_space<vmem_shared>>) target(%dma_start3A_32 : memref<16x128xf32, #tpu.memory_space<hbm>>) target_semaphore(%run_scoped3A : memref<!tpu.dma_semaphore, #tpu.memory_space<semaphore_mem>>)
          %dma_wait3A = arith.constant 9984 : i32
          %dma_wait3A_36 = arith.constant 0 : i32
          %dma_wait3A_37 = tpu.memref_slice %arg10[%dma_wait3A, %dma_wait3A_36] : memref<10000x128xf32, #tpu.memory_space<hbm>> -> memref<16x128xf32, #tpu.memory_space<hbm>>
          %dma_wait3A_38 = arith.constant 9984 : i32
          %dma_wait3A_39 = arith.constant 0 : i32
          %dma_wait3A_40 = tpu.memref_slice %arg17[%dma_wait3A_38, %dma_wait3A_39] : memref<10000x128xf32, #tpu.memory_space<vmem_shared>> -> memref<16x128xf32, #tpu.memory_space<vmem_shared>>
          tpu.wait_dma2 semaphore(%run_scoped3A : memref<!tpu.dma_semaphore, #tpu.memory_space<semaphore_mem>>) src(%dma_wait3A_40 : memref<16x128xf32, #tpu.memory_space<vmem_shared>>) dst(%dma_wait3A_37 : memref<16x128xf32, #tpu.memory_space<hbm>>)
          tpu.yield
        }) : () -> ()
      } else {
      }
    } else {
    }
    return
  }
}

#map = affine_map<(d0, d1) -> (0, 0)>
module attributes {stable_mosaic.version = 14 : i64} {
  func.func @_scat_body(%arg0: i32, %arg1: i32, %arg2: memref<2000x160xi32, #tpu.memory_space<hbm>>, %arg3: memref<2000x160xi32, #tpu.memory_space<hbm>>, %arg4: memref<2000x160xi32, #tpu.memory_space<hbm>>, %arg5: memref<2000x160xi32, #tpu.memory_space<hbm>>, %arg6: memref<10000x128xf32, #tpu.memory_space<hbm>>, %arg7: memref<10000x128xf32, #tpu.memory_space<hbm>>, %arg8: memref<10000x128xf32, #tpu.memory_space<hbm>>, %arg9: memref<10000x128xf32, #tpu.memory_space<hbm>>, %arg10: memref<10000x128xf32, #tpu.memory_space<hbm>>, %arg11: memref<160xi32, #tpu.memory_space<vmem>>, %arg12: memref<160xi32, #tpu.memory_space<vmem>>, %arg13: memref<160xi32, #tpu.memory_space<vmem>>, %arg14: memref<160xi32, #tpu.memory_space<vmem>>, %arg15: memref<160x128xf32, #tpu.memory_space<vmem>>, %arg16: memref<160x128xf32, #tpu.memory_space<vmem>>, %arg17: memref<10000x128xf32, #tpu.memory_space<vmem_shared>>, %arg18: memref<!tpu.dma_semaphore, #tpu.memory_space<semaphore_mem>>, %arg19: memref<!tpu.dma_semaphore, #tpu.memory_space<semaphore_mem>>) attributes {dimension_semantics = [#tpu.dimension_semantics<core_parallel>, #tpu.dimension_semantics<subcore_parallel>], iteration_bounds = array<i64: 2, 16>, scalar_prefetch = 0 : i64, scratch_operands = 9 : i64, tpu.core_type = #tpu.core_type<sc_vector_subcore>, window_params = [{transform_indices = #map}, {transform_indices = #map}, {transform_indices = #map}, {transform_indices = #map}, {transform_indices = #map}, {transform_indices = #map}, {transform_indices = #map}, {transform_indices = #map}, {transform_indices = #map}]} {
    %eq3A = arith.constant 0 : i32
    %eq3A_0 = arith.cmpi eq, %arg0, %eq3A : i32
    %convert_element_type3A = arith.extui %eq3A_0 : i1 to i32
    %cond3A = arith.constant 0 : i32
    %cond3A_1 = arith.cmpi ne, %convert_element_type3A, %cond3A : i32
    scf.if %cond3A_1 {
      %mul3A = arith.constant 624 : i32
      %mul3A_7 = arith.muli %arg1, %mul3A : i32
      %multiple_of3A = tpu.assume_multiple %mul3A_7, 8 : i32
      "tpu.region"() ({
        %run_scoped3A = tpu.sem_alloc : memref<!tpu.dma_semaphore, #tpu.memory_space<semaphore_mem>>
        %dma_start3A_30 = arith.constant 0 : i32
        %dma_start3A_31 = tpu.memref_slice %arg17[%multiple_of3A, %dma_start3A_30] : memref<10000x128xf32, #tpu.memory_space<vmem_shared>> -> memref<624x128xf32, #tpu.memory_space<vmem_shared>>
        %dma_start3A_32 = arith.constant 0 : i32
        %dma_start3A_33 = tpu.memref_slice %arg8[%multiple_of3A, %dma_start3A_32] : memref<10000x128xf32, #tpu.memory_space<hbm>> -> memref<624x128xf32, #tpu.memory_space<hbm>>
        tpu.enqueue_dma source(%dma_start3A_33 : memref<624x128xf32, #tpu.memory_space<hbm>>) target(%dma_start3A_31 : memref<624x128xf32, #tpu.memory_space<vmem_shared>>) target_semaphore(%run_scoped3A : memref<!tpu.dma_semaphore, #tpu.memory_space<semaphore_mem>>)
        %dma_wait3A = arith.constant 0 : i32
        %dma_wait3A_34 = tpu.memref_slice %arg17[%multiple_of3A, %dma_wait3A] : memref<10000x128xf32, #tpu.memory_space<vmem_shared>> -> memref<624x128xf32, #tpu.memory_space<vmem_shared>>
        %dma_wait3A_35 = arith.constant 0 : i32
        %dma_wait3A_36 = tpu.memref_slice %arg8[%multiple_of3A, %dma_wait3A_35] : memref<10000x128xf32, #tpu.memory_space<hbm>> -> memref<624x128xf32, #tpu.memory_space<hbm>>
        tpu.wait_dma2 semaphore(%run_scoped3A : memref<!tpu.dma_semaphore, #tpu.memory_space<semaphore_mem>>) src(%dma_wait3A_36 : memref<624x128xf32, #tpu.memory_space<hbm>>) dst(%dma_wait3A_34 : memref<624x128xf32, #tpu.memory_space<vmem_shared>>)
        tpu.yield
      }) : () -> ()
      %eq3A_8 = arith.constant 15 : i32
      %eq3A_9 = arith.cmpi eq, %arg1, %eq3A_8 : i32
      %convert_element_type3A_10 = arith.extui %eq3A_9 : i1 to i32
      %cond3A_11 = arith.constant 0 : i32
      %cond3A_12 = arith.cmpi ne, %convert_element_type3A_10, %cond3A_11 : i32
      scf.if %cond3A_12 {
        "tpu.region"() ({
          %run_scoped3A = tpu.sem_alloc : memref<!tpu.dma_semaphore, #tpu.memory_space<semaphore_mem>>
          %dma_start3A_30 = arith.constant 9984 : i32
          %dma_start3A_31 = arith.constant 0 : i32
          %dma_start3A_32 = tpu.memref_slice %arg17[%dma_start3A_30, %dma_start3A_31] : memref<10000x128xf32, #tpu.memory_space<vmem_shared>> -> memref<16x128xf32, #tpu.memory_space<vmem_shared>>
          %dma_start3A_33 = arith.constant 9984 : i32
          %dma_start3A_34 = arith.constant 0 : i32
          %dma_start3A_35 = tpu.memref_slice %arg8[%dma_start3A_33, %dma_start3A_34] : memref<10000x128xf32, #tpu.memory_space<hbm>> -> memref<16x128xf32, #tpu.memory_space<hbm>>
          tpu.enqueue_dma source(%dma_start3A_35 : memref<16x128xf32, #tpu.memory_space<hbm>>) target(%dma_start3A_32 : memref<16x128xf32, #tpu.memory_space<vmem_shared>>) target_semaphore(%run_scoped3A : memref<!tpu.dma_semaphore, #tpu.memory_space<semaphore_mem>>)
          %dma_wait3A = arith.constant 9984 : i32
          %dma_wait3A_36 = arith.constant 0 : i32
          %dma_wait3A_37 = tpu.memref_slice %arg17[%dma_wait3A, %dma_wait3A_36] : memref<10000x128xf32, #tpu.memory_space<vmem_shared>> -> memref<16x128xf32, #tpu.memory_space<vmem_shared>>
          %dma_wait3A_38 = arith.constant 9984 : i32
          %dma_wait3A_39 = arith.constant 0 : i32
          %dma_wait3A_40 = tpu.memref_slice %arg8[%dma_wait3A_38, %dma_wait3A_39] : memref<10000x128xf32, #tpu.memory_space<hbm>> -> memref<16x128xf32, #tpu.memory_space<hbm>>
          tpu.wait_dma2 semaphore(%run_scoped3A : memref<!tpu.dma_semaphore, #tpu.memory_space<semaphore_mem>>) src(%dma_wait3A_40 : memref<16x128xf32, #tpu.memory_space<hbm>>) dst(%dma_wait3A_37 : memref<16x128xf32, #tpu.memory_space<vmem_shared>>)
          tpu.yield
        }) : () -> ()
      } else {
      }
      %barrier3A = arith.constant 0 : index
      tpu.barrier barrier_id(%barrier3A)
      %mul3A_13 = arith.constant 125 : i32
      %mul3A_14 = arith.muli %arg1, %mul3A_13 : i32
      "tpu.region"() ({
        %run_scoped3A = tpu.sem_alloc : memref<!tpu.dma_semaphore, #tpu.memory_space<semaphore_mem>>
        %dma_start3A_30 = arith.constant 0 : i32
        %dma_start3A_31 = tpu.memref_slice %arg2[%mul3A_14, %dma_start3A_30] : memref<2000x160xi32, #tpu.memory_space<hbm>> -> memref<1x160xi32, #tpu.memory_space<hbm>>
        %dma_start3A_32 = tpu.memref_squeeze %dma_start3A_31 : memref<1x160xi32, #tpu.memory_space<hbm>> -> memref<160xi32, #tpu.memory_space<hbm>>
        %dma_start3A_33 = arith.constant 0 : i32
        %dma_start3A_34 = tpu.memref_slice %arg2[%mul3A_14, %dma_start3A_33] : memref<2000x160xi32, #tpu.memory_space<hbm>> -> memref<1x160xi32, #tpu.memory_space<hbm>>
        %dma_start3A_35 = tpu.memref_squeeze %dma_start3A_34 : memref<1x160xi32, #tpu.memory_space<hbm>> -> memref<160xi32, #tpu.memory_space<hbm>>
        tpu.enqueue_dma source(%dma_start3A_35 : memref<160xi32, #tpu.memory_space<hbm>>) target(%arg11 : memref<160xi32, #tpu.memory_space<vmem>>) target_semaphore(%run_scoped3A : memref<!tpu.dma_semaphore, #tpu.memory_space<semaphore_mem>>)
        %dma_wait3A = arith.constant 0 : i32
        %dma_wait3A_36 = tpu.memref_slice %arg2[%mul3A_14, %dma_wait3A] : memref<2000x160xi32, #tpu.memory_space<hbm>> -> memref<1x160xi32, #tpu.memory_space<hbm>>
        %dma_wait3A_37 = tpu.memref_squeeze %dma_wait3A_36 : memref<1x160xi32, #tpu.memory_space<hbm>> -> memref<160xi32, #tpu.memory_space<hbm>>
        %dma_wait3A_38 = arith.constant 0 : i32
        %dma_wait3A_39 = tpu.memref_slice %arg2[%mul3A_14, %dma_wait3A_38] : memref<2000x160xi32, #tpu.memory_space<hbm>> -> memref<1x160xi32, #tpu.memory_space<hbm>>
        %dma_wait3A_40 = tpu.memref_squeeze %dma_wait3A_39 : memref<1x160xi32, #tpu.memory_space<hbm>> -> memref<160xi32, #tpu.memory_space<hbm>>
        tpu.wait_dma2 semaphore(%run_scoped3A : memref<!tpu.dma_semaphore, #tpu.memory_space<semaphore_mem>>) src(%dma_wait3A_40 : memref<160xi32, #tpu.memory_space<hbm>>) dst(%arg11 : memref<160xi32, #tpu.memory_space<vmem>>)
        tpu.yield
      }) : () -> ()
      "tpu.region"() ({
        %run_scoped3A = tpu.sem_alloc : memref<!tpu.dma_semaphore, #tpu.memory_space<semaphore_mem>>
        %dma_start3A_30 = arith.constant 0 : i32
        %dma_start3A_31 = tpu.memref_slice %arg3[%mul3A_14, %dma_start3A_30] : memref<2000x160xi32, #tpu.memory_space<hbm>> -> memref<1x160xi32, #tpu.memory_space<hbm>>
        %dma_start3A_32 = tpu.memref_squeeze %dma_start3A_31 : memref<1x160xi32, #tpu.memory_space<hbm>> -> memref<160xi32, #tpu.memory_space<hbm>>
        %dma_start3A_33 = arith.constant 0 : i32
        %dma_start3A_34 = tpu.memref_slice %arg3[%mul3A_14, %dma_start3A_33] : memref<2000x160xi32, #tpu.memory_space<hbm>> -> memref<1x160xi32, #tpu.memory_space<hbm>>
        %dma_start3A_35 = tpu.memref_squeeze %dma_start3A_34 : memref<1x160xi32, #tpu.memory_space<hbm>> -> memref<160xi32, #tpu.memory_space<hbm>>
        tpu.enqueue_dma source(%dma_start3A_35 : memref<160xi32, #tpu.memory_space<hbm>>) target(%arg13 : memref<160xi32, #tpu.memory_space<vmem>>) target_semaphore(%run_scoped3A : memref<!tpu.dma_semaphore, #tpu.memory_space<semaphore_mem>>)
        %dma_wait3A = arith.constant 0 : i32
        %dma_wait3A_36 = tpu.memref_slice %arg3[%mul3A_14, %dma_wait3A] : memref<2000x160xi32, #tpu.memory_space<hbm>> -> memref<1x160xi32, #tpu.memory_space<hbm>>
        %dma_wait3A_37 = tpu.memref_squeeze %dma_wait3A_36 : memref<1x160xi32, #tpu.memory_space<hbm>> -> memref<160xi32, #tpu.memory_space<hbm>>
        %dma_wait3A_38 = arith.constant 0 : i32
        %dma_wait3A_39 = tpu.memref_slice %arg3[%mul3A_14, %dma_wait3A_38] : memref<2000x160xi32, #tpu.memory_space<hbm>> -> memref<1x160xi32, #tpu.memory_space<hbm>>
        %dma_wait3A_40 = tpu.memref_squeeze %dma_wait3A_39 : memref<1x160xi32, #tpu.memory_space<hbm>> -> memref<160xi32, #tpu.memory_space<hbm>>
        tpu.wait_dma2 semaphore(%run_scoped3A : memref<!tpu.dma_semaphore, #tpu.memory_space<semaphore_mem>>) src(%dma_wait3A_40 : memref<160xi32, #tpu.memory_space<hbm>>) dst(%arg13 : memref<160xi32, #tpu.memory_space<vmem>>)
        tpu.yield
      }) : () -> ()
      %dma_start3A = arith.constant 0 : i32
      %dma_start3A_15 = arith.constant 0 : i32
      %dma_start3A_16 = tpu.memref_slice %arg6[%dma_start3A, %dma_start3A_15] : memref<10000x128xf32, #tpu.memory_space<hbm>> -> memref<10000x128xf32, #tpu.memory_space<hbm>>
      tpu.enqueue_indirect_dma source(%dma_start3A_16 : memref<10000x128xf32, #tpu.memory_space<hbm>>) target(%arg15 : memref<160x128xf32, #tpu.memory_space<vmem>>) offsets(%arg11 : memref<160xi32, #tpu.memory_space<vmem>>) semaphore(%arg18 : memref<!tpu.dma_semaphore, #tpu.memory_space<semaphore_mem>>)
      %scan3A = arith.constant 0 : i32
      %scan3A_17 = arith.constant 125 : i32
      %scan3A_18 = arith.addi %scan3A, %scan3A_17 : i32
      %scan3A_19 = arith.constant 1 : i32
      scf.for %scan3A_30 = %scan3A to %scan3A_18 step %scan3A_19  : i32 {
        %mul3A_31 = arith.constant 1 : i32
        %mul3A_32 = arith.muli %scan3A_30, %mul3A_31 : i32
        %add3A = arith.constant 0 : i32
        %add3A_33 = arith.addi %add3A, %mul3A_32 : i32
        %rem3A = arith.constant 2 : i32
        %rem3A_34 = arith.remsi %add3A_33, %rem3A : i32
        %eq3A_35 = arith.constant 0 : i32
        %eq3A_36 = arith.cmpi eq, %rem3A_34, %eq3A_35 : i32
        %convert_element_type3A_37 = arith.extui %eq3A_36 : i1 to i32
        %cond3A_38 = arith.constant 0 : i32
        %cond3A_39 = arith.cmpi ne, %convert_element_type3A_37, %cond3A_38 : i32
        scf.if %cond3A_39 {
          %add3A_45 = arith.constant 1 : i32
          %add3A_46 = arith.addi %add3A_33, %add3A_45 : i32
          %lt3A = arith.constant 125 : i32
          %lt3A_47 = arith.cmpi slt, %add3A_46, %lt3A : i32
          %convert_element_type3A_48 = arith.extui %lt3A_47 : i1 to i32
          %cond3A_49 = arith.constant 0 : i32
          %cond3A_50 = arith.cmpi ne, %convert_element_type3A_48, %cond3A_49 : i32
          scf.if %cond3A_50 {
            %add3A_60 = arith.addi %mul3A_14, %add3A_33 : i32
            %add3A_61 = arith.constant 1 : i32
            %add3A_62 = arith.addi %add3A_60, %add3A_61 : i32
            %dma_start3A_63 = arith.constant 0 : i32
            %dma_start3A_64 = tpu.memref_slice %arg2[%add3A_62, %dma_start3A_63] : memref<2000x160xi32, #tpu.memory_space<hbm>> -> memref<1x160xi32, #tpu.memory_space<hbm>>
            %dma_start3A_65 = tpu.memref_squeeze %dma_start3A_64 : memref<1x160xi32, #tpu.memory_space<hbm>> -> memref<160xi32, #tpu.memory_space<hbm>>
            %dma_start3A_66 = arith.constant 0 : i32
            %dma_start3A_67 = tpu.memref_slice %arg2[%add3A_62, %dma_start3A_66] : memref<2000x160xi32, #tpu.memory_space<hbm>> -> memref<1x160xi32, #tpu.memory_space<hbm>>
            %dma_start3A_68 = tpu.memref_squeeze %dma_start3A_67 : memref<1x160xi32, #tpu.memory_space<hbm>> -> memref<160xi32, #tpu.memory_space<hbm>>
            tpu.enqueue_dma source(%dma_start3A_68 : memref<160xi32, #tpu.memory_space<hbm>>) target(%arg12 : memref<160xi32, #tpu.memory_space<vmem>>) target_semaphore(%arg19 : memref<!tpu.dma_semaphore, #tpu.memory_space<semaphore_mem>>)
            %add3A_69 = arith.addi %mul3A_14, %add3A_33 : i32
            %add3A_70 = arith.constant 1 : i32
            %add3A_71 = arith.addi %add3A_69, %add3A_70 : i32
            %dma_start3A_72 = arith.constant 0 : i32
            %dma_start3A_73 = tpu.memref_slice %arg3[%add3A_71, %dma_start3A_72] : memref<2000x160xi32, #tpu.memory_space<hbm>> -> memref<1x160xi32, #tpu.memory_space<hbm>>
            %dma_start3A_74 = tpu.memref_squeeze %dma_start3A_73 : memref<1x160xi32, #tpu.memory_space<hbm>> -> memref<160xi32, #tpu.memory_space<hbm>>
            %dma_start3A_75 = arith.constant 0 : i32
            %dma_start3A_76 = tpu.memref_slice %arg3[%add3A_71, %dma_start3A_75] : memref<2000x160xi32, #tpu.memory_space<hbm>> -> memref<1x160xi32, #tpu.memory_space<hbm>>
            %dma_start3A_77 = tpu.memref_squeeze %dma_start3A_76 : memref<1x160xi32, #tpu.memory_space<hbm>> -> memref<160xi32, #tpu.memory_space<hbm>>
            tpu.enqueue_dma source(%dma_start3A_77 : memref<160xi32, #tpu.memory_space<hbm>>) target(%arg14 : memref<160xi32, #tpu.memory_space<vmem>>) target_semaphore(%arg19 : memref<!tpu.dma_semaphore, #tpu.memory_space<semaphore_mem>>)
          } else {
          }
          %dma_wait3A = arith.constant 0 : i32
          %dma_wait3A_51 = arith.constant 0 : i32
          %dma_wait3A_52 = tpu.memref_slice %arg6[%dma_wait3A, %dma_wait3A_51] : memref<10000x128xf32, #tpu.memory_space<hbm>> -> memref<10000x128xf32, #tpu.memory_space<hbm>>
          tpu.wait_indirect_dma semaphore(%arg18 : memref<!tpu.dma_semaphore, #tpu.memory_space<semaphore_mem>>) src(%dma_wait3A_52 : memref<10000x128xf32, #tpu.memory_space<hbm>>) dst(%arg15 : memref<160x128xf32, #tpu.memory_space<vmem>>)
          %add3A_53 = arith.constant 1 : i32
          %add3A_54 = arith.addi %add3A_33, %add3A_53 : i32
          %lt3A_55 = arith.constant 125 : i32
          %lt3A_56 = arith.cmpi slt, %add3A_54, %lt3A_55 : i32
          %convert_element_type3A_57 = arith.extui %lt3A_56 : i1 to i32
          %cond3A_58 = arith.constant 0 : i32
          %cond3A_59 = arith.cmpi ne, %convert_element_type3A_57, %cond3A_58 : i32
          scf.if %cond3A_59 {
            %add3A_60 = arith.addi %mul3A_14, %add3A_33 : i32
            %add3A_61 = arith.constant 1 : i32
            %add3A_62 = arith.addi %add3A_60, %add3A_61 : i32
            %dma_wait3A_63 = arith.constant 0 : i32
            %dma_wait3A_64 = tpu.memref_slice %arg2[%add3A_62, %dma_wait3A_63] : memref<2000x160xi32, #tpu.memory_space<hbm>> -> memref<1x160xi32, #tpu.memory_space<hbm>>
            %dma_wait3A_65 = tpu.memref_squeeze %dma_wait3A_64 : memref<1x160xi32, #tpu.memory_space<hbm>> -> memref<160xi32, #tpu.memory_space<hbm>>
            %dma_wait3A_66 = arith.constant 0 : i32
            %dma_wait3A_67 = tpu.memref_slice %arg2[%add3A_62, %dma_wait3A_66] : memref<2000x160xi32, #tpu.memory_space<hbm>> -> memref<1x160xi32, #tpu.memory_space<hbm>>
            %dma_wait3A_68 = tpu.memref_squeeze %dma_wait3A_67 : memref<1x160xi32, #tpu.memory_space<hbm>> -> memref<160xi32, #tpu.memory_space<hbm>>
            tpu.wait_dma2 semaphore(%arg19 : memref<!tpu.dma_semaphore, #tpu.memory_space<semaphore_mem>>) src(%dma_wait3A_68 : memref<160xi32, #tpu.memory_space<hbm>>) dst(%arg12 : memref<160xi32, #tpu.memory_space<vmem>>)
            %add3A_69 = arith.addi %mul3A_14, %add3A_33 : i32
            %add3A_70 = arith.constant 1 : i32
            %add3A_71 = arith.addi %add3A_69, %add3A_70 : i32
            %dma_wait3A_72 = arith.constant 0 : i32
            %dma_wait3A_73 = tpu.memref_slice %arg3[%add3A_71, %dma_wait3A_72] : memref<2000x160xi32, #tpu.memory_space<hbm>> -> memref<1x160xi32, #tpu.memory_space<hbm>>
            %dma_wait3A_74 = tpu.memref_squeeze %dma_wait3A_73 : memref<1x160xi32, #tpu.memory_space<hbm>> -> memref<160xi32, #tpu.memory_space<hbm>>
            %dma_wait3A_75 = arith.constant 0 : i32
            %dma_wait3A_76 = tpu.memref_slice %arg3[%add3A_71, %dma_wait3A_75] : memref<2000x160xi32, #tpu.memory_space<hbm>> -> memref<1x160xi32, #tpu.memory_space<hbm>>
            %dma_wait3A_77 = tpu.memref_squeeze %dma_wait3A_76 : memref<1x160xi32, #tpu.memory_space<hbm>> -> memref<160xi32, #tpu.memory_space<hbm>>
            tpu.wait_dma2 semaphore(%arg19 : memref<!tpu.dma_semaphore, #tpu.memory_space<semaphore_mem>>) src(%dma_wait3A_77 : memref<160xi32, #tpu.memory_space<hbm>>) dst(%arg14 : memref<160xi32, #tpu.memory_space<vmem>>)
            %dma_start3A_78 = arith.constant 0 : i32
            %dma_start3A_79 = arith.constant 0 : i32
            %dma_start3A_80 = tpu.memref_slice %arg6[%dma_start3A_78, %dma_start3A_79] : memref<10000x128xf32, #tpu.memory_space<hbm>> -> memref<10000x128xf32, #tpu.memory_space<hbm>>
            tpu.enqueue_indirect_dma source(%dma_start3A_80 : memref<10000x128xf32, #tpu.memory_space<hbm>>) target(%arg16 : memref<160x128xf32, #tpu.memory_space<vmem>>) offsets(%arg12 : memref<160xi32, #tpu.memory_space<vmem>>) semaphore(%arg18 : memref<!tpu.dma_semaphore, #tpu.memory_space<semaphore_mem>>)
          } else {
          }
          "tpu.region"() ({
            %run_scoped3A = tpu.sem_alloc : memref<!tpu.dma_semaphore, #tpu.memory_space<semaphore_mem>>
            %dma_start3A_60 = arith.constant 0 : i32
            %dma_start3A_61 = arith.constant 0 : i32
            %dma_start3A_62 = tpu.memref_slice %arg17[%dma_start3A_60, %dma_start3A_61] : memref<10000x128xf32, #tpu.memory_space<vmem_shared>> -> memref<10000x128xf32, #tpu.memory_space<vmem_shared>>
            tpu.enqueue_indirect_dma source(%arg15 : memref<160x128xf32, #tpu.memory_space<vmem>>) target(%dma_start3A_62 : memref<10000x128xf32, #tpu.memory_space<vmem_shared>>) offsets(%arg13 : memref<160xi32, #tpu.memory_space<vmem>>) semaphore(%run_scoped3A : memref<!tpu.dma_semaphore, #tpu.memory_space<semaphore_mem>>) {add = true}
            %dma_wait3A_63 = arith.constant 0 : i32
            %dma_wait3A_64 = arith.constant 0 : i32
            %dma_wait3A_65 = tpu.memref_slice %arg17[%dma_wait3A_63, %dma_wait3A_64] : memref<10000x128xf32, #tpu.memory_space<vmem_shared>> -> memref<10000x128xf32, #tpu.memory_space<vmem_shared>>
            tpu.wait_indirect_dma semaphore(%run_scoped3A : memref<!tpu.dma_semaphore, #tpu.memory_space<semaphore_mem>>) src(%arg15 : memref<160x128xf32, #tpu.memory_space<vmem>>) dst(%dma_wait3A_65 : memref<10000x128xf32, #tpu.memory_space<vmem_shared>>)
            tpu.yield
          }) : () -> ()
        } else {
        }
        %eq3A_40 = arith.constant 1 : i32
        %eq3A_41 = arith.cmpi eq, %rem3A_34, %eq3A_40 : i32
        %convert_element_type3A_42 = arith.extui %eq3A_41 : i1 to i32
        %cond3A_43 = arith.constant 0 : i32
        %cond3A_44 = arith.cmpi ne, %convert_element_type3A_42, %cond3A_43 : i32
        scf.if %cond3A_44 {
          %add3A_45 = arith.constant 1 : i32
          %add3A_46 = arith.addi %add3A_33, %add3A_45 : i32
          %lt3A = arith.constant 125 : i32
          %lt3A_47 = arith.cmpi slt, %add3A_46, %lt3A : i32
          %convert_element_type3A_48 = arith.extui %lt3A_47 : i1 to i32
          %cond3A_49 = arith.constant 0 : i32
          %cond3A_50 = arith.cmpi ne, %convert_element_type3A_48, %cond3A_49 : i32
          scf.if %cond3A_50 {
            %add3A_60 = arith.addi %mul3A_14, %add3A_33 : i32
            %add3A_61 = arith.constant 1 : i32
            %add3A_62 = arith.addi %add3A_60, %add3A_61 : i32
            %dma_start3A_63 = arith.constant 0 : i32
            %dma_start3A_64 = tpu.memref_slice %arg2[%add3A_62, %dma_start3A_63] : memref<2000x160xi32, #tpu.memory_space<hbm>> -> memref<1x160xi32, #tpu.memory_space<hbm>>
            %dma_start3A_65 = tpu.memref_squeeze %dma_start3A_64 : memref<1x160xi32, #tpu.memory_space<hbm>> -> memref<160xi32, #tpu.memory_space<hbm>>
            %dma_start3A_66 = arith.constant 0 : i32
            %dma_start3A_67 = tpu.memref_slice %arg2[%add3A_62, %dma_start3A_66] : memref<2000x160xi32, #tpu.memory_space<hbm>> -> memref<1x160xi32, #tpu.memory_space<hbm>>
            %dma_start3A_68 = tpu.memref_squeeze %dma_start3A_67 : memref<1x160xi32, #tpu.memory_space<hbm>> -> memref<160xi32, #tpu.memory_space<hbm>>
            tpu.enqueue_dma source(%dma_start3A_68 : memref<160xi32, #tpu.memory_space<hbm>>) target(%arg11 : memref<160xi32, #tpu.memory_space<vmem>>) target_semaphore(%arg19 : memref<!tpu.dma_semaphore, #tpu.memory_space<semaphore_mem>>)
            %add3A_69 = arith.addi %mul3A_14, %add3A_33 : i32
            %add3A_70 = arith.constant 1 : i32
            %add3A_71 = arith.addi %add3A_69, %add3A_70 : i32
            %dma_start3A_72 = arith.constant 0 : i32
            %dma_start3A_73 = tpu.memref_slice %arg3[%add3A_71, %dma_start3A_72] : memref<2000x160xi32, #tpu.memory_space<hbm>> -> memref<1x160xi32, #tpu.memory_space<hbm>>
            %dma_start3A_74 = tpu.memref_squeeze %dma_start3A_73 : memref<1x160xi32, #tpu.memory_space<hbm>> -> memref<160xi32, #tpu.memory_space<hbm>>
            %dma_start3A_75 = arith.constant 0 : i32
            %dma_start3A_76 = tpu.memref_slice %arg3[%add3A_71, %dma_start3A_75] : memref<2000x160xi32, #tpu.memory_space<hbm>> -> memref<1x160xi32, #tpu.memory_space<hbm>>
            %dma_start3A_77 = tpu.memref_squeeze %dma_start3A_76 : memref<1x160xi32, #tpu.memory_space<hbm>> -> memref<160xi32, #tpu.memory_space<hbm>>
            tpu.enqueue_dma source(%dma_start3A_77 : memref<160xi32, #tpu.memory_space<hbm>>) target(%arg13 : memref<160xi32, #tpu.memory_space<vmem>>) target_semaphore(%arg19 : memref<!tpu.dma_semaphore, #tpu.memory_space<semaphore_mem>>)
          } else {
          }
          %dma_wait3A = arith.constant 0 : i32
          %dma_wait3A_51 = arith.constant 0 : i32
          %dma_wait3A_52 = tpu.memref_slice %arg6[%dma_wait3A, %dma_wait3A_51] : memref<10000x128xf32, #tpu.memory_space<hbm>> -> memref<10000x128xf32, #tpu.memory_space<hbm>>
          tpu.wait_indirect_dma semaphore(%arg18 : memref<!tpu.dma_semaphore, #tpu.memory_space<semaphore_mem>>) src(%dma_wait3A_52 : memref<10000x128xf32, #tpu.memory_space<hbm>>) dst(%arg16 : memref<160x128xf32, #tpu.memory_space<vmem>>)
          %add3A_53 = arith.constant 1 : i32
          %add3A_54 = arith.addi %add3A_33, %add3A_53 : i32
          %lt3A_55 = arith.constant 125 : i32
          %lt3A_56 = arith.cmpi slt, %add3A_54, %lt3A_55 : i32
          %convert_element_type3A_57 = arith.extui %lt3A_56 : i1 to i32
          %cond3A_58 = arith.constant 0 : i32
          %cond3A_59 = arith.cmpi ne, %convert_element_type3A_57, %cond3A_58 : i32
          scf.if %cond3A_59 {
            %add3A_60 = arith.addi %mul3A_14, %add3A_33 : i32
            %add3A_61 = arith.constant 1 : i32
            %add3A_62 = arith.addi %add3A_60, %add3A_61 : i32
            %dma_wait3A_63 = arith.constant 0 : i32
            %dma_wait3A_64 = tpu.memref_slice %arg2[%add3A_62, %dma_wait3A_63] : memref<2000x160xi32, #tpu.memory_space<hbm>> -> memref<1x160xi32, #tpu.memory_space<hbm>>
            %dma_wait3A_65 = tpu.memref_squeeze %dma_wait3A_64 : memref<1x160xi32, #tpu.memory_space<hbm>> -> memref<160xi32, #tpu.memory_space<hbm>>
            %dma_wait3A_66 = arith.constant 0 : i32
            %dma_wait3A_67 = tpu.memref_slice %arg2[%add3A_62, %dma_wait3A_66] : memref<2000x160xi32, #tpu.memory_space<hbm>> -> memref<1x160xi32, #tpu.memory_space<hbm>>
            %dma_wait3A_68 = tpu.memref_squeeze %dma_wait3A_67 : memref<1x160xi32, #tpu.memory_space<hbm>> -> memref<160xi32, #tpu.memory_space<hbm>>
            tpu.wait_dma2 semaphore(%arg19 : memref<!tpu.dma_semaphore, #tpu.memory_space<semaphore_mem>>) src(%dma_wait3A_68 : memref<160xi32, #tpu.memory_space<hbm>>) dst(%arg11 : memref<160xi32, #tpu.memory_space<vmem>>)
            %add3A_69 = arith.addi %mul3A_14, %add3A_33 : i32
            %add3A_70 = arith.constant 1 : i32
            %add3A_71 = arith.addi %add3A_69, %add3A_70 : i32
            %dma_wait3A_72 = arith.constant 0 : i32
            %dma_wait3A_73 = tpu.memref_slice %arg3[%add3A_71, %dma_wait3A_72] : memref<2000x160xi32, #tpu.memory_space<hbm>> -> memref<1x160xi32, #tpu.memory_space<hbm>>
            %dma_wait3A_74 = tpu.memref_squeeze %dma_wait3A_73 : memref<1x160xi32, #tpu.memory_space<hbm>> -> memref<160xi32, #tpu.memory_space<hbm>>
            %dma_wait3A_75 = arith.constant 0 : i32
            %dma_wait3A_76 = tpu.memref_slice %arg3[%add3A_71, %dma_wait3A_75] : memref<2000x160xi32, #tpu.memory_space<hbm>> -> memref<1x160xi32, #tpu.memory_space<hbm>>
            %dma_wait3A_77 = tpu.memref_squeeze %dma_wait3A_76 : memref<1x160xi32, #tpu.memory_space<hbm>> -> memref<160xi32, #tpu.memory_space<hbm>>
            tpu.wait_dma2 semaphore(%arg19 : memref<!tpu.dma_semaphore, #tpu.memory_space<semaphore_mem>>) src(%dma_wait3A_77 : memref<160xi32, #tpu.memory_space<hbm>>) dst(%arg13 : memref<160xi32, #tpu.memory_space<vmem>>)
            %dma_start3A_78 = arith.constant 0 : i32
            %dma_start3A_79 = arith.constant 0 : i32
            %dma_start3A_80 = tpu.memref_slice %arg6[%dma_start3A_78, %dma_start3A_79] : memref<10000x128xf32, #tpu.memory_space<hbm>> -> memref<10000x128xf32, #tpu.memory_space<hbm>>
            tpu.enqueue_indirect_dma source(%dma_start3A_80 : memref<10000x128xf32, #tpu.memory_space<hbm>>) target(%arg15 : memref<160x128xf32, #tpu.memory_space<vmem>>) offsets(%arg11 : memref<160xi32, #tpu.memory_space<vmem>>) semaphore(%arg18 : memref<!tpu.dma_semaphore, #tpu.memory_space<semaphore_mem>>)
          } else {
          }
          "tpu.region"() ({
            %run_scoped3A = tpu.sem_alloc : memref<!tpu.dma_semaphore, #tpu.memory_space<semaphore_mem>>
            %dma_start3A_60 = arith.constant 0 : i32
            %dma_start3A_61 = arith.constant 0 : i32
            %dma_start3A_62 = tpu.memref_slice %arg17[%dma_start3A_60, %dma_start3A_61] : memref<10000x128xf32, #tpu.memory_space<vmem_shared>> -> memref<10000x128xf32, #tpu.memory_space<vmem_shared>>
            tpu.enqueue_indirect_dma source(%arg16 : memref<160x128xf32, #tpu.memory_space<vmem>>) target(%dma_start3A_62 : memref<10000x128xf32, #tpu.memory_space<vmem_shared>>) offsets(%arg14 : memref<160xi32, #tpu.memory_space<vmem>>) semaphore(%run_scoped3A : memref<!tpu.dma_semaphore, #tpu.memory_space<semaphore_mem>>) {add = true}
            %dma_wait3A_63 = arith.constant 0 : i32
            %dma_wait3A_64 = arith.constant 0 : i32
            %dma_wait3A_65 = tpu.memref_slice %arg17[%dma_wait3A_63, %dma_wait3A_64] : memref<10000x128xf32, #tpu.memory_space<vmem_shared>> -> memref<10000x128xf32, #tpu.memory_space<vmem_shared>>
            tpu.wait_indirect_dma semaphore(%run_scoped3A : memref<!tpu.dma_semaphore, #tpu.memory_space<semaphore_mem>>) src(%arg16 : memref<160x128xf32, #tpu.memory_space<vmem>>) dst(%dma_wait3A_65 : memref<10000x128xf32, #tpu.memory_space<vmem_shared>>)
            tpu.yield
          }) : () -> ()
        } else {
        }
      }
      %scan3A_20 = arith.constant 125 : i32
      %barrier3A_21 = arith.constant 0 : index
      tpu.barrier barrier_id(%barrier3A_21)
      %mul3A_22 = arith.constant 624 : i32
      %mul3A_23 = arith.muli %arg1, %mul3A_22 : i32
      %multiple_of3A_24 = tpu.assume_multiple %mul3A_23, 8 : i32
      "tpu.region"() ({
        %run_scoped3A = tpu.sem_alloc : memref<!tpu.dma_semaphore, #tpu.memory_space<semaphore_mem>>
        %dma_start3A_30 = arith.constant 0 : i32
        %dma_start3A_31 = tpu.memref_slice %arg9[%multiple_of3A_24, %dma_start3A_30] : memref<10000x128xf32, #tpu.memory_space<hbm>> -> memref<624x128xf32, #tpu.memory_space<hbm>>
        %dma_start3A_32 = arith.constant 0 : i32
        %dma_start3A_33 = tpu.memref_slice %arg17[%multiple_of3A_24, %dma_start3A_32] : memref<10000x128xf32, #tpu.memory_space<vmem_shared>> -> memref<624x128xf32, #tpu.memory_space<vmem_shared>>
        tpu.enqueue_dma source(%dma_start3A_33 : memref<624x128xf32, #tpu.memory_space<vmem_shared>>) target(%dma_start3A_31 : memref<624x128xf32, #tpu.memory_space<hbm>>) target_semaphore(%run_scoped3A : memref<!tpu.dma_semaphore, #tpu.memory_space<semaphore_mem>>)
        %dma_wait3A = arith.constant 0 : i32
        %dma_wait3A_34 = tpu.memref_slice %arg9[%multiple_of3A_24, %dma_wait3A] : memref<10000x128xf32, #tpu.memory_space<hbm>> -> memref<624x128xf32, #tpu.memory_space<hbm>>
        %dma_wait3A_35 = arith.constant 0 : i32
        %dma_wait3A_36 = tpu.memref_slice %arg17[%multiple_of3A_24, %dma_wait3A_35] : memref<10000x128xf32, #tpu.memory_space<vmem_shared>> -> memref<624x128xf32, #tpu.memory_space<vmem_shared>>
        tpu.wait_dma2 semaphore(%run_scoped3A : memref<!tpu.dma_semaphore, #tpu.memory_space<semaphore_mem>>) src(%dma_wait3A_36 : memref<624x128xf32, #tpu.memory_space<vmem_shared>>) dst(%dma_wait3A_34 : memref<624x128xf32, #tpu.memory_space<hbm>>)
        tpu.yield
      }) : () -> ()
      %eq3A_25 = arith.constant 15 : i32
      %eq3A_26 = arith.cmpi eq, %arg1, %eq3A_25 : i32
      %convert_element_type3A_27 = arith.extui %eq3A_26 : i1 to i32
      %cond3A_28 = arith.constant 0 : i32
      %cond3A_29 = arith.cmpi ne, %convert_element_type3A_27, %cond3A_28 : i32
      scf.if %cond3A_29 {
        "tpu.region"() ({
          %run_scoped3A = tpu.sem_alloc : memref<!tpu.dma_semaphore, #tpu.memory_space<semaphore_mem>>
          %dma_start3A_30 = arith.constant 9984 : i32
          %dma_start3A_31 = arith.constant 0 : i32
          %dma_start3A_32 = tpu.memref_slice %arg9[%dma_start3A_30, %dma_start3A_31] : memref<10000x128xf32, #tpu.memory_space<hbm>> -> memref<16x128xf32, #tpu.memory_space<hbm>>
          %dma_start3A_33 = arith.constant 9984 : i32
          %dma_start3A_34 = arith.constant 0 : i32
          %dma_start3A_35 = tpu.memref_slice %arg17[%dma_start3A_33, %dma_start3A_34] : memref<10000x128xf32, #tpu.memory_space<vmem_shared>> -> memref<16x128xf32, #tpu.memory_space<vmem_shared>>
          tpu.enqueue_dma source(%dma_start3A_35 : memref<16x128xf32, #tpu.memory_space<vmem_shared>>) target(%dma_start3A_32 : memref<16x128xf32, #tpu.memory_space<hbm>>) target_semaphore(%run_scoped3A : memref<!tpu.dma_semaphore, #tpu.memory_space<semaphore_mem>>)
          %dma_wait3A = arith.constant 9984 : i32
          %dma_wait3A_36 = arith.constant 0 : i32
          %dma_wait3A_37 = tpu.memref_slice %arg9[%dma_wait3A, %dma_wait3A_36] : memref<10000x128xf32, #tpu.memory_space<hbm>> -> memref<16x128xf32, #tpu.memory_space<hbm>>
          %dma_wait3A_38 = arith.constant 9984 : i32
          %dma_wait3A_39 = arith.constant 0 : i32
          %dma_wait3A_40 = tpu.memref_slice %arg17[%dma_wait3A_38, %dma_wait3A_39] : memref<10000x128xf32, #tpu.memory_space<vmem_shared>> -> memref<16x128xf32, #tpu.memory_space<vmem_shared>>
          tpu.wait_dma2 semaphore(%run_scoped3A : memref<!tpu.dma_semaphore, #tpu.memory_space<semaphore_mem>>) src(%dma_wait3A_40 : memref<16x128xf32, #tpu.memory_space<vmem_shared>>) dst(%dma_wait3A_37 : memref<16x128xf32, #tpu.memory_space<hbm>>)
          tpu.yield
        }) : () -> ()
      } else {
      }
    } else {
    }
    %eq3A_2 = arith.constant 1 : i32
    %eq3A_3 = arith.cmpi eq, %arg0, %eq3A_2 : i32
    %convert_element_type3A_4 = arith.extui %eq3A_3 : i1 to i32
    %cond3A_5 = arith.constant 0 : i32
    %cond3A_6 = arith.cmpi ne, %convert_element_type3A_4, %cond3A_5 : i32
    scf.if %cond3A_6 {
      %mul3A = arith.constant 624 : i32
      %mul3A_7 = arith.muli %arg1, %mul3A : i32
      %multiple_of3A = tpu.assume_multiple %mul3A_7, 8 : i32
      "tpu.region"() ({
        %run_scoped3A = tpu.sem_alloc : memref<!tpu.dma_semaphore, #tpu.memory_space<semaphore_mem>>
        %dma_start3A_30 = arith.constant 0 : i32
        %dma_start3A_31 = tpu.memref_slice %arg17[%multiple_of3A, %dma_start3A_30] : memref<10000x128xf32, #tpu.memory_space<vmem_shared>> -> memref<624x128xf32, #tpu.memory_space<vmem_shared>>
        %dma_start3A_32 = arith.constant 0 : i32
        %dma_start3A_33 = tpu.memref_slice %arg8[%multiple_of3A, %dma_start3A_32] : memref<10000x128xf32, #tpu.memory_space<hbm>> -> memref<624x128xf32, #tpu.memory_space<hbm>>
        tpu.enqueue_dma source(%dma_start3A_33 : memref<624x128xf32, #tpu.memory_space<hbm>>) target(%dma_start3A_31 : memref<624x128xf32, #tpu.memory_space<vmem_shared>>) target_semaphore(%run_scoped3A : memref<!tpu.dma_semaphore, #tpu.memory_space<semaphore_mem>>)
        %dma_wait3A = arith.constant 0 : i32
        %dma_wait3A_34 = tpu.memref_slice %arg17[%multiple_of3A, %dma_wait3A] : memref<10000x128xf32, #tpu.memory_space<vmem_shared>> -> memref<624x128xf32, #tpu.memory_space<vmem_shared>>
        %dma_wait3A_35 = arith.constant 0 : i32
        %dma_wait3A_36 = tpu.memref_slice %arg8[%multiple_of3A, %dma_wait3A_35] : memref<10000x128xf32, #tpu.memory_space<hbm>> -> memref<624x128xf32, #tpu.memory_space<hbm>>
        tpu.wait_dma2 semaphore(%run_scoped3A : memref<!tpu.dma_semaphore, #tpu.memory_space<semaphore_mem>>) src(%dma_wait3A_36 : memref<624x128xf32, #tpu.memory_space<hbm>>) dst(%dma_wait3A_34 : memref<624x128xf32, #tpu.memory_space<vmem_shared>>)
        tpu.yield
      }) : () -> ()
      %eq3A_8 = arith.constant 15 : i32
      %eq3A_9 = arith.cmpi eq, %arg1, %eq3A_8 : i32
      %convert_element_type3A_10 = arith.extui %eq3A_9 : i1 to i32
      %cond3A_11 = arith.constant 0 : i32
      %cond3A_12 = arith.cmpi ne, %convert_element_type3A_10, %cond3A_11 : i32
      scf.if %cond3A_12 {
        "tpu.region"() ({
          %run_scoped3A = tpu.sem_alloc : memref<!tpu.dma_semaphore, #tpu.memory_space<semaphore_mem>>
          %dma_start3A_30 = arith.constant 9984 : i32
          %dma_start3A_31 = arith.constant 0 : i32
          %dma_start3A_32 = tpu.memref_slice %arg17[%dma_start3A_30, %dma_start3A_31] : memref<10000x128xf32, #tpu.memory_space<vmem_shared>> -> memref<16x128xf32, #tpu.memory_space<vmem_shared>>
          %dma_start3A_33 = arith.constant 9984 : i32
          %dma_start3A_34 = arith.constant 0 : i32
          %dma_start3A_35 = tpu.memref_slice %arg8[%dma_start3A_33, %dma_start3A_34] : memref<10000x128xf32, #tpu.memory_space<hbm>> -> memref<16x128xf32, #tpu.memory_space<hbm>>
          tpu.enqueue_dma source(%dma_start3A_35 : memref<16x128xf32, #tpu.memory_space<hbm>>) target(%dma_start3A_32 : memref<16x128xf32, #tpu.memory_space<vmem_shared>>) target_semaphore(%run_scoped3A : memref<!tpu.dma_semaphore, #tpu.memory_space<semaphore_mem>>)
          %dma_wait3A = arith.constant 9984 : i32
          %dma_wait3A_36 = arith.constant 0 : i32
          %dma_wait3A_37 = tpu.memref_slice %arg17[%dma_wait3A, %dma_wait3A_36] : memref<10000x128xf32, #tpu.memory_space<vmem_shared>> -> memref<16x128xf32, #tpu.memory_space<vmem_shared>>
          %dma_wait3A_38 = arith.constant 9984 : i32
          %dma_wait3A_39 = arith.constant 0 : i32
          %dma_wait3A_40 = tpu.memref_slice %arg8[%dma_wait3A_38, %dma_wait3A_39] : memref<10000x128xf32, #tpu.memory_space<hbm>> -> memref<16x128xf32, #tpu.memory_space<hbm>>
          tpu.wait_dma2 semaphore(%run_scoped3A : memref<!tpu.dma_semaphore, #tpu.memory_space<semaphore_mem>>) src(%dma_wait3A_40 : memref<16x128xf32, #tpu.memory_space<hbm>>) dst(%dma_wait3A_37 : memref<16x128xf32, #tpu.memory_space<vmem_shared>>)
          tpu.yield
        }) : () -> ()
      } else {
      }
      %barrier3A = arith.constant 0 : index
      tpu.barrier barrier_id(%barrier3A)
      %mul3A_13 = arith.constant 125 : i32
      %mul3A_14 = arith.muli %arg1, %mul3A_13 : i32
      "tpu.region"() ({
        %run_scoped3A = tpu.sem_alloc : memref<!tpu.dma_semaphore, #tpu.memory_space<semaphore_mem>>
        %dma_start3A_30 = arith.constant 0 : i32
        %dma_start3A_31 = tpu.memref_slice %arg4[%mul3A_14, %dma_start3A_30] : memref<2000x160xi32, #tpu.memory_space<hbm>> -> memref<1x160xi32, #tpu.memory_space<hbm>>
        %dma_start3A_32 = tpu.memref_squeeze %dma_start3A_31 : memref<1x160xi32, #tpu.memory_space<hbm>> -> memref<160xi32, #tpu.memory_space<hbm>>
        %dma_start3A_33 = arith.constant 0 : i32
        %dma_start3A_34 = tpu.memref_slice %arg4[%mul3A_14, %dma_start3A_33] : memref<2000x160xi32, #tpu.memory_space<hbm>> -> memref<1x160xi32, #tpu.memory_space<hbm>>
        %dma_start3A_35 = tpu.memref_squeeze %dma_start3A_34 : memref<1x160xi32, #tpu.memory_space<hbm>> -> memref<160xi32, #tpu.memory_space<hbm>>
        tpu.enqueue_dma source(%dma_start3A_35 : memref<160xi32, #tpu.memory_space<hbm>>) target(%arg11 : memref<160xi32, #tpu.memory_space<vmem>>) target_semaphore(%run_scoped3A : memref<!tpu.dma_semaphore, #tpu.memory_space<semaphore_mem>>)
        %dma_wait3A = arith.constant 0 : i32
        %dma_wait3A_36 = tpu.memref_slice %arg4[%mul3A_14, %dma_wait3A] : memref<2000x160xi32, #tpu.memory_space<hbm>> -> memref<1x160xi32, #tpu.memory_space<hbm>>
        %dma_wait3A_37 = tpu.memref_squeeze %dma_wait3A_36 : memref<1x160xi32, #tpu.memory_space<hbm>> -> memref<160xi32, #tpu.memory_space<hbm>>
        %dma_wait3A_38 = arith.constant 0 : i32
        %dma_wait3A_39 = tpu.memref_slice %arg4[%mul3A_14, %dma_wait3A_38] : memref<2000x160xi32, #tpu.memory_space<hbm>> -> memref<1x160xi32, #tpu.memory_space<hbm>>
        %dma_wait3A_40 = tpu.memref_squeeze %dma_wait3A_39 : memref<1x160xi32, #tpu.memory_space<hbm>> -> memref<160xi32, #tpu.memory_space<hbm>>
        tpu.wait_dma2 semaphore(%run_scoped3A : memref<!tpu.dma_semaphore, #tpu.memory_space<semaphore_mem>>) src(%dma_wait3A_40 : memref<160xi32, #tpu.memory_space<hbm>>) dst(%arg11 : memref<160xi32, #tpu.memory_space<vmem>>)
        tpu.yield
      }) : () -> ()
      "tpu.region"() ({
        %run_scoped3A = tpu.sem_alloc : memref<!tpu.dma_semaphore, #tpu.memory_space<semaphore_mem>>
        %dma_start3A_30 = arith.constant 0 : i32
        %dma_start3A_31 = tpu.memref_slice %arg5[%mul3A_14, %dma_start3A_30] : memref<2000x160xi32, #tpu.memory_space<hbm>> -> memref<1x160xi32, #tpu.memory_space<hbm>>
        %dma_start3A_32 = tpu.memref_squeeze %dma_start3A_31 : memref<1x160xi32, #tpu.memory_space<hbm>> -> memref<160xi32, #tpu.memory_space<hbm>>
        %dma_start3A_33 = arith.constant 0 : i32
        %dma_start3A_34 = tpu.memref_slice %arg5[%mul3A_14, %dma_start3A_33] : memref<2000x160xi32, #tpu.memory_space<hbm>> -> memref<1x160xi32, #tpu.memory_space<hbm>>
        %dma_start3A_35 = tpu.memref_squeeze %dma_start3A_34 : memref<1x160xi32, #tpu.memory_space<hbm>> -> memref<160xi32, #tpu.memory_space<hbm>>
        tpu.enqueue_dma source(%dma_start3A_35 : memref<160xi32, #tpu.memory_space<hbm>>) target(%arg13 : memref<160xi32, #tpu.memory_space<vmem>>) target_semaphore(%run_scoped3A : memref<!tpu.dma_semaphore, #tpu.memory_space<semaphore_mem>>)
        %dma_wait3A = arith.constant 0 : i32
        %dma_wait3A_36 = tpu.memref_slice %arg5[%mul3A_14, %dma_wait3A] : memref<2000x160xi32, #tpu.memory_space<hbm>> -> memref<1x160xi32, #tpu.memory_space<hbm>>
        %dma_wait3A_37 = tpu.memref_squeeze %dma_wait3A_36 : memref<1x160xi32, #tpu.memory_space<hbm>> -> memref<160xi32, #tpu.memory_space<hbm>>
        %dma_wait3A_38 = arith.constant 0 : i32
        %dma_wait3A_39 = tpu.memref_slice %arg5[%mul3A_14, %dma_wait3A_38] : memref<2000x160xi32, #tpu.memory_space<hbm>> -> memref<1x160xi32, #tpu.memory_space<hbm>>
        %dma_wait3A_40 = tpu.memref_squeeze %dma_wait3A_39 : memref<1x160xi32, #tpu.memory_space<hbm>> -> memref<160xi32, #tpu.memory_space<hbm>>
        tpu.wait_dma2 semaphore(%run_scoped3A : memref<!tpu.dma_semaphore, #tpu.memory_space<semaphore_mem>>) src(%dma_wait3A_40 : memref<160xi32, #tpu.memory_space<hbm>>) dst(%arg13 : memref<160xi32, #tpu.memory_space<vmem>>)
        tpu.yield
      }) : () -> ()
      %dma_start3A = arith.constant 0 : i32
      %dma_start3A_15 = arith.constant 0 : i32
      %dma_start3A_16 = tpu.memref_slice %arg7[%dma_start3A, %dma_start3A_15] : memref<10000x128xf32, #tpu.memory_space<hbm>> -> memref<10000x128xf32, #tpu.memory_space<hbm>>
      tpu.enqueue_indirect_dma source(%dma_start3A_16 : memref<10000x128xf32, #tpu.memory_space<hbm>>) target(%arg15 : memref<160x128xf32, #tpu.memory_space<vmem>>) offsets(%arg11 : memref<160xi32, #tpu.memory_space<vmem>>) semaphore(%arg18 : memref<!tpu.dma_semaphore, #tpu.memory_space<semaphore_mem>>)
      %scan3A = arith.constant 0 : i32
      %scan3A_17 = arith.constant 125 : i32
      %scan3A_18 = arith.addi %scan3A, %scan3A_17 : i32
      %scan3A_19 = arith.constant 1 : i32
      scf.for %scan3A_30 = %scan3A to %scan3A_18 step %scan3A_19  : i32 {
        %mul3A_31 = arith.constant 1 : i32
        %mul3A_32 = arith.muli %scan3A_30, %mul3A_31 : i32
        %add3A = arith.constant 0 : i32
        %add3A_33 = arith.addi %add3A, %mul3A_32 : i32
        %rem3A = arith.constant 2 : i32
        %rem3A_34 = arith.remsi %add3A_33, %rem3A : i32
        %eq3A_35 = arith.constant 0 : i32
        %eq3A_36 = arith.cmpi eq, %rem3A_34, %eq3A_35 : i32
        %convert_element_type3A_37 = arith.extui %eq3A_36 : i1 to i32
        %cond3A_38 = arith.constant 0 : i32
        %cond3A_39 = arith.cmpi ne, %convert_element_type3A_37, %cond3A_38 : i32
        scf.if %cond3A_39 {
          %add3A_45 = arith.constant 1 : i32
          %add3A_46 = arith.addi %add3A_33, %add3A_45 : i32
          %lt3A = arith.constant 125 : i32
          %lt3A_47 = arith.cmpi slt, %add3A_46, %lt3A : i32
          %convert_element_type3A_48 = arith.extui %lt3A_47 : i1 to i32
          %cond3A_49 = arith.constant 0 : i32
          %cond3A_50 = arith.cmpi ne, %convert_element_type3A_48, %cond3A_49 : i32
          scf.if %cond3A_50 {
            %add3A_60 = arith.addi %mul3A_14, %add3A_33 : i32
            %add3A_61 = arith.constant 1 : i32
            %add3A_62 = arith.addi %add3A_60, %add3A_61 : i32
            %dma_start3A_63 = arith.constant 0 : i32
            %dma_start3A_64 = tpu.memref_slice %arg4[%add3A_62, %dma_start3A_63] : memref<2000x160xi32, #tpu.memory_space<hbm>> -> memref<1x160xi32, #tpu.memory_space<hbm>>
            %dma_start3A_65 = tpu.memref_squeeze %dma_start3A_64 : memref<1x160xi32, #tpu.memory_space<hbm>> -> memref<160xi32, #tpu.memory_space<hbm>>
            %dma_start3A_66 = arith.constant 0 : i32
            %dma_start3A_67 = tpu.memref_slice %arg4[%add3A_62, %dma_start3A_66] : memref<2000x160xi32, #tpu.memory_space<hbm>> -> memref<1x160xi32, #tpu.memory_space<hbm>>
            %dma_start3A_68 = tpu.memref_squeeze %dma_start3A_67 : memref<1x160xi32, #tpu.memory_space<hbm>> -> memref<160xi32, #tpu.memory_space<hbm>>
            tpu.enqueue_dma source(%dma_start3A_68 : memref<160xi32, #tpu.memory_space<hbm>>) target(%arg12 : memref<160xi32, #tpu.memory_space<vmem>>) target_semaphore(%arg19 : memref<!tpu.dma_semaphore, #tpu.memory_space<semaphore_mem>>)
            %add3A_69 = arith.addi %mul3A_14, %add3A_33 : i32
            %add3A_70 = arith.constant 1 : i32
            %add3A_71 = arith.addi %add3A_69, %add3A_70 : i32
            %dma_start3A_72 = arith.constant 0 : i32
            %dma_start3A_73 = tpu.memref_slice %arg5[%add3A_71, %dma_start3A_72] : memref<2000x160xi32, #tpu.memory_space<hbm>> -> memref<1x160xi32, #tpu.memory_space<hbm>>
            %dma_start3A_74 = tpu.memref_squeeze %dma_start3A_73 : memref<1x160xi32, #tpu.memory_space<hbm>> -> memref<160xi32, #tpu.memory_space<hbm>>
            %dma_start3A_75 = arith.constant 0 : i32
            %dma_start3A_76 = tpu.memref_slice %arg5[%add3A_71, %dma_start3A_75] : memref<2000x160xi32, #tpu.memory_space<hbm>> -> memref<1x160xi32, #tpu.memory_space<hbm>>
            %dma_start3A_77 = tpu.memref_squeeze %dma_start3A_76 : memref<1x160xi32, #tpu.memory_space<hbm>> -> memref<160xi32, #tpu.memory_space<hbm>>
            tpu.enqueue_dma source(%dma_start3A_77 : memref<160xi32, #tpu.memory_space<hbm>>) target(%arg14 : memref<160xi32, #tpu.memory_space<vmem>>) target_semaphore(%arg19 : memref<!tpu.dma_semaphore, #tpu.memory_space<semaphore_mem>>)
          } else {
          }
          %dma_wait3A = arith.constant 0 : i32
          %dma_wait3A_51 = arith.constant 0 : i32
          %dma_wait3A_52 = tpu.memref_slice %arg7[%dma_wait3A, %dma_wait3A_51] : memref<10000x128xf32, #tpu.memory_space<hbm>> -> memref<10000x128xf32, #tpu.memory_space<hbm>>
          tpu.wait_indirect_dma semaphore(%arg18 : memref<!tpu.dma_semaphore, #tpu.memory_space<semaphore_mem>>) src(%dma_wait3A_52 : memref<10000x128xf32, #tpu.memory_space<hbm>>) dst(%arg15 : memref<160x128xf32, #tpu.memory_space<vmem>>)
          %add3A_53 = arith.constant 1 : i32
          %add3A_54 = arith.addi %add3A_33, %add3A_53 : i32
          %lt3A_55 = arith.constant 125 : i32
          %lt3A_56 = arith.cmpi slt, %add3A_54, %lt3A_55 : i32
          %convert_element_type3A_57 = arith.extui %lt3A_56 : i1 to i32
          %cond3A_58 = arith.constant 0 : i32
          %cond3A_59 = arith.cmpi ne, %convert_element_type3A_57, %cond3A_58 : i32
          scf.if %cond3A_59 {
            %add3A_60 = arith.addi %mul3A_14, %add3A_33 : i32
            %add3A_61 = arith.constant 1 : i32
            %add3A_62 = arith.addi %add3A_60, %add3A_61 : i32
            %dma_wait3A_63 = arith.constant 0 : i32
            %dma_wait3A_64 = tpu.memref_slice %arg4[%add3A_62, %dma_wait3A_63] : memref<2000x160xi32, #tpu.memory_space<hbm>> -> memref<1x160xi32, #tpu.memory_space<hbm>>
            %dma_wait3A_65 = tpu.memref_squeeze %dma_wait3A_64 : memref<1x160xi32, #tpu.memory_space<hbm>> -> memref<160xi32, #tpu.memory_space<hbm>>
            %dma_wait3A_66 = arith.constant 0 : i32
            %dma_wait3A_67 = tpu.memref_slice %arg4[%add3A_62, %dma_wait3A_66] : memref<2000x160xi32, #tpu.memory_space<hbm>> -> memref<1x160xi32, #tpu.memory_space<hbm>>
            %dma_wait3A_68 = tpu.memref_squeeze %dma_wait3A_67 : memref<1x160xi32, #tpu.memory_space<hbm>> -> memref<160xi32, #tpu.memory_space<hbm>>
            tpu.wait_dma2 semaphore(%arg19 : memref<!tpu.dma_semaphore, #tpu.memory_space<semaphore_mem>>) src(%dma_wait3A_68 : memref<160xi32, #tpu.memory_space<hbm>>) dst(%arg12 : memref<160xi32, #tpu.memory_space<vmem>>)
            %add3A_69 = arith.addi %mul3A_14, %add3A_33 : i32
            %add3A_70 = arith.constant 1 : i32
            %add3A_71 = arith.addi %add3A_69, %add3A_70 : i32
            %dma_wait3A_72 = arith.constant 0 : i32
            %dma_wait3A_73 = tpu.memref_slice %arg5[%add3A_71, %dma_wait3A_72] : memref<2000x160xi32, #tpu.memory_space<hbm>> -> memref<1x160xi32, #tpu.memory_space<hbm>>
            %dma_wait3A_74 = tpu.memref_squeeze %dma_wait3A_73 : memref<1x160xi32, #tpu.memory_space<hbm>> -> memref<160xi32, #tpu.memory_space<hbm>>
            %dma_wait3A_75 = arith.constant 0 : i32
            %dma_wait3A_76 = tpu.memref_slice %arg5[%add3A_71, %dma_wait3A_75] : memref<2000x160xi32, #tpu.memory_space<hbm>> -> memref<1x160xi32, #tpu.memory_space<hbm>>
            %dma_wait3A_77 = tpu.memref_squeeze %dma_wait3A_76 : memref<1x160xi32, #tpu.memory_space<hbm>> -> memref<160xi32, #tpu.memory_space<hbm>>
            tpu.wait_dma2 semaphore(%arg19 : memref<!tpu.dma_semaphore, #tpu.memory_space<semaphore_mem>>) src(%dma_wait3A_77 : memref<160xi32, #tpu.memory_space<hbm>>) dst(%arg14 : memref<160xi32, #tpu.memory_space<vmem>>)
            %dma_start3A_78 = arith.constant 0 : i32
            %dma_start3A_79 = arith.constant 0 : i32
            %dma_start3A_80 = tpu.memref_slice %arg7[%dma_start3A_78, %dma_start3A_79] : memref<10000x128xf32, #tpu.memory_space<hbm>> -> memref<10000x128xf32, #tpu.memory_space<hbm>>
            tpu.enqueue_indirect_dma source(%dma_start3A_80 : memref<10000x128xf32, #tpu.memory_space<hbm>>) target(%arg16 : memref<160x128xf32, #tpu.memory_space<vmem>>) offsets(%arg12 : memref<160xi32, #tpu.memory_space<vmem>>) semaphore(%arg18 : memref<!tpu.dma_semaphore, #tpu.memory_space<semaphore_mem>>)
          } else {
          }
          "tpu.region"() ({
            %run_scoped3A = tpu.sem_alloc : memref<!tpu.dma_semaphore, #tpu.memory_space<semaphore_mem>>
            %dma_start3A_60 = arith.constant 0 : i32
            %dma_start3A_61 = arith.constant 0 : i32
            %dma_start3A_62 = tpu.memref_slice %arg17[%dma_start3A_60, %dma_start3A_61] : memref<10000x128xf32, #tpu.memory_space<vmem_shared>> -> memref<10000x128xf32, #tpu.memory_space<vmem_shared>>
            tpu.enqueue_indirect_dma source(%arg15 : memref<160x128xf32, #tpu.memory_space<vmem>>) target(%dma_start3A_62 : memref<10000x128xf32, #tpu.memory_space<vmem_shared>>) offsets(%arg13 : memref<160xi32, #tpu.memory_space<vmem>>) semaphore(%run_scoped3A : memref<!tpu.dma_semaphore, #tpu.memory_space<semaphore_mem>>) {add = true}
            %dma_wait3A_63 = arith.constant 0 : i32
            %dma_wait3A_64 = arith.constant 0 : i32
            %dma_wait3A_65 = tpu.memref_slice %arg17[%dma_wait3A_63, %dma_wait3A_64] : memref<10000x128xf32, #tpu.memory_space<vmem_shared>> -> memref<10000x128xf32, #tpu.memory_space<vmem_shared>>
            tpu.wait_indirect_dma semaphore(%run_scoped3A : memref<!tpu.dma_semaphore, #tpu.memory_space<semaphore_mem>>) src(%arg15 : memref<160x128xf32, #tpu.memory_space<vmem>>) dst(%dma_wait3A_65 : memref<10000x128xf32, #tpu.memory_space<vmem_shared>>)
            tpu.yield
          }) : () -> ()
        } else {
        }
        %eq3A_40 = arith.constant 1 : i32
        %eq3A_41 = arith.cmpi eq, %rem3A_34, %eq3A_40 : i32
        %convert_element_type3A_42 = arith.extui %eq3A_41 : i1 to i32
        %cond3A_43 = arith.constant 0 : i32
        %cond3A_44 = arith.cmpi ne, %convert_element_type3A_42, %cond3A_43 : i32
        scf.if %cond3A_44 {
          %add3A_45 = arith.constant 1 : i32
          %add3A_46 = arith.addi %add3A_33, %add3A_45 : i32
          %lt3A = arith.constant 125 : i32
          %lt3A_47 = arith.cmpi slt, %add3A_46, %lt3A : i32
          %convert_element_type3A_48 = arith.extui %lt3A_47 : i1 to i32
          %cond3A_49 = arith.constant 0 : i32
          %cond3A_50 = arith.cmpi ne, %convert_element_type3A_48, %cond3A_49 : i32
          scf.if %cond3A_50 {
            %add3A_60 = arith.addi %mul3A_14, %add3A_33 : i32
            %add3A_61 = arith.constant 1 : i32
            %add3A_62 = arith.addi %add3A_60, %add3A_61 : i32
            %dma_start3A_63 = arith.constant 0 : i32
            %dma_start3A_64 = tpu.memref_slice %arg4[%add3A_62, %dma_start3A_63] : memref<2000x160xi32, #tpu.memory_space<hbm>> -> memref<1x160xi32, #tpu.memory_space<hbm>>
            %dma_start3A_65 = tpu.memref_squeeze %dma_start3A_64 : memref<1x160xi32, #tpu.memory_space<hbm>> -> memref<160xi32, #tpu.memory_space<hbm>>
            %dma_start3A_66 = arith.constant 0 : i32
            %dma_start3A_67 = tpu.memref_slice %arg4[%add3A_62, %dma_start3A_66] : memref<2000x160xi32, #tpu.memory_space<hbm>> -> memref<1x160xi32, #tpu.memory_space<hbm>>
            %dma_start3A_68 = tpu.memref_squeeze %dma_start3A_67 : memref<1x160xi32, #tpu.memory_space<hbm>> -> memref<160xi32, #tpu.memory_space<hbm>>
            tpu.enqueue_dma source(%dma_start3A_68 : memref<160xi32, #tpu.memory_space<hbm>>) target(%arg11 : memref<160xi32, #tpu.memory_space<vmem>>) target_semaphore(%arg19 : memref<!tpu.dma_semaphore, #tpu.memory_space<semaphore_mem>>)
            %add3A_69 = arith.addi %mul3A_14, %add3A_33 : i32
            %add3A_70 = arith.constant 1 : i32
            %add3A_71 = arith.addi %add3A_69, %add3A_70 : i32
            %dma_start3A_72 = arith.constant 0 : i32
            %dma_start3A_73 = tpu.memref_slice %arg5[%add3A_71, %dma_start3A_72] : memref<2000x160xi32, #tpu.memory_space<hbm>> -> memref<1x160xi32, #tpu.memory_space<hbm>>
            %dma_start3A_74 = tpu.memref_squeeze %dma_start3A_73 : memref<1x160xi32, #tpu.memory_space<hbm>> -> memref<160xi32, #tpu.memory_space<hbm>>
            %dma_start3A_75 = arith.constant 0 : i32
            %dma_start3A_76 = tpu.memref_slice %arg5[%add3A_71, %dma_start3A_75] : memref<2000x160xi32, #tpu.memory_space<hbm>> -> memref<1x160xi32, #tpu.memory_space<hbm>>
            %dma_start3A_77 = tpu.memref_squeeze %dma_start3A_76 : memref<1x160xi32, #tpu.memory_space<hbm>> -> memref<160xi32, #tpu.memory_space<hbm>>
            tpu.enqueue_dma source(%dma_start3A_77 : memref<160xi32, #tpu.memory_space<hbm>>) target(%arg13 : memref<160xi32, #tpu.memory_space<vmem>>) target_semaphore(%arg19 : memref<!tpu.dma_semaphore, #tpu.memory_space<semaphore_mem>>)
          } else {
          }
          %dma_wait3A = arith.constant 0 : i32
          %dma_wait3A_51 = arith.constant 0 : i32
          %dma_wait3A_52 = tpu.memref_slice %arg7[%dma_wait3A, %dma_wait3A_51] : memref<10000x128xf32, #tpu.memory_space<hbm>> -> memref<10000x128xf32, #tpu.memory_space<hbm>>
          tpu.wait_indirect_dma semaphore(%arg18 : memref<!tpu.dma_semaphore, #tpu.memory_space<semaphore_mem>>) src(%dma_wait3A_52 : memref<10000x128xf32, #tpu.memory_space<hbm>>) dst(%arg16 : memref<160x128xf32, #tpu.memory_space<vmem>>)
          %add3A_53 = arith.constant 1 : i32
          %add3A_54 = arith.addi %add3A_33, %add3A_53 : i32
          %lt3A_55 = arith.constant 125 : i32
          %lt3A_56 = arith.cmpi slt, %add3A_54, %lt3A_55 : i32
          %convert_element_type3A_57 = arith.extui %lt3A_56 : i1 to i32
          %cond3A_58 = arith.constant 0 : i32
          %cond3A_59 = arith.cmpi ne, %convert_element_type3A_57, %cond3A_58 : i32
          scf.if %cond3A_59 {
            %add3A_60 = arith.addi %mul3A_14, %add3A_33 : i32
            %add3A_61 = arith.constant 1 : i32
            %add3A_62 = arith.addi %add3A_60, %add3A_61 : i32
            %dma_wait3A_63 = arith.constant 0 : i32
            %dma_wait3A_64 = tpu.memref_slice %arg4[%add3A_62, %dma_wait3A_63] : memref<2000x160xi32, #tpu.memory_space<hbm>> -> memref<1x160xi32, #tpu.memory_space<hbm>>
            %dma_wait3A_65 = tpu.memref_squeeze %dma_wait3A_64 : memref<1x160xi32, #tpu.memory_space<hbm>> -> memref<160xi32, #tpu.memory_space<hbm>>
            %dma_wait3A_66 = arith.constant 0 : i32
            %dma_wait3A_67 = tpu.memref_slice %arg4[%add3A_62, %dma_wait3A_66] : memref<2000x160xi32, #tpu.memory_space<hbm>> -> memref<1x160xi32, #tpu.memory_space<hbm>>
            %dma_wait3A_68 = tpu.memref_squeeze %dma_wait3A_67 : memref<1x160xi32, #tpu.memory_space<hbm>> -> memref<160xi32, #tpu.memory_space<hbm>>
            tpu.wait_dma2 semaphore(%arg19 : memref<!tpu.dma_semaphore, #tpu.memory_space<semaphore_mem>>) src(%dma_wait3A_68 : memref<160xi32, #tpu.memory_space<hbm>>) dst(%arg11 : memref<160xi32, #tpu.memory_space<vmem>>)
            %add3A_69 = arith.addi %mul3A_14, %add3A_33 : i32
            %add3A_70 = arith.constant 1 : i32
            %add3A_71 = arith.addi %add3A_69, %add3A_70 : i32
            %dma_wait3A_72 = arith.constant 0 : i32
            %dma_wait3A_73 = tpu.memref_slice %arg5[%add3A_71, %dma_wait3A_72] : memref<2000x160xi32, #tpu.memory_space<hbm>> -> memref<1x160xi32, #tpu.memory_space<hbm>>
            %dma_wait3A_74 = tpu.memref_squeeze %dma_wait3A_73 : memref<1x160xi32, #tpu.memory_space<hbm>> -> memref<160xi32, #tpu.memory_space<hbm>>
            %dma_wait3A_75 = arith.constant 0 : i32
            %dma_wait3A_76 = tpu.memref_slice %arg5[%add3A_71, %dma_wait3A_75] : memref<2000x160xi32, #tpu.memory_space<hbm>> -> memref<1x160xi32, #tpu.memory_space<hbm>>
            %dma_wait3A_77 = tpu.memref_squeeze %dma_wait3A_76 : memref<1x160xi32, #tpu.memory_space<hbm>> -> memref<160xi32, #tpu.memory_space<hbm>>
            tpu.wait_dma2 semaphore(%arg19 : memref<!tpu.dma_semaphore, #tpu.memory_space<semaphore_mem>>) src(%dma_wait3A_77 : memref<160xi32, #tpu.memory_space<hbm>>) dst(%arg13 : memref<160xi32, #tpu.memory_space<vmem>>)
            %dma_start3A_78 = arith.constant 0 : i32
            %dma_start3A_79 = arith.constant 0 : i32
            %dma_start3A_80 = tpu.memref_slice %arg7[%dma_start3A_78, %dma_start3A_79] : memref<10000x128xf32, #tpu.memory_space<hbm>> -> memref<10000x128xf32, #tpu.memory_space<hbm>>
            tpu.enqueue_indirect_dma source(%dma_start3A_80 : memref<10000x128xf32, #tpu.memory_space<hbm>>) target(%arg15 : memref<160x128xf32, #tpu.memory_space<vmem>>) offsets(%arg11 : memref<160xi32, #tpu.memory_space<vmem>>) semaphore(%arg18 : memref<!tpu.dma_semaphore, #tpu.memory_space<semaphore_mem>>)
          } else {
          }
          "tpu.region"() ({
            %run_scoped3A = tpu.sem_alloc : memref<!tpu.dma_semaphore, #tpu.memory_space<semaphore_mem>>
            %dma_start3A_60 = arith.constant 0 : i32
            %dma_start3A_61 = arith.constant 0 : i32
            %dma_start3A_62 = tpu.memref_slice %arg17[%dma_start3A_60, %dma_start3A_61] : memref<10000x128xf32, #tpu.memory_space<vmem_shared>> -> memref<10000x128xf32, #tpu.memory_space<vmem_shared>>
            tpu.enqueue_indirect_dma source(%arg16 : memref<160x128xf32, #tpu.memory_space<vmem>>) target(%dma_start3A_62 : memref<10000x128xf32, #tpu.memory_space<vmem_shared>>) offsets(%arg14 : memref<160xi32, #tpu.memory_space<vmem>>) semaphore(%run_scoped3A : memref<!tpu.dma_semaphore, #tpu.memory_space<semaphore_mem>>) {add = true}
            %dma_wait3A_63 = arith.constant 0 : i32
            %dma_wait3A_64 = arith.constant 0 : i32
            %dma_wait3A_65 = tpu.memref_slice %arg17[%dma_wait3A_63, %dma_wait3A_64] : memref<10000x128xf32, #tpu.memory_space<vmem_shared>> -> memref<10000x128xf32, #tpu.memory_space<vmem_shared>>
            tpu.wait_indirect_dma semaphore(%run_scoped3A : memref<!tpu.dma_semaphore, #tpu.memory_space<semaphore_mem>>) src(%arg16 : memref<160x128xf32, #tpu.memory_space<vmem>>) dst(%dma_wait3A_65 : memref<10000x128xf32, #tpu.memory_space<vmem_shared>>)
            tpu.yield
          }) : () -> ()
        } else {
        }
      }
      %scan3A_20 = arith.constant 125 : i32
      %barrier3A_21 = arith.constant 0 : index
      tpu.barrier barrier_id(%barrier3A_21)
      %mul3A_22 = arith.constant 624 : i32
      %mul3A_23 = arith.muli %arg1, %mul3A_22 : i32
      %multiple_of3A_24 = tpu.assume_multiple %mul3A_23, 8 : i32
      "tpu.region"() ({
        %run_scoped3A = tpu.sem_alloc : memref<!tpu.dma_semaphore, #tpu.memory_space<semaphore_mem>>
        %dma_start3A_30 = arith.constant 0 : i32
        %dma_start3A_31 = tpu.memref_slice %arg10[%multiple_of3A_24, %dma_start3A_30] : memref<10000x128xf32, #tpu.memory_space<hbm>> -> memref<624x128xf32, #tpu.memory_space<hbm>>
        %dma_start3A_32 = arith.constant 0 : i32
        %dma_start3A_33 = tpu.memref_slice %arg17[%multiple_of3A_24, %dma_start3A_32] : memref<10000x128xf32, #tpu.memory_space<vmem_shared>> -> memref<624x128xf32, #tpu.memory_space<vmem_shared>>
        tpu.enqueue_dma source(%dma_start3A_33 : memref<624x128xf32, #tpu.memory_space<vmem_shared>>) target(%dma_start3A_31 : memref<624x128xf32, #tpu.memory_space<hbm>>) target_semaphore(%run_scoped3A : memref<!tpu.dma_semaphore, #tpu.memory_space<semaphore_mem>>)
        %dma_wait3A = arith.constant 0 : i32
        %dma_wait3A_34 = tpu.memref_slice %arg10[%multiple_of3A_24, %dma_wait3A] : memref<10000x128xf32, #tpu.memory_space<hbm>> -> memref<624x128xf32, #tpu.memory_space<hbm>>
        %dma_wait3A_35 = arith.constant 0 : i32
        %dma_wait3A_36 = tpu.memref_slice %arg17[%multiple_of3A_24, %dma_wait3A_35] : memref<10000x128xf32, #tpu.memory_space<vmem_shared>> -> memref<624x128xf32, #tpu.memory_space<vmem_shared>>
        tpu.wait_dma2 semaphore(%run_scoped3A : memref<!tpu.dma_semaphore, #tpu.memory_space<semaphore_mem>>) src(%dma_wait3A_36 : memref<624x128xf32, #tpu.memory_space<vmem_shared>>) dst(%dma_wait3A_34 : memref<624x128xf32, #tpu.memory_space<hbm>>)
        tpu.yield
      }) : () -> ()
      %eq3A_25 = arith.constant 15 : i32
      %eq3A_26 = arith.cmpi eq, %arg1, %eq3A_25 : i32
      %convert_element_type3A_27 = arith.extui %eq3A_26 : i1 to i32
      %cond3A_28 = arith.constant 0 : i32
      %cond3A_29 = arith.cmpi ne, %convert_element_type3A_27, %cond3A_28 : i32
      scf.if %cond3A_29 {
        "tpu.region"() ({
          %run_scoped3A = tpu.sem_alloc : memref<!tpu.dma_semaphore, #tpu.memory_space<semaphore_mem>>
          %dma_start3A_30 = arith.constant 9984 : i32
          %dma_start3A_31 = arith.constant 0 : i32
          %dma_start3A_32 = tpu.memref_slice %arg10[%dma_start3A_30, %dma_start3A_31] : memref<10000x128xf32, #tpu.memory_space<hbm>> -> memref<16x128xf32, #tpu.memory_space<hbm>>
          %dma_start3A_33 = arith.constant 9984 : i32
          %dma_start3A_34 = arith.constant 0 : i32
          %dma_start3A_35 = tpu.memref_slice %arg17[%dma_start3A_33, %dma_start3A_34] : memref<10000x128xf32, #tpu.memory_space<vmem_shared>> -> memref<16x128xf32, #tpu.memory_space<vmem_shared>>
          tpu.enqueue_dma source(%dma_start3A_35 : memref<16x128xf32, #tpu.memory_space<vmem_shared>>) target(%dma_start3A_32 : memref<16x128xf32, #tpu.memory_space<hbm>>) target_semaphore(%run_scoped3A : memref<!tpu.dma_semaphore, #tpu.memory_space<semaphore_mem>>)
          %dma_wait3A = arith.constant 9984 : i32
          %dma_wait3A_36 = arith.constant 0 : i32
          %dma_wait3A_37 = tpu.memref_slice %arg10[%dma_wait3A, %dma_wait3A_36] : memref<10000x128xf32, #tpu.memory_space<hbm>> -> memref<16x128xf32, #tpu.memory_space<hbm>>
          %dma_wait3A_38 = arith.constant 9984 : i32
          %dma_wait3A_39 = arith.constant 0 : i32
          %dma_wait3A_40 = tpu.memref_slice %arg17[%dma_wait3A_38, %dma_wait3A_39] : memref<10000x128xf32, #tpu.memory_space<vmem_shared>> -> memref<16x128xf32, #tpu.memory_space<vmem_shared>>
          tpu.wait_dma2 semaphore(%run_scoped3A : memref<!tpu.dma_semaphore, #tpu.memory_space<semaphore_mem>>) src(%dma_wait3A_40 : memref<16x128xf32, #tpu.memory_space<vmem_shared>>) dst(%dma_wait3A_37 : memref<16x128xf32, #tpu.memory_space<hbm>>)
          tpu.yield
        }) : () -> ()
      } else {
      }
    } else {
    }
    return
  }
}

#map = affine_map<(d0, d1) -> (0, 0)>
module attributes {stable_mosaic.version = 14 : i64} {
  func.func @_scat_body(%arg0: i32, %arg1: i32, %arg2: memref<2000x160xi32, #tpu.memory_space<hbm>>, %arg3: memref<2000x160xi32, #tpu.memory_space<hbm>>, %arg4: memref<2000x160xi32, #tpu.memory_space<hbm>>, %arg5: memref<2000x160xi32, #tpu.memory_space<hbm>>, %arg6: memref<10000x128xf32, #tpu.memory_space<hbm>>, %arg7: memref<10000x128xf32, #tpu.memory_space<hbm>>, %arg8: memref<10000x128xf32, #tpu.memory_space<hbm>>, %arg9: memref<10000x128xf32, #tpu.memory_space<hbm>>, %arg10: memref<10000x128xf32, #tpu.memory_space<hbm>>, %arg11: memref<160xi32, #tpu.memory_space<vmem>>, %arg12: memref<160xi32, #tpu.memory_space<vmem>>, %arg13: memref<160xi32, #tpu.memory_space<vmem>>, %arg14: memref<160xi32, #tpu.memory_space<vmem>>, %arg15: memref<160x128xf32, #tpu.memory_space<vmem>>, %arg16: memref<160x128xf32, #tpu.memory_space<vmem>>, %arg17: memref<10000x128xf32, #tpu.memory_space<vmem_shared>>, %arg18: memref<!tpu.dma_semaphore, #tpu.memory_space<semaphore_mem>>, %arg19: memref<!tpu.dma_semaphore, #tpu.memory_space<semaphore_mem>>) attributes {dimension_semantics = [#tpu.dimension_semantics<core_parallel>, #tpu.dimension_semantics<subcore_parallel>], iteration_bounds = array<i64: 2, 16>, scalar_prefetch = 0 : i64, scratch_operands = 9 : i64, tpu.core_type = #tpu.core_type<sc_vector_subcore>, window_params = [{transform_indices = #map}, {transform_indices = #map}, {transform_indices = #map}, {transform_indices = #map}, {transform_indices = #map}, {transform_indices = #map}, {transform_indices = #map}, {transform_indices = #map}, {transform_indices = #map}]} {
    %eq3A = arith.constant 0 : i32
    %eq3A_0 = arith.cmpi eq, %arg0, %eq3A : i32
    %convert_element_type3A = arith.extui %eq3A_0 : i1 to i32
    %cond3A = arith.constant 0 : i32
    %cond3A_1 = arith.cmpi ne, %convert_element_type3A, %cond3A : i32
    scf.if %cond3A_1 {
      %mul3A = arith.constant 624 : i32
      %mul3A_7 = arith.muli %arg1, %mul3A : i32
      %multiple_of3A = tpu.assume_multiple %mul3A_7, 8 : i32
      "tpu.region"() ({
        %run_scoped3A = tpu.sem_alloc : memref<!tpu.dma_semaphore, #tpu.memory_space<semaphore_mem>>
        %dma_start3A_30 = arith.constant 0 : i32
        %dma_start3A_31 = tpu.memref_slice %arg17[%multiple_of3A, %dma_start3A_30] : memref<10000x128xf32, #tpu.memory_space<vmem_shared>> -> memref<624x128xf32, #tpu.memory_space<vmem_shared>>
        %dma_start3A_32 = arith.constant 0 : i32
        %dma_start3A_33 = tpu.memref_slice %arg8[%multiple_of3A, %dma_start3A_32] : memref<10000x128xf32, #tpu.memory_space<hbm>> -> memref<624x128xf32, #tpu.memory_space<hbm>>
        tpu.enqueue_dma source(%dma_start3A_33 : memref<624x128xf32, #tpu.memory_space<hbm>>) target(%dma_start3A_31 : memref<624x128xf32, #tpu.memory_space<vmem_shared>>) target_semaphore(%run_scoped3A : memref<!tpu.dma_semaphore, #tpu.memory_space<semaphore_mem>>)
        %dma_wait3A = arith.constant 0 : i32
        %dma_wait3A_34 = tpu.memref_slice %arg17[%multiple_of3A, %dma_wait3A] : memref<10000x128xf32, #tpu.memory_space<vmem_shared>> -> memref<624x128xf32, #tpu.memory_space<vmem_shared>>
        %dma_wait3A_35 = arith.constant 0 : i32
        %dma_wait3A_36 = tpu.memref_slice %arg8[%multiple_of3A, %dma_wait3A_35] : memref<10000x128xf32, #tpu.memory_space<hbm>> -> memref<624x128xf32, #tpu.memory_space<hbm>>
        tpu.wait_dma2 semaphore(%run_scoped3A : memref<!tpu.dma_semaphore, #tpu.memory_space<semaphore_mem>>) src(%dma_wait3A_36 : memref<624x128xf32, #tpu.memory_space<hbm>>) dst(%dma_wait3A_34 : memref<624x128xf32, #tpu.memory_space<vmem_shared>>)
        tpu.yield
      }) : () -> ()
      %eq3A_8 = arith.constant 15 : i32
      %eq3A_9 = arith.cmpi eq, %arg1, %eq3A_8 : i32
      %convert_element_type3A_10 = arith.extui %eq3A_9 : i1 to i32
      %cond3A_11 = arith.constant 0 : i32
      %cond3A_12 = arith.cmpi ne, %convert_element_type3A_10, %cond3A_11 : i32
      scf.if %cond3A_12 {
        "tpu.region"() ({
          %run_scoped3A = tpu.sem_alloc : memref<!tpu.dma_semaphore, #tpu.memory_space<semaphore_mem>>
          %dma_start3A_30 = arith.constant 9984 : i32
          %dma_start3A_31 = arith.constant 0 : i32
          %dma_start3A_32 = tpu.memref_slice %arg17[%dma_start3A_30, %dma_start3A_31] : memref<10000x128xf32, #tpu.memory_space<vmem_shared>> -> memref<16x128xf32, #tpu.memory_space<vmem_shared>>
          %dma_start3A_33 = arith.constant 9984 : i32
          %dma_start3A_34 = arith.constant 0 : i32
          %dma_start3A_35 = tpu.memref_slice %arg8[%dma_start3A_33, %dma_start3A_34] : memref<10000x128xf32, #tpu.memory_space<hbm>> -> memref<16x128xf32, #tpu.memory_space<hbm>>
          tpu.enqueue_dma source(%dma_start3A_35 : memref<16x128xf32, #tpu.memory_space<hbm>>) target(%dma_start3A_32 : memref<16x128xf32, #tpu.memory_space<vmem_shared>>) target_semaphore(%run_scoped3A : memref<!tpu.dma_semaphore, #tpu.memory_space<semaphore_mem>>)
          %dma_wait3A = arith.constant 9984 : i32
          %dma_wait3A_36 = arith.constant 0 : i32
          %dma_wait3A_37 = tpu.memref_slice %arg17[%dma_wait3A, %dma_wait3A_36] : memref<10000x128xf32, #tpu.memory_space<vmem_shared>> -> memref<16x128xf32, #tpu.memory_space<vmem_shared>>
          %dma_wait3A_38 = arith.constant 9984 : i32
          %dma_wait3A_39 = arith.constant 0 : i32
          %dma_wait3A_40 = tpu.memref_slice %arg8[%dma_wait3A_38, %dma_wait3A_39] : memref<10000x128xf32, #tpu.memory_space<hbm>> -> memref<16x128xf32, #tpu.memory_space<hbm>>
          tpu.wait_dma2 semaphore(%run_scoped3A : memref<!tpu.dma_semaphore, #tpu.memory_space<semaphore_mem>>) src(%dma_wait3A_40 : memref<16x128xf32, #tpu.memory_space<hbm>>) dst(%dma_wait3A_37 : memref<16x128xf32, #tpu.memory_space<vmem_shared>>)
          tpu.yield
        }) : () -> ()
      } else {
      }
      %barrier3A = arith.constant 0 : index
      tpu.barrier barrier_id(%barrier3A)
      %mul3A_13 = arith.constant 125 : i32
      %mul3A_14 = arith.muli %arg1, %mul3A_13 : i32
      "tpu.region"() ({
        %run_scoped3A = tpu.sem_alloc : memref<!tpu.dma_semaphore, #tpu.memory_space<semaphore_mem>>
        %dma_start3A_30 = arith.constant 0 : i32
        %dma_start3A_31 = tpu.memref_slice %arg2[%mul3A_14, %dma_start3A_30] : memref<2000x160xi32, #tpu.memory_space<hbm>> -> memref<1x160xi32, #tpu.memory_space<hbm>>
        %dma_start3A_32 = tpu.memref_squeeze %dma_start3A_31 : memref<1x160xi32, #tpu.memory_space<hbm>> -> memref<160xi32, #tpu.memory_space<hbm>>
        %dma_start3A_33 = arith.constant 0 : i32
        %dma_start3A_34 = tpu.memref_slice %arg2[%mul3A_14, %dma_start3A_33] : memref<2000x160xi32, #tpu.memory_space<hbm>> -> memref<1x160xi32, #tpu.memory_space<hbm>>
        %dma_start3A_35 = tpu.memref_squeeze %dma_start3A_34 : memref<1x160xi32, #tpu.memory_space<hbm>> -> memref<160xi32, #tpu.memory_space<hbm>>
        tpu.enqueue_dma source(%dma_start3A_35 : memref<160xi32, #tpu.memory_space<hbm>>) target(%arg11 : memref<160xi32, #tpu.memory_space<vmem>>) target_semaphore(%run_scoped3A : memref<!tpu.dma_semaphore, #tpu.memory_space<semaphore_mem>>)
        %dma_wait3A = arith.constant 0 : i32
        %dma_wait3A_36 = tpu.memref_slice %arg2[%mul3A_14, %dma_wait3A] : memref<2000x160xi32, #tpu.memory_space<hbm>> -> memref<1x160xi32, #tpu.memory_space<hbm>>
        %dma_wait3A_37 = tpu.memref_squeeze %dma_wait3A_36 : memref<1x160xi32, #tpu.memory_space<hbm>> -> memref<160xi32, #tpu.memory_space<hbm>>
        %dma_wait3A_38 = arith.constant 0 : i32
        %dma_wait3A_39 = tpu.memref_slice %arg2[%mul3A_14, %dma_wait3A_38] : memref<2000x160xi32, #tpu.memory_space<hbm>> -> memref<1x160xi32, #tpu.memory_space<hbm>>
        %dma_wait3A_40 = tpu.memref_squeeze %dma_wait3A_39 : memref<1x160xi32, #tpu.memory_space<hbm>> -> memref<160xi32, #tpu.memory_space<hbm>>
        tpu.wait_dma2 semaphore(%run_scoped3A : memref<!tpu.dma_semaphore, #tpu.memory_space<semaphore_mem>>) src(%dma_wait3A_40 : memref<160xi32, #tpu.memory_space<hbm>>) dst(%arg11 : memref<160xi32, #tpu.memory_space<vmem>>)
        tpu.yield
      }) : () -> ()
      "tpu.region"() ({
        %run_scoped3A = tpu.sem_alloc : memref<!tpu.dma_semaphore, #tpu.memory_space<semaphore_mem>>
        %dma_start3A_30 = arith.constant 0 : i32
        %dma_start3A_31 = tpu.memref_slice %arg3[%mul3A_14, %dma_start3A_30] : memref<2000x160xi32, #tpu.memory_space<hbm>> -> memref<1x160xi32, #tpu.memory_space<hbm>>
        %dma_start3A_32 = tpu.memref_squeeze %dma_start3A_31 : memref<1x160xi32, #tpu.memory_space<hbm>> -> memref<160xi32, #tpu.memory_space<hbm>>
        %dma_start3A_33 = arith.constant 0 : i32
        %dma_start3A_34 = tpu.memref_slice %arg3[%mul3A_14, %dma_start3A_33] : memref<2000x160xi32, #tpu.memory_space<hbm>> -> memref<1x160xi32, #tpu.memory_space<hbm>>
        %dma_start3A_35 = tpu.memref_squeeze %dma_start3A_34 : memref<1x160xi32, #tpu.memory_space<hbm>> -> memref<160xi32, #tpu.memory_space<hbm>>
        tpu.enqueue_dma source(%dma_start3A_35 : memref<160xi32, #tpu.memory_space<hbm>>) target(%arg13 : memref<160xi32, #tpu.memory_space<vmem>>) target_semaphore(%run_scoped3A : memref<!tpu.dma_semaphore, #tpu.memory_space<semaphore_mem>>)
        %dma_wait3A = arith.constant 0 : i32
        %dma_wait3A_36 = tpu.memref_slice %arg3[%mul3A_14, %dma_wait3A] : memref<2000x160xi32, #tpu.memory_space<hbm>> -> memref<1x160xi32, #tpu.memory_space<hbm>>
        %dma_wait3A_37 = tpu.memref_squeeze %dma_wait3A_36 : memref<1x160xi32, #tpu.memory_space<hbm>> -> memref<160xi32, #tpu.memory_space<hbm>>
        %dma_wait3A_38 = arith.constant 0 : i32
        %dma_wait3A_39 = tpu.memref_slice %arg3[%mul3A_14, %dma_wait3A_38] : memref<2000x160xi32, #tpu.memory_space<hbm>> -> memref<1x160xi32, #tpu.memory_space<hbm>>
        %dma_wait3A_40 = tpu.memref_squeeze %dma_wait3A_39 : memref<1x160xi32, #tpu.memory_space<hbm>> -> memref<160xi32, #tpu.memory_space<hbm>>
        tpu.wait_dma2 semaphore(%run_scoped3A : memref<!tpu.dma_semaphore, #tpu.memory_space<semaphore_mem>>) src(%dma_wait3A_40 : memref<160xi32, #tpu.memory_space<hbm>>) dst(%arg13 : memref<160xi32, #tpu.memory_space<vmem>>)
        tpu.yield
      }) : () -> ()
      %dma_start3A = arith.constant 0 : i32
      %dma_start3A_15 = arith.constant 0 : i32
      %dma_start3A_16 = tpu.memref_slice %arg6[%dma_start3A, %dma_start3A_15] : memref<10000x128xf32, #tpu.memory_space<hbm>> -> memref<10000x128xf32, #tpu.memory_space<hbm>>
      tpu.enqueue_indirect_dma source(%dma_start3A_16 : memref<10000x128xf32, #tpu.memory_space<hbm>>) target(%arg15 : memref<160x128xf32, #tpu.memory_space<vmem>>) offsets(%arg11 : memref<160xi32, #tpu.memory_space<vmem>>) semaphore(%arg18 : memref<!tpu.dma_semaphore, #tpu.memory_space<semaphore_mem>>)
      %scan3A = arith.constant 0 : i32
      %scan3A_17 = arith.constant 125 : i32
      %scan3A_18 = arith.addi %scan3A, %scan3A_17 : i32
      %scan3A_19 = arith.constant 1 : i32
      scf.for %scan3A_30 = %scan3A to %scan3A_18 step %scan3A_19  : i32 {
        %mul3A_31 = arith.constant 1 : i32
        %mul3A_32 = arith.muli %scan3A_30, %mul3A_31 : i32
        %add3A = arith.constant 0 : i32
        %add3A_33 = arith.addi %add3A, %mul3A_32 : i32
        %rem3A = arith.constant 2 : i32
        %rem3A_34 = arith.remsi %add3A_33, %rem3A : i32
        %eq3A_35 = arith.constant 0 : i32
        %eq3A_36 = arith.cmpi eq, %rem3A_34, %eq3A_35 : i32
        %convert_element_type3A_37 = arith.extui %eq3A_36 : i1 to i32
        %cond3A_38 = arith.constant 0 : i32
        %cond3A_39 = arith.cmpi ne, %convert_element_type3A_37, %cond3A_38 : i32
        scf.if %cond3A_39 {
          %add3A_45 = arith.constant 1 : i32
          %add3A_46 = arith.addi %add3A_33, %add3A_45 : i32
          %lt3A = arith.constant 125 : i32
          %lt3A_47 = arith.cmpi slt, %add3A_46, %lt3A : i32
          %convert_element_type3A_48 = arith.extui %lt3A_47 : i1 to i32
          %cond3A_49 = arith.constant 0 : i32
          %cond3A_50 = arith.cmpi ne, %convert_element_type3A_48, %cond3A_49 : i32
          scf.if %cond3A_50 {
            %add3A_60 = arith.addi %mul3A_14, %add3A_33 : i32
            %add3A_61 = arith.constant 1 : i32
            %add3A_62 = arith.addi %add3A_60, %add3A_61 : i32
            %dma_start3A_63 = arith.constant 0 : i32
            %dma_start3A_64 = tpu.memref_slice %arg2[%add3A_62, %dma_start3A_63] : memref<2000x160xi32, #tpu.memory_space<hbm>> -> memref<1x160xi32, #tpu.memory_space<hbm>>
            %dma_start3A_65 = tpu.memref_squeeze %dma_start3A_64 : memref<1x160xi32, #tpu.memory_space<hbm>> -> memref<160xi32, #tpu.memory_space<hbm>>
            %dma_start3A_66 = arith.constant 0 : i32
            %dma_start3A_67 = tpu.memref_slice %arg2[%add3A_62, %dma_start3A_66] : memref<2000x160xi32, #tpu.memory_space<hbm>> -> memref<1x160xi32, #tpu.memory_space<hbm>>
            %dma_start3A_68 = tpu.memref_squeeze %dma_start3A_67 : memref<1x160xi32, #tpu.memory_space<hbm>> -> memref<160xi32, #tpu.memory_space<hbm>>
            tpu.enqueue_dma source(%dma_start3A_68 : memref<160xi32, #tpu.memory_space<hbm>>) target(%arg12 : memref<160xi32, #tpu.memory_space<vmem>>) target_semaphore(%arg19 : memref<!tpu.dma_semaphore, #tpu.memory_space<semaphore_mem>>)
            %add3A_69 = arith.addi %mul3A_14, %add3A_33 : i32
            %add3A_70 = arith.constant 1 : i32
            %add3A_71 = arith.addi %add3A_69, %add3A_70 : i32
            %dma_start3A_72 = arith.constant 0 : i32
            %dma_start3A_73 = tpu.memref_slice %arg3[%add3A_71, %dma_start3A_72] : memref<2000x160xi32, #tpu.memory_space<hbm>> -> memref<1x160xi32, #tpu.memory_space<hbm>>
            %dma_start3A_74 = tpu.memref_squeeze %dma_start3A_73 : memref<1x160xi32, #tpu.memory_space<hbm>> -> memref<160xi32, #tpu.memory_space<hbm>>
            %dma_start3A_75 = arith.constant 0 : i32
            %dma_start3A_76 = tpu.memref_slice %arg3[%add3A_71, %dma_start3A_75] : memref<2000x160xi32, #tpu.memory_space<hbm>> -> memref<1x160xi32, #tpu.memory_space<hbm>>
            %dma_start3A_77 = tpu.memref_squeeze %dma_start3A_76 : memref<1x160xi32, #tpu.memory_space<hbm>> -> memref<160xi32, #tpu.memory_space<hbm>>
            tpu.enqueue_dma source(%dma_start3A_77 : memref<160xi32, #tpu.memory_space<hbm>>) target(%arg14 : memref<160xi32, #tpu.memory_space<vmem>>) target_semaphore(%arg19 : memref<!tpu.dma_semaphore, #tpu.memory_space<semaphore_mem>>)
          } else {
          }
          %dma_wait3A = arith.constant 0 : i32
          %dma_wait3A_51 = arith.constant 0 : i32
          %dma_wait3A_52 = tpu.memref_slice %arg6[%dma_wait3A, %dma_wait3A_51] : memref<10000x128xf32, #tpu.memory_space<hbm>> -> memref<10000x128xf32, #tpu.memory_space<hbm>>
          tpu.wait_indirect_dma semaphore(%arg18 : memref<!tpu.dma_semaphore, #tpu.memory_space<semaphore_mem>>) src(%dma_wait3A_52 : memref<10000x128xf32, #tpu.memory_space<hbm>>) dst(%arg15 : memref<160x128xf32, #tpu.memory_space<vmem>>)
          %add3A_53 = arith.constant 1 : i32
          %add3A_54 = arith.addi %add3A_33, %add3A_53 : i32
          %lt3A_55 = arith.constant 125 : i32
          %lt3A_56 = arith.cmpi slt, %add3A_54, %lt3A_55 : i32
          %convert_element_type3A_57 = arith.extui %lt3A_56 : i1 to i32
          %cond3A_58 = arith.constant 0 : i32
          %cond3A_59 = arith.cmpi ne, %convert_element_type3A_57, %cond3A_58 : i32
          scf.if %cond3A_59 {
            %add3A_60 = arith.addi %mul3A_14, %add3A_33 : i32
            %add3A_61 = arith.constant 1 : i32
            %add3A_62 = arith.addi %add3A_60, %add3A_61 : i32
            %dma_wait3A_63 = arith.constant 0 : i32
            %dma_wait3A_64 = tpu.memref_slice %arg2[%add3A_62, %dma_wait3A_63] : memref<2000x160xi32, #tpu.memory_space<hbm>> -> memref<1x160xi32, #tpu.memory_space<hbm>>
            %dma_wait3A_65 = tpu.memref_squeeze %dma_wait3A_64 : memref<1x160xi32, #tpu.memory_space<hbm>> -> memref<160xi32, #tpu.memory_space<hbm>>
            %dma_wait3A_66 = arith.constant 0 : i32
            %dma_wait3A_67 = tpu.memref_slice %arg2[%add3A_62, %dma_wait3A_66] : memref<2000x160xi32, #tpu.memory_space<hbm>> -> memref<1x160xi32, #tpu.memory_space<hbm>>
            %dma_wait3A_68 = tpu.memref_squeeze %dma_wait3A_67 : memref<1x160xi32, #tpu.memory_space<hbm>> -> memref<160xi32, #tpu.memory_space<hbm>>
            tpu.wait_dma2 semaphore(%arg19 : memref<!tpu.dma_semaphore, #tpu.memory_space<semaphore_mem>>) src(%dma_wait3A_68 : memref<160xi32, #tpu.memory_space<hbm>>) dst(%arg12 : memref<160xi32, #tpu.memory_space<vmem>>)
            %add3A_69 = arith.addi %mul3A_14, %add3A_33 : i32
            %add3A_70 = arith.constant 1 : i32
            %add3A_71 = arith.addi %add3A_69, %add3A_70 : i32
            %dma_wait3A_72 = arith.constant 0 : i32
            %dma_wait3A_73 = tpu.memref_slice %arg3[%add3A_71, %dma_wait3A_72] : memref<2000x160xi32, #tpu.memory_space<hbm>> -> memref<1x160xi32, #tpu.memory_space<hbm>>
            %dma_wait3A_74 = tpu.memref_squeeze %dma_wait3A_73 : memref<1x160xi32, #tpu.memory_space<hbm>> -> memref<160xi32, #tpu.memory_space<hbm>>
            %dma_wait3A_75 = arith.constant 0 : i32
            %dma_wait3A_76 = tpu.memref_slice %arg3[%add3A_71, %dma_wait3A_75] : memref<2000x160xi32, #tpu.memory_space<hbm>> -> memref<1x160xi32, #tpu.memory_space<hbm>>
            %dma_wait3A_77 = tpu.memref_squeeze %dma_wait3A_76 : memref<1x160xi32, #tpu.memory_space<hbm>> -> memref<160xi32, #tpu.memory_space<hbm>>
            tpu.wait_dma2 semaphore(%arg19 : memref<!tpu.dma_semaphore, #tpu.memory_space<semaphore_mem>>) src(%dma_wait3A_77 : memref<160xi32, #tpu.memory_space<hbm>>) dst(%arg14 : memref<160xi32, #tpu.memory_space<vmem>>)
            %dma_start3A_78 = arith.constant 0 : i32
            %dma_start3A_79 = arith.constant 0 : i32
            %dma_start3A_80 = tpu.memref_slice %arg6[%dma_start3A_78, %dma_start3A_79] : memref<10000x128xf32, #tpu.memory_space<hbm>> -> memref<10000x128xf32, #tpu.memory_space<hbm>>
            tpu.enqueue_indirect_dma source(%dma_start3A_80 : memref<10000x128xf32, #tpu.memory_space<hbm>>) target(%arg16 : memref<160x128xf32, #tpu.memory_space<vmem>>) offsets(%arg12 : memref<160xi32, #tpu.memory_space<vmem>>) semaphore(%arg18 : memref<!tpu.dma_semaphore, #tpu.memory_space<semaphore_mem>>)
          } else {
          }
          "tpu.region"() ({
            %run_scoped3A = tpu.sem_alloc : memref<!tpu.dma_semaphore, #tpu.memory_space<semaphore_mem>>
            %dma_start3A_60 = arith.constant 0 : i32
            %dma_start3A_61 = arith.constant 0 : i32
            %dma_start3A_62 = tpu.memref_slice %arg17[%dma_start3A_60, %dma_start3A_61] : memref<10000x128xf32, #tpu.memory_space<vmem_shared>> -> memref<10000x128xf32, #tpu.memory_space<vmem_shared>>
            tpu.enqueue_indirect_dma source(%arg15 : memref<160x128xf32, #tpu.memory_space<vmem>>) target(%dma_start3A_62 : memref<10000x128xf32, #tpu.memory_space<vmem_shared>>) offsets(%arg13 : memref<160xi32, #tpu.memory_space<vmem>>) semaphore(%run_scoped3A : memref<!tpu.dma_semaphore, #tpu.memory_space<semaphore_mem>>) {add = true}
            %dma_wait3A_63 = arith.constant 0 : i32
            %dma_wait3A_64 = arith.constant 0 : i32
            %dma_wait3A_65 = tpu.memref_slice %arg17[%dma_wait3A_63, %dma_wait3A_64] : memref<10000x128xf32, #tpu.memory_space<vmem_shared>> -> memref<10000x128xf32, #tpu.memory_space<vmem_shared>>
            tpu.wait_indirect_dma semaphore(%run_scoped3A : memref<!tpu.dma_semaphore, #tpu.memory_space<semaphore_mem>>) src(%arg15 : memref<160x128xf32, #tpu.memory_space<vmem>>) dst(%dma_wait3A_65 : memref<10000x128xf32, #tpu.memory_space<vmem_shared>>)
            tpu.yield
          }) : () -> ()
        } else {
        }
        %eq3A_40 = arith.constant 1 : i32
        %eq3A_41 = arith.cmpi eq, %rem3A_34, %eq3A_40 : i32
        %convert_element_type3A_42 = arith.extui %eq3A_41 : i1 to i32
        %cond3A_43 = arith.constant 0 : i32
        %cond3A_44 = arith.cmpi ne, %convert_element_type3A_42, %cond3A_43 : i32
        scf.if %cond3A_44 {
          %add3A_45 = arith.constant 1 : i32
          %add3A_46 = arith.addi %add3A_33, %add3A_45 : i32
          %lt3A = arith.constant 125 : i32
          %lt3A_47 = arith.cmpi slt, %add3A_46, %lt3A : i32
          %convert_element_type3A_48 = arith.extui %lt3A_47 : i1 to i32
          %cond3A_49 = arith.constant 0 : i32
          %cond3A_50 = arith.cmpi ne, %convert_element_type3A_48, %cond3A_49 : i32
          scf.if %cond3A_50 {
            %add3A_60 = arith.addi %mul3A_14, %add3A_33 : i32
            %add3A_61 = arith.constant 1 : i32
            %add3A_62 = arith.addi %add3A_60, %add3A_61 : i32
            %dma_start3A_63 = arith.constant 0 : i32
            %dma_start3A_64 = tpu.memref_slice %arg2[%add3A_62, %dma_start3A_63] : memref<2000x160xi32, #tpu.memory_space<hbm>> -> memref<1x160xi32, #tpu.memory_space<hbm>>
            %dma_start3A_65 = tpu.memref_squeeze %dma_start3A_64 : memref<1x160xi32, #tpu.memory_space<hbm>> -> memref<160xi32, #tpu.memory_space<hbm>>
            %dma_start3A_66 = arith.constant 0 : i32
            %dma_start3A_67 = tpu.memref_slice %arg2[%add3A_62, %dma_start3A_66] : memref<2000x160xi32, #tpu.memory_space<hbm>> -> memref<1x160xi32, #tpu.memory_space<hbm>>
            %dma_start3A_68 = tpu.memref_squeeze %dma_start3A_67 : memref<1x160xi32, #tpu.memory_space<hbm>> -> memref<160xi32, #tpu.memory_space<hbm>>
            tpu.enqueue_dma source(%dma_start3A_68 : memref<160xi32, #tpu.memory_space<hbm>>) target(%arg11 : memref<160xi32, #tpu.memory_space<vmem>>) target_semaphore(%arg19 : memref<!tpu.dma_semaphore, #tpu.memory_space<semaphore_mem>>)
            %add3A_69 = arith.addi %mul3A_14, %add3A_33 : i32
            %add3A_70 = arith.constant 1 : i32
            %add3A_71 = arith.addi %add3A_69, %add3A_70 : i32
            %dma_start3A_72 = arith.constant 0 : i32
            %dma_start3A_73 = tpu.memref_slice %arg3[%add3A_71, %dma_start3A_72] : memref<2000x160xi32, #tpu.memory_space<hbm>> -> memref<1x160xi32, #tpu.memory_space<hbm>>
            %dma_start3A_74 = tpu.memref_squeeze %dma_start3A_73 : memref<1x160xi32, #tpu.memory_space<hbm>> -> memref<160xi32, #tpu.memory_space<hbm>>
            %dma_start3A_75 = arith.constant 0 : i32
            %dma_start3A_76 = tpu.memref_slice %arg3[%add3A_71, %dma_start3A_75] : memref<2000x160xi32, #tpu.memory_space<hbm>> -> memref<1x160xi32, #tpu.memory_space<hbm>>
            %dma_start3A_77 = tpu.memref_squeeze %dma_start3A_76 : memref<1x160xi32, #tpu.memory_space<hbm>> -> memref<160xi32, #tpu.memory_space<hbm>>
            tpu.enqueue_dma source(%dma_start3A_77 : memref<160xi32, #tpu.memory_space<hbm>>) target(%arg13 : memref<160xi32, #tpu.memory_space<vmem>>) target_semaphore(%arg19 : memref<!tpu.dma_semaphore, #tpu.memory_space<semaphore_mem>>)
          } else {
          }
          %dma_wait3A = arith.constant 0 : i32
          %dma_wait3A_51 = arith.constant 0 : i32
          %dma_wait3A_52 = tpu.memref_slice %arg6[%dma_wait3A, %dma_wait3A_51] : memref<10000x128xf32, #tpu.memory_space<hbm>> -> memref<10000x128xf32, #tpu.memory_space<hbm>>
          tpu.wait_indirect_dma semaphore(%arg18 : memref<!tpu.dma_semaphore, #tpu.memory_space<semaphore_mem>>) src(%dma_wait3A_52 : memref<10000x128xf32, #tpu.memory_space<hbm>>) dst(%arg16 : memref<160x128xf32, #tpu.memory_space<vmem>>)
          %add3A_53 = arith.constant 1 : i32
          %add3A_54 = arith.addi %add3A_33, %add3A_53 : i32
          %lt3A_55 = arith.constant 125 : i32
          %lt3A_56 = arith.cmpi slt, %add3A_54, %lt3A_55 : i32
          %convert_element_type3A_57 = arith.extui %lt3A_56 : i1 to i32
          %cond3A_58 = arith.constant 0 : i32
          %cond3A_59 = arith.cmpi ne, %convert_element_type3A_57, %cond3A_58 : i32
          scf.if %cond3A_59 {
            %add3A_60 = arith.addi %mul3A_14, %add3A_33 : i32
            %add3A_61 = arith.constant 1 : i32
            %add3A_62 = arith.addi %add3A_60, %add3A_61 : i32
            %dma_wait3A_63 = arith.constant 0 : i32
            %dma_wait3A_64 = tpu.memref_slice %arg2[%add3A_62, %dma_wait3A_63] : memref<2000x160xi32, #tpu.memory_space<hbm>> -> memref<1x160xi32, #tpu.memory_space<hbm>>
            %dma_wait3A_65 = tpu.memref_squeeze %dma_wait3A_64 : memref<1x160xi32, #tpu.memory_space<hbm>> -> memref<160xi32, #tpu.memory_space<hbm>>
            %dma_wait3A_66 = arith.constant 0 : i32
            %dma_wait3A_67 = tpu.memref_slice %arg2[%add3A_62, %dma_wait3A_66] : memref<2000x160xi32, #tpu.memory_space<hbm>> -> memref<1x160xi32, #tpu.memory_space<hbm>>
            %dma_wait3A_68 = tpu.memref_squeeze %dma_wait3A_67 : memref<1x160xi32, #tpu.memory_space<hbm>> -> memref<160xi32, #tpu.memory_space<hbm>>
            tpu.wait_dma2 semaphore(%arg19 : memref<!tpu.dma_semaphore, #tpu.memory_space<semaphore_mem>>) src(%dma_wait3A_68 : memref<160xi32, #tpu.memory_space<hbm>>) dst(%arg11 : memref<160xi32, #tpu.memory_space<vmem>>)
            %add3A_69 = arith.addi %mul3A_14, %add3A_33 : i32
            %add3A_70 = arith.constant 1 : i32
            %add3A_71 = arith.addi %add3A_69, %add3A_70 : i32
            %dma_wait3A_72 = arith.constant 0 : i32
            %dma_wait3A_73 = tpu.memref_slice %arg3[%add3A_71, %dma_wait3A_72] : memref<2000x160xi32, #tpu.memory_space<hbm>> -> memref<1x160xi32, #tpu.memory_space<hbm>>
            %dma_wait3A_74 = tpu.memref_squeeze %dma_wait3A_73 : memref<1x160xi32, #tpu.memory_space<hbm>> -> memref<160xi32, #tpu.memory_space<hbm>>
            %dma_wait3A_75 = arith.constant 0 : i32
            %dma_wait3A_76 = tpu.memref_slice %arg3[%add3A_71, %dma_wait3A_75] : memref<2000x160xi32, #tpu.memory_space<hbm>> -> memref<1x160xi32, #tpu.memory_space<hbm>>
            %dma_wait3A_77 = tpu.memref_squeeze %dma_wait3A_76 : memref<1x160xi32, #tpu.memory_space<hbm>> -> memref<160xi32, #tpu.memory_space<hbm>>
            tpu.wait_dma2 semaphore(%arg19 : memref<!tpu.dma_semaphore, #tpu.memory_space<semaphore_mem>>) src(%dma_wait3A_77 : memref<160xi32, #tpu.memory_space<hbm>>) dst(%arg13 : memref<160xi32, #tpu.memory_space<vmem>>)
            %dma_start3A_78 = arith.constant 0 : i32
            %dma_start3A_79 = arith.constant 0 : i32
            %dma_start3A_80 = tpu.memref_slice %arg6[%dma_start3A_78, %dma_start3A_79] : memref<10000x128xf32, #tpu.memory_space<hbm>> -> memref<10000x128xf32, #tpu.memory_space<hbm>>
            tpu.enqueue_indirect_dma source(%dma_start3A_80 : memref<10000x128xf32, #tpu.memory_space<hbm>>) target(%arg15 : memref<160x128xf32, #tpu.memory_space<vmem>>) offsets(%arg11 : memref<160xi32, #tpu.memory_space<vmem>>) semaphore(%arg18 : memref<!tpu.dma_semaphore, #tpu.memory_space<semaphore_mem>>)
          } else {
          }
          "tpu.region"() ({
            %run_scoped3A = tpu.sem_alloc : memref<!tpu.dma_semaphore, #tpu.memory_space<semaphore_mem>>
            %dma_start3A_60 = arith.constant 0 : i32
            %dma_start3A_61 = arith.constant 0 : i32
            %dma_start3A_62 = tpu.memref_slice %arg17[%dma_start3A_60, %dma_start3A_61] : memref<10000x128xf32, #tpu.memory_space<vmem_shared>> -> memref<10000x128xf32, #tpu.memory_space<vmem_shared>>
            tpu.enqueue_indirect_dma source(%arg16 : memref<160x128xf32, #tpu.memory_space<vmem>>) target(%dma_start3A_62 : memref<10000x128xf32, #tpu.memory_space<vmem_shared>>) offsets(%arg14 : memref<160xi32, #tpu.memory_space<vmem>>) semaphore(%run_scoped3A : memref<!tpu.dma_semaphore, #tpu.memory_space<semaphore_mem>>) {add = true}
            %dma_wait3A_63 = arith.constant 0 : i32
            %dma_wait3A_64 = arith.constant 0 : i32
            %dma_wait3A_65 = tpu.memref_slice %arg17[%dma_wait3A_63, %dma_wait3A_64] : memref<10000x128xf32, #tpu.memory_space<vmem_shared>> -> memref<10000x128xf32, #tpu.memory_space<vmem_shared>>
            tpu.wait_indirect_dma semaphore(%run_scoped3A : memref<!tpu.dma_semaphore, #tpu.memory_space<semaphore_mem>>) src(%arg16 : memref<160x128xf32, #tpu.memory_space<vmem>>) dst(%dma_wait3A_65 : memref<10000x128xf32, #tpu.memory_space<vmem_shared>>)
            tpu.yield
          }) : () -> ()
        } else {
        }
      }
      %scan3A_20 = arith.constant 125 : i32
      %barrier3A_21 = arith.constant 0 : index
      tpu.barrier barrier_id(%barrier3A_21)
      %mul3A_22 = arith.constant 624 : i32
      %mul3A_23 = arith.muli %arg1, %mul3A_22 : i32
      %multiple_of3A_24 = tpu.assume_multiple %mul3A_23, 8 : i32
      "tpu.region"() ({
        %run_scoped3A = tpu.sem_alloc : memref<!tpu.dma_semaphore, #tpu.memory_space<semaphore_mem>>
        %dma_start3A_30 = arith.constant 0 : i32
        %dma_start3A_31 = tpu.memref_slice %arg9[%multiple_of3A_24, %dma_start3A_30] : memref<10000x128xf32, #tpu.memory_space<hbm>> -> memref<624x128xf32, #tpu.memory_space<hbm>>
        %dma_start3A_32 = arith.constant 0 : i32
        %dma_start3A_33 = tpu.memref_slice %arg17[%multiple_of3A_24, %dma_start3A_32] : memref<10000x128xf32, #tpu.memory_space<vmem_shared>> -> memref<624x128xf32, #tpu.memory_space<vmem_shared>>
        tpu.enqueue_dma source(%dma_start3A_33 : memref<624x128xf32, #tpu.memory_space<vmem_shared>>) target(%dma_start3A_31 : memref<624x128xf32, #tpu.memory_space<hbm>>) target_semaphore(%run_scoped3A : memref<!tpu.dma_semaphore, #tpu.memory_space<semaphore_mem>>)
        %dma_wait3A = arith.constant 0 : i32
        %dma_wait3A_34 = tpu.memref_slice %arg9[%multiple_of3A_24, %dma_wait3A] : memref<10000x128xf32, #tpu.memory_space<hbm>> -> memref<624x128xf32, #tpu.memory_space<hbm>>
        %dma_wait3A_35 = arith.constant 0 : i32
        %dma_wait3A_36 = tpu.memref_slice %arg17[%multiple_of3A_24, %dma_wait3A_35] : memref<10000x128xf32, #tpu.memory_space<vmem_shared>> -> memref<624x128xf32, #tpu.memory_space<vmem_shared>>
        tpu.wait_dma2 semaphore(%run_scoped3A : memref<!tpu.dma_semaphore, #tpu.memory_space<semaphore_mem>>) src(%dma_wait3A_36 : memref<624x128xf32, #tpu.memory_space<vmem_shared>>) dst(%dma_wait3A_34 : memref<624x128xf32, #tpu.memory_space<hbm>>)
        tpu.yield
      }) : () -> ()
      %eq3A_25 = arith.constant 15 : i32
      %eq3A_26 = arith.cmpi eq, %arg1, %eq3A_25 : i32
      %convert_element_type3A_27 = arith.extui %eq3A_26 : i1 to i32
      %cond3A_28 = arith.constant 0 : i32
      %cond3A_29 = arith.cmpi ne, %convert_element_type3A_27, %cond3A_28 : i32
      scf.if %cond3A_29 {
        "tpu.region"() ({
          %run_scoped3A = tpu.sem_alloc : memref<!tpu.dma_semaphore, #tpu.memory_space<semaphore_mem>>
          %dma_start3A_30 = arith.constant 9984 : i32
          %dma_start3A_31 = arith.constant 0 : i32
          %dma_start3A_32 = tpu.memref_slice %arg9[%dma_start3A_30, %dma_start3A_31] : memref<10000x128xf32, #tpu.memory_space<hbm>> -> memref<16x128xf32, #tpu.memory_space<hbm>>
          %dma_start3A_33 = arith.constant 9984 : i32
          %dma_start3A_34 = arith.constant 0 : i32
          %dma_start3A_35 = tpu.memref_slice %arg17[%dma_start3A_33, %dma_start3A_34] : memref<10000x128xf32, #tpu.memory_space<vmem_shared>> -> memref<16x128xf32, #tpu.memory_space<vmem_shared>>
          tpu.enqueue_dma source(%dma_start3A_35 : memref<16x128xf32, #tpu.memory_space<vmem_shared>>) target(%dma_start3A_32 : memref<16x128xf32, #tpu.memory_space<hbm>>) target_semaphore(%run_scoped3A : memref<!tpu.dma_semaphore, #tpu.memory_space<semaphore_mem>>)
          %dma_wait3A = arith.constant 9984 : i32
          %dma_wait3A_36 = arith.constant 0 : i32
          %dma_wait3A_37 = tpu.memref_slice %arg9[%dma_wait3A, %dma_wait3A_36] : memref<10000x128xf32, #tpu.memory_space<hbm>> -> memref<16x128xf32, #tpu.memory_space<hbm>>
          %dma_wait3A_38 = arith.constant 9984 : i32
          %dma_wait3A_39 = arith.constant 0 : i32
          %dma_wait3A_40 = tpu.memref_slice %arg17[%dma_wait3A_38, %dma_wait3A_39] : memref<10000x128xf32, #tpu.memory_space<vmem_shared>> -> memref<16x128xf32, #tpu.memory_space<vmem_shared>>
          tpu.wait_dma2 semaphore(%run_scoped3A : memref<!tpu.dma_semaphore, #tpu.memory_space<semaphore_mem>>) src(%dma_wait3A_40 : memref<16x128xf32, #tpu.memory_space<vmem_shared>>) dst(%dma_wait3A_37 : memref<16x128xf32, #tpu.memory_space<hbm>>)
          tpu.yield
        }) : () -> ()
      } else {
      }
    } else {
    }
    %eq3A_2 = arith.constant 1 : i32
    %eq3A_3 = arith.cmpi eq, %arg0, %eq3A_2 : i32
    %convert_element_type3A_4 = arith.extui %eq3A_3 : i1 to i32
    %cond3A_5 = arith.constant 0 : i32
    %cond3A_6 = arith.cmpi ne, %convert_element_type3A_4, %cond3A_5 : i32
    scf.if %cond3A_6 {
      %mul3A = arith.constant 624 : i32
      %mul3A_7 = arith.muli %arg1, %mul3A : i32
      %multiple_of3A = tpu.assume_multiple %mul3A_7, 8 : i32
      "tpu.region"() ({
        %run_scoped3A = tpu.sem_alloc : memref<!tpu.dma_semaphore, #tpu.memory_space<semaphore_mem>>
        %dma_start3A_30 = arith.constant 0 : i32
        %dma_start3A_31 = tpu.memref_slice %arg17[%multiple_of3A, %dma_start3A_30] : memref<10000x128xf32, #tpu.memory_space<vmem_shared>> -> memref<624x128xf32, #tpu.memory_space<vmem_shared>>
        %dma_start3A_32 = arith.constant 0 : i32
        %dma_start3A_33 = tpu.memref_slice %arg8[%multiple_of3A, %dma_start3A_32] : memref<10000x128xf32, #tpu.memory_space<hbm>> -> memref<624x128xf32, #tpu.memory_space<hbm>>
        tpu.enqueue_dma source(%dma_start3A_33 : memref<624x128xf32, #tpu.memory_space<hbm>>) target(%dma_start3A_31 : memref<624x128xf32, #tpu.memory_space<vmem_shared>>) target_semaphore(%run_scoped3A : memref<!tpu.dma_semaphore, #tpu.memory_space<semaphore_mem>>)
        %dma_wait3A = arith.constant 0 : i32
        %dma_wait3A_34 = tpu.memref_slice %arg17[%multiple_of3A, %dma_wait3A] : memref<10000x128xf32, #tpu.memory_space<vmem_shared>> -> memref<624x128xf32, #tpu.memory_space<vmem_shared>>
        %dma_wait3A_35 = arith.constant 0 : i32
        %dma_wait3A_36 = tpu.memref_slice %arg8[%multiple_of3A, %dma_wait3A_35] : memref<10000x128xf32, #tpu.memory_space<hbm>> -> memref<624x128xf32, #tpu.memory_space<hbm>>
        tpu.wait_dma2 semaphore(%run_scoped3A : memref<!tpu.dma_semaphore, #tpu.memory_space<semaphore_mem>>) src(%dma_wait3A_36 : memref<624x128xf32, #tpu.memory_space<hbm>>) dst(%dma_wait3A_34 : memref<624x128xf32, #tpu.memory_space<vmem_shared>>)
        tpu.yield
      }) : () -> ()
      %eq3A_8 = arith.constant 15 : i32
      %eq3A_9 = arith.cmpi eq, %arg1, %eq3A_8 : i32
      %convert_element_type3A_10 = arith.extui %eq3A_9 : i1 to i32
      %cond3A_11 = arith.constant 0 : i32
      %cond3A_12 = arith.cmpi ne, %convert_element_type3A_10, %cond3A_11 : i32
      scf.if %cond3A_12 {
        "tpu.region"() ({
          %run_scoped3A = tpu.sem_alloc : memref<!tpu.dma_semaphore, #tpu.memory_space<semaphore_mem>>
          %dma_start3A_30 = arith.constant 9984 : i32
          %dma_start3A_31 = arith.constant 0 : i32
          %dma_start3A_32 = tpu.memref_slice %arg17[%dma_start3A_30, %dma_start3A_31] : memref<10000x128xf32, #tpu.memory_space<vmem_shared>> -> memref<16x128xf32, #tpu.memory_space<vmem_shared>>
          %dma_start3A_33 = arith.constant 9984 : i32
          %dma_start3A_34 = arith.constant 0 : i32
          %dma_start3A_35 = tpu.memref_slice %arg8[%dma_start3A_33, %dma_start3A_34] : memref<10000x128xf32, #tpu.memory_space<hbm>> -> memref<16x128xf32, #tpu.memory_space<hbm>>
          tpu.enqueue_dma source(%dma_start3A_35 : memref<16x128xf32, #tpu.memory_space<hbm>>) target(%dma_start3A_32 : memref<16x128xf32, #tpu.memory_space<vmem_shared>>) target_semaphore(%run_scoped3A : memref<!tpu.dma_semaphore, #tpu.memory_space<semaphore_mem>>)
          %dma_wait3A = arith.constant 9984 : i32
          %dma_wait3A_36 = arith.constant 0 : i32
          %dma_wait3A_37 = tpu.memref_slice %arg17[%dma_wait3A, %dma_wait3A_36] : memref<10000x128xf32, #tpu.memory_space<vmem_shared>> -> memref<16x128xf32, #tpu.memory_space<vmem_shared>>
          %dma_wait3A_38 = arith.constant 9984 : i32
          %dma_wait3A_39 = arith.constant 0 : i32
          %dma_wait3A_40 = tpu.memref_slice %arg8[%dma_wait3A_38, %dma_wait3A_39] : memref<10000x128xf32, #tpu.memory_space<hbm>> -> memref<16x128xf32, #tpu.memory_space<hbm>>
          tpu.wait_dma2 semaphore(%run_scoped3A : memref<!tpu.dma_semaphore, #tpu.memory_space<semaphore_mem>>) src(%dma_wait3A_40 : memref<16x128xf32, #tpu.memory_space<hbm>>) dst(%dma_wait3A_37 : memref<16x128xf32, #tpu.memory_space<vmem_shared>>)
          tpu.yield
        }) : () -> ()
      } else {
      }
      %barrier3A = arith.constant 0 : index
      tpu.barrier barrier_id(%barrier3A)
      %mul3A_13 = arith.constant 125 : i32
      %mul3A_14 = arith.muli %arg1, %mul3A_13 : i32
      "tpu.region"() ({
        %run_scoped3A = tpu.sem_alloc : memref<!tpu.dma_semaphore, #tpu.memory_space<semaphore_mem>>
        %dma_start3A_30 = arith.constant 0 : i32
        %dma_start3A_31 = tpu.memref_slice %arg4[%mul3A_14, %dma_start3A_30] : memref<2000x160xi32, #tpu.memory_space<hbm>> -> memref<1x160xi32, #tpu.memory_space<hbm>>
        %dma_start3A_32 = tpu.memref_squeeze %dma_start3A_31 : memref<1x160xi32, #tpu.memory_space<hbm>> -> memref<160xi32, #tpu.memory_space<hbm>>
        %dma_start3A_33 = arith.constant 0 : i32
        %dma_start3A_34 = tpu.memref_slice %arg4[%mul3A_14, %dma_start3A_33] : memref<2000x160xi32, #tpu.memory_space<hbm>> -> memref<1x160xi32, #tpu.memory_space<hbm>>
        %dma_start3A_35 = tpu.memref_squeeze %dma_start3A_34 : memref<1x160xi32, #tpu.memory_space<hbm>> -> memref<160xi32, #tpu.memory_space<hbm>>
        tpu.enqueue_dma source(%dma_start3A_35 : memref<160xi32, #tpu.memory_space<hbm>>) target(%arg11 : memref<160xi32, #tpu.memory_space<vmem>>) target_semaphore(%run_scoped3A : memref<!tpu.dma_semaphore, #tpu.memory_space<semaphore_mem>>)
        %dma_wait3A = arith.constant 0 : i32
        %dma_wait3A_36 = tpu.memref_slice %arg4[%mul3A_14, %dma_wait3A] : memref<2000x160xi32, #tpu.memory_space<hbm>> -> memref<1x160xi32, #tpu.memory_space<hbm>>
        %dma_wait3A_37 = tpu.memref_squeeze %dma_wait3A_36 : memref<1x160xi32, #tpu.memory_space<hbm>> -> memref<160xi32, #tpu.memory_space<hbm>>
        %dma_wait3A_38 = arith.constant 0 : i32
        %dma_wait3A_39 = tpu.memref_slice %arg4[%mul3A_14, %dma_wait3A_38] : memref<2000x160xi32, #tpu.memory_space<hbm>> -> memref<1x160xi32, #tpu.memory_space<hbm>>
        %dma_wait3A_40 = tpu.memref_squeeze %dma_wait3A_39 : memref<1x160xi32, #tpu.memory_space<hbm>> -> memref<160xi32, #tpu.memory_space<hbm>>
        tpu.wait_dma2 semaphore(%run_scoped3A : memref<!tpu.dma_semaphore, #tpu.memory_space<semaphore_mem>>) src(%dma_wait3A_40 : memref<160xi32, #tpu.memory_space<hbm>>) dst(%arg11 : memref<160xi32, #tpu.memory_space<vmem>>)
        tpu.yield
      }) : () -> ()
      "tpu.region"() ({
        %run_scoped3A = tpu.sem_alloc : memref<!tpu.dma_semaphore, #tpu.memory_space<semaphore_mem>>
        %dma_start3A_30 = arith.constant 0 : i32
        %dma_start3A_31 = tpu.memref_slice %arg5[%mul3A_14, %dma_start3A_30] : memref<2000x160xi32, #tpu.memory_space<hbm>> -> memref<1x160xi32, #tpu.memory_space<hbm>>
        %dma_start3A_32 = tpu.memref_squeeze %dma_start3A_31 : memref<1x160xi32, #tpu.memory_space<hbm>> -> memref<160xi32, #tpu.memory_space<hbm>>
        %dma_start3A_33 = arith.constant 0 : i32
        %dma_start3A_34 = tpu.memref_slice %arg5[%mul3A_14, %dma_start3A_33] : memref<2000x160xi32, #tpu.memory_space<hbm>> -> memref<1x160xi32, #tpu.memory_space<hbm>>
        %dma_start3A_35 = tpu.memref_squeeze %dma_start3A_34 : memref<1x160xi32, #tpu.memory_space<hbm>> -> memref<160xi32, #tpu.memory_space<hbm>>
        tpu.enqueue_dma source(%dma_start3A_35 : memref<160xi32, #tpu.memory_space<hbm>>) target(%arg13 : memref<160xi32, #tpu.memory_space<vmem>>) target_semaphore(%run_scoped3A : memref<!tpu.dma_semaphore, #tpu.memory_space<semaphore_mem>>)
        %dma_wait3A = arith.constant 0 : i32
        %dma_wait3A_36 = tpu.memref_slice %arg5[%mul3A_14, %dma_wait3A] : memref<2000x160xi32, #tpu.memory_space<hbm>> -> memref<1x160xi32, #tpu.memory_space<hbm>>
        %dma_wait3A_37 = tpu.memref_squeeze %dma_wait3A_36 : memref<1x160xi32, #tpu.memory_space<hbm>> -> memref<160xi32, #tpu.memory_space<hbm>>
        %dma_wait3A_38 = arith.constant 0 : i32
        %dma_wait3A_39 = tpu.memref_slice %arg5[%mul3A_14, %dma_wait3A_38] : memref<2000x160xi32, #tpu.memory_space<hbm>> -> memref<1x160xi32, #tpu.memory_space<hbm>>
        %dma_wait3A_40 = tpu.memref_squeeze %dma_wait3A_39 : memref<1x160xi32, #tpu.memory_space<hbm>> -> memref<160xi32, #tpu.memory_space<hbm>>
        tpu.wait_dma2 semaphore(%run_scoped3A : memref<!tpu.dma_semaphore, #tpu.memory_space<semaphore_mem>>) src(%dma_wait3A_40 : memref<160xi32, #tpu.memory_space<hbm>>) dst(%arg13 : memref<160xi32, #tpu.memory_space<vmem>>)
        tpu.yield
      }) : () -> ()
      %dma_start3A = arith.constant 0 : i32
      %dma_start3A_15 = arith.constant 0 : i32
      %dma_start3A_16 = tpu.memref_slice %arg7[%dma_start3A, %dma_start3A_15] : memref<10000x128xf32, #tpu.memory_space<hbm>> -> memref<10000x128xf32, #tpu.memory_space<hbm>>
      tpu.enqueue_indirect_dma source(%dma_start3A_16 : memref<10000x128xf32, #tpu.memory_space<hbm>>) target(%arg15 : memref<160x128xf32, #tpu.memory_space<vmem>>) offsets(%arg11 : memref<160xi32, #tpu.memory_space<vmem>>) semaphore(%arg18 : memref<!tpu.dma_semaphore, #tpu.memory_space<semaphore_mem>>)
      %scan3A = arith.constant 0 : i32
      %scan3A_17 = arith.constant 125 : i32
      %scan3A_18 = arith.addi %scan3A, %scan3A_17 : i32
      %scan3A_19 = arith.constant 1 : i32
      scf.for %scan3A_30 = %scan3A to %scan3A_18 step %scan3A_19  : i32 {
        %mul3A_31 = arith.constant 1 : i32
        %mul3A_32 = arith.muli %scan3A_30, %mul3A_31 : i32
        %add3A = arith.constant 0 : i32
        %add3A_33 = arith.addi %add3A, %mul3A_32 : i32
        %rem3A = arith.constant 2 : i32
        %rem3A_34 = arith.remsi %add3A_33, %rem3A : i32
        %eq3A_35 = arith.constant 0 : i32
        %eq3A_36 = arith.cmpi eq, %rem3A_34, %eq3A_35 : i32
        %convert_element_type3A_37 = arith.extui %eq3A_36 : i1 to i32
        %cond3A_38 = arith.constant 0 : i32
        %cond3A_39 = arith.cmpi ne, %convert_element_type3A_37, %cond3A_38 : i32
        scf.if %cond3A_39 {
          %add3A_45 = arith.constant 1 : i32
          %add3A_46 = arith.addi %add3A_33, %add3A_45 : i32
          %lt3A = arith.constant 125 : i32
          %lt3A_47 = arith.cmpi slt, %add3A_46, %lt3A : i32
          %convert_element_type3A_48 = arith.extui %lt3A_47 : i1 to i32
          %cond3A_49 = arith.constant 0 : i32
          %cond3A_50 = arith.cmpi ne, %convert_element_type3A_48, %cond3A_49 : i32
          scf.if %cond3A_50 {
            %add3A_60 = arith.addi %mul3A_14, %add3A_33 : i32
            %add3A_61 = arith.constant 1 : i32
            %add3A_62 = arith.addi %add3A_60, %add3A_61 : i32
            %dma_start3A_63 = arith.constant 0 : i32
            %dma_start3A_64 = tpu.memref_slice %arg4[%add3A_62, %dma_start3A_63] : memref<2000x160xi32, #tpu.memory_space<hbm>> -> memref<1x160xi32, #tpu.memory_space<hbm>>
            %dma_start3A_65 = tpu.memref_squeeze %dma_start3A_64 : memref<1x160xi32, #tpu.memory_space<hbm>> -> memref<160xi32, #tpu.memory_space<hbm>>
            %dma_start3A_66 = arith.constant 0 : i32
            %dma_start3A_67 = tpu.memref_slice %arg4[%add3A_62, %dma_start3A_66] : memref<2000x160xi32, #tpu.memory_space<hbm>> -> memref<1x160xi32, #tpu.memory_space<hbm>>
            %dma_start3A_68 = tpu.memref_squeeze %dma_start3A_67 : memref<1x160xi32, #tpu.memory_space<hbm>> -> memref<160xi32, #tpu.memory_space<hbm>>
            tpu.enqueue_dma source(%dma_start3A_68 : memref<160xi32, #tpu.memory_space<hbm>>) target(%arg12 : memref<160xi32, #tpu.memory_space<vmem>>) target_semaphore(%arg19 : memref<!tpu.dma_semaphore, #tpu.memory_space<semaphore_mem>>)
            %add3A_69 = arith.addi %mul3A_14, %add3A_33 : i32
            %add3A_70 = arith.constant 1 : i32
            %add3A_71 = arith.addi %add3A_69, %add3A_70 : i32
            %dma_start3A_72 = arith.constant 0 : i32
            %dma_start3A_73 = tpu.memref_slice %arg5[%add3A_71, %dma_start3A_72] : memref<2000x160xi32, #tpu.memory_space<hbm>> -> memref<1x160xi32, #tpu.memory_space<hbm>>
            %dma_start3A_74 = tpu.memref_squeeze %dma_start3A_73 : memref<1x160xi32, #tpu.memory_space<hbm>> -> memref<160xi32, #tpu.memory_space<hbm>>
            %dma_start3A_75 = arith.constant 0 : i32
            %dma_start3A_76 = tpu.memref_slice %arg5[%add3A_71, %dma_start3A_75] : memref<2000x160xi32, #tpu.memory_space<hbm>> -> memref<1x160xi32, #tpu.memory_space<hbm>>
            %dma_start3A_77 = tpu.memref_squeeze %dma_start3A_76 : memref<1x160xi32, #tpu.memory_space<hbm>> -> memref<160xi32, #tpu.memory_space<hbm>>
            tpu.enqueue_dma source(%dma_start3A_77 : memref<160xi32, #tpu.memory_space<hbm>>) target(%arg14 : memref<160xi32, #tpu.memory_space<vmem>>) target_semaphore(%arg19 : memref<!tpu.dma_semaphore, #tpu.memory_space<semaphore_mem>>)
          } else {
          }
          %dma_wait3A = arith.constant 0 : i32
          %dma_wait3A_51 = arith.constant 0 : i32
          %dma_wait3A_52 = tpu.memref_slice %arg7[%dma_wait3A, %dma_wait3A_51] : memref<10000x128xf32, #tpu.memory_space<hbm>> -> memref<10000x128xf32, #tpu.memory_space<hbm>>
          tpu.wait_indirect_dma semaphore(%arg18 : memref<!tpu.dma_semaphore, #tpu.memory_space<semaphore_mem>>) src(%dma_wait3A_52 : memref<10000x128xf32, #tpu.memory_space<hbm>>) dst(%arg15 : memref<160x128xf32, #tpu.memory_space<vmem>>)
          %add3A_53 = arith.constant 1 : i32
          %add3A_54 = arith.addi %add3A_33, %add3A_53 : i32
          %lt3A_55 = arith.constant 125 : i32
          %lt3A_56 = arith.cmpi slt, %add3A_54, %lt3A_55 : i32
          %convert_element_type3A_57 = arith.extui %lt3A_56 : i1 to i32
          %cond3A_58 = arith.constant 0 : i32
          %cond3A_59 = arith.cmpi ne, %convert_element_type3A_57, %cond3A_58 : i32
          scf.if %cond3A_59 {
            %add3A_60 = arith.addi %mul3A_14, %add3A_33 : i32
            %add3A_61 = arith.constant 1 : i32
            %add3A_62 = arith.addi %add3A_60, %add3A_61 : i32
            %dma_wait3A_63 = arith.constant 0 : i32
            %dma_wait3A_64 = tpu.memref_slice %arg4[%add3A_62, %dma_wait3A_63] : memref<2000x160xi32, #tpu.memory_space<hbm>> -> memref<1x160xi32, #tpu.memory_space<hbm>>
            %dma_wait3A_65 = tpu.memref_squeeze %dma_wait3A_64 : memref<1x160xi32, #tpu.memory_space<hbm>> -> memref<160xi32, #tpu.memory_space<hbm>>
            %dma_wait3A_66 = arith.constant 0 : i32
            %dma_wait3A_67 = tpu.memref_slice %arg4[%add3A_62, %dma_wait3A_66] : memref<2000x160xi32, #tpu.memory_space<hbm>> -> memref<1x160xi32, #tpu.memory_space<hbm>>
            %dma_wait3A_68 = tpu.memref_squeeze %dma_wait3A_67 : memref<1x160xi32, #tpu.memory_space<hbm>> -> memref<160xi32, #tpu.memory_space<hbm>>
            tpu.wait_dma2 semaphore(%arg19 : memref<!tpu.dma_semaphore, #tpu.memory_space<semaphore_mem>>) src(%dma_wait3A_68 : memref<160xi32, #tpu.memory_space<hbm>>) dst(%arg12 : memref<160xi32, #tpu.memory_space<vmem>>)
            %add3A_69 = arith.addi %mul3A_14, %add3A_33 : i32
            %add3A_70 = arith.constant 1 : i32
            %add3A_71 = arith.addi %add3A_69, %add3A_70 : i32
            %dma_wait3A_72 = arith.constant 0 : i32
            %dma_wait3A_73 = tpu.memref_slice %arg5[%add3A_71, %dma_wait3A_72] : memref<2000x160xi32, #tpu.memory_space<hbm>> -> memref<1x160xi32, #tpu.memory_space<hbm>>
            %dma_wait3A_74 = tpu.memref_squeeze %dma_wait3A_73 : memref<1x160xi32, #tpu.memory_space<hbm>> -> memref<160xi32, #tpu.memory_space<hbm>>
            %dma_wait3A_75 = arith.constant 0 : i32
            %dma_wait3A_76 = tpu.memref_slice %arg5[%add3A_71, %dma_wait3A_75] : memref<2000x160xi32, #tpu.memory_space<hbm>> -> memref<1x160xi32, #tpu.memory_space<hbm>>
            %dma_wait3A_77 = tpu.memref_squeeze %dma_wait3A_76 : memref<1x160xi32, #tpu.memory_space<hbm>> -> memref<160xi32, #tpu.memory_space<hbm>>
            tpu.wait_dma2 semaphore(%arg19 : memref<!tpu.dma_semaphore, #tpu.memory_space<semaphore_mem>>) src(%dma_wait3A_77 : memref<160xi32, #tpu.memory_space<hbm>>) dst(%arg14 : memref<160xi32, #tpu.memory_space<vmem>>)
            %dma_start3A_78 = arith.constant 0 : i32
            %dma_start3A_79 = arith.constant 0 : i32
            %dma_start3A_80 = tpu.memref_slice %arg7[%dma_start3A_78, %dma_start3A_79] : memref<10000x128xf32, #tpu.memory_space<hbm>> -> memref<10000x128xf32, #tpu.memory_space<hbm>>
            tpu.enqueue_indirect_dma source(%dma_start3A_80 : memref<10000x128xf32, #tpu.memory_space<hbm>>) target(%arg16 : memref<160x128xf32, #tpu.memory_space<vmem>>) offsets(%arg12 : memref<160xi32, #tpu.memory_space<vmem>>) semaphore(%arg18 : memref<!tpu.dma_semaphore, #tpu.memory_space<semaphore_mem>>)
          } else {
          }
          "tpu.region"() ({
            %run_scoped3A = tpu.sem_alloc : memref<!tpu.dma_semaphore, #tpu.memory_space<semaphore_mem>>
            %dma_start3A_60 = arith.constant 0 : i32
            %dma_start3A_61 = arith.constant 0 : i32
            %dma_start3A_62 = tpu.memref_slice %arg17[%dma_start3A_60, %dma_start3A_61] : memref<10000x128xf32, #tpu.memory_space<vmem_shared>> -> memref<10000x128xf32, #tpu.memory_space<vmem_shared>>
            tpu.enqueue_indirect_dma source(%arg15 : memref<160x128xf32, #tpu.memory_space<vmem>>) target(%dma_start3A_62 : memref<10000x128xf32, #tpu.memory_space<vmem_shared>>) offsets(%arg13 : memref<160xi32, #tpu.memory_space<vmem>>) semaphore(%run_scoped3A : memref<!tpu.dma_semaphore, #tpu.memory_space<semaphore_mem>>) {add = true}
            %dma_wait3A_63 = arith.constant 0 : i32
            %dma_wait3A_64 = arith.constant 0 : i32
            %dma_wait3A_65 = tpu.memref_slice %arg17[%dma_wait3A_63, %dma_wait3A_64] : memref<10000x128xf32, #tpu.memory_space<vmem_shared>> -> memref<10000x128xf32, #tpu.memory_space<vmem_shared>>
            tpu.wait_indirect_dma semaphore(%run_scoped3A : memref<!tpu.dma_semaphore, #tpu.memory_space<semaphore_mem>>) src(%arg15 : memref<160x128xf32, #tpu.memory_space<vmem>>) dst(%dma_wait3A_65 : memref<10000x128xf32, #tpu.memory_space<vmem_shared>>)
            tpu.yield
          }) : () -> ()
        } else {
        }
        %eq3A_40 = arith.constant 1 : i32
        %eq3A_41 = arith.cmpi eq, %rem3A_34, %eq3A_40 : i32
        %convert_element_type3A_42 = arith.extui %eq3A_41 : i1 to i32
        %cond3A_43 = arith.constant 0 : i32
        %cond3A_44 = arith.cmpi ne, %convert_element_type3A_42, %cond3A_43 : i32
        scf.if %cond3A_44 {
          %add3A_45 = arith.constant 1 : i32
          %add3A_46 = arith.addi %add3A_33, %add3A_45 : i32
          %lt3A = arith.constant 125 : i32
          %lt3A_47 = arith.cmpi slt, %add3A_46, %lt3A : i32
          %convert_element_type3A_48 = arith.extui %lt3A_47 : i1 to i32
          %cond3A_49 = arith.constant 0 : i32
          %cond3A_50 = arith.cmpi ne, %convert_element_type3A_48, %cond3A_49 : i32
          scf.if %cond3A_50 {
            %add3A_60 = arith.addi %mul3A_14, %add3A_33 : i32
            %add3A_61 = arith.constant 1 : i32
            %add3A_62 = arith.addi %add3A_60, %add3A_61 : i32
            %dma_start3A_63 = arith.constant 0 : i32
            %dma_start3A_64 = tpu.memref_slice %arg4[%add3A_62, %dma_start3A_63] : memref<2000x160xi32, #tpu.memory_space<hbm>> -> memref<1x160xi32, #tpu.memory_space<hbm>>
            %dma_start3A_65 = tpu.memref_squeeze %dma_start3A_64 : memref<1x160xi32, #tpu.memory_space<hbm>> -> memref<160xi32, #tpu.memory_space<hbm>>
            %dma_start3A_66 = arith.constant 0 : i32
            %dma_start3A_67 = tpu.memref_slice %arg4[%add3A_62, %dma_start3A_66] : memref<2000x160xi32, #tpu.memory_space<hbm>> -> memref<1x160xi32, #tpu.memory_space<hbm>>
            %dma_start3A_68 = tpu.memref_squeeze %dma_start3A_67 : memref<1x160xi32, #tpu.memory_space<hbm>> -> memref<160xi32, #tpu.memory_space<hbm>>
            tpu.enqueue_dma source(%dma_start3A_68 : memref<160xi32, #tpu.memory_space<hbm>>) target(%arg11 : memref<160xi32, #tpu.memory_space<vmem>>) target_semaphore(%arg19 : memref<!tpu.dma_semaphore, #tpu.memory_space<semaphore_mem>>)
            %add3A_69 = arith.addi %mul3A_14, %add3A_33 : i32
            %add3A_70 = arith.constant 1 : i32
            %add3A_71 = arith.addi %add3A_69, %add3A_70 : i32
            %dma_start3A_72 = arith.constant 0 : i32
            %dma_start3A_73 = tpu.memref_slice %arg5[%add3A_71, %dma_start3A_72] : memref<2000x160xi32, #tpu.memory_space<hbm>> -> memref<1x160xi32, #tpu.memory_space<hbm>>
            %dma_start3A_74 = tpu.memref_squeeze %dma_start3A_73 : memref<1x160xi32, #tpu.memory_space<hbm>> -> memref<160xi32, #tpu.memory_space<hbm>>
            %dma_start3A_75 = arith.constant 0 : i32
            %dma_start3A_76 = tpu.memref_slice %arg5[%add3A_71, %dma_start3A_75] : memref<2000x160xi32, #tpu.memory_space<hbm>> -> memref<1x160xi32, #tpu.memory_space<hbm>>
            %dma_start3A_77 = tpu.memref_squeeze %dma_start3A_76 : memref<1x160xi32, #tpu.memory_space<hbm>> -> memref<160xi32, #tpu.memory_space<hbm>>
            tpu.enqueue_dma source(%dma_start3A_77 : memref<160xi32, #tpu.memory_space<hbm>>) target(%arg13 : memref<160xi32, #tpu.memory_space<vmem>>) target_semaphore(%arg19 : memref<!tpu.dma_semaphore, #tpu.memory_space<semaphore_mem>>)
          } else {
          }
          %dma_wait3A = arith.constant 0 : i32
          %dma_wait3A_51 = arith.constant 0 : i32
          %dma_wait3A_52 = tpu.memref_slice %arg7[%dma_wait3A, %dma_wait3A_51] : memref<10000x128xf32, #tpu.memory_space<hbm>> -> memref<10000x128xf32, #tpu.memory_space<hbm>>
          tpu.wait_indirect_dma semaphore(%arg18 : memref<!tpu.dma_semaphore, #tpu.memory_space<semaphore_mem>>) src(%dma_wait3A_52 : memref<10000x128xf32, #tpu.memory_space<hbm>>) dst(%arg16 : memref<160x128xf32, #tpu.memory_space<vmem>>)
          %add3A_53 = arith.constant 1 : i32
          %add3A_54 = arith.addi %add3A_33, %add3A_53 : i32
          %lt3A_55 = arith.constant 125 : i32
          %lt3A_56 = arith.cmpi slt, %add3A_54, %lt3A_55 : i32
          %convert_element_type3A_57 = arith.extui %lt3A_56 : i1 to i32
          %cond3A_58 = arith.constant 0 : i32
          %cond3A_59 = arith.cmpi ne, %convert_element_type3A_57, %cond3A_58 : i32
          scf.if %cond3A_59 {
            %add3A_60 = arith.addi %mul3A_14, %add3A_33 : i32
            %add3A_61 = arith.constant 1 : i32
            %add3A_62 = arith.addi %add3A_60, %add3A_61 : i32
            %dma_wait3A_63 = arith.constant 0 : i32
            %dma_wait3A_64 = tpu.memref_slice %arg4[%add3A_62, %dma_wait3A_63] : memref<2000x160xi32, #tpu.memory_space<hbm>> -> memref<1x160xi32, #tpu.memory_space<hbm>>
            %dma_wait3A_65 = tpu.memref_squeeze %dma_wait3A_64 : memref<1x160xi32, #tpu.memory_space<hbm>> -> memref<160xi32, #tpu.memory_space<hbm>>
            %dma_wait3A_66 = arith.constant 0 : i32
            %dma_wait3A_67 = tpu.memref_slice %arg4[%add3A_62, %dma_wait3A_66] : memref<2000x160xi32, #tpu.memory_space<hbm>> -> memref<1x160xi32, #tpu.memory_space<hbm>>
            %dma_wait3A_68 = tpu.memref_squeeze %dma_wait3A_67 : memref<1x160xi32, #tpu.memory_space<hbm>> -> memref<160xi32, #tpu.memory_space<hbm>>
            tpu.wait_dma2 semaphore(%arg19 : memref<!tpu.dma_semaphore, #tpu.memory_space<semaphore_mem>>) src(%dma_wait3A_68 : memref<160xi32, #tpu.memory_space<hbm>>) dst(%arg11 : memref<160xi32, #tpu.memory_space<vmem>>)
            %add3A_69 = arith.addi %mul3A_14, %add3A_33 : i32
            %add3A_70 = arith.constant 1 : i32
            %add3A_71 = arith.addi %add3A_69, %add3A_70 : i32
            %dma_wait3A_72 = arith.constant 0 : i32
            %dma_wait3A_73 = tpu.memref_slice %arg5[%add3A_71, %dma_wait3A_72] : memref<2000x160xi32, #tpu.memory_space<hbm>> -> memref<1x160xi32, #tpu.memory_space<hbm>>
            %dma_wait3A_74 = tpu.memref_squeeze %dma_wait3A_73 : memref<1x160xi32, #tpu.memory_space<hbm>> -> memref<160xi32, #tpu.memory_space<hbm>>
            %dma_wait3A_75 = arith.constant 0 : i32
            %dma_wait3A_76 = tpu.memref_slice %arg5[%add3A_71, %dma_wait3A_75] : memref<2000x160xi32, #tpu.memory_space<hbm>> -> memref<1x160xi32, #tpu.memory_space<hbm>>
            %dma_wait3A_77 = tpu.memref_squeeze %dma_wait3A_76 : memref<1x160xi32, #tpu.memory_space<hbm>> -> memref<160xi32, #tpu.memory_space<hbm>>
            tpu.wait_dma2 semaphore(%arg19 : memref<!tpu.dma_semaphore, #tpu.memory_space<semaphore_mem>>) src(%dma_wait3A_77 : memref<160xi32, #tpu.memory_space<hbm>>) dst(%arg13 : memref<160xi32, #tpu.memory_space<vmem>>)
            %dma_start3A_78 = arith.constant 0 : i32
            %dma_start3A_79 = arith.constant 0 : i32
            %dma_start3A_80 = tpu.memref_slice %arg7[%dma_start3A_78, %dma_start3A_79] : memref<10000x128xf32, #tpu.memory_space<hbm>> -> memref<10000x128xf32, #tpu.memory_space<hbm>>
            tpu.enqueue_indirect_dma source(%dma_start3A_80 : memref<10000x128xf32, #tpu.memory_space<hbm>>) target(%arg15 : memref<160x128xf32, #tpu.memory_space<vmem>>) offsets(%arg11 : memref<160xi32, #tpu.memory_space<vmem>>) semaphore(%arg18 : memref<!tpu.dma_semaphore, #tpu.memory_space<semaphore_mem>>)
          } else {
          }
          "tpu.region"() ({
            %run_scoped3A = tpu.sem_alloc : memref<!tpu.dma_semaphore, #tpu.memory_space<semaphore_mem>>
            %dma_start3A_60 = arith.constant 0 : i32
            %dma_start3A_61 = arith.constant 0 : i32
            %dma_start3A_62 = tpu.memref_slice %arg17[%dma_start3A_60, %dma_start3A_61] : memref<10000x128xf32, #tpu.memory_space<vmem_shared>> -> memref<10000x128xf32, #tpu.memory_space<vmem_shared>>
            tpu.enqueue_indirect_dma source(%arg16 : memref<160x128xf32, #tpu.memory_space<vmem>>) target(%dma_start3A_62 : memref<10000x128xf32, #tpu.memory_space<vmem_shared>>) offsets(%arg14 : memref<160xi32, #tpu.memory_space<vmem>>) semaphore(%run_scoped3A : memref<!tpu.dma_semaphore, #tpu.memory_space<semaphore_mem>>) {add = true}
            %dma_wait3A_63 = arith.constant 0 : i32
            %dma_wait3A_64 = arith.constant 0 : i32
            %dma_wait3A_65 = tpu.memref_slice %arg17[%dma_wait3A_63, %dma_wait3A_64] : memref<10000x128xf32, #tpu.memory_space<vmem_shared>> -> memref<10000x128xf32, #tpu.memory_space<vmem_shared>>
            tpu.wait_indirect_dma semaphore(%run_scoped3A : memref<!tpu.dma_semaphore, #tpu.memory_space<semaphore_mem>>) src(%arg16 : memref<160x128xf32, #tpu.memory_space<vmem>>) dst(%dma_wait3A_65 : memref<10000x128xf32, #tpu.memory_space<vmem_shared>>)
            tpu.yield
          }) : () -> ()
        } else {
        }
      }
      %scan3A_20 = arith.constant 125 : i32
      %barrier3A_21 = arith.constant 0 : index
      tpu.barrier barrier_id(%barrier3A_21)
      %mul3A_22 = arith.constant 624 : i32
      %mul3A_23 = arith.muli %arg1, %mul3A_22 : i32
      %multiple_of3A_24 = tpu.assume_multiple %mul3A_23, 8 : i32
      "tpu.region"() ({
        %run_scoped3A = tpu.sem_alloc : memref<!tpu.dma_semaphore, #tpu.memory_space<semaphore_mem>>
        %dma_start3A_30 = arith.constant 0 : i32
        %dma_start3A_31 = tpu.memref_slice %arg10[%multiple_of3A_24, %dma_start3A_30] : memref<10000x128xf32, #tpu.memory_space<hbm>> -> memref<624x128xf32, #tpu.memory_space<hbm>>
        %dma_start3A_32 = arith.constant 0 : i32
        %dma_start3A_33 = tpu.memref_slice %arg17[%multiple_of3A_24, %dma_start3A_32] : memref<10000x128xf32, #tpu.memory_space<vmem_shared>> -> memref<624x128xf32, #tpu.memory_space<vmem_shared>>
        tpu.enqueue_dma source(%dma_start3A_33 : memref<624x128xf32, #tpu.memory_space<vmem_shared>>) target(%dma_start3A_31 : memref<624x128xf32, #tpu.memory_space<hbm>>) target_semaphore(%run_scoped3A : memref<!tpu.dma_semaphore, #tpu.memory_space<semaphore_mem>>)
        %dma_wait3A = arith.constant 0 : i32
        %dma_wait3A_34 = tpu.memref_slice %arg10[%multiple_of3A_24, %dma_wait3A] : memref<10000x128xf32, #tpu.memory_space<hbm>> -> memref<624x128xf32, #tpu.memory_space<hbm>>
        %dma_wait3A_35 = arith.constant 0 : i32
        %dma_wait3A_36 = tpu.memref_slice %arg17[%multiple_of3A_24, %dma_wait3A_35] : memref<10000x128xf32, #tpu.memory_space<vmem_shared>> -> memref<624x128xf32, #tpu.memory_space<vmem_shared>>
        tpu.wait_dma2 semaphore(%run_scoped3A : memref<!tpu.dma_semaphore, #tpu.memory_space<semaphore_mem>>) src(%dma_wait3A_36 : memref<624x128xf32, #tpu.memory_space<vmem_shared>>) dst(%dma_wait3A_34 : memref<624x128xf32, #tpu.memory_space<hbm>>)
        tpu.yield
      }) : () -> ()
      %eq3A_25 = arith.constant 15 : i32
      %eq3A_26 = arith.cmpi eq, %arg1, %eq3A_25 : i32
      %convert_element_type3A_27 = arith.extui %eq3A_26 : i1 to i32
      %cond3A_28 = arith.constant 0 : i32
      %cond3A_29 = arith.cmpi ne, %convert_element_type3A_27, %cond3A_28 : i32
      scf.if %cond3A_29 {
        "tpu.region"() ({
          %run_scoped3A = tpu.sem_alloc : memref<!tpu.dma_semaphore, #tpu.memory_space<semaphore_mem>>
          %dma_start3A_30 = arith.constant 9984 : i32
          %dma_start3A_31 = arith.constant 0 : i32
          %dma_start3A_32 = tpu.memref_slice %arg10[%dma_start3A_30, %dma_start3A_31] : memref<10000x128xf32, #tpu.memory_space<hbm>> -> memref<16x128xf32, #tpu.memory_space<hbm>>
          %dma_start3A_33 = arith.constant 9984 : i32
          %dma_start3A_34 = arith.constant 0 : i32
          %dma_start3A_35 = tpu.memref_slice %arg17[%dma_start3A_33, %dma_start3A_34] : memref<10000x128xf32, #tpu.memory_space<vmem_shared>> -> memref<16x128xf32, #tpu.memory_space<vmem_shared>>
          tpu.enqueue_dma source(%dma_start3A_35 : memref<16x128xf32, #tpu.memory_space<vmem_shared>>) target(%dma_start3A_32 : memref<16x128xf32, #tpu.memory_space<hbm>>) target_semaphore(%run_scoped3A : memref<!tpu.dma_semaphore, #tpu.memory_space<semaphore_mem>>)
          %dma_wait3A = arith.constant 9984 : i32
          %dma_wait3A_36 = arith.constant 0 : i32
          %dma_wait3A_37 = tpu.memref_slice %arg10[%dma_wait3A, %dma_wait3A_36] : memref<10000x128xf32, #tpu.memory_space<hbm>> -> memref<16x128xf32, #tpu.memory_space<hbm>>
          %dma_wait3A_38 = arith.constant 9984 : i32
          %dma_wait3A_39 = arith.constant 0 : i32
          %dma_wait3A_40 = tpu.memref_slice %arg17[%dma_wait3A_38, %dma_wait3A_39] : memref<10000x128xf32, #tpu.memory_space<vmem_shared>> -> memref<16x128xf32, #tpu.memory_space<vmem_shared>>
          tpu.wait_dma2 semaphore(%run_scoped3A : memref<!tpu.dma_semaphore, #tpu.memory_space<semaphore_mem>>) src(%dma_wait3A_40 : memref<16x128xf32, #tpu.memory_space<vmem_shared>>) dst(%dma_wait3A_37 : memref<16x128xf32, #tpu.memory_space<hbm>>)
          tpu.yield
        }) : () -> ()
      } else {
      }
    } else {
    }
    return
  }
}

module attributes {stable_mosaic.version = 14 : i64} {
  func.func @_mm_g_body(%arg0: i32, %arg1: i32, %arg2: memref<1x1000x128xf32, #tpu.memory_space<vmem>>, %arg3: memref<128x128xf32, #tpu.memory_space<vmem>>, %arg4: memref<1x1000x128xf32, #tpu.memory_space<vmem>>, %arg5: memref<1x1000x128xf32, #tpu.memory_space<vmem>>, %arg6: memref<1x1000x128xf32, #tpu.memory_space<vmem>>) attributes {dimension_semantics = [#tpu.dimension_semantics<arbitrary>, #tpu.dimension_semantics<arbitrary>], iteration_bounds = array<i64: 2, 10>, scalar_prefetch = 0 : i64, scratch_operands = 0 : i64, tpu.core_type = #tpu.core_type<tc>, window_params = [{transform_indices = @transform_0, window_bounds = array<i64: 1, 1000, 128>}, {pipeline_mode = #tpu.pipeline_mode<synchronous>, transform_indices = @transform_1, window_bounds = array<i64: 128, 128>}, {transform_indices = @transform_2, window_bounds = array<i64: 1, 1000, 128>}, {transform_indices = @transform_3, window_bounds = array<i64: 1, 1000, 128>}, {transform_indices = @transform_4, window_bounds = array<i64: 1, 1000, 128>}]} {
    %get3A = arith.constant 0 : index
    %get3A_0 = arith.constant 0 : index
    %get3A_1 = arith.constant 0 : index
    %get3A_2 = vector.load %arg2[%get3A, %get3A_0, %get3A_1] : memref<1x1000x128xf32, #tpu.memory_space<vmem>>, vector<1x1000x128xf32>
    %get3A_3 = vector.shape_cast %get3A_2 : vector<1x1000x128xf32> to vector<1000x128xf32>
    %get3A_4 = arith.constant 0 : index
    %get3A_5 = arith.constant 0 : index
    %get3A_6 = vector.load %arg3[%get3A_4, %get3A_5] : memref<128x128xf32, #tpu.memory_space<vmem>>, vector<128x128xf32>
    %dot_general3A = arith.constant dense<0.000000e+00> : vector<1000x128xf32>
    %dot_general3A_7 = tpu.matmul %get3A_3, %get3A_6, %dot_general3A {dimension_numbers = #tpu.dot_dimension_numbers<[1], [0], [0], [1], [0, 0, 1, 1], [], []>, transpose_lhs_hint = false} : vector<1000x128xf32>, vector<128x128xf32>, vector<1000x128xf32> -> vector<1000x128xf32>
    %get3A_8 = arith.constant 0 : index
    %get3A_9 = arith.constant 0 : index
    %get3A_10 = arith.constant 0 : index
    %get3A_11 = vector.load %arg4[%get3A_8, %get3A_9, %get3A_10] : memref<1x1000x128xf32, #tpu.memory_space<vmem>>, vector<1x1000x128xf32>
    %get3A_12 = vector.shape_cast %get3A_11 : vector<1x1000x128xf32> to vector<1000x128xf32>
    %slice3A = vector.extract_strided_slice %get3A_12 {offsets = [0, 0], sizes = [1000, 1], strides = [1, 1]} : vector<1000x128xf32> to vector<1000x1xf32>
    %add3A = arith.constant 1.000000e+00 : f32
    %add3A_13 = vector.broadcast %add3A : f32 to vector<1000x1xf32>
    %add3A_14 = arith.addf %slice3A, %add3A_13 : vector<1000x1xf32>
    %rsqrt3A = math.rsqrt %add3A_14 : vector<1000x1xf32>
    %swap3A = arith.constant 0 : index
    %swap3A_15 = arith.constant 0 : index
    %swap3A_16 = arith.constant 0 : index
    %swap3A_17 = vector.load %arg5[%swap3A, %swap3A_15, %swap3A_16] : memref<1x1000x128xf32, #tpu.memory_space<vmem>>, vector<1x1000x128xf32>
    %swap3A_18 = vector.shape_cast %swap3A_17 : vector<1x1000x128xf32> to vector<1000x128xf32>
    %swap3A_19 = vector.shape_cast %dot_general3A_7 : vector<1000x128xf32> to vector<1x1000x128xf32>
    tpu.vector_store %arg5[%swap3A, %swap3A_15, %swap3A_16], %swap3A_19 {strides = array<i32>} : memref<1x1000x128xf32, #tpu.memory_space<vmem>>, vector<1x1000x128xf32>,
    %mul3A = vector.broadcast %rsqrt3A : vector<1000x1xf32> to vector<1000x128xf32>
    %mul3A_20 = arith.mulf %dot_general3A_7, %mul3A : vector<1000x128xf32>
    %swap3A_21 = arith.constant 0 : index
    %swap3A_22 = arith.constant 0 : index
    %swap3A_23 = arith.constant 0 : index
    %swap3A_24 = vector.load %arg6[%swap3A_21, %swap3A_22, %swap3A_23] : memref<1x1000x128xf32, #tpu.memory_space<vmem>>, vector<1x1000x128xf32>
    %swap3A_25 = vector.shape_cast %swap3A_24 : vector<1x1000x128xf32> to vector<1000x128xf32>
    %swap3A_26 = vector.shape_cast %mul3A_20 : vector<1000x128xf32> to vector<1x1000x128xf32>
    tpu.vector_store %arg6[%swap3A_21, %swap3A_22, %swap3A_23], %swap3A_26 {strides = array<i32>} : memref<1x1000x128xf32, #tpu.memory_space<vmem>>, vector<1x1000x128xf32>,
    return
  }
  func.func @transform_0(%arg0: i32, %arg1: i32) -> (i32, i32, i32) {
    %c0_i32 = arith.constant 0 : i32
    %c0_i32_0 = arith.constant 0 : i32
    return %arg0, %arg1, %c0_i32 : i32, i32, i32
  }
  func.func @transform_1(%arg0: i32, %arg1: i32) -> (i32, i32) {
    %c0_i32 = arith.constant 0 : i32
    %c0_i32_0 = arith.constant 0 : i32
    %c0_i32_1 = arith.constant 0 : i32
    return %c0_i32, %c0_i32_0 : i32, i32
  }
  func.func @transform_2(%arg0: i32, %arg1: i32) -> (i32, i32, i32) {
    %c0_i32 = arith.constant 0 : i32
    %c0_i32_0 = arith.constant 0 : i32
    return %arg0, %arg1, %c0_i32 : i32, i32, i32
  }
  func.func @transform_3(%arg0: i32, %arg1: i32) -> (i32, i32, i32) {
    %c0_i32 = arith.constant 0 : i32
    %c0_i32_0 = arith.constant 0 : i32
    return %arg0, %arg1, %c0_i32 : i32, i32, i32
  }
  func.func @transform_4(%arg0: i32, %arg1: i32) -> (i32, i32, i32) {
    %c0_i32 = arith.constant 0 : i32
    %c0_i32_0 = arith.constant 0 : i32
    return %arg0, %arg1, %c0_i32 : i32, i32, i32
  }
}

module attributes {stable_mosaic.version = 14 : i64} {
  func.func @_fused_body(%arg0: i32, %arg1: i32, %arg2: memref<1x1000x128xf32, #tpu.memory_space<vmem>>, %arg3: memref<1x1000x128xf32, #tpu.memory_space<vmem>>, %arg4: memref<1x1000x128xf32, #tpu.memory_space<vmem>>, %arg5: memref<1x128xf32, #tpu.memory_space<vmem>>, %arg6: memref<128x128xf32, #tpu.memory_space<vmem>>, %arg7: memref<1x1000x128xf32, #tpu.memory_space<vmem>>, %arg8: memref<1x1000x128xf32, #tpu.memory_space<vmem>>) attributes {dimension_semantics = [#tpu.dimension_semantics<arbitrary>, #tpu.dimension_semantics<arbitrary>], iteration_bounds = array<i64: 2, 10>, scalar_prefetch = 0 : i64, scratch_operands = 0 : i64, tpu.core_type = #tpu.core_type<tc>, window_params = [{transform_indices = @transform_0, window_bounds = array<i64: 1, 1000, 128>}, {transform_indices = @transform_1, window_bounds = array<i64: 1, 1000, 128>}, {transform_indices = @transform_2, window_bounds = array<i64: 1, 1000, 128>}, {pipeline_mode = #tpu.pipeline_mode<synchronous>, transform_indices = @transform_3, window_bounds = array<i64: 1, 128>}, {pipeline_mode = #tpu.pipeline_mode<synchronous>, transform_indices = @transform_4, window_bounds = array<i64: 128, 128>}, {transform_indices = @transform_5, window_bounds = array<i64: 1, 1000, 128>}, {transform_indices = @transform_6, window_bounds = array<i64: 1, 1000, 128>}]} {
    %get3A = arith.constant 0 : index
    %get3A_0 = arith.constant 0 : index
    %get3A_1 = arith.constant 0 : index
    %get3A_2 = vector.load %arg4[%get3A, %get3A_0, %get3A_1] : memref<1x1000x128xf32, #tpu.memory_space<vmem>>, vector<1x1000x128xf32>
    %get3A_3 = vector.shape_cast %get3A_2 : vector<1x1000x128xf32> to vector<1000x128xf32>
    %slice3A = vector.extract_strided_slice %get3A_3 {offsets = [0, 0], sizes = [1000, 1], strides = [1, 1]} : vector<1000x128xf32> to vector<1000x1xf32>
    %add3A = arith.constant 1.000000e+00 : f32
    %add3A_4 = vector.broadcast %add3A : f32 to vector<1000x1xf32>
    %add3A_5 = arith.addf %slice3A, %add3A_4 : vector<1000x1xf32>
    %rsqrt3A = math.rsqrt %add3A_5 : vector<1000x1xf32>
    %get3A_6 = arith.constant 0 : index
    %get3A_7 = arith.constant 0 : index
    %get3A_8 = arith.constant 0 : index
    %get3A_9 = vector.load %arg2[%get3A_6, %get3A_7, %get3A_8] : memref<1x1000x128xf32, #tpu.memory_space<vmem>>, vector<1x1000x128xf32>
    %get3A_10 = vector.shape_cast %get3A_9 : vector<1x1000x128xf32> to vector<1000x128xf32>
    %mul3A = vector.broadcast %rsqrt3A : vector<1000x1xf32> to vector<1000x128xf32>
    %mul3A_11 = arith.mulf %mul3A, %get3A_10 : vector<1000x128xf32>
    %mul3A_12 = arith.mulf %rsqrt3A, %rsqrt3A : vector<1000x1xf32>
    %get3A_13 = arith.constant 0 : index
    %get3A_14 = arith.constant 0 : index
    %get3A_15 = arith.constant 0 : index
    %get3A_16 = vector.load %arg3[%get3A_13, %get3A_14, %get3A_15] : memref<1x1000x128xf32, #tpu.memory_space<vmem>>, vector<1x1000x128xf32>
    %get3A_17 = vector.shape_cast %get3A_16 : vector<1x1000x128xf32> to vector<1000x128xf32>
    %mul3A_18 = vector.broadcast %mul3A_12 : vector<1000x1xf32> to vector<1000x128xf32>
    %mul3A_19 = arith.mulf %mul3A_18, %get3A_17 : vector<1000x128xf32>
    %add3A_20 = arith.addf %mul3A_11, %mul3A_19 : vector<1000x128xf32>
    %get3A_21 = arith.constant 0 : index
    %get3A_22 = arith.constant 0 : index
    %get3A_23 = vector.load %arg5[%get3A_21, %get3A_22] : memref<1x128xf32, #tpu.memory_space<vmem>>, vector<1x128xf32>
    %add3A_24 = vector.broadcast %get3A_23 : vector<1x128xf32> to vector<1000x128xf32>
    %add3A_25 = arith.addf %add3A_20, %add3A_24 : vector<1000x128xf32>
    %max3A = arith.constant 0.000000e+00 : f32
    %max3A_26 = vector.broadcast %max3A : f32 to vector<1000x128xf32>
    %max3A_27 = arith.maximumf %add3A_25, %max3A_26 : vector<1000x128xf32>
    %get3A_28 = arith.constant 0 : index
    %get3A_29 = arith.constant 0 : index
    %get3A_30 = vector.load %arg6[%get3A_28, %get3A_29] : memref<128x128xf32, #tpu.memory_space<vmem>>, vector<128x128xf32>
    %dot_general3A = arith.constant dense<0.000000e+00> : vector<1000x128xf32>
    %dot_general3A_31 = tpu.matmul %max3A_27, %get3A_30, %dot_general3A {dimension_numbers = #tpu.dot_dimension_numbers<[1], [0], [0], [1], [0, 0, 1, 1], [], []>, transpose_lhs_hint = false} : vector<1000x128xf32>, vector<128x128xf32>, vector<1000x128xf32> -> vector<1000x128xf32>
    %swap3A = arith.constant 0 : index
    %swap3A_32 = arith.constant 0 : index
    %swap3A_33 = arith.constant 0 : index
    %swap3A_34 = vector.load %arg7[%swap3A, %swap3A_32, %swap3A_33] : memref<1x1000x128xf32, #tpu.memory_space<vmem>>, vector<1x1000x128xf32>
    %swap3A_35 = vector.shape_cast %swap3A_34 : vector<1x1000x128xf32> to vector<1000x128xf32>
    %swap3A_36 = vector.shape_cast %dot_general3A_31 : vector<1000x128xf32> to vector<1x1000x128xf32>
    tpu.vector_store %arg7[%swap3A, %swap3A_32, %swap3A_33], %swap3A_36 {strides = array<i32>} : memref<1x1000x128xf32, #tpu.memory_space<vmem>>, vector<1x1000x128xf32>,
    %mul3A_37 = vector.broadcast %rsqrt3A : vector<1000x1xf32> to vector<1000x128xf32>
    %mul3A_38 = arith.mulf %dot_general3A_31, %mul3A_37 : vector<1000x128xf32>
    %swap3A_39 = arith.constant 0 : index
    %swap3A_40 = arith.constant 0 : index
    %swap3A_41 = arith.constant 0 : index
    %swap3A_42 = vector.load %arg8[%swap3A_39, %swap3A_40, %swap3A_41] : memref<1x1000x128xf32, #tpu.memory_space<vmem>>, vector<1x1000x128xf32>
    %swap3A_43 = vector.shape_cast %swap3A_42 : vector<1x1000x128xf32> to vector<1000x128xf32>
    %swap3A_44 = vector.shape_cast %mul3A_38 : vector<1000x128xf32> to vector<1x1000x128xf32>
    tpu.vector_store %arg8[%swap3A_39, %swap3A_40, %swap3A_41], %swap3A_44 {strides = array<i32>} : memref<1x1000x128xf32, #tpu.memory_space<vmem>>, vector<1x1000x128xf32>,
    return
  }
  func.func @transform_0(%arg0: i32, %arg1: i32) -> (i32, i32, i32) {
    %c0_i32 = arith.constant 0 : i32
    %c0_i32_0 = arith.constant 0 : i32
    return %arg0, %arg1, %c0_i32 : i32, i32, i32
  }
  func.func @transform_1(%arg0: i32, %arg1: i32) -> (i32, i32, i32) {
    %c0_i32 = arith.constant 0 : i32
    %c0_i32_0 = arith.constant 0 : i32
    return %arg0, %arg1, %c0_i32 : i32, i32, i32
  }
  func.func @transform_2(%arg0: i32, %arg1: i32) -> (i32, i32, i32) {
    %c0_i32 = arith.constant 0 : i32
    %c0_i32_0 = arith.constant 0 : i32
    return %arg0, %arg1, %c0_i32 : i32, i32, i32
  }
  func.func @transform_3(%arg0: i32, %arg1: i32) -> (i32, i32) {
    %c0_i32 = arith.constant 0 : i32
    %c0_i32_0 = arith.constant 0 : i32
    %c0_i32_1 = arith.constant 0 : i32
    return %c0_i32, %c0_i32_0 : i32, i32
  }
  func.func @transform_4(%arg0: i32, %arg1: i32) -> (i32, i32) {
    %c0_i32 = arith.constant 0 : i32
    %c0_i32_0 = arith.constant 0 : i32
    %c0_i32_1 = arith.constant 0 : i32
    return %c0_i32, %c0_i32_0 : i32, i32
  }
  func.func @transform_5(%arg0: i32, %arg1: i32) -> (i32, i32, i32) {
    %c0_i32 = arith.constant 0 : i32
    %c0_i32_0 = arith.constant 0 : i32
    return %arg0, %arg1, %c0_i32 : i32, i32, i32
  }
  func.func @transform_6(%arg0: i32, %arg1: i32) -> (i32, i32, i32) {
    %c0_i32 = arith.constant 0 : i32
    %c0_i32_0 = arith.constant 0 : i32
    return %arg0, %arg1, %c0_i32 : i32, i32, i32
  }
}

module attributes {stable_mosaic.version = 14 : i64} {
  func.func @_head_body(%arg0: i32, %arg1: memref<2x8x128xf32, #tpu.memory_space<vmem>>, %arg2: memref<2x8x128xf32, #tpu.memory_space<vmem>>, %arg3: memref<2x8x128xf32, #tpu.memory_space<vmem>>, %arg4: memref<1x128xf32, #tpu.memory_space<vmem>>, %arg5: memref<256x128xf32, #tpu.memory_space<vmem>>, %arg6: memref<1x128xf32, #tpu.memory_space<vmem>>, %arg7: memref<1x128xf32, #tpu.memory_space<vmem>>) attributes {dimension_semantics = [#tpu.dimension_semantics<arbitrary>], iteration_bounds = array<i64: 1>, scalar_prefetch = 0 : i64, scratch_operands = 0 : i64, tpu.core_type = #tpu.core_type<tc>, window_params = [{transform_indices = @transform_0, window_bounds = array<i64: 2, 8, 128>}, {transform_indices = @transform_1, window_bounds = array<i64: 2, 8, 128>}, {transform_indices = @transform_2, window_bounds = array<i64: 2, 8, 128>}, {pipeline_mode = #tpu.pipeline_mode<synchronous>, transform_indices = @transform_3, window_bounds = array<i64: 1, 128>}, {pipeline_mode = #tpu.pipeline_mode<synchronous>, transform_indices = @transform_4, window_bounds = array<i64: 256, 128>}, {pipeline_mode = #tpu.pipeline_mode<synchronous>, transform_indices = @transform_5, window_bounds = array<i64: 1, 128>}, {pipeline_mode = #tpu.pipeline_mode<synchronous>, transform_indices = @transform_6, window_bounds = array<i64: 1, 128>}]} {
    %get3A = arith.constant 0 : index
    %get3A_0 = arith.constant 0 : index
    %get3A_1 = arith.constant 0 : index
    %get3A_2 = vector.load %arg3[%get3A, %get3A_0, %get3A_1] : memref<2x8x128xf32, #tpu.memory_space<vmem>>, vector<1x8x128xf32>
    %get3A_3 = vector.shape_cast %get3A_2 : vector<1x8x128xf32> to vector<8x128xf32>
    %slice3A = vector.extract_strided_slice %get3A_3 {offsets = [0, 0], sizes = [8, 1], strides = [1, 1]} : vector<8x128xf32> to vector<8x1xf32>
    %add3A = arith.constant 1.000000e+00 : f32
    %add3A_4 = vector.broadcast %add3A : f32 to vector<8x1xf32>
    %add3A_5 = arith.addf %slice3A, %add3A_4 : vector<8x1xf32>
    %rsqrt3A = math.rsqrt %add3A_5 : vector<8x1xf32>
    %slice3A_6 = vector.extract_strided_slice %rsqrt3A {offsets = [7, 0], sizes = [1, 1], strides = [1, 1]} : vector<8x1xf32> to vector<1x1xf32>
    %get3A_7 = arith.constant 1 : index
    %get3A_8 = arith.constant 0 : index
    %get3A_9 = arith.constant 0 : index
    %get3A_10 = vector.load %arg3[%get3A_7, %get3A_8, %get3A_9] : memref<2x8x128xf32, #tpu.memory_space<vmem>>, vector<1x8x128xf32>
    %get3A_11 = vector.shape_cast %get3A_10 : vector<1x8x128xf32> to vector<8x128xf32>
    %slice3A_12 = vector.extract_strided_slice %get3A_11 {offsets = [0, 0], sizes = [8, 1], strides = [1, 1]} : vector<8x128xf32> to vector<8x1xf32>
    %add3A_13 = arith.constant 1.000000e+00 : f32
    %add3A_14 = vector.broadcast %add3A_13 : f32 to vector<8x1xf32>
    %add3A_15 = arith.addf %slice3A_12, %add3A_14 : vector<8x1xf32>
    %rsqrt3A_16 = math.rsqrt %add3A_15 : vector<8x1xf32>
    %slice3A_17 = vector.extract_strided_slice %rsqrt3A_16 {offsets = [7, 0], sizes = [1, 1], strides = [1, 1]} : vector<8x1xf32> to vector<1x1xf32>
    %get3A_18 = arith.constant 0 : index
    %get3A_19 = arith.constant 7 : index
    %get3A_20 = arith.constant 0 : index
    %get3A_21 = vector.load %arg1[%get3A_18, %get3A_19, %get3A_20] : memref<2x8x128xf32, #tpu.memory_space<vmem>>, vector<1x1x128xf32>
    %get3A_22 = vector.shape_cast %get3A_21 : vector<1x1x128xf32> to vector<1x128xf32>
    %get3A_23 = arith.constant 1 : index
    %get3A_24 = arith.constant 7 : index
    %get3A_25 = arith.constant 0 : index
    %get3A_26 = vector.load %arg1[%get3A_23, %get3A_24, %get3A_25] : memref<2x8x128xf32, #tpu.memory_space<vmem>>, vector<1x1x128xf32>
    %get3A_27 = vector.shape_cast %get3A_26 : vector<1x1x128xf32> to vector<1x128xf32>
    %mul3A = vector.broadcast %slice3A_6 : vector<1x1xf32> to vector<1x128xf32>
    %mul3A_28 = arith.mulf %mul3A, %get3A_22 : vector<1x128xf32>
    %mul3A_29 = arith.mulf %slice3A_6, %slice3A_6 : vector<1x1xf32>
    %get3A_30 = arith.constant 0 : index
    %get3A_31 = arith.constant 7 : index
    %get3A_32 = arith.constant 0 : index
    %get3A_33 = vector.load %arg2[%get3A_30, %get3A_31, %get3A_32] : memref<2x8x128xf32, #tpu.memory_space<vmem>>, vector<1x1x128xf32>
    %get3A_34 = vector.shape_cast %get3A_33 : vector<1x1x128xf32> to vector<1x128xf32>
    %mul3A_35 = vector.broadcast %mul3A_29 : vector<1x1xf32> to vector<1x128xf32>
    %mul3A_36 = arith.mulf %mul3A_35, %get3A_34 : vector<1x128xf32>
    %add3A_37 = arith.addf %mul3A_28, %mul3A_36 : vector<1x128xf32>
    %get3A_38 = arith.constant 0 : index
    %get3A_39 = arith.constant 0 : index
    %get3A_40 = vector.load %arg4[%get3A_38, %get3A_39] : memref<1x128xf32, #tpu.memory_space<vmem>>, vector<1x128xf32>
    %add3A_41 = arith.addf %add3A_37, %get3A_40 : vector<1x128xf32>
    %mul3A_42 = vector.broadcast %slice3A_17 : vector<1x1xf32> to vector<1x128xf32>
    %mul3A_43 = arith.mulf %mul3A_42, %get3A_27 : vector<1x128xf32>
    %mul3A_44 = arith.mulf %slice3A_17, %slice3A_17 : vector<1x1xf32>
    %get3A_45 = arith.constant 1 : index
    %get3A_46 = arith.constant 7 : index
    %get3A_47 = arith.constant 0 : index
    %get3A_48 = vector.load %arg2[%get3A_45, %get3A_46, %get3A_47] : memref<2x8x128xf32, #tpu.memory_space<vmem>>, vector<1x1x128xf32>
    %get3A_49 = vector.shape_cast %get3A_48 : vector<1x1x128xf32> to vector<1x128xf32>
    %mul3A_50 = vector.broadcast %mul3A_44 : vector<1x1xf32> to vector<1x128xf32>
    %mul3A_51 = arith.mulf %mul3A_50, %get3A_49 : vector<1x128xf32>
    %add3A_52 = arith.addf %mul3A_43, %mul3A_51 : vector<1x128xf32>
    %get3A_53 = arith.constant 0 : index
    %get3A_54 = arith.constant 0 : index
    %get3A_55 = vector.load %arg4[%get3A_53, %get3A_54] : memref<1x128xf32, #tpu.memory_space<vmem>>, vector<1x128xf32>
    %add3A_56 = arith.addf %add3A_52, %get3A_55 : vector<1x128xf32>
    %get3A_57 = arith.constant 0 : index
    %get3A_58 = arith.constant 0 : index
    %get3A_59 = vector.load %arg5[%get3A_57, %get3A_58] : memref<256x128xf32, #tpu.memory_space<vmem>>, vector<128x128xf32>
    %dot_general3A = arith.constant dense<0.000000e+00> : vector<1x128xf32>
    %dot_general3A_60 = tpu.matmul %add3A_41, %get3A_59, %dot_general3A {dimension_numbers = #tpu.dot_dimension_numbers<[1], [0], [0], [1], [0, 0, 1, 1], [], []>, transpose_lhs_hint = false} : vector<1x128xf32>, vector<128x128xf32>, vector<1x128xf32> -> vector<1x128xf32>
    %get3A_61 = arith.constant 128 : index
    %get3A_62 = arith.constant 0 : index
    %get3A_63 = vector.load %arg5[%get3A_61, %get3A_62] : memref<256x128xf32, #tpu.memory_space<vmem>>, vector<128x128xf32>
    %dot_general3A_64 = arith.constant dense<0.000000e+00> : vector<1x128xf32>
    %dot_general3A_65 = tpu.matmul %add3A_56, %get3A_63, %dot_general3A_64 {dimension_numbers = #tpu.dot_dimension_numbers<[1], [0], [0], [1], [0, 0, 1, 1], [], []>, transpose_lhs_hint = false} : vector<1x128xf32>, vector<128x128xf32>, vector<1x128xf32> -> vector<1x128xf32>
    %add3A_66 = arith.addf %dot_general3A_60, %dot_general3A_65 : vector<1x128xf32>
    %get3A_67 = arith.constant 0 : index
    %get3A_68 = arith.constant 0 : index
    %get3A_69 = vector.load %arg6[%get3A_67, %get3A_68] : memref<1x128xf32, #tpu.memory_space<vmem>>, vector<1x128xf32>
    %add3A_70 = arith.addf %add3A_66, %get3A_69 : vector<1x128xf32>
    %swap3A = arith.constant 0 : index
    %swap3A_71 = arith.constant 0 : index
    %swap3A_72 = vector.load %arg7[%swap3A, %swap3A_71] : memref<1x128xf32, #tpu.memory_space<vmem>>, vector<1x128xf32>
    tpu.vector_store %arg7[%swap3A, %swap3A_71], %add3A_70 {strides = array<i32>} : memref<1x128xf32, #tpu.memory_space<vmem>>, vector<1x128xf32>,
    return
  }
  func.func @transform_0(%arg0: i32) -> (i32, i32, i32) {
    %c0_i32 = arith.constant 0 : i32
    %c1249_i32 = arith.constant 1249 : i32
    %c0_i32_0 = arith.constant 0 : i32
    %c0_i32_1 = arith.constant 0 : i32
    return %c0_i32, %c1249_i32, %c0_i32_0 : i32, i32, i32
  }
  func.func @transform_1(%arg0: i32) -> (i32, i32, i32) {
    %c0_i32 = arith.constant 0 : i32
    %c1249_i32 = arith.constant 1249 : i32
    %c0_i32_0 = arith.constant 0 : i32
    %c0_i32_1 = arith.constant 0 : i32
    return %c0_i32, %c1249_i32, %c0_i32_0 : i32, i32, i32
  }
  func.func @transform_2(%arg0: i32) -> (i32, i32, i32) {
    %c0_i32 = arith.constant 0 : i32
    %c1249_i32 = arith.constant 1249 : i32
    %c0_i32_0 = arith.constant 0 : i32
    %c0_i32_1 = arith.constant 0 : i32
    return %c0_i32, %c1249_i32, %c0_i32_0 : i32, i32, i32
  }
  func.func @transform_3(%arg0: i32) -> (i32, i32) {
    %c0_i32 = arith.constant 0 : i32
    %c0_i32_0 = arith.constant 0 : i32
    %c0_i32_1 = arith.constant 0 : i32
    return %c0_i32, %c0_i32_0 : i32, i32
  }
  func.func @transform_4(%arg0: i32) -> (i32, i32) {
    %c0_i32 = arith.constant 0 : i32
    %c0_i32_0 = arith.constant 0 : i32
    %c0_i32_1 = arith.constant 0 : i32
    return %c0_i32, %c0_i32_0 : i32, i32
  }
  func.func @transform_5(%arg0: i32) -> (i32, i32) {
    %c0_i32 = arith.constant 0 : i32
    %c0_i32_0 = arith.constant 0 : i32
    %c0_i32_1 = arith.constant 0 : i32
    return %c0_i32, %c0_i32_0 : i32, i32
  }
  func.func @transform_6(%arg0: i32) -> (i32, i32) {
    %c0_i32 = arith.constant 0 : i32
    %c0_i32_0 = arith.constant 0 : i32
    %c0_i32_1 = arith.constant 0 : i32
    return %c0_i32, %c0_i32_0 : i32, i32
  }
}

</mosaic_0001>

<sc_bundles>
// kernel: kernel.10.cloned.1.call-start
scs
__scs_entry_jumppad:
0x0: {  	(pc) =	sbr.rel $0x88, $3  }
0x1: {  	(tag) =	ssettag $0x0;
	lr =	simm.s32 $0x1  }
0x2: {  	[smem:$0x3F95] =	sst lr;
	_ =	strace $0xD0000000  }
0x3: {  	_ = 	snop  }
0x4: {  	_ = 	snop  }
0x5: {  	_ = 	snop  }
0x6: {  	_ = 	snop  }
0x7: {  	_ = 	snop  }
__scs_overlays_trampoline_lowered:
0x8: {  	[smem:$0x3FA4] =	sst s0  }
0x9: {  	[smem:$0x3FA5] =	sst s1  }
0xa: {  	[smem:$0x3FA6] =	sst s2  }
0xb: {  	[smem:$0x3FA7] =	sst s3  }
0xc: {  	[smem:$0x3FA8] =	sst s4  }
0xd: {  	[smem:$0x3FA9] =	sst s5  }
0xe: {  	[smem:$0x3FAA] =	sst s6  }
0xf: {  	[smem:$0x3FAB] =	sst s7  }
0x10: {  	[smem:$0x3FAC] =	sst s8  }
0x11: {  	[smem:$0x3FAD] =	sst s9;
	s0 =	simm.s32 @!p0 $0x0  }
0x12: {  	s1 =	sld [smem:$0x3F93];
	s0 =	simm.s32 @p0 $0x1  }
0x13: {  	[smem:$0x3FAE] =	sst s0;
	s0 =	simm.s32 @!p1 $0x0  }
0x14: {  	s2 =	sld [smem:$0x3F92];
	s0 =	simm.s32 @p1 $0x1  }
0x15: {  	[smem:$0x3FAF] =	sst s0;
	s0 =	simm.s32 @!p2 $0x0  }
0x16: {  	s3 =	sld [smem:$0x3FDB];
	s0 =	simm.s32 @p2 $0x1  }
0x17: {  	s4 =	simm.s32 $0x1BF5;
	[smem:$0x3FB1] =	sst s0  }
0x18: {  	s0 =	sld [smem:$0x3F94];
	_ =	swait.ge [sflag:s4], $0x0  }
0x19: {  	s7 =	sld [smem:$0x3F95]  }
0x1a: {  	s8 =	sadd.s32 $0xFFFFE003, lr  }
0x1b: {  	s9 =	sadd.s32 $0xFFFFFEF7, lr;
	s5 =	simm.s32 $0xFFFFFFFF;
	p2 =	slt.u32 s8, $0xFFFFF086  }
0x1c: {  	p1 =	slt.u32 s9, $0xF7A;
	s5 =	simm.s32 @!p2 $0x0  }
0x1d: {  	s5 =	simm.s32 @p1 $0x1;
	p0 =	seq.s32 s7, s2  }
0x1e: {  	s7 =	smul.u32 @!p0 $0xF7A, s2;
	p2 =	seq.s32 @!p0 s5, $0x0  }
0x1f: {  	s9 =	smul.u32 $0xF7A, s1;
	s8 =	simm.s32 @!p0 $0x1BF5;
	p2 =	por !p2, p0  }
0x20: {  	[sflag:s8] =	ssyncset.s32 @!p0 $0xFFFFF086;
	s6 =	sadd.s32 @!p0 s3, s7;
	s7 =	simm.s32 @!p0 $0x108  }
0x21: {  	s3 =	sadd.s32 s3, s9;
	s6 =	sadd.s32 @!p0 $0x88, s6;
	s7 =	simm.s32 @p2 $0x1082  }
0x22: {  	[simem:s7], [sflag:s8] =	dma.local @!p0 [hbm:s6], $0xF7A  }
0x23: {  	s9 =	sor.u32 $0xD0000000, s2;
	s6 =	simm.s32 $0x108;
	_ =	swait.ge @!p0 [sflag:s8], $0x0  }
0x24: {  	s3 =	sadd.s32 $0x88, s3;
	s6 =	simm.s32 @!p1 $0x1082;
	[sflag:s4] =	ssyncset.s32 $0xFFFFF086  }
0x25: {  	[simem:s6], [sflag:s4] =	dma.local [hbm:s3], $0xF7A  }
0x26: {  	[smem:$0x3F95] =	sst s1;
	(tag) =	ssettag s2;
	_ =	strace s9  }
0x27: {  	s1 =	sld [smem:$0x3FA5]  }
0x28: {  	s2 =	sld [smem:$0x3FA6]  }
0x29: {  	s4 =	sld [smem:$0x3FA8]  }
0x2a: {  	p0 =	seq.s32 s5, $0x0;
	s5 =	sld [smem:$0x3FA9]  }
0x2b: {  	s6 =	sld [smem:$0x3FAA]  }
0x2c: {  	s7 =	sld [smem:$0x3FAB]  }
0x2d: {  	s3 =	simm.s32 $0x108;
	s8 =	sld [smem:$0x3FAC]  }
0x2e: {  	s3 =	simm.s32 @!p0 $0x1082;
	s9 =	sld [smem:$0x3FAD]  }
0x2f: {  	lr =	sadd.s32 s0, s3;
	s0 =	sld [smem:$0x3FA4]  }
0x30: {  	s3 =	sld [smem:$0x3FA7]  }
0x31: {  	[smem:$0x3FB0] =	sst s10  }
0x32: {  	s10 =	sld [smem:$0x3FAE];
	_ =	sdelay $0x3  }
0x33: {  	p0 =	seq.s32 s10, $0x1;
	s10 =	sld [smem:$0x3FB0];
	_ =	sdelay $0x3  }
0x34: {  	[smem:$0x3FB0] =	sst s10  }
0x35: {  	s10 =	sld [smem:$0x3FAF];
	_ =	sdelay $0x3  }
0x36: {  	p1 =	seq.s32 s10, $0x1;
	s10 =	sld [smem:$0x3FB0];
	_ =	sdelay $0x3  }
0x37: {  	[smem:$0x3FB0] =	sst s10  }
0x38: {  	s10 =	sld [smem:$0x3FB1]  }
0x39: {  	_ = 	snop;
	(pc) =	sbr.ind lr, $3  }
0x3a: {  	_ = 	snop  }
0x3b: {  	_ = 	snop  }
0x3c: {  	p2 =	seq.s32 s10, $0x1;
	s10 =	sld [smem:$0x3FB0]  }
0x3d: {  	_ =	shalt  }
0x3e: {  	_ =	shalt  }
0x3f: {  	_ =	shalt  }
0x40: {  	_ =	shalt  }
0x41: {  	_ =	shalt  }
0x42: {  	_ =	shalt  }
0x43: {  	_ =	shalt  }
0x44: {  	_ =	shalt  }
0x45: {  	_ =	shalt  }
0x46: {  	_ =	shalt  }
0x47: {  	_ =	shalt  }
0x48: {  	_ =	shalt  }
0x49: {  	_ =	shalt  }
0x4a: {  	_ =	shalt  }
0x4b: {  	_ =	shalt  }
0x4c: {  	_ =	shalt  }
0x4d: {  	_ =	shalt  }
0x4e: {  	_ =	shalt  }
0x4f: {  	_ =	shalt  }
0x50: {  	_ =	shalt  }
0x51: {  	_ =	shalt  }
0x52: {  	_ =	shalt  }
0x53: {  	_ =	shalt  }
0x54: {  	_ =	shalt  }
0x55: {  	_ =	shalt  }
0x56: {  	_ =	shalt  }
0x57: {  	_ =	shalt  }
0x58: {  	_ =	shalt  }
0x59: {  	_ =	shalt  }
0x5a: {  	_ =	shalt  }
0x5b: {  	_ =	shalt  }
0x5c: {  	_ =	shalt  }
0x5d: {  	_ =	shalt  }
0x5e: {  	_ =	shalt  }
0x5f: {  	_ =	shalt  }
0x60: {  	_ =	shalt  }
0x61: {  	_ =	shalt  }
0x62: {  	_ =	shalt  }
0x63: {  	_ =	shalt  }
0x64: {  	_ =	shalt  }
0x65: {  	_ =	shalt  }
0x66: {  	_ =	shalt  }
0x67: {  	_ =	shalt  }
0x68: {  	_ =	shalt  }
0x69: {  	_ =	shalt  }
0x6a: {  	_ =	shalt  }
0x6b: {  	_ =	shalt  }
0x6c: {  	_ =	shalt  }
0x6d: {  	_ =	shalt  }
0x6e: {  	_ =	shalt  }
0x6f: {  	_ =	shalt  }
0x70: {  	_ =	shalt  }
0x71: {  	_ =	shalt  }
0x72: {  	_ =	shalt  }
0x73: {  	_ =	shalt  }
0x74: {  	_ =	shalt  }
0x75: {  	_ =	shalt  }
0x76: {  	_ =	shalt  }
0x77: {  	_ =	shalt  }
0x78: {  	_ =	shalt  }
0x79: {  	_ =	shalt  }
0x7a: {  	_ =	shalt  }
0x7b: {  	_ =	shalt  }
0x7c: {  	_ =	shalt  }
0x7d: {  	_ =	shalt  }
0x7e: {  	_ =	shalt  }
0x7f: {  	_ =	shalt  }
0x80: {  	_ =	shalt  }
0x81: {  	_ =	shalt  }
0x82: {  	_ =	shalt  }
0x83: {  	_ =	shalt  }
0x84: {  	_ =	shalt  }
0x85: {  	_ =	shalt  }
0x86: {  	_ =	shalt  }
0x87: {  	_ =	shalt  }
.Lfunc_end0:
.L_simem_size_0:
called_computation_lowered:
.L_overlay_start_0:
0x88: {  	s2 =	sld [smem:$0x3FD9]  }
0x89: {  	s3 =	sld [smem:$0x3FFE];
	_ =	sdelay $0x1  }
0x8a: {  	s1 =	srdreg.scid  }
0x8b: {  	s0 =	sand.u32 $0x1, s1  }
0x8c: {  	s16 =	sshll.u32 s0, $0xA;
	s2 =	sadd.s32 s3, s2  }
0x8d: {  	s2 =	sadd.s32 s2, s16  }
0x8e: {  	[smem:$0x3FBC] =	sst s2  }
0x8f: {  	_ = 	snop  }
0x90: {  	(tm) =	ssettm $0x1  }
0x91: {  	s17 =	sld [smem:$0x3FFB];
	_ =	sdelay $0x3  }
0x92: {  	_ =	strace s17  }
0x93: {  	s2 =	sld [smem:$0x3FFC];
	_ =	sdelay $0x3  }
0x94: {  	_ =	strace s2  }
0x95: {  	s2 =	sld [smem:$0x3FFD];
	_ =	sdelay $0x3  }
0x96: {  	_ =	strace s2  }
0x97: {  	_ =	strace $0x8FFFFFFF  }
0x98: {  	s18 =	sld [smem:$0x3FDB];
	_ =	sdelay $0x1  }
0x99: {  	s19 =	simm.s32 $_scs_section_size  }
0x9a: {  	s4 =	simm.s32 $_size__tile_overlayer_lowered;
	s5 =	simm.s32 $_tile_overlayer_lowered  }
0x9b: {  	s22 =	simm.s32 $0x1BFF;
	s21 =	sshll.u32 s5, $0x1;
	s2 =	sadd.s32 s19, s18  }
0x9c: {  	s6 =	simm.s32 $0x0;
	s20 =	sshll.u32 s4, $0x1;
	s4 =	sadd.s32 s21, s2  }
0x9d: {  	[timem:s6], [sflag:s22] =	dma.local [hbm:s4], s20  }
0x9e: {  	_ =	swait.ge [sflag:s22], s20  }
0x9f: {  	s3 =	ssub.s32 $0x0, s20;
	[sflag:s22] =	ssyncset.done $0x0  }
0xa0: {  	[sflag:s22] =	ssyncadd.s32 s3;
	_ =	sdelay $0x1  }
0xa1: {  	s23 =	simm.s32 $0x1B8B  }
0xa2: {  	_ =	swait.ge [sflag:s23], $0x1  }
0xa3: {  	[sflag:s23] =	ssyncset.done $0x0  }
0xa4: {  	s25 =	simm.s32 $0x1B8E;
	s24 =	sld [smem:$0x3FFE];
	[sflag:s23] =	ssyncadd.s32 $0xFFFFFFFF  }
0xa5: {  	s26 =	simm.s32 $execute0_lowered;
	[smem:$0x3FD2] =	sst s25  }
0xa6: {  	s4 =	sshll.u32 s26, $0x1;
	_ =	strace $0x80000046;
	[dreg:$0x1] =	wrdreg $0xFFFFFFFF  }
0xa7: {  	s28 =	simm.s32 $_size_execute0_lowered;
	s2 =	sadd.s32 s2, s4;
	[dreg:$0x0] =	wrdreg $0x0  }
0xa8: {  	s4 =	sshll.u32 s28, $0x1;
	[dreg:$0x2] =	wrdreg s2  }
0xa9: {  	[dreg:$0x3] =	wrdreg s4  }
0xaa: {  	[dreg:$0x4] =	wrdreg $0xC0  }
0xab: {  	_ =	task [dreg:s6], $0x5FFFF  }
0xac: {  	[dreg:$0x1] =	wrdreg $0xFFFFFFFF  }
0xad: {  	[dreg:$0x0] =	wrdreg $0x60  }
0xae: {  	[dreg:$0x2] =	wrdreg s24  }
0xaf: {  	[dreg:$0x3] =	wrdreg $0x82000  }
0xb0: {  	[dreg:$0x4] =	wrdreg $0x9  }
0xb1: {  	_ =	task.clear_ibuf [dreg:s6], $0x5FFFF;
	_ =	strace $0x90000046  }
0xb2: {  	s29 =	simm.s32 $0x9;
	_ =	strace $0x80000048  }
0xb3: {  	_ =	swait.ge [sflag:s29], $0x1  }
0xb4: {  	[sflag:s29] =	ssyncadd.s32 $0xFFFFFFFF  }
0xb5: {  	_ =	strace $0x90000048  }
0xb6: {  	_ =	sfence  }
0xb7: {  	s30 =	sld [smem:$0x0];
	_ =	sdelay $0x2  }
0xb8: {  	s31 =	sshll.u32 s1, $0xD;
	s1 =	sshrl.u32 s1, $0x2  }
0xb9: {  	s3 =	sand.u32 $0x4000, s31;
	s1 =	sadd.s32 s1, s30  }
0xba: {  	s0 =	sor.u32 s3, s0;
	s1 =	sshll.u32 s1, $0x11  }
0xbb: {  	s0 =	sor.u32 s1, s0  }
0xbc: {  	s0 =	sadd.s32 $0x8F2B, s0  }
0xbd: {  	[sflag:s0] =	ssyncadd.remote.s32 $0x1  }
0xbe: {  	_ =	sfence.sel $0xFFFF  }
0xbf: {  	[dreg:$0x0] =	wrdreg $0xFFFFFFFF;
	(pc) =	sbr.abs _section_cstart, $3  }
0xc0: {  	[dreg:$0x1] =	wrdreg $0xFFFFFFFF  }
0xc1: {  	_ =	task.clear_ibuf [dreg:s6], $0x2FFFF;
	_ =	strace $0x9FFFFFFF  }
0xc2: {  	(tm) =	ssettm $0x7FFFFFFF  }
0xc3: {  	_ =	shalt  }
tec
execute0_lowered:
.L_overlay_start_1:
0x0: {  	(tag) =	ssettag $0x1  }
0x1: {  	s0 =	rddreg [dreg:$0x0]  }
0x2: {  	s1 =	rddreg [dreg:$0x1];
	s3 =	simm.s32 $0x0;
	s14 =	stileid.u32  }
0x3: {  	s7 =	srdreg.scid;
	s21 =	simm.s32 $0x2;
	s23 =	simm.s32 $0x200  }
0x4: {  	s24 =	simm.s32 $0x80;
	s25 =	simm.s32 $0x400;
	s28 =	simm.s32 $0x1  }
0x5: {  	[smem:$0x7FF] =	sst s3;
	s4 =	sadd.s32 $0x3C00, s0;
	s2 =	smul.u32 $0x2700, s14  }
0x6: {  	s5 =	sadd.s32 $0xDC00, s0;
	s6 =	sadd.s32 $0x3EE00, s0;
	s10 =	sand.u32 $0x1, s7  }
0x7: {  	s12 =	smul.u32 $0x4E000, s14;
	s7 =	sadd.s32 $0x3FE00, s0;
	s8 =	sadd.s32 $0x67000, s0  }
0x8: {  	s31 =	sshll.u32 s14, $0x6;
	s19 =	smul.u32 $0x500, s14;
	p1 =	sne.s32 s14, $0xF  }
0x9: {  	p2 =	seq.s32 s14, $0xF;
	_ =	strace $0x80000047;
	s9 =	ssub.s32 $0x2, s10  }
0xa: {  	p0 =	seq.s32 s10, $0x1;
	s18 =	sor.u32 $0x1C02, s31;
	s11 =	sadd.s32 s2, s0  }
0xb: {  	s13 =	sshrl.u32 s9, $0x1;
	s12 =	sshrl.u32 s12, $0x2;
	s29 =	sadd.s32 s7, s2  }
0xc: {  	s2 =	sadd.s32 s8, s2;
	s13 =	ssub.s32 s9, s13;
	s9 =	smul.u32 $0xA00, s14  }
.Ltmp0:
0xd: {  	s20 =	sadd.s32 s12, s1;
	s10 =	sadd.s32 $0x17C00, s11;
	(pc) =	sbr.rel .LBB2_1-.Ltmp0, $4  }
0xe: {  	s11 =	sadd.s32 $0x138000, s1;
	s12 =	sadd.s32 $0x3EC00, s0;
	[dreg:$0x4] =	wrdreg s29  }
0xf: {  	[dreg:$0x6] =	wrdreg s2;
	s17 =	smax.u32 s13, $0x1;
	s26 =	sadd.s32 s4, s9  }
0x10: {  	s20 =	sshrl.u32 s20, $0x3;
	s30 =	sadd.s32 s5, s9;
	[dreg:$0x3] =	wrdreg s26  }
0x11: {  	s22 =	sshrl.u32 @!p1 s11, $0x3;
	[dreg:$0x5] =	wrdreg s30;
	s26 =	simm.s32 $0xFA  }
.LBB2_8:
0x12: {  	s0 =	sadd.s32 $0x27000, s0;
	s2 =	sshrl.u32 s11, $0x3  }
0x13: {  	[hbm:s0], [sflag:s18] =	dma.local [spmem:s2], $0x100  }
0x14: {  	_ =	swait.ge [sflag:s21], $0x100  }
0x15: {  	[sflag:s21] =	ssyncset.done $0x0  }
0x16: {  	[sflag:s21] =	ssyncadd.s32 $0xFFFFFF00  }
.LBB2_9:
0x17: {  	s3 =	sadd.s32 $0x1, s3  }
0x18: {  	p3 =	sne.s32 s3, s17  }
.Ltmp1:
0x19: {  	_ = 	snop;
	(pc) =	sbr.rel @!p3 .LBB2_10-.Ltmp1, $1  }
0x1a: {  	_ =	sdelay $0x3  }
.LBB2_1:
.Ltmp2:
0x1b: {  	(pc) =	sbr.rel @!p0 .LBB2_2-.Ltmp2, $4  }
0x1c: {  	[spmem:s20], [sflag:s18] =	dma.local [hbm:s10], $0x2700  }
0x1d: {  	_ =	swait.ge [sflag:s21], $0x2700  }
0x1e: {  	[sflag:s21] =	ssyncset.done $0x0  }
0x1f: {  	[sflag:s21] =	ssyncadd.s32 $0xFFFFD900  }
0x20: {  	[spmem:s22], [sflag:s18] =	dma.local @!p1 [hbm:s12], $0x100  }
0x21: {  	s0 =	simm.s32 @!p1 $0x2  }
0x22: {  	_ =	swait.ge @!p1 [sflag:s0], $0x100  }
0x23: {  	[sflag:s0] =	ssyncset.done @!p1 $0x0  }
0x24: {  	s15 =	simm.s32 $0x0;
	[sflag:s0] =	ssyncadd.s32 @!p1 $0xFFFFFF00  }
0x25: {  	[tilespmem:s23], [sflag:$0x2] =	stream.linear.gather [hbm4b:s6+s15], $0x7D00, $0x38;
	[tilespmem:$0x1BA80] =	vst v63  }
0x26: {  	_ =	swait.ge [sflag:s21], $0x7D00  }
0x27: {  	[sflag:s21] =	ssyncset.done $0x0  }
0x28: {  	s0 =	sand.u32 $0x1, s15;
	[sflag:s21] =	ssyncadd.s32 $0xFFFF8300  }
0x29: {  	p3 =	seq.s32 s0, $0x1;
	[bflag:$0x0] =	sbarrier.arrive $0xFFFF  }
0x2a: {  	s0 =	sadd.s32 @p3 $0x10, s19;
	s13 =	sadd.s32 @p3 $0x20, s9;
	s2 =	rddreg [dreg:$0x5]  }
0x2b: {  	[tilespmem:s15], [sflag:$0x2] =	stream.strided.gather [hbm4b:s2+s24], $0x100, s25, s24, $0x38;
	[tilespmem:$0x1BA80] =	vst v63  }
0x2c: {  	s14 =	sand.u32 @!p3 $0x60, s19;
	s0 =	sand.u32 @p3 $0x60, s0;
	s2 =	sand.u32 @!p3 $0x1FF00, s9  }
0x2d: {  	s13 =	sand.u32 @p3 $0x3FF00, s13;
	_ =	swait.ge [sflag:s21], $0x100;
	s2 =	smov.u32 @p3 s0  }
0x2e: {  	s0 =	sor.u32 @!p3 $0x10, s14;
	s14 =	simm.s32 @!p3 $0x100;
	[sflag:s21] =	ssyncset.done $0x0  }
0x2f: {  	s2 =	sadd.s32 s5, s2;
	s0 =	smov.u32 @p3 s13;
	s14 =	simm.s32 @p3 $0x0  }
0x30: {  	s13 =	simm.s32 @!p3 $0x0;
	[sflag:s21] =	ssyncadd.s32 $0xFFFFFF00;
	s0 =	sadd.s32 s0, s2  }
0x31: {  	[tilespmem:s14], [sflag:$0x1] =	stream.strided.gather [hbm4b:s0+s24], $0x100, s25, s24, $0x38;
	[tilespmem:$0x1BA80] =	vst v63  }
0x32: {  	s16 =	simm.s32 $0x1;
	s30 =	simm.s32 $0x2;
	s13 =	simm.s32 @p3 $0x100  }
0x33: {  	[spmem:s1] =	stream.indirect.scatter.add.f32 [tilespmem:s23], [sflag:$0x2], $0x80, s13, s26, $0xb8;
	[tilespmem:$0x1BA80] =	vst v63  }
0x34: {  	s31 =	sadd.s32 $0x10, s19;
	s29 =	sand.u32 $0x1, s16;
	_ =	swait.ge [sflag:s21], $0x7D00  }
0x35: {  	p3 =	seq.s32 s29, $0x1;
	s0 =	sadd.s32 $0x20, s9;
	[sflag:s21] =	ssyncset.done $0x0  }
0x36: {  	s2 =	sand.u32 @!p3 $0x1FF00, s0;
	s13 =	sadd.s32 @p3 $0x10, s31;
	[sflag:s21] =	ssyncadd.s32 $0xFFFF8300  }
.LBB2_6:
0x37: {  	s14 =	sadd.s32 @p3 $0x20, s0  }
0x38: {  	s13 =	sand.u32 @p3 $0x60, s13;
	_ =	swait.ge [sflag:s28], $0x100;
	s15 =	smov.u32 s30  }
0x39: {  	s16 =	simm.s32 @!p3 $0x100;
	s14 =	sand.u32 @p3 $0x3FF00, s14;
	s2 =	smov.u32 @p3 s13  }
0x3a: {  	s13 =	sand.u32 @!p3 $0x60, s31;
	s2 =	sadd.s32 s5, s2;
	[sflag:s28] =	ssyncset.done $0x0  }
0x3b: {  	s16 =	simm.s32 @p3 $0x0;
	s13 =	sor.u32 @!p3 $0x10, s13;
	[sflag:s28] =	ssyncadd.s32 $0xFFFFFF00  }
0x3c: {  	s30 =	sadd.s32 $0x1, s30;
	s29 =	simm.s32 @!p3 $0x0;
	s13 =	smov.u32 @p3 s14  }
0x3d: {  	p4 =	sne.s32 s30, $0x4F;
	s29 =	simm.s32 @p3 $0x100;
	s2 =	sadd.s32 s13, s2  }
0x3e: {  	[tilespmem:s16], [sflag:$0x1] =	stream.strided.gather [hbm4b:s2+s24], $0x100, s25, s24, $0x38;
	[tilespmem:$0x1BA80] =	vst v63  }
.Ltmp3:
0x3f: {  	(pc) =	sbr.rel @p4 .LBB2_6-.Ltmp3, $4  }
0x40: {  	[spmem:s1] =	stream.indirect.scatter.add.f32 [tilespmem:s23], [sflag:$0x2], $0x80, s29, s26, $0xb8;
	[tilespmem:$0x1BA80] =	vst v63  }
0x41: {  	s0 =	sadd.s32 $0x20, s0;
	s2 =	sand.u32 $0x1, s15;
	_ =	swait.ge [sflag:s21], $0x7D00  }
0x42: {  	s31 =	sadd.s32 $0x10, s31;
	p3 =	seq.s32 s2, $0x1;
	[sflag:s21] =	ssyncset.done $0x0  }
0x43: {  	s13 =	sadd.s32 @p3 $0x10, s31;
	s2 =	sand.u32 @!p3 $0x1FF00, s0;
	[sflag:s21] =	ssyncadd.s32 $0xFFFF8300  }
0x44: {  	s0 =	sadd.s32 @p3 $0x20, s0;
	s13 =	sand.u32 @p3 $0x60, s13;
	_ =	swait.ge [sflag:s28], $0x100  }
0x45: {  	s14 =	simm.s32 @!p3 $0x100;
	s2 =	smov.u32 @p3 s13;
	s13 =	sand.u32 @!p3 $0x60, s31  }
0x46: {  	s0 =	sand.u32 @p3 $0x3FF00, s0;
	[sflag:s28] =	ssyncset.done $0x0;
	s13 =	sor.u32 @!p3 $0x10, s13  }
0x47: {  	s14 =	simm.s32 @p3 $0x0;
	s2 =	sadd.s32 s5, s2;
	s13 =	smov.u32 @p3 s0  }
0x48: {  	[sflag:s28] =	ssyncadd.s32 $0xFFFFFF00;
	s0 =	simm.s32 @!p3 $0x0;
	s2 =	sadd.s32 s13, s2  }
0x49: {  	[tilespmem:s14], [sflag:$0x1] =	stream.strided.gather [hbm4b:s2+s24], $0x100, s25, s24, $0x38;
	[tilespmem:$0x1BA80] =	vst v63  }
0x4a: {  	s0 =	simm.s32 @p3 $0x100  }
0x4b: {  	[spmem:s1] =	stream.indirect.scatter.add.f32 [tilespmem:s23], [sflag:$0x2], $0x80, s0, s26, $0xb8;
	[tilespmem:$0x1BA80] =	vst v63  }
0x4c: {  	_ =	swait.ge [sflag:s21], $0x7D00  }
0x4d: {  	[sflag:s21] =	ssyncset.done $0x0  }
0x4e: {  	[sflag:s21] =	ssyncadd.s32 $0xFFFF8300  }
0x4f: {  	_ =	swait.ge [sflag:s28], $0x100  }
0x50: {  	[sflag:s28] =	ssyncset.done $0x0  }
0x51: {  	s30 =	simm.s32 $0x100;
	[sflag:s28] =	ssyncadd.s32 $0xFFFFFF00  }
0x52: {  	[spmem:s1] =	stream.indirect.scatter.add.f32 [tilespmem:s23], [sflag:$0x2], $0x80, s30, s26, $0xb8;
	[tilespmem:$0x1BA80] =	vst v63  }
0x53: {  	_ =	swait.ge [sflag:s21], $0x7D00  }
0x54: {  	[sflag:s21] =	ssyncset.done $0x0  }
0x55: {  	[sflag:s21] =	ssyncadd.s32 $0xFFFF8300  }
0x56: {  	[bflag:$0x0] =	sbarrier.arrive $0xFFFF  }
0x57: {  	s31 =	rddreg [dreg:$0x6]  }
0x58: {  	[hbm:s31], [sflag:s18] =	dma.local [spmem:s20], $0x2700  }
.Ltmp4:
0x59: {  	_ = 	snop;
	(pc) =	sbr.rel @p1 .LBB2_9-.Ltmp4, $4  }
.Ltmp5:
0x5a: {  	_ = 	snop;
	(pc) =	sbr.rel @!p1 .LBB2_8-.Ltmp5, $4  }
0x5b: {  	_ =	swait.ge [sflag:s21], $0x2700  }
0x5c: {  	[sflag:s21] =	ssyncset.done $0x0  }
0x5d: {  	s0 =	smov.u32 s8;
	[sflag:s21] =	ssyncadd.s32 $0xFFFFD900  }
0x5e: {  	_ = 	snop  }
.LBB2_2:
0x5f: {  	[spmem:s22], [sflag:s18] =	dma.local @!p1 [hbm:s12], $0x100  }
0x60: {  	s0 =	simm.s32 @!p1 $0x2  }
0x61: {  	_ =	swait.ge @!p1 [sflag:s0], $0x100  }
0x62: {  	[sflag:s0] =	ssyncset.done @!p1 $0x0  }
0x63: {  	s15 =	simm.s32 $0x0;
	[sflag:s0] =	ssyncadd.s32 @!p1 $0xFFFFFF00  }
0x64: {  	[tilespmem:s23], [sflag:$0x2] =	stream.linear.gather [hbm4b:s6+s15], $0x7D00, $0x38;
	[tilespmem:$0x1BA80] =	vst v63  }
0x65: {  	_ =	swait.ge [sflag:s21], $0x7D00  }
0x66: {  	[sflag:s21] =	ssyncset.done $0x0  }
0x67: {  	s0 =	sand.u32 $0x1, s15;
	[sflag:s21] =	ssyncadd.s32 $0xFFFF8300  }
0x68: {  	s16 =	simm.s32 $0x1;
	p3 =	seq.s32 s0, $0x1;
	[bflag:$0x0] =	sbarrier.arrive $0xFFFF  }
0x69: {  	s0 =	sadd.s32 @p3 $0x10, s19;
	s13 =	sadd.s32 @p3 $0x20, s9;
	s2 =	rddreg [dreg:$0x3]  }
0x6a: {  	[tilespmem:s15], [sflag:$0x2] =	stream.strided.gather [hbm4b:s2+s24], $0x100, s25, s24, $0x38;
	[tilespmem:$0x1BA80] =	vst v63  }
0x6b: {  	s30 =	sand.u32 @!p3 $0x60, s19;
	s0 =	sand.u32 @p3 $0x60, s0;
	s2 =	sand.u32 @!p3 $0x1FF00, s9  }
0x6c: {  	s13 =	sand.u32 @p3 $0x3FF00, s13;
	_ =	swait.ge [sflag:s21], $0x100;
	s2 =	smov.u32 @p3 s0  }
0x6d: {  	s0 =	sor.u32 @!p3 $0x10, s30;
	s30 =	simm.s32 @!p3 $0x100;
	[sflag:s21] =	ssyncset.done $0x0  }
0x6e: {  	s2 =	sadd.s32 s4, s2;
	s0 =	smov.u32 @p3 s13;
	s30 =	simm.s32 @p3 $0x0  }
0x6f: {  	s13 =	simm.s32 @!p3 $0x0;
	[sflag:s21] =	ssyncadd.s32 $0xFFFFFF00;
	s0 =	sadd.s32 s0, s2  }
0x70: {  	[tilespmem:s30], [sflag:$0x1] =	stream.strided.gather [hbm4b:s0+s24], $0x100, s25, s24, $0x38;
	[tilespmem:$0x1BA80] =	vst v63  }
0x71: {  	s29 =	sand.u32 $0x1, s16;
	s13 =	simm.s32 @p3 $0x100  }
0x72: {  	[spmem:s1] =	stream.indirect.scatter.add.f32 [tilespmem:s23], [sflag:$0x2], $0x80, s13, s26, $0xb8;
	[tilespmem:$0x1BA80] =	vst v63  }
0x73: {  	s31 =	sadd.s32 $0x10, s19;
	p3 =	seq.s32 s29, $0x1;
	_ =	swait.ge [sflag:s21], $0x7D00  }
0x74: {  	s30 =	simm.s32 $0x2;
	s0 =	sadd.s32 $0x20, s9;
	[sflag:s21] =	ssyncset.done $0x0  }
0x75: {  	s2 =	sand.u32 @!p3 $0x1FF00, s0;
	s13 =	sadd.s32 @p3 $0x10, s31;
	[sflag:s21] =	ssyncadd.s32 $0xFFFF8300  }
.LBB2_3:
0x76: {  	s14 =	sadd.s32 @p3 $0x20, s0  }
0x77: {  	s13 =	sand.u32 @p3 $0x60, s13;
	_ =	swait.ge [sflag:s28], $0x100;
	s15 =	smov.u32 s30  }
0x78: {  	s16 =	simm.s32 @!p3 $0x100;
	s14 =	sand.u32 @p3 $0x3FF00, s14;
	s2 =	smov.u32 @p3 s13  }
0x79: {  	s13 =	sand.u32 @!p3 $0x60, s31;
	s2 =	sadd.s32 s4, s2;
	[sflag:s28] =	ssyncset.done $0x0  }
0x7a: {  	s16 =	simm.s32 @p3 $0x0;
	s13 =	sor.u32 @!p3 $0x10, s13;
	[sflag:s28] =	ssyncadd.s32 $0xFFFFFF00  }
0x7b: {  	s30 =	sadd.s32 $0x1, s30;
	s29 =	simm.s32 @!p3 $0x0;
	s13 =	smov.u32 @p3 s14  }
0x7c: {  	p4 =	sne.s32 s30, $0x4F;
	s29 =	simm.s32 @p3 $0x100;
	s2 =	sadd.s32 s13, s2  }
0x7d: {  	[tilespmem:s16], [sflag:$0x1] =	stream.strided.gather [hbm4b:s2+s24], $0x100, s25, s24, $0x38;
	[tilespmem:$0x1BA80] =	vst v63  }
.Ltmp6:
0x7e: {  	(pc) =	sbr.rel @p4 .LBB2_3-.Ltmp6, $4  }
0x7f: {  	[spmem:s1] =	stream.indirect.scatter.add.f32 [tilespmem:s23], [sflag:$0x2], $0x80, s29, s26, $0xb8;
	[tilespmem:$0x1BA80] =	vst v63  }
0x80: {  	s0 =	sadd.s32 $0x20, s0;
	s2 =	sand.u32 $0x1, s15;
	_ =	swait.ge [sflag:s21], $0x7D00  }
0x81: {  	s31 =	sadd.s32 $0x10, s31;
	p3 =	seq.s32 s2, $0x1;
	[sflag:s21] =	ssyncset.done $0x0  }
0x82: {  	s13 =	sadd.s32 @p3 $0x10, s31;
	s2 =	sand.u32 @!p3 $0x1FF00, s0;
	[sflag:s21] =	ssyncadd.s32 $0xFFFF8300  }
0x83: {  	s0 =	sadd.s32 @p3 $0x20, s0;
	s13 =	sand.u32 @p3 $0x60, s13;
	_ =	swait.ge [sflag:s28], $0x100  }
0x84: {  	s14 =	simm.s32 @!p3 $0x100;
	s2 =	smov.u32 @p3 s13;
	s13 =	sand.u32 @!p3 $0x60, s31  }
0x85: {  	s0 =	sand.u32 @p3 $0x3FF00, s0;
	[sflag:s28] =	ssyncset.done $0x0;
	s13 =	sor.u32 @!p3 $0x10, s13  }
0x86: {  	s14 =	simm.s32 @p3 $0x0;
	s2 =	sadd.s32 s4, s2;
	s13 =	smov.u32 @p3 s0  }
0x87: {  	[sflag:s28] =	ssyncadd.s32 $0xFFFFFF00;
	s0 =	simm.s32 @!p3 $0x0;
	s2 =	sadd.s32 s13, s2  }
0x88: {  	[tilespmem:s14], [sflag:$0x1] =	stream.strided.gather [hbm4b:s2+s24], $0x100, s25, s24, $0x38;
	[tilespmem:$0x1BA80] =	vst v63  }
0x89: {  	s0 =	simm.s32 @p3 $0x100  }
0x8a: {  	[spmem:s1] =	stream.indirect.scatter.add.f32 [tilespmem:s23], [sflag:$0x2], $0x80, s0, s26, $0xb8;
	[tilespmem:$0x1BA80] =	vst v63  }
0x8b: {  	_ =	swait.ge [sflag:s21], $0x7D00  }
0x8c: {  	[sflag:s21] =	ssyncset.done $0x0  }
0x8d: {  	[sflag:s21] =	ssyncadd.s32 $0xFFFF8300  }
0x8e: {  	_ =	swait.ge [sflag:s28], $0x100  }
0x8f: {  	[sflag:s28] =	ssyncset.done $0x0  }
0x90: {  	s30 =	simm.s32 $0x100;
	[sflag:s28] =	ssyncadd.s32 $0xFFFFFF00  }
0x91: {  	[spmem:s1] =	stream.indirect.scatter.add.f32 [tilespmem:s23], [sflag:$0x2], $0x80, s30, s26, $0xb8;
	[tilespmem:$0x1BA80] =	vst v63  }
0x92: {  	_ =	swait.ge [sflag:s21], $0x7D00  }
0x93: {  	[sflag:s21] =	ssyncset.done $0x0  }
0x94: {  	[sflag:s21] =	ssyncadd.s32 $0xFFFF8300  }
0x95: {  	[bflag:$0x0] =	sbarrier.arrive $0xFFFF  }
0x96: {  	s31 =	rddreg [dreg:$0x4]  }
0x97: {  	[hbm:s31], [sflag:s18] =	dma.local [spmem:s20], $0x2700  }
.Ltmp7:
0x98: {  	_ = 	snop;
	(pc) =	sbr.rel @p2 .LBB2_8-.Ltmp7, $4  }
.Ltmp8:
0x99: {  	_ = 	snop;
	(pc) =	sbr.rel @!p2 .LBB2_9-.Ltmp8, $4  }
0x9a: {  	_ =	swait.ge [sflag:s21], $0x2700  }
0x9b: {  	[sflag:s21] =	ssyncset.done $0x0  }
0x9c: {  	s0 =	smov.u32 s7;
	[sflag:s21] =	ssyncadd.s32 $0xFFFFD900  }
0x9d: {  	_ = 	snop  }
.LBB2_10:
0x9e: {  	_ =	sfence.sel $0x180000  }
0x9f: {  	[bflag:$0x0] =	sbarrier.arrive $0xFFFF  }
0xa0: {  	_ =	strace $0x90000047  }
0xa1: {  	s0 =	stileid.u32;
	[bflag:$0x2] =	sbarrier.arrive $0xFFFF  }
0xa2: {  	p0 =	sne.s32 s0, $0x0;
	s0 =	rddreg [dreg:$0x2]  }
0xa3: {  	s0 =	sadd.s32 @!p0 $0x100000, s0  }
0xa4: {  	[sflag:s0] =	ssyncadd.tile.s32 @!p0 $0x1;
	_ =	shalt  }
.Lfunc_end2:
_tile_overlayer_lowered:
.L_overlay_start_2:
0xa5: {  	(tag) =	ssettag $0x2  }
0xa6: {  	s0 =	rddreg [dreg:$0x0];
	s2 =	stileid.u32  }
0xa7: {  	s1 =	rddreg [dreg:$0x1];
	p0 =	sne.s32 s2, $0x0  }
0xa8: {  	s3 =	rddreg [dreg:$0x2];
	[bflag:$0x3] =	sbarrier.arrive $0xFFFF;
	s2 =	simm.s32 @!p0 $0x1C02  }
0xa9: {  	[timem:s3], [sflag:s2] =	dma.local @!p0 [hbm:s0], s1  }
0xaa: {  	s0 =	simm.s32 @!p0 $0x2  }
0xab: {  	_ =	swait.ge @!p0 [sflag:s0], s1  }
0xac: {  	s1 =	ssub.s32 @!p0 $0x0, s1;
	[sflag:s0] =	ssyncset.done @!p0 $0x0  }
0xad: {  	[sflag:s0] =	ssyncadd.s32 @!p0 s1  }
0xae: {  	[bflag:$0x3] =	sbarrier.arrive $0xFFFF  }
0xaf: {  	_ =	shalt  }

// kernel: kernel.13.cloned.1.call-start
scs
__scs_entry_jumppad:
0x0: {  	(pc) =	sbr.rel $0x88, $3  }
0x1: {  	(tag) =	ssettag $0x0;
	lr =	simm.s32 $0x1  }
0x2: {  	[smem:$0x3F95] =	sst lr;
	_ =	strace $0xD0000000  }
0x3: {  	_ = 	snop  }
0x4: {  	_ = 	snop  }
0x5: {  	_ = 	snop  }
0x6: {  	_ = 	snop  }
0x7: {  	_ = 	snop  }
__scs_overlays_trampoline_lowered:
0x8: {  	[smem:$0x3FA4] =	sst s0  }
0x9: {  	[smem:$0x3FA5] =	sst s1  }
0xa: {  	[smem:$0x3FA6] =	sst s2  }
0xb: {  	[smem:$0x3FA7] =	sst s3  }
0xc: {  	[smem:$0x3FA8] =	sst s4  }
0xd: {  	[smem:$0x3FA9] =	sst s5  }
0xe: {  	[smem:$0x3FAA] =	sst s6  }
0xf: {  	[smem:$0x3FAB] =	sst s7  }
0x10: {  	[smem:$0x3FAC] =	sst s8  }
0x11: {  	[smem:$0x3FAD] =	sst s9;
	s0 =	simm.s32 @!p0 $0x0  }
0x12: {  	s1 =	sld [smem:$0x3F93];
	s0 =	simm.s32 @p0 $0x1  }
0x13: {  	[smem:$0x3FAE] =	sst s0;
	s0 =	simm.s32 @!p1 $0x0  }
0x14: {  	s2 =	sld [smem:$0x3F92];
	s0 =	simm.s32 @p1 $0x1  }
0x15: {  	[smem:$0x3FAF] =	sst s0;
	s0 =	simm.s32 @!p2 $0x0  }
0x16: {  	s3 =	sld [smem:$0x3FDB];
	s0 =	simm.s32 @p2 $0x1  }
0x17: {  	s4 =	simm.s32 $0x1BF5;
	[smem:$0x3FB1] =	sst s0  }
0x18: {  	s0 =	sld [smem:$0x3F94];
	_ =	swait.ge [sflag:s4], $0x0  }
0x19: {  	s7 =	sld [smem:$0x3F95]  }
0x1a: {  	s8 =	sadd.s32 $0xFFFFE003, lr  }
0x1b: {  	s9 =	sadd.s32 $0xFFFFFEF7, lr;
	s5 =	simm.s32 $0xFFFFFFFF;
	p2 =	slt.u32 s8, $0xFFFFF086  }
0x1c: {  	p1 =	slt.u32 s9, $0xF7A;
	s5 =	simm.s32 @!p2 $0x0  }
0x1d: {  	s5 =	simm.s32 @p1 $0x1;
	p0 =	seq.s32 s7, s2  }
0x1e: {  	s7 =	smul.u32 @!p0 $0xF7A, s2;
	p2 =	seq.s32 @!p0 s5, $0x0  }
0x1f: {  	s9 =	smul.u32 $0xF7A, s1;
	s8 =	simm.s32 @!p0 $0x1BF5;
	p2 =	por !p2, p0  }
0x20: {  	[sflag:s8] =	ssyncset.s32 @!p0 $0xFFFFF086;
	s6 =	sadd.s32 @!p0 s3, s7;
	s7 =	simm.s32 @!p0 $0x108  }
0x21: {  	s3 =	sadd.s32 s3, s9;
	s6 =	sadd.s32 @!p0 $0x88, s6;
	s7 =	simm.s32 @p2 $0x1082  }
0x22: {  	[simem:s7], [sflag:s8] =	dma.local @!p0 [hbm:s6], $0xF7A  }
0x23: {  	s9 =	sor.u32 $0xD0000000, s2;
	s6 =	simm.s32 $0x108;
	_ =	swait.ge @!p0 [sflag:s8], $0x0  }
0x24: {  	s3 =	sadd.s32 $0x88, s3;
	s6 =	simm.s32 @!p1 $0x1082;
	[sflag:s4] =	ssyncset.s32 $0xFFFFF086  }
0x25: {  	[simem:s6], [sflag:s4] =	dma.local [hbm:s3], $0xF7A  }
0x26: {  	[smem:$0x3F95] =	sst s1;
	(tag) =	ssettag s2;
	_ =	strace s9  }
0x27: {  	s1 =	sld [smem:$0x3FA5]  }
0x28: {  	s2 =	sld [smem:$0x3FA6]  }
0x29: {  	s4 =	sld [smem:$0x3FA8]  }
0x2a: {  	p0 =	seq.s32 s5, $0x0;
	s5 =	sld [smem:$0x3FA9]  }
0x2b: {  	s6 =	sld [smem:$0x3FAA]  }
0x2c: {  	s7 =	sld [smem:$0x3FAB]  }
0x2d: {  	s3 =	simm.s32 $0x108;
	s8 =	sld [smem:$0x3FAC]  }
0x2e: {  	s3 =	simm.s32 @!p0 $0x1082;
	s9 =	sld [smem:$0x3FAD]  }
0x2f: {  	lr =	sadd.s32 s0, s3;
	s0 =	sld [smem:$0x3FA4]  }
0x30: {  	s3 =	sld [smem:$0x3FA7]  }
0x31: {  	[smem:$0x3FB0] =	sst s10  }
0x32: {  	s10 =	sld [smem:$0x3FAE];
	_ =	sdelay $0x3  }
0x33: {  	p0 =	seq.s32 s10, $0x1;
	s10 =	sld [smem:$0x3FB0];
	_ =	sdelay $0x3  }
0x34: {  	[smem:$0x3FB0] =	sst s10  }
0x35: {  	s10 =	sld [smem:$0x3FAF];
	_ =	sdelay $0x3  }
0x36: {  	p1 =	seq.s32 s10, $0x1;
	s10 =	sld [smem:$0x3FB0];
	_ =	sdelay $0x3  }
0x37: {  	[smem:$0x3FB0] =	sst s10  }
0x38: {  	s10 =	sld [smem:$0x3FB1]  }
0x39: {  	_ = 	snop;
	(pc) =	sbr.ind lr, $3  }
0x3a: {  	_ = 	snop  }
0x3b: {  	_ = 	snop  }
0x3c: {  	p2 =	seq.s32 s10, $0x1;
	s10 =	sld [smem:$0x3FB0]  }
0x3d: {  	_ =	shalt  }
0x3e: {  	_ =	shalt  }
0x3f: {  	_ =	shalt  }
0x40: {  	_ =	shalt  }
0x41: {  	_ =	shalt  }
0x42: {  	_ =	shalt  }
0x43: {  	_ =	shalt  }
0x44: {  	_ =	shalt  }
0x45: {  	_ =	shalt  }
0x46: {  	_ =	shalt  }
0x47: {  	_ =	shalt  }
0x48: {  	_ =	shalt  }
0x49: {  	_ =	shalt  }
0x4a: {  	_ =	shalt  }
0x4b: {  	_ =	shalt  }
0x4c: {  	_ =	shalt  }
0x4d: {  	_ =	shalt  }
0x4e: {  	_ =	shalt  }
0x4f: {  	_ =	shalt  }
0x50: {  	_ =	shalt  }
0x51: {  	_ =	shalt  }
0x52: {  	_ =	shalt  }
0x53: {  	_ =	shalt  }
0x54: {  	_ =	shalt  }
0x55: {  	_ =	shalt  }
0x56: {  	_ =	shalt  }
0x57: {  	_ =	shalt  }
0x58: {  	_ =	shalt  }
0x59: {  	_ =	shalt  }
0x5a: {  	_ =	shalt  }
0x5b: {  	_ =	shalt  }
0x5c: {  	_ =	shalt  }
0x5d: {  	_ =	shalt  }
0x5e: {  	_ =	shalt  }
0x5f: {  	_ =	shalt  }
0x60: {  	_ =	shalt  }
0x61: {  	_ =	shalt  }
0x62: {  	_ =	shalt  }
0x63: {  	_ =	shalt  }
0x64: {  	_ =	shalt  }
0x65: {  	_ =	shalt  }
0x66: {  	_ =	shalt  }
0x67: {  	_ =	shalt  }
0x68: {  	_ =	shalt  }
0x69: {  	_ =	shalt  }
0x6a: {  	_ =	shalt  }
0x6b: {  	_ =	shalt  }
0x6c: {  	_ =	shalt  }
0x6d: {  	_ =	shalt  }
0x6e: {  	_ =	shalt  }
0x6f: {  	_ =	shalt  }
0x70: {  	_ =	shalt  }
0x71: {  	_ =	shalt  }
0x72: {  	_ =	shalt  }
0x73: {  	_ =	shalt  }
0x74: {  	_ =	shalt  }
0x75: {  	_ =	shalt  }
0x76: {  	_ =	shalt  }
0x77: {  	_ =	shalt  }
0x78: {  	_ =	shalt  }
0x79: {  	_ =	shalt  }
0x7a: {  	_ =	shalt  }
0x7b: {  	_ =	shalt  }
0x7c: {  	_ =	shalt  }
0x7d: {  	_ =	shalt  }
0x7e: {  	_ =	shalt  }
0x7f: {  	_ =	shalt  }
0x80: {  	_ =	shalt  }
0x81: {  	_ =	shalt  }
0x82: {  	_ =	shalt  }
0x83: {  	_ =	shalt  }
0x84: {  	_ =	shalt  }
0x85: {  	_ =	shalt  }
0x86: {  	_ =	shalt  }
0x87: {  	_ =	shalt  }
.Lfunc_end0:
.L_simem_size_0:
called_computation.1_lowered:
.L_overlay_start_0:
0x88: {  	s2 =	sld [smem:$0x3FD9]  }
0x89: {  	s3 =	sld [smem:$0x3FFE];
	_ =	sdelay $0x1  }
0x8a: {  	s1 =	srdreg.scid  }
0x8b: {  	s0 =	sand.u32 $0x1, s1  }
0x8c: {  	s16 =	sshll.u32 s0, $0xA;
	s2 =	sadd.s32 s3, s2  }
0x8d: {  	s2 =	sadd.s32 s2, s16  }
0x8e: {  	[smem:$0x3FBC] =	sst s2  }
0x8f: {  	_ = 	snop  }
0x90: {  	(tm) =	ssettm $0x1  }
0x91: {  	s17 =	sld [smem:$0x3FFB];
	_ =	sdelay $0x3  }
0x92: {  	_ =	strace s17  }
0x93: {  	s2 =	sld [smem:$0x3FFC];
	_ =	sdelay $0x3  }
0x94: {  	_ =	strace s2  }
0x95: {  	s2 =	sld [smem:$0x3FFD];
	_ =	sdelay $0x3  }
0x96: {  	_ =	strace s2  }
0x97: {  	_ =	strace $0x8FFFFFFF  }
0x98: {  	s18 =	sld [smem:$0x3FDB];
	_ =	sdelay $0x1  }
0x99: {  	s19 =	simm.s32 $_scs_section_size  }
0x9a: {  	s4 =	simm.s32 $_size__tile_overlayer_lowered;
	s5 =	simm.s32 $_tile_overlayer_lowered  }
0x9b: {  	s22 =	simm.s32 $0x1BFF;
	s21 =	sshll.u32 s5, $0x1;
	s2 =	sadd.s32 s19, s18  }
0x9c: {  	s6 =	simm.s32 $0x0;
	s20 =	sshll.u32 s4, $0x1;
	s4 =	sadd.s32 s21, s2  }
0x9d: {  	[timem:s6], [sflag:s22] =	dma.local [hbm:s4], s20  }
0x9e: {  	_ =	swait.ge [sflag:s22], s20  }
0x9f: {  	s3 =	ssub.s32 $0x0, s20;
	[sflag:s22] =	ssyncset.done $0x0  }
0xa0: {  	[sflag:s22] =	ssyncadd.s32 s3;
	_ =	sdelay $0x1  }
0xa1: {  	s23 =	simm.s32 $0x1B8B  }
0xa2: {  	_ =	swait.ge [sflag:s23], $0x1  }
0xa3: {  	[sflag:s23] =	ssyncset.done $0x0  }
0xa4: {  	s25 =	simm.s32 $0x1B8E;
	s24 =	sld [smem:$0x3FFE];
	[sflag:s23] =	ssyncadd.s32 $0xFFFFFFFF  }
0xa5: {  	s26 =	simm.s32 $execute0_lowered;
	[smem:$0x3FD2] =	sst s25  }
0xa6: {  	s4 =	sshll.u32 s26, $0x1;
	_ =	strace $0x80000049;
	[dreg:$0x1] =	wrdreg $0xFFFFFFFF  }
0xa7: {  	s28 =	simm.s32 $_size_execute0_lowered;
	s2 =	sadd.s32 s2, s4;
	[dreg:$0x0] =	wrdreg $0x0  }
0xa8: {  	s4 =	sshll.u32 s28, $0x1;
	[dreg:$0x2] =	wrdreg s2  }
0xa9: {  	[dreg:$0x3] =	wrdreg s4  }
0xaa: {  	[dreg:$0x4] =	wrdreg $0xC0  }
0xab: {  	_ =	task [dreg:s6], $0x5FFFF  }
0xac: {  	[dreg:$0x1] =	wrdreg $0xFFFFFFFF  }
0xad: {  	[dreg:$0x0] =	wrdreg $0x60  }
0xae: {  	[dreg:$0x2] =	wrdreg s24  }
0xaf: {  	[dreg:$0x3] =	wrdreg $0xA4000  }
0xb0: {  	[dreg:$0x4] =	wrdreg $0x9  }
0xb1: {  	_ =	task.clear_ibuf [dreg:s6], $0x5FFFF;
	_ =	strace $0x90000049  }
0xb2: {  	s29 =	simm.s32 $0x9;
	_ =	strace $0x8000004B  }
0xb3: {  	_ =	swait.ge [sflag:s29], $0x1  }
0xb4: {  	[sflag:s29] =	ssyncadd.s32 $0xFFFFFFFF  }
0xb5: {  	_ =	strace $0x9000004B  }
0xb6: {  	_ =	sfence  }
0xb7: {  	s30 =	sld [smem:$0x0];
	_ =	sdelay $0x2  }
0xb8: {  	s31 =	sshll.u32 s1, $0xD;
	s1 =	sshrl.u32 s1, $0x2  }
0xb9: {  	s3 =	sand.u32 $0x4000, s31;
	s1 =	sadd.s32 s1, s30  }
0xba: {  	s0 =	sor.u32 s3, s0;
	s1 =	sshll.u32 s1, $0x11  }
0xbb: {  	s0 =	sor.u32 s1, s0  }
0xbc: {  	s0 =	sadd.s32 $0x8F2B, s0  }
0xbd: {  	[sflag:s0] =	ssyncadd.remote.s32 $0x1  }
0xbe: {  	_ =	sfence.sel $0xFFFF  }
0xbf: {  	[dreg:$0x0] =	wrdreg $0xFFFFFFFF;
	(pc) =	sbr.abs _section_cstart, $3  }
0xc0: {  	[dreg:$0x1] =	wrdreg $0xFFFFFFFF  }
0xc1: {  	_ =	task.clear_ibuf [dreg:s6], $0x2FFFF;
	_ =	strace $0x9FFFFFFF  }
0xc2: {  	(tm) =	ssettm $0x7FFFFFFF  }
0xc3: {  	_ =	shalt  }
tec
execute0_lowered:
.L_overlay_start_1:
0x0: {  	(tag) =	ssettag $0x1  }
0x1: {  	s0 =	rddreg [dreg:$0x0]  }
0x2: {  	s1 =	rddreg [dreg:$0x1];
	s2 =	simm.s32 $0x0;
	s11 =	stileid.u32  }
0x3: {  	s10 =	srdreg.scid;
	s29 =	simm.s32 $0x400;
	s30 =	simm.s32 $0x200  }
0x4: {  	s31 =	simm.s32 $0xA0;
	[smem:$0x7FF] =	sst s2;
	s3 =	smul.u32 $0x2700, s11  }
0x5: {  	s4 =	sadd.s32 $0xAD600, s0;
	s5 =	sadd.s32 $0x8E200, s0;
	s12 =	smul.u32 $0x7D00, s11  }
0x6: {  	s6 =	sadd.s32 $0xBD000, s0;
	s7 =	sadd.s32 $0x9DC00, s0;
	s15 =	smul.u32 $0x280, s11  }
0x7: {  	s8 =	sadd.s32 $0x66000, s0;
	s9 =	sadd.s32 $0x3EE00, s0;
	s17 =	smul.u32 $0x4E000, s11  }
0x8: {  	s10 =	sand.u32 $0x1, s10;
	s18 =	sadd.s32 $0x168E00, s0;
	s24 =	smul.u32 $0x7D0, s11  }
0x9: {  	s19 =	sadd.s32 $0x190000, s0;
	s26 =	smul.u32 $0xFA0, s11;
	p1 =	sne.s32 s11, $0xF  }
0xa: {  	p2 =	seq.s32 s11, $0xF;
	_ =	strace $0x8000004A;
	[dreg:$0x3] =	wrdreg s18  }
0xb: {  	s14 =	ssub.s32 $0x2, s10;
	p0 =	seq.s32 s10, $0x1;
	[dreg:$0x4] =	wrdreg s19  }
0xc: {  	s13 =	sadd.s32 s3, s0;
	s16 =	sshrl.u32 s14, $0x1;
	s12 =	sand.u32 $0x7F800, s12  }
0xd: {  	s28 =	sand.u32 $0x380, s15;
	s15 =	sshrl.u32 s17, $0x2;
	s0 =	sadd.s32 $0x3EC00, s0  }
0xe: {  	s23 =	sadd.s32 s18, s3;
	s3 =	sadd.s32 s19, s3;
	[dreg:$0x7] =	wrdreg s0  }
0xf: {  	s24 =	sadd.s32 $0x10, s24;
	s16 =	ssub.s32 s14, s16;
	[dreg:$0xa] =	wrdreg s23  }
0x10: {  	s14 =	sor.u32 s28, s12;
	s10 =	sadd.s32 s15, s1;
	[dreg:$0xd] =	wrdreg s3  }
0x11: {  	s17 =	sadd.s32 $0x17C00, s13;
	[dreg:$0x5] =	wrdreg s10;
	s20 =	sshrl.u32 s14, $0x3  }
0x12: {  	s28 =	sshll.u32 s11, $0x6;
	[dreg:$0x6] =	wrdreg s17;
	s21 =	sadd.s32 s4, s20  }
.Ltmp0:
0x13: {  	s22 =	sadd.s32 s5, s20;
	[dreg:$0x8] =	wrdreg s21;
	(pc) =	sbr.rel .LBB2_1-.Ltmp0, $4  }
0x14: {  	s0 =	simm.s32 $0x1;
	s25 =	sadd.s32 s6, s20;
	[dreg:$0x9] =	wrdreg s22  }
0x15: {  	s3 =	simm.s32 $0x4;
	s10 =	sadd.s32 s7, s20;
	[dreg:$0xb] =	wrdreg s25  }
0x16: {  	s14 =	sadd.s32 $0x138000, s1;
	s23 =	sor.u32 $0x1C03, s28;
	[dreg:$0xc] =	wrdreg s10  }
0x17: {  	s22 =	smax.u32 s16, $0x1;
	s25 =	sadd.s32 $0x20, s26;
	s26 =	simm.s32 $0x3  }
.LBB2_8:
0x18: {  	s10 =	sadd.s32 $0x27000, s10;
	s11 =	sshrl.u32 s14, $0x3  }
0x19: {  	[hbm:s10], [sflag:s23] =	dma.local [spmem:s11], $0x100  }
0x1a: {  	_ =	swait.ge [sflag:s26], $0x100  }
0x1b: {  	[sflag:s26] =	ssyncset.done $0x0  }
0x1c: {  	[sflag:s26] =	ssyncadd.s32 $0xFFFFFF00  }
.LBB2_9:
0x1d: {  	s2 =	sadd.s32 $0x1, s2  }
0x1e: {  	p3 =	sne.s32 s2, s22  }
.Ltmp1:
0x1f: {  	_ = 	snop;
	(pc) =	sbr.rel @!p3 .LBB2_10-.Ltmp1, $1  }
0x20: {  	_ =	sdelay $0x3  }
.LBB2_1:
0x21: {  	s10 =	rddreg [dreg:$0x5]  }
.Ltmp2:
0x22: {  	s28 =	rddreg [dreg:$0x6];
	s16 =	sshrl.u32 s10, $0x3;
	(pc) =	sbr.rel @!p0 .LBB2_2-.Ltmp2, $4  }
0x23: {  	[spmem:s16], [sflag:s23] =	dma.local [hbm:s28], $0x2700  }
0x24: {  	_ =	swait.ge [sflag:s26], $0x2700  }
0x25: {  	[sflag:s26] =	ssyncset.done $0x0  }
0x26: {  	s10 =	sshrl.u32 @!p1 s14, $0x3;
	[sflag:s26] =	ssyncadd.s32 $0xFFFFD900  }
0x27: {  	s11 =	rddreg [dreg:$0x7]  }
0x28: {  	[spmem:s10], [sflag:s23] =	dma.local @!p1 [hbm:s11], $0x100  }
0x29: {  	s10 =	simm.s32 @!p1 $0x3  }
0x2a: {  	_ =	swait.ge @!p1 [sflag:s10], $0x100  }
0x2b: {  	[sflag:s10] =	ssyncset.done @!p1 $0x0  }
0x2c: {  	[sflag:s10] =	ssyncadd.s32 @!p1 $0xFFFFFF00  }
0x2d: {  	[bflag:$0x0] =	sbarrier.arrive $0xFFFF  }
0x2e: {  	s19 =	simm.s32 $0x0;
	s12 =	simm.s32 $0x80;
	s20 =	rddreg [dreg:$0xb]  }
0x2f: {  	[tilespmem:s19], [sflag:$0x3] =	stream.strided.gather [hbm4b:s20+s12], $0x100, s29, s12, $0x38;
	[tilespmem:$0x1DC80] =	vst v63  }
0x30: {  	_ =	swait.ge [sflag:s26], $0x100  }
0x31: {  	[sflag:s26] =	ssyncset.done $0x0  }
0x32: {  	s10 =	sand.u32 $0x1, s19;
	s21 =	rddreg [dreg:$0xc];
	[sflag:s26] =	ssyncadd.s32 $0xFFFFFF00  }
0x33: {  	[tilespmem:s30], [sflag:$0x3] =	stream.strided.gather [hbm4b:s21+s12], $0x100, s29, s12, $0x38;
	[tilespmem:$0x1DC80] =	vst v63  }
0x34: {  	p3 =	seq.s32 s10, $0x1;
	_ =	swait.ge [sflag:s26], $0x100  }
0x35: {  	s10 =	sand.u32 @p3 $0x3FF00, s25;
	s11 =	sand.u32 @p3 $0x70, s24;
	[sflag:s26] =	ssyncset.done $0x0  }
0x36: {  	s13 =	simm.s32 @p3 $0x80;
	s10 =	sor.u32 @p3 s11, s10;
	[sflag:s26] =	ssyncadd.s32 $0xFFFFFF00  }
0x37: {  	[tilespmem:s29], [sflag:$0x1] =	stream.indirect.gather [hbm4b:s9+s31], $0x80, s19, s31, $0xb8;
	[tilespmem:$0x1DC80] =	vst v63  }
0x38: {  	s15 =	simm.s32 @p3 $0x400;
	s11 =	simm.s32 @p3 $0x0;
	s12 =	sadd.s32 @p3 s6, s10  }
0x39: {  	[tilespmem:s11], [sflag:$0x2] =	stream.strided.gather @p3 [hbm4b:s12+s13], $0x100, s15, s13, $0x38;
	[tilespmem:$0x1DC80] =	vst v63  }
0x3a: {  	s17 =	simm.s32 @p3 $0x1;
	s10 =	sadd.s32 @p3 s7, s10;
	s12 =	simm.s32 @p3 $0x200  }
0x3b: {  	[tilespmem:s12], [sflag:$0x2] =	stream.strided.gather @p3 [hbm4b:s10+s13], $0x100, s15, s13, $0x38;
	[tilespmem:$0x1DC80] =	vst v63  }
0x3c: {  	_ =	swait.ge @p3 [sflag:s17], $0x5000  }
0x3d: {  	[sflag:s17] =	ssyncset.done @p3 $0x0  }
0x3e: {  	s10 =	simm.s32 @p3 $0x2;
	[sflag:s17] =	ssyncadd.s32 @p3 $0xFFFFB000  }
0x3f: {  	_ =	swait.ge @p3 [sflag:s10], $0x100  }
0x40: {  	[sflag:s10] =	ssyncset.done @p3 $0x0  }
0x41: {  	[sflag:s10] =	ssyncadd.s32 @p3 $0xFFFFFF00  }
0x42: {  	_ =	swait.ge @p3 [sflag:s10], $0x100  }
0x43: {  	s12 =	sand.u32 @!p3 $0x3FF00, s25;
	s13 =	sand.u32 @!p3 $0x70, s24;
	[sflag:s10] =	ssyncset.done @p3 $0x0  }
0x44: {  	s12 =	sor.u32 @!p3 s13, s12;
	[sflag:s10] =	ssyncadd.s32 @p3 $0xFFFFFF00;
	s10 =	simm.s32 @p3 $0xA0  }
0x45: {  	[tilespmem:s15], [sflag:$0x1] =	stream.indirect.gather @p3 [hbm4b:s9+s10], $0x80, s11, s10, $0xb8;
	[tilespmem:$0x1DC80] =	vst v63  }
0x46: {  	s13 =	simm.s32 @p3 $0x300;
	s11 =	sadd.s32 @!p3 s6, s12;
	s15 =	simm.s32 @p3 $0x5400  }
0x47: {  	[spmem:s1] =	stream.indirect.scatter.add.f32 @p3 [tilespmem:s15], [sflag:$0x3], $0x80, s13, s10, $0xb8;
	[tilespmem:$0x1DC80] =	vst v63  }
0x48: {  	s10 =	simm.s32 @!p3 $0x80;
	s13 =	simm.s32 @!p3 $0x400;
	s15 =	simm.s32 @!p3 $0x100  }
0x49: {  	[tilespmem:s15], [sflag:$0x2] =	stream.strided.gather @!p3 [hbm4b:s11+s10], $0x100, s13, s10, $0x38;
	[tilespmem:$0x1DC80] =	vst v63  }
0x4a: {  	s17 =	simm.s32 @!p3 $0x1;
	s11 =	sadd.s32 @!p3 s7, s12;
	s12 =	simm.s32 @!p3 $0x300  }
0x4b: {  	[tilespmem:s12], [sflag:$0x2] =	stream.strided.gather @!p3 [hbm4b:s11+s10], $0x100, s13, s10, $0x38;
	[tilespmem:$0x1DC80] =	vst v63  }
0x4c: {  	_ =	swait.ge @!p3 [sflag:s17], $0x5000  }
0x4d: {  	[sflag:s17] =	ssyncset.done @!p3 $0x0  }
0x4e: {  	s10 =	simm.s32 @!p3 $0x2;
	[sflag:s17] =	ssyncadd.s32 @!p3 $0xFFFFB000  }
0x4f: {  	_ =	swait.ge @!p3 [sflag:s10], $0x100  }
0x50: {  	[sflag:s10] =	ssyncset.done @!p3 $0x0  }
0x51: {  	[sflag:s10] =	ssyncadd.s32 @!p3 $0xFFFFFF00  }
0x52: {  	s28 =	simm.s32 $0x1;
	s20 =	simm.s32 @!p3 $0x4;
	_ =	swait.ge @!p3 [sflag:s10], $0x100  }
0x53: {  	s18 =	sadd.s32 $0x10, s24;
	s20 =	simm.s32 @p3 $0x3;
	[sflag:s10] =	ssyncset.done @!p3 $0x0  }
0x54: {  	s12 =	simm.s32 @!p3 $0x5400;
	[sflag:s10] =	ssyncadd.s32 @!p3 $0xFFFFFF00;
	s10 =	simm.s32 @!p3 $0xA0  }
0x55: {  	[tilespmem:s12], [sflag:$0x1] =	stream.indirect.gather @!p3 [hbm4b:s9+s10], $0x80, s15, s10, $0xb8;
	[tilespmem:$0x1DC80] =	vst v63  }
0x56: {  	s19 =	simm.s32 $0x2;
	s11 =	sand.u32 $0x1, s28;
	s12 =	simm.s32 @!p3 $0x200  }
0x57: {  	[spmem:s1] =	stream.indirect.scatter.add.f32 @!p3 [tilespmem:s13], [sflag:$0x4], $0x80, s12, s10, $0xb8;
	[tilespmem:$0x1DC80] =	vst v63  }
0x58: {  	s17 =	sadd.s32 $0x20, s25;
	p3 =	seq.s32 s11, $0x1;
	_ =	swait.ge [sflag:s20], $0x5000  }
0x59: {  	s21 =	sand.u32 @p3 $0x3FF00, s17;
	s10 =	sand.u32 @p3 $0x70, s18;
	[sflag:s20] =	ssyncset.done $0x0  }
.LBB2_6:
0x5a: {  	s10 =	sor.u32 @p3 s10, s21  }
0x5b: {  	s11 =	simm.s32 @p3 $0x0;
	[sflag:s20] =	ssyncadd.s32 $0xFFFFB000;
	s21 =	smov.u32 s19  }
0x5c: {  	s13 =	simm.s32 @p3 $0x80;
	s15 =	simm.s32 @p3 $0x400;
	s12 =	sadd.s32 @p3 s6, s10  }
0x5d: {  	[tilespmem:s11], [sflag:$0x2] =	stream.strided.gather @p3 [hbm4b:s12+s13], $0x100, s15, s13, $0x38;
	[tilespmem:$0x1DC80] =	vst v63  }
0x5e: {  	s28 =	simm.s32 @p3 $0x1;
	s10 =	sadd.s32 @p3 s7, s10;
	s12 =	simm.s32 @p3 $0x200  }
0x5f: {  	[tilespmem:s12], [sflag:$0x2] =	stream.strided.gather @p3 [hbm4b:s10+s13], $0x100, s15, s13, $0x38;
	[tilespmem:$0x1DC80] =	vst v63  }
0x60: {  	s10 =	sand.u32 @!p3 $0x3FF00, s17;
	s12 =	sand.u32 @!p3 $0x70, s18;
	_ =	swait.ge @p3 [sflag:s28], $0x5000  }
0x61: {  	s20 =	simm.s32 @!p3 $0x4;
	s10 =	sor.u32 @!p3 s12, s10;
	[sflag:s28] =	ssyncset.done @p3 $0x0  }
0x62: {  	s12 =	simm.s32 @p3 $0x2;
	s13 =	sadd.s32 @!p3 s6, s10;
	[sflag:s28] =	ssyncadd.s32 @p3 $0xFFFFB000  }
0x63: {  	s19 =	sadd.s32 $0x1, s19;
	s10 =	sadd.s32 @!p3 s7, s10;
	_ =	swait.ge @p3 [sflag:s12], $0x100  }
0x64: {  	p4 =	sne.s32 s19, $0x7C;
	[sflag:s12] =	ssyncset.done @p3 $0x0  }
0x65: {  	[sflag:s12] =	ssyncadd.s32 @p3 $0xFFFFFF00  }
0x66: {  	_ =	swait.ge @p3 [sflag:s12], $0x100  }
0x67: {  	[sflag:s12] =	ssyncset.done @p3 $0x0  }
0x68: {  	[sflag:s12] =	ssyncadd.s32 @p3 $0xFFFFFF00;
	s12 =	simm.s32 @p3 $0xA0  }
0x69: {  	[tilespmem:s15], [sflag:$0x1] =	stream.indirect.gather @p3 [hbm4b:s9+s12], $0x80, s11, s12, $0xb8;
	[tilespmem:$0x1DC80] =	vst v63  }
0x6a: {  	s11 =	simm.s32 @p3 $0x300;
	s15 =	simm.s32 @p3 $0x5400  }
0x6b: {  	[spmem:s1] =	stream.indirect.scatter.add.f32 @p3 [tilespmem:s15], [sflag:$0x3], $0x80, s11, s12, $0xb8;
	[tilespmem:$0x1DC80] =	vst v63  }
0x6c: {  	s11 =	simm.s32 @!p3 $0x80;
	s12 =	simm.s32 @!p3 $0x400;
	s15 =	simm.s32 @!p3 $0x100  }
0x6d: {  	[tilespmem:s15], [sflag:$0x2] =	stream.strided.gather @!p3 [hbm4b:s13+s11], $0x100, s12, s11, $0x38;
	[tilespmem:$0x1DC80] =	vst v63  }
0x6e: {  	s28 =	simm.s32 @!p3 $0x1;
	s13 =	simm.s32 @!p3 $0x300  }
0x6f: {  	[tilespmem:s13], [sflag:$0x2] =	stream.strided.gather @!p3 [hbm4b:s10+s11], $0x100, s12, s11, $0x38;
	[tilespmem:$0x1DC80] =	vst v63  }
0x70: {  	_ =	swait.ge @!p3 [sflag:s28], $0x5000  }
0x71: {  	[sflag:s28] =	ssyncset.done @!p3 $0x0  }
0x72: {  	s10 =	simm.s32 @!p3 $0x2;
	[sflag:s28] =	ssyncadd.s32 @!p3 $0xFFFFB000  }
0x73: {  	_ =	swait.ge @!p3 [sflag:s10], $0x100  }
0x74: {  	[sflag:s10] =	ssyncset.done @!p3 $0x0  }
0x75: {  	[sflag:s10] =	ssyncadd.s32 @!p3 $0xFFFFFF00  }
0x76: {  	_ =	swait.ge @!p3 [sflag:s10], $0x100  }
0x77: {  	s17 =	sadd.s32 $0x20, s17;
	[sflag:s10] =	ssyncset.done @!p3 $0x0  }
0x78: {  	s11 =	simm.s32 @!p3 $0x5400;
	[sflag:s10] =	ssyncadd.s32 @!p3 $0xFFFFFF00;
	s10 =	simm.s32 @!p3 $0xA0  }
0x79: {  	[tilespmem:s11], [sflag:$0x1] =	stream.indirect.gather @!p3 [hbm4b:s9+s10], $0x80, s15, s10, $0xb8;
	[tilespmem:$0x1DC80] =	vst v63  }
.Ltmp3:
0x7a: {  	_ = 	snop;
	(pc) =	sbr.rel @p4 .LBB2_6-.Ltmp3, $4  }
0x7b: {  	s20 =	simm.s32 @p3 $0x3;
	s13 =	simm.s32 @!p3 $0x200;
	s11 =	sand.u32 $0x1, s21  }
0x7c: {  	[spmem:s1] =	stream.indirect.scatter.add.f32 @!p3 [tilespmem:s12], [sflag:$0x4], $0x80, s13, s10, $0xb8;
	[tilespmem:$0x1DC80] =	vst v63  }
0x7d: {  	s18 =	sadd.s32 $0x10, s18;
	p3 =	seq.s32 s11, $0x1;
	_ =	swait.ge [sflag:s20], $0x5000  }
0x7e: {  	s21 =	sand.u32 @p3 $0x3FF00, s17;
	s10 =	sand.u32 @p3 $0x70, s18;
	[sflag:s20] =	ssyncset.done $0x0  }
0x7f: {  	s10 =	sor.u32 @p3 s10, s21;
	s11 =	simm.s32 @p3 $0x0;
	[sflag:s20] =	ssyncadd.s32 $0xFFFFB000  }
0x80: {  	s13 =	simm.s32 @p3 $0x80;
	s15 =	simm.s32 @p3 $0x400;
	s12 =	sadd.s32 @p3 s6, s10  }
0x81: {  	[tilespmem:s11], [sflag:$0x2] =	stream.strided.gather @p3 [hbm4b:s12+s13], $0x100, s15, s13, $0x38;
	[tilespmem:$0x1DC80] =	vst v63  }
0x82: {  	s19 =	simm.s32 @p3 $0x1;
	s10 =	sadd.s32 @p3 s7, s10;
	s12 =	simm.s32 @p3 $0x200  }
0x83: {  	[tilespmem:s12], [sflag:$0x2] =	stream.strided.gather @p3 [hbm4b:s10+s13], $0x100, s15, s13, $0x38;
	[tilespmem:$0x1DC80] =	vst v63  }
0x84: {  	_ =	swait.ge @p3 [sflag:s19], $0x5000  }
0x85: {  	[sflag:s19] =	ssyncset.done @p3 $0x0  }
0x86: {  	s10 =	simm.s32 @p3 $0x2;
	[sflag:s19] =	ssyncadd.s32 @p3 $0xFFFFB000  }
0x87: {  	_ =	swait.ge @p3 [sflag:s10], $0x100  }
0x88: {  	[sflag:s10] =	ssyncset.done @p3 $0x0  }
0x89: {  	[sflag:s10] =	ssyncadd.s32 @p3 $0xFFFFFF00  }
0x8a: {  	_ =	swait.ge @p3 [sflag:s10], $0x100  }
0x8b: {  	s12 =	sand.u32 @!p3 $0x3FF00, s17;
	s13 =	sand.u32 @!p3 $0x70, s18;
	[sflag:s10] =	ssyncset.done @p3 $0x0  }
0x8c: {  	s12 =	sor.u32 @!p3 s13, s12;
	[sflag:s10] =	ssyncadd.s32 @p3 $0xFFFFFF00;
	s10 =	simm.s32 @p3 $0xA0  }
0x8d: {  	[tilespmem:s15], [sflag:$0x1] =	stream.indirect.gather @p3 [hbm4b:s9+s10], $0x80, s11, s10, $0xb8;
	[tilespmem:$0x1DC80] =	vst v63  }
0x8e: {  	s13 =	simm.s32 @p3 $0x300;
	s11 =	sadd.s32 @!p3 s6, s12;
	s15 =	simm.s32 @p3 $0x5400  }
0x8f: {  	[spmem:s1] =	stream.indirect.scatter.add.f32 @p3 [tilespmem:s15], [sflag:$0x3], $0x80, s13, s10, $0xb8;
	[tilespmem:$0x1DC80] =	vst v63  }
0x90: {  	s10 =	simm.s32 @!p3 $0x80;
	s13 =	simm.s32 @!p3 $0x400;
	s15 =	simm.s32 @!p3 $0x100  }
0x91: {  	[tilespmem:s15], [sflag:$0x2] =	stream.strided.gather @!p3 [hbm4b:s11+s10], $0x100, s13, s10, $0x38;
	[tilespmem:$0x1DC80] =	vst v63  }
0x92: {  	s17 =	simm.s32 @!p3 $0x1;
	s11 =	sadd.s32 @!p3 s7, s12;
	s12 =	simm.s32 @!p3 $0x300  }
0x93: {  	[tilespmem:s12], [sflag:$0x2] =	stream.strided.gather @!p3 [hbm4b:s11+s10], $0x100, s13, s10, $0x38;
	[tilespmem:$0x1DC80] =	vst v63  }
0x94: {  	_ =	swait.ge @!p3 [sflag:s17], $0x5000  }
0x95: {  	[sflag:s17] =	ssyncset.done @!p3 $0x0  }
0x96: {  	s10 =	simm.s32 @!p3 $0x2;
	[sflag:s17] =	ssyncadd.s32 @!p3 $0xFFFFB000  }
0x97: {  	_ =	swait.ge @!p3 [sflag:s10], $0x100  }
0x98: {  	[sflag:s10] =	ssyncset.done @!p3 $0x0  }
0x99: {  	[sflag:s10] =	ssyncadd.s32 @!p3 $0xFFFFFF00  }
0x9a: {  	_ =	swait.ge @!p3 [sflag:s10], $0x100  }
0x9b: {  	s11 =	simm.s32 @!p3 $0x4;
	[sflag:s10] =	ssyncset.done @!p3 $0x0  }
0x9c: {  	s12 =	simm.s32 @!p3 $0x5400;
	[sflag:s10] =	ssyncadd.s32 @!p3 $0xFFFFFF00;
	s10 =	simm.s32 @!p3 $0xA0  }
0x9d: {  	[tilespmem:s12], [sflag:$0x1] =	stream.indirect.gather @!p3 [hbm4b:s9+s10], $0x80, s15, s10, $0xb8;
	[tilespmem:$0x1DC80] =	vst v63  }
0x9e: {  	s11 =	simm.s32 @p3 $0x3;
	s12 =	simm.s32 @!p3 $0x200  }
0x9f: {  	[spmem:s1] =	stream.indirect.scatter.add.f32 @!p3 [tilespmem:s13], [sflag:$0x4], $0x80, s12, s10, $0xb8;
	[tilespmem:$0x1DC80] =	vst v63  }
0xa0: {  	_ =	swait.ge [sflag:s11], $0x5000  }
0xa1: {  	[sflag:s11] =	ssyncset.done $0x0  }
0xa2: {  	[sflag:s11] =	ssyncadd.s32 $0xFFFFB000  }
0xa3: {  	_ =	swait.ge [sflag:s0], $0x5000  }
0xa4: {  	[sflag:s0] =	ssyncset.done $0x0  }
0xa5: {  	[sflag:s0] =	ssyncadd.s32 $0xFFFFB000  }
0xa6: {  	[spmem:s1] =	stream.indirect.scatter.add.f32 [tilespmem:s29], [sflag:$0x4], $0x80, s30, s31, $0xb8;
	[tilespmem:$0x1DC80] =	vst v63  }
0xa7: {  	_ =	swait.ge [sflag:s3], $0x5000  }
0xa8: {  	[sflag:s3] =	ssyncset.done $0x0  }
0xa9: {  	[sflag:s3] =	ssyncadd.s32 $0xFFFFB000  }
0xaa: {  	[bflag:$0x0] =	sbarrier.arrive $0xFFFF  }
0xab: {  	s28 =	rddreg [dreg:$0xd]  }
0xac: {  	[hbm:s28], [sflag:s23] =	dma.local [spmem:s16], $0x2700  }
.Ltmp4:
0xad: {  	_ = 	snop;
	(pc) =	sbr.rel @p1 .LBB2_9-.Ltmp4, $4  }
.Ltmp5:
0xae: {  	_ = 	snop;
	(pc) =	sbr.rel @!p1 .LBB2_8-.Ltmp5, $4  }
0xaf: {  	_ =	swait.ge [sflag:s26], $0x2700  }
0xb0: {  	[sflag:s26] =	ssyncset.done $0x0  }
0xb1: {  	s10 =	rddreg [dreg:$0x4];
	[sflag:s26] =	ssyncadd.s32 $0xFFFFD900  }
0xb2: {  	_ = 	snop  }
.LBB2_2:
0xb3: {  	s11 =	rddreg [dreg:$0x7]  }
0xb4: {  	[spmem:s10], [sflag:s23] =	dma.local @!p1 [hbm:s11], $0x100  }
0xb5: {  	s10 =	simm.s32 @!p1 $0x3  }
0xb6: {  	_ =	swait.ge @!p1 [sflag:s10], $0x100  }
0xb7: {  	[sflag:s10] =	ssyncset.done @!p1 $0x0  }
0xb8: {  	[sflag:s10] =	ssyncadd.s32 @!p1 $0xFFFFFF00  }
0xb9: {  	[bflag:$0x0] =	sbarrier.arrive $0xFFFF  }
0xba: {  	s21 =	simm.s32 $0x0;
	s12 =	simm.s32 $0x80;
	s28 =	rddreg [dreg:$0x8]  }
0xbb: {  	[tilespmem:s21], [sflag:$0x3] =	stream.strided.gather [hbm4b:s28+s12], $0x100, s29, s12, $0x38;
	[tilespmem:$0x1DC80] =	vst v63  }
0xbc: {  	_ =	swait.ge [sflag:s26], $0x100  }
0xbd: {  	[sflag:s26] =	ssyncset.done $0x0  }
0xbe: {  	s10 =	sand.u32 $0x1, s21;
	s13 =	rddreg [dreg:$0x9];
	[sflag:s26] =	ssyncadd.s32 $0xFFFFFF00  }
0xbf: {  	[tilespmem:s30], [sflag:$0x3] =	stream.strided.gather [hbm4b:s13+s12], $0x100, s29, s12, $0x38;
	[tilespmem:$0x1DC80] =	vst v63  }
0xc0: {  	p3 =	seq.s32 s10, $0x1;
	_ =	swait.ge [sflag:s26], $0x100  }
0xc1: {  	s10 =	sand.u32 @p3 $0x3FF00, s25;
	s17 =	sand.u32 @p3 $0x70, s24;
	[sflag:s26] =	ssyncset.done $0x0  }
0xc2: {  	s19 =	simm.s32 @p3 $0x80;
	s10 =	sor.u32 @p3 s17, s10;
	[sflag:s26] =	ssyncadd.s32 $0xFFFFFF00  }
0xc3: {  	[tilespmem:s29], [sflag:$0x1] =	stream.indirect.gather [hbm4b:s8+s31], $0x80, s21, s31, $0xb8;
	[tilespmem:$0x1DC80] =	vst v63  }
0xc4: {  	s20 =	simm.s32 @p3 $0x400;
	s17 =	simm.s32 @p3 $0x0;
	s18 =	sadd.s32 @p3 s4, s10  }
0xc5: {  	[tilespmem:s17], [sflag:$0x2] =	stream.strided.gather @p3 [hbm4b:s18+s19], $0x100, s20, s19, $0x38;
	[tilespmem:$0x1DC80] =	vst v63  }
0xc6: {  	s10 =	sadd.s32 @p3 s5, s10;
	s21 =	simm.s32 @p3 $0x1;
	s18 =	simm.s32 @p3 $0x200  }
0xc7: {  	[tilespmem:s18], [sflag:$0x2] =	stream.strided.gather @p3 [hbm4b:s10+s19], $0x100, s20, s19, $0x38;
	[tilespmem:$0x1DC80] =	vst v63  }
0xc8: {  	_ =	swait.ge @p3 [sflag:s21], $0x5000  }
0xc9: {  	[sflag:s21] =	ssyncset.done @p3 $0x0  }
0xca: {  	s10 =	simm.s32 @p3 $0x2;
	[sflag:s21] =	ssyncadd.s32 @p3 $0xFFFFB000  }
0xcb: {  	_ =	swait.ge @p3 [sflag:s10], $0x100  }
0xcc: {  	[sflag:s10] =	ssyncset.done @p3 $0x0  }
0xcd: {  	[sflag:s10] =	ssyncadd.s32 @p3 $0xFFFFFF00  }
0xce: {  	_ =	swait.ge @p3 [sflag:s10], $0x100  }
0xcf: {  	s11 =	simm.s32 @!p3 $0x100;
	s18 =	sand.u32 @!p3 $0x3FF00, s25;
	[sflag:s10] =	ssyncset.done @p3 $0x0  }
0xd0: {  	s19 =	sand.u32 @!p3 $0x70, s24;
	[sflag:s10] =	ssyncadd.s32 @p3 $0xFFFFFF00;
	s10 =	simm.s32 @p3 $0xA0  }
0xd1: {  	[tilespmem:s20], [sflag:$0x1] =	stream.indirect.gather @p3 [hbm4b:s8+s10], $0x80, s17, s10, $0xb8;
	[tilespmem:$0x1DC80] =	vst v63  }
0xd2: {  	s18 =	sor.u32 @!p3 s19, s18;
	s19 =	simm.s32 @p3 $0x300;
	s20 =	simm.s32 @p3 $0x5400  }
0xd3: {  	[spmem:s1] =	stream.indirect.scatter.add.f32 @p3 [tilespmem:s20], [sflag:$0x3], $0x80, s19, s10, $0xb8;
	[tilespmem:$0x1DC80] =	vst v63  }
0xd4: {  	s21 =	simm.s32 @!p3 $0x400;
	s17 =	sadd.s32 @!p3 s4, s18;
	s10 =	simm.s32 @!p3 $0x80  }
0xd5: {  	[tilespmem:s11], [sflag:$0x2] =	stream.strided.gather @!p3 [hbm4b:s17+s10], $0x100, s21, s10, $0x38;
	[tilespmem:$0x1DC80] =	vst v63  }
0xd6: {  	s19 =	simm.s32 @!p3 $0x1;
	s17 =	sadd.s32 @!p3 s5, s18;
	s18 =	simm.s32 @!p3 $0x300  }
0xd7: {  	[tilespmem:s18], [sflag:$0x2] =	stream.strided.gather @!p3 [hbm4b:s17+s10], $0x100, s21, s10, $0x38;
	[tilespmem:$0x1DC80] =	vst v63  }
0xd8: {  	_ =	swait.ge @!p3 [sflag:s19], $0x5000  }
0xd9: {  	[sflag:s19] =	ssyncset.done @!p3 $0x0  }
0xda: {  	s10 =	simm.s32 @!p3 $0x2;
	[sflag:s19] =	ssyncadd.s32 @!p3 $0xFFFFB000  }
0xdb: {  	_ =	swait.ge @!p3 [sflag:s10], $0x100  }
0xdc: {  	[sflag:s10] =	ssyncset.done @!p3 $0x0  }
0xdd: {  	s15 =	simm.s32 $0x1;
	[sflag:s10] =	ssyncadd.s32 @!p3 $0xFFFFFF00  }
0xde: {  	s28 =	sand.u32 $0x1, s15;
	_ =	swait.ge @!p3 [sflag:s10], $0x100  }
0xdf: {  	s12 =	simm.s32 @!p3 $0x5400;
	s20 =	simm.s32 @!p3 $0x4;
	[sflag:s10] =	ssyncset.done @!p3 $0x0  }
0xe0: {  	s20 =	simm.s32 @p3 $0x3;
	[sflag:s10] =	ssyncadd.s32 @!p3 $0xFFFFFF00;
	s10 =	simm.s32 @!p3 $0xA0  }
0xe1: {  	[tilespmem:s12], [sflag:$0x1] =	stream.indirect.gather @!p3 [hbm4b:s8+s10], $0x80, s11, s10, $0xb8;
	[tilespmem:$0x1DC80] =	vst v63  }
0xe2: {  	s17 =	sadd.s32 $0x20, s25;
	s18 =	sadd.s32 $0x10, s24;
	s12 =	simm.s32 @!p3 $0x200  }
0xe3: {  	[spmem:s1] =	stream.indirect.scatter.add.f32 @!p3 [tilespmem:s21], [sflag:$0x4], $0x80, s12, s10, $0xb8;
	[tilespmem:$0x1DC80] =	vst v63  }
0xe4: {  	s19 =	simm.s32 $0x2;
	p3 =	seq.s32 s28, $0x1;
	_ =	swait.ge [sflag:s20], $0x5000  }
0xe5: {  	s21 =	sand.u32 @p3 $0x3FF00, s17;
	s10 =	sand.u32 @p3 $0x70, s18;
	[sflag:s20] =	ssyncset.done $0x0  }
.LBB2_3:
0xe6: {  	s10 =	sor.u32 @p3 s10, s21  }
0xe7: {  	s11 =	simm.s32 @p3 $0x0;
	[sflag:s20] =	ssyncadd.s32 $0xFFFFB000;
	s21 =	smov.u32 s19  }
0xe8: {  	s20 =	simm.s32 @p3 $0x80;
	s13 =	simm.s32 @p3 $0x400;
	s12 =	sadd.s32 @p3 s4, s10  }
0xe9: {  	[tilespmem:s11], [sflag:$0x2] =	stream.strided.gather @p3 [hbm4b:s12+s20], $0x100, s13, s20, $0x38;
	[tilespmem:$0x1DC80] =	vst v63  }
0xea: {  	s15 =	simm.s32 @p3 $0x1;
	s10 =	sadd.s32 @p3 s5, s10;
	s12 =	simm.s32 @p3 $0x200  }
0xeb: {  	[tilespmem:s12], [sflag:$0x2] =	stream.strided.gather @p3 [hbm4b:s10+s20], $0x100, s13, s20, $0x38;
	[tilespmem:$0x1DC80] =	vst v63  }
0xec: {  	s10 =	sand.u32 @!p3 $0x3FF00, s17;
	s12 =	sand.u32 @!p3 $0x70, s18;
	_ =	swait.ge @p3 [sflag:s15], $0x5000  }
0xed: {  	s20 =	simm.s32 @!p3 $0x4;
	s10 =	sor.u32 @!p3 s12, s10;
	[sflag:s15] =	ssyncset.done @p3 $0x0  }
0xee: {  	s12 =	simm.s32 @p3 $0x2;
	[sflag:s15] =	ssyncadd.s32 @p3 $0xFFFFB000;
	s15 =	sadd.s32 @!p3 s4, s10  }
0xef: {  	s19 =	sadd.s32 $0x1, s19;
	s10 =	sadd.s32 @!p3 s5, s10;
	_ =	swait.ge @p3 [sflag:s12], $0x100  }
0xf0: {  	p4 =	sne.s32 s19, $0x7C;
	[sflag:s12] =	ssyncset.done @p3 $0x0  }
0xf1: {  	[sflag:s12] =	ssyncadd.s32 @p3 $0xFFFFFF00  }
0xf2: {  	_ =	swait.ge @p3 [sflag:s12], $0x100  }
0xf3: {  	[sflag:s12] =	ssyncset.done @p3 $0x0  }
0xf4: {  	[sflag:s12] =	ssyncadd.s32 @p3 $0xFFFFFF00;
	s12 =	simm.s32 @p3 $0xA0  }
0xf5: {  	[tilespmem:s13], [sflag:$0x1] =	stream.indirect.gather @p3 [hbm4b:s8+s12], $0x80, s11, s12, $0xb8;
	[tilespmem:$0x1DC80] =	vst v63  }
0xf6: {  	s11 =	simm.s32 @p3 $0x300;
	s13 =	simm.s32 @p3 $0x5400  }
0xf7: {  	[spmem:s1] =	stream.indirect.scatter.add.f32 @p3 [tilespmem:s13], [sflag:$0x3], $0x80, s11, s12, $0xb8;
	[tilespmem:$0x1DC80] =	vst v63  }
0xf8: {  	s11 =	simm.s32 @!p3 $0x80;
	s12 =	simm.s32 @!p3 $0x400;
	s13 =	simm.s32 @!p3 $0x100  }
0xf9: {  	[tilespmem:s13], [sflag:$0x2] =	stream.strided.gather @!p3 [hbm4b:s15+s11], $0x100, s12, s11, $0x38;
	[tilespmem:$0x1DC80] =	vst v63  }
0xfa: {  	s28 =	simm.s32 @!p3 $0x1;
	s15 =	simm.s32 @!p3 $0x300  }
0xfb: {  	[tilespmem:s15], [sflag:$0x2] =	stream.strided.gather @!p3 [hbm4b:s10+s11], $0x100, s12, s11, $0x38;
	[tilespmem:$0x1DC80] =	vst v63  }
0xfc: {  	_ =	swait.ge @!p3 [sflag:s28], $0x5000  }
0xfd: {  	[sflag:s28] =	ssyncset.done @!p3 $0x0  }
0xfe: {  	s10 =	simm.s32 @!p3 $0x2;
	[sflag:s28] =	ssyncadd.s32 @!p3 $0xFFFFB000  }
0xff: {  	_ =	swait.ge @!p3 [sflag:s10], $0x100  }
0x100: {  	[sflag:s10] =	ssyncset.done @!p3 $0x0  }
0x101: {  	[sflag:s10] =	ssyncadd.s32 @!p3 $0xFFFFFF00  }
0x102: {  	_ =	swait.ge @!p3 [sflag:s10], $0x100  }
0x103: {  	s17 =	sadd.s32 $0x20, s17;
	[sflag:s10] =	ssyncset.done @!p3 $0x0  }
0x104: {  	s11 =	simm.s32 @!p3 $0x5400;
	[sflag:s10] =	ssyncadd.s32 @!p3 $0xFFFFFF00;
	s10 =	simm.s32 @!p3 $0xA0  }
0x105: {  	[tilespmem:s11], [sflag:$0x1] =	stream.indirect.gather @!p3 [hbm4b:s8+s10], $0x80, s13, s10, $0xb8;
	[tilespmem:$0x1DC80] =	vst v63  }
.Ltmp6:
0x106: {  	_ = 	snop;
	(pc) =	sbr.rel @p4 .LBB2_3-.Ltmp6, $4  }
0x107: {  	s20 =	simm.s32 @p3 $0x3;
	s11 =	sand.u32 $0x1, s21;
	s13 =	simm.s32 @!p3 $0x200  }
0x108: {  	[spmem:s1] =	stream.indirect.scatter.add.f32 @!p3 [tilespmem:s12], [sflag:$0x4], $0x80, s13, s10, $0xb8;
	[tilespmem:$0x1DC80] =	vst v63  }
0x109: {  	s18 =	sadd.s32 $0x10, s18;
	p3 =	seq.s32 s11, $0x1;
	_ =	swait.ge [sflag:s20], $0x5000  }
0x10a: {  	s21 =	sand.u32 @p3 $0x3FF00, s17;
	s10 =	sand.u32 @p3 $0x70, s18;
	[sflag:s20] =	ssyncset.done $0x0  }
0x10b: {  	s10 =	sor.u32 @p3 s10, s21;
	s11 =	simm.s32 @p3 $0x0;
	[sflag:s20] =	ssyncadd.s32 $0xFFFFB000  }
0x10c: {  	s13 =	simm.s32 @p3 $0x80;
	s15 =	simm.s32 @p3 $0x400;
	s12 =	sadd.s32 @p3 s4, s10  }
0x10d: {  	[tilespmem:s11], [sflag:$0x2] =	stream.strided.gather @p3 [hbm4b:s12+s13], $0x100, s15, s13, $0x38;
	[tilespmem:$0x1DC80] =	vst v63  }
0x10e: {  	s19 =	simm.s32 @p3 $0x1;
	s10 =	sadd.s32 @p3 s5, s10;
	s12 =	simm.s32 @p3 $0x200  }
0x10f: {  	[tilespmem:s12], [sflag:$0x2] =	stream.strided.gather @p3 [hbm4b:s10+s13], $0x100, s15, s13, $0x38;
	[tilespmem:$0x1DC80] =	vst v63  }
0x110: {  	_ =	swait.ge @p3 [sflag:s19], $0x5000  }
0x111: {  	[sflag:s19] =	ssyncset.done @p3 $0x0  }
0x112: {  	s10 =	simm.s32 @p3 $0x2;
	[sflag:s19] =	ssyncadd.s32 @p3 $0xFFFFB000  }
0x113: {  	_ =	swait.ge @p3 [sflag:s10], $0x100  }
0x114: {  	[sflag:s10] =	ssyncset.done @p3 $0x0  }
0x115: {  	[sflag:s10] =	ssyncadd.s32 @p3 $0xFFFFFF00  }
0x116: {  	_ =	swait.ge @p3 [sflag:s10], $0x100  }
0x117: {  	s12 =	sand.u32 @!p3 $0x3FF00, s17;
	s13 =	sand.u32 @!p3 $0x70, s18;
	[sflag:s10] =	ssyncset.done @p3 $0x0  }
0x118: {  	s12 =	sor.u32 @!p3 s13, s12;
	[sflag:s10] =	ssyncadd.s32 @p3 $0xFFFFFF00;
	s10 =	simm.s32 @p3 $0xA0  }
0x119: {  	[tilespmem:s15], [sflag:$0x1] =	stream.indirect.gather @p3 [hbm4b:s8+s10], $0x80, s11, s10, $0xb8;
	[tilespmem:$0x1DC80] =	vst v63  }
0x11a: {  	s13 =	simm.s32 @p3 $0x300;
	s11 =	sadd.s32 @!p3 s4, s12;
	s15 =	simm.s32 @p3 $0x5400  }
0x11b: {  	[spmem:s1] =	stream.indirect.scatter.add.f32 @p3 [tilespmem:s15], [sflag:$0x3], $0x80, s13, s10, $0xb8;
	[tilespmem:$0x1DC80] =	vst v63  }
0x11c: {  	s10 =	simm.s32 @!p3 $0x80;
	s13 =	simm.s32 @!p3 $0x400;
	s15 =	simm.s32 @!p3 $0x100  }
0x11d: {  	[tilespmem:s15], [sflag:$0x2] =	stream.strided.gather @!p3 [hbm4b:s11+s10], $0x100, s13, s10, $0x38;
	[tilespmem:$0x1DC80] =	vst v63  }
0x11e: {  	s17 =	simm.s32 @!p3 $0x1;
	s11 =	sadd.s32 @!p3 s5, s12;
	s12 =	simm.s32 @!p3 $0x300  }
0x11f: {  	[tilespmem:s12], [sflag:$0x2] =	stream.strided.gather @!p3 [hbm4b:s11+s10], $0x100, s13, s10, $0x38;
	[tilespmem:$0x1DC80] =	vst v63  }
0x120: {  	_ =	swait.ge @!p3 [sflag:s17], $0x5000  }
0x121: {  	[sflag:s17] =	ssyncset.done @!p3 $0x0  }
0x122: {  	s10 =	simm.s32 @!p3 $0x2;
	[sflag:s17] =	ssyncadd.s32 @!p3 $0xFFFFB000  }
0x123: {  	_ =	swait.ge @!p3 [sflag:s10], $0x100  }
0x124: {  	[sflag:s10] =	ssyncset.done @!p3 $0x0  }
0x125: {  	[sflag:s10] =	ssyncadd.s32 @!p3 $0xFFFFFF00  }
0x126: {  	_ =	swait.ge @!p3 [sflag:s10], $0x100  }
0x127: {  	s11 =	simm.s32 @!p3 $0x4;
	[sflag:s10] =	ssyncset.done @!p3 $0x0  }
0x128: {  	s12 =	simm.s32 @!p3 $0x5400;
	[sflag:s10] =	ssyncadd.s32 @!p3 $0xFFFFFF00;
	s10 =	simm.s32 @!p3 $0xA0  }
0x129: {  	[tilespmem:s12], [sflag:$0x1] =	stream.indirect.gather @!p3 [hbm4b:s8+s10], $0x80, s15, s10, $0xb8;
	[tilespmem:$0x1DC80] =	vst v63  }
0x12a: {  	s11 =	simm.s32 @p3 $0x3;
	s12 =	simm.s32 @!p3 $0x200  }
0x12b: {  	[spmem:s1] =	stream.indirect.scatter.add.f32 @!p3 [tilespmem:s13], [sflag:$0x4], $0x80, s12, s10, $0xb8;
	[tilespmem:$0x1DC80] =	vst v63  }
0x12c: {  	_ =	swait.ge [sflag:s11], $0x5000  }
0x12d: {  	[sflag:s11] =	ssyncset.done $0x0  }
0x12e: {  	[sflag:s11] =	ssyncadd.s32 $0xFFFFB000  }
0x12f: {  	_ =	swait.ge [sflag:s0], $0x5000  }
0x130: {  	[sflag:s0] =	ssyncset.done $0x0  }
0x131: {  	[sflag:s0] =	ssyncadd.s32 $0xFFFFB000  }
0x132: {  	[spmem:s1] =	stream.indirect.scatter.add.f32 [tilespmem:s29], [sflag:$0x4], $0x80, s30, s31, $0xb8;
	[tilespmem:$0x1DC80] =	vst v63  }
0x133: {  	_ =	swait.ge [sflag:s3], $0x5000  }
0x134: {  	[sflag:s3] =	ssyncset.done $0x0  }
0x135: {  	[sflag:s3] =	ssyncadd.s32 $0xFFFFB000  }
0x136: {  	[bflag:$0x0] =	sbarrier.arrive $0xFFFF  }
0x137: {  	s28 =	rddreg [dreg:$0xa]  }
0x138: {  	[hbm:s28], [sflag:s23] =	dma.local [spmem:s16], $0x2700  }
.Ltmp7:
0x139: {  	_ = 	snop;
	(pc) =	sbr.rel @p2 .LBB2_8-.Ltmp7, $4  }
.Ltmp8:
0x13a: {  	_ = 	snop;
	(pc) =	sbr.rel @!p2 .LBB2_9-.Ltmp8, $4  }
0x13b: {  	_ =	swait.ge [sflag:s26], $0x2700  }
0x13c: {  	[sflag:s26] =	ssyncset.done $0x0  }
0x13d: {  	s10 =	rddreg [dreg:$0x3];
	[sflag:s26] =	ssyncadd.s32 $0xFFFFD900  }
0x13e: {  	_ = 	snop  }
.LBB2_10:
0x13f: {  	_ =	sfence.sel $0x180000  }
0x140: {  	[bflag:$0x0] =	sbarrier.arrive $0xFFFF  }
0x141: {  	_ =	strace $0x9000004A  }
0x142: {  	s0 =	stileid.u32;
	[bflag:$0x2] =	sbarrier.arrive $0xFFFF  }
0x143: {  	p0 =	sne.s32 s0, $0x0;
	s0 =	rddreg [dreg:$0x2]  }
0x144: {  	s0 =	sadd.s32 @!p0 $0x100000, s0  }
0x145: {  	[sflag:s0] =	ssyncadd.tile.s32 @!p0 $0x1;
	_ =	shalt  }
.Lfunc_end2:
_tile_overlayer_lowered:
.L_overlay_start_2:
0x146: {  	(tag) =	ssettag $0x2  }
0x147: {  	s0 =	rddreg [dreg:$0x0];
	s2 =	stileid.u32  }
0x148: {  	s1 =	rddreg [dreg:$0x1];
	p0 =	sne.s32 s2, $0x0  }
0x149: {  	s3 =	rddreg [dreg:$0x2];
	[bflag:$0x3] =	sbarrier.arrive $0xFFFF;
	s2 =	simm.s32 @!p0 $0x1C03  }
0x14a: {  	[timem:s3], [sflag:s2] =	dma.local @!p0 [hbm:s0], s1  }
0x14b: {  	s0 =	simm.s32 @!p0 $0x3  }
0x14c: {  	_ =	swait.ge @!p0 [sflag:s0], s1  }
0x14d: {  	s1 =	ssub.s32 @!p0 $0x0, s1;
	[sflag:s0] =	ssyncset.done @!p0 $0x0  }
0x14e: {  	[sflag:s0] =	ssyncadd.s32 @!p0 s1  }
0x14f: {  	[bflag:$0x3] =	sbarrier.arrive $0xFFFF  }
0x150: {  	_ =	shalt  }

// kernel: kernel.16.cloned.1.call-start
scs
__scs_entry_jumppad:
0x0: {  	(pc) =	sbr.rel $0x88, $3  }
0x1: {  	(tag) =	ssettag $0x0;
	lr =	simm.s32 $0x1  }
0x2: {  	[smem:$0x3F95] =	sst lr;
	_ =	strace $0xD0000000  }
0x3: {  	_ = 	snop  }
0x4: {  	_ = 	snop  }
0x5: {  	_ = 	snop  }
0x6: {  	_ = 	snop  }
0x7: {  	_ = 	snop  }
__scs_overlays_trampoline_lowered:
0x8: {  	[smem:$0x3FA4] =	sst s0  }
0x9: {  	[smem:$0x3FA5] =	sst s1  }
0xa: {  	[smem:$0x3FA6] =	sst s2  }
0xb: {  	[smem:$0x3FA7] =	sst s3  }
0xc: {  	[smem:$0x3FA8] =	sst s4  }
0xd: {  	[smem:$0x3FA9] =	sst s5  }
0xe: {  	[smem:$0x3FAA] =	sst s6  }
0xf: {  	[smem:$0x3FAB] =	sst s7  }
0x10: {  	[smem:$0x3FAC] =	sst s8  }
0x11: {  	[smem:$0x3FAD] =	sst s9;
	s0 =	simm.s32 @!p0 $0x0  }
0x12: {  	s1 =	sld [smem:$0x3F93];
	s0 =	simm.s32 @p0 $0x1  }
0x13: {  	[smem:$0x3FAE] =	sst s0;
	s0 =	simm.s32 @!p1 $0x0  }
0x14: {  	s2 =	sld [smem:$0x3F92];
	s0 =	simm.s32 @p1 $0x1  }
0x15: {  	[smem:$0x3FAF] =	sst s0;
	s0 =	simm.s32 @!p2 $0x0  }
0x16: {  	s3 =	sld [smem:$0x3FDB];
	s0 =	simm.s32 @p2 $0x1  }
0x17: {  	s4 =	simm.s32 $0x1BF5;
	[smem:$0x3FB1] =	sst s0  }
0x18: {  	s0 =	sld [smem:$0x3F94];
	_ =	swait.ge [sflag:s4], $0x0  }
0x19: {  	s7 =	sld [smem:$0x3F95]  }
0x1a: {  	s8 =	sadd.s32 $0xFFFFE003, lr  }
0x1b: {  	s9 =	sadd.s32 $0xFFFFFEF7, lr;
	s5 =	simm.s32 $0xFFFFFFFF;
	p2 =	slt.u32 s8, $0xFFFFF086  }
0x1c: {  	p1 =	slt.u32 s9, $0xF7A;
	s5 =	simm.s32 @!p2 $0x0  }
0x1d: {  	s5 =	simm.s32 @p1 $0x1;
	p0 =	seq.s32 s7, s2  }
0x1e: {  	s7 =	smul.u32 @!p0 $0xF7A, s2;
	p2 =	seq.s32 @!p0 s5, $0x0  }
0x1f: {  	s9 =	smul.u32 $0xF7A, s1;
	s8 =	simm.s32 @!p0 $0x1BF5;
	p2 =	por !p2, p0  }
0x20: {  	[sflag:s8] =	ssyncset.s32 @!p0 $0xFFFFF086;
	s6 =	sadd.s32 @!p0 s3, s7;
	s7 =	simm.s32 @!p0 $0x108  }
0x21: {  	s3 =	sadd.s32 s3, s9;
	s6 =	sadd.s32 @!p0 $0x88, s6;
	s7 =	simm.s32 @p2 $0x1082  }
0x22: {  	[simem:s7], [sflag:s8] =	dma.local @!p0 [hbm:s6], $0xF7A  }
0x23: {  	s9 =	sor.u32 $0xD0000000, s2;
	s6 =	simm.s32 $0x108;
	_ =	swait.ge @!p0 [sflag:s8], $0x0  }
0x24: {  	s3 =	sadd.s32 $0x88, s3;
	s6 =	simm.s32 @!p1 $0x1082;
	[sflag:s4] =	ssyncset.s32 $0xFFFFF086  }
0x25: {  	[simem:s6], [sflag:s4] =	dma.local [hbm:s3], $0xF7A  }
0x26: {  	[smem:$0x3F95] =	sst s1;
	(tag) =	ssettag s2;
	_ =	strace s9  }
0x27: {  	s1 =	sld [smem:$0x3FA5]  }
0x28: {  	s2 =	sld [smem:$0x3FA6]  }
0x29: {  	s4 =	sld [smem:$0x3FA8]  }
0x2a: {  	p0 =	seq.s32 s5, $0x0;
	s5 =	sld [smem:$0x3FA9]  }
0x2b: {  	s6 =	sld [smem:$0x3FAA]  }
0x2c: {  	s7 =	sld [smem:$0x3FAB]  }
0x2d: {  	s3 =	simm.s32 $0x108;
	s8 =	sld [smem:$0x3FAC]  }
0x2e: {  	s3 =	simm.s32 @!p0 $0x1082;
	s9 =	sld [smem:$0x3FAD]  }
0x2f: {  	lr =	sadd.s32 s0, s3;
	s0 =	sld [smem:$0x3FA4]  }
0x30: {  	s3 =	sld [smem:$0x3FA7]  }
0x31: {  	[smem:$0x3FB0] =	sst s10  }
0x32: {  	s10 =	sld [smem:$0x3FAE];
	_ =	sdelay $0x3  }
0x33: {  	p0 =	seq.s32 s10, $0x1;
	s10 =	sld [smem:$0x3FB0];
	_ =	sdelay $0x3  }
0x34: {  	[smem:$0x3FB0] =	sst s10  }
0x35: {  	s10 =	sld [smem:$0x3FAF];
	_ =	sdelay $0x3  }
0x36: {  	p1 =	seq.s32 s10, $0x1;
	s10 =	sld [smem:$0x3FB0];
	_ =	sdelay $0x3  }
0x37: {  	[smem:$0x3FB0] =	sst s10  }
0x38: {  	s10 =	sld [smem:$0x3FB1]  }
0x39: {  	_ = 	snop;
	(pc) =	sbr.ind lr, $3  }
0x3a: {  	_ = 	snop  }
0x3b: {  	_ = 	snop  }
0x3c: {  	p2 =	seq.s32 s10, $0x1;
	s10 =	sld [smem:$0x3FB0]  }
0x3d: {  	_ =	shalt  }
0x3e: {  	_ =	shalt  }
0x3f: {  	_ =	shalt  }
0x40: {  	_ =	shalt  }
0x41: {  	_ =	shalt  }
0x42: {  	_ =	shalt  }
0x43: {  	_ =	shalt  }
0x44: {  	_ =	shalt  }
0x45: {  	_ =	shalt  }
0x46: {  	_ =	shalt  }
0x47: {  	_ =	shalt  }
0x48: {  	_ =	shalt  }
0x49: {  	_ =	shalt  }
0x4a: {  	_ =	shalt  }
0x4b: {  	_ =	shalt  }
0x4c: {  	_ =	shalt  }
0x4d: {  	_ =	shalt  }
0x4e: {  	_ =	shalt  }
0x4f: {  	_ =	shalt  }
0x50: {  	_ =	shalt  }
0x51: {  	_ =	shalt  }
0x52: {  	_ =	shalt  }
0x53: {  	_ =	shalt  }
0x54: {  	_ =	shalt  }
0x55: {  	_ =	shalt  }
0x56: {  	_ =	shalt  }
0x57: {  	_ =	shalt  }
0x58: {  	_ =	shalt  }
0x59: {  	_ =	shalt  }
0x5a: {  	_ =	shalt  }
0x5b: {  	_ =	shalt  }
0x5c: {  	_ =	shalt  }
0x5d: {  	_ =	shalt  }
0x5e: {  	_ =	shalt  }
0x5f: {  	_ =	shalt  }
0x60: {  	_ =	shalt  }
0x61: {  	_ =	shalt  }
0x62: {  	_ =	shalt  }
0x63: {  	_ =	shalt  }
0x64: {  	_ =	shalt  }
0x65: {  	_ =	shalt  }
0x66: {  	_ =	shalt  }
0x67: {  	_ =	shalt  }
0x68: {  	_ =	shalt  }
0x69: {  	_ =	shalt  }
0x6a: {  	_ =	shalt  }
0x6b: {  	_ =	shalt  }
0x6c: {  	_ =	shalt  }
0x6d: {  	_ =	shalt  }
0x6e: {  	_ =	shalt  }
0x6f: {  	_ =	shalt  }
0x70: {  	_ =	shalt  }
0x71: {  	_ =	shalt  }
0x72: {  	_ =	shalt  }
0x73: {  	_ =	shalt  }
0x74: {  	_ =	shalt  }
0x75: {  	_ =	shalt  }
0x76: {  	_ =	shalt  }
0x77: {  	_ =	shalt  }
0x78: {  	_ =	shalt  }
0x79: {  	_ =	shalt  }
0x7a: {  	_ =	shalt  }
0x7b: {  	_ =	shalt  }
0x7c: {  	_ =	shalt  }
0x7d: {  	_ =	shalt  }
0x7e: {  	_ =	shalt  }
0x7f: {  	_ =	shalt  }
0x80: {  	_ =	shalt  }
0x81: {  	_ =	shalt  }
0x82: {  	_ =	shalt  }
0x83: {  	_ =	shalt  }
0x84: {  	_ =	shalt  }
0x85: {  	_ =	shalt  }
0x86: {  	_ =	shalt  }
0x87: {  	_ =	shalt  }
.Lfunc_end0:
.L_simem_size_0:
called_computation.2_lowered:
.L_overlay_start_0:
0x88: {  	s2 =	sld [smem:$0x3FD9]  }
0x89: {  	s3 =	sld [smem:$0x3FFE];
	_ =	sdelay $0x1  }
0x8a: {  	s1 =	srdreg.scid  }
0x8b: {  	s0 =	sand.u32 $0x1, s1  }
0x8c: {  	s16 =	sshll.u32 s0, $0xA;
	s2 =	sadd.s32 s3, s2  }
0x8d: {  	s2 =	sadd.s32 s2, s16  }
0x8e: {  	[smem:$0x3FBC] =	sst s2  }
0x8f: {  	_ = 	snop  }
0x90: {  	(tm) =	ssettm $0x1  }
0x91: {  	s17 =	sld [smem:$0x3FFB];
	_ =	sdelay $0x3  }
0x92: {  	_ =	strace s17  }
0x93: {  	s2 =	sld [smem:$0x3FFC];
	_ =	sdelay $0x3  }
0x94: {  	_ =	strace s2  }
0x95: {  	s2 =	sld [smem:$0x3FFD];
	_ =	sdelay $0x3  }
0x96: {  	_ =	strace s2  }
0x97: {  	_ =	strace $0x8FFFFFFF  }
0x98: {  	s18 =	sld [smem:$0x3FDB];
	_ =	sdelay $0x1  }
0x99: {  	s19 =	simm.s32 $_scs_section_size  }
0x9a: {  	s4 =	simm.s32 $_size__tile_overlayer_lowered;
	s5 =	simm.s32 $_tile_overlayer_lowered  }
0x9b: {  	s22 =	simm.s32 $0x1BFF;
	s21 =	sshll.u32 s5, $0x1;
	s2 =	sadd.s32 s19, s18  }
0x9c: {  	s6 =	simm.s32 $0x0;
	s20 =	sshll.u32 s4, $0x1;
	s4 =	sadd.s32 s21, s2  }
0x9d: {  	[timem:s6], [sflag:s22] =	dma.local [hbm:s4], s20  }
0x9e: {  	_ =	swait.ge [sflag:s22], s20  }
0x9f: {  	s3 =	ssub.s32 $0x0, s20;
	[sflag:s22] =	ssyncset.done $0x0  }
0xa0: {  	[sflag:s22] =	ssyncadd.s32 s3;
	_ =	sdelay $0x1  }
0xa1: {  	s23 =	simm.s32 $0x1B8B  }
0xa2: {  	_ =	swait.ge [sflag:s23], $0x1  }
0xa3: {  	[sflag:s23] =	ssyncset.done $0x0  }
0xa4: {  	s25 =	simm.s32 $0x1B8E;
	s24 =	sld [smem:$0x3FFE];
	[sflag:s23] =	ssyncadd.s32 $0xFFFFFFFF  }
0xa5: {  	s26 =	simm.s32 $execute0_lowered;
	[smem:$0x3FD2] =	sst s25  }
0xa6: {  	s4 =	sshll.u32 s26, $0x1;
	_ =	strace $0x8000004C;
	[dreg:$0x1] =	wrdreg $0xFFFFFFFF  }
0xa7: {  	s28 =	simm.s32 $_size_execute0_lowered;
	s2 =	sadd.s32 s2, s4;
	[dreg:$0x0] =	wrdreg $0x0  }
0xa8: {  	s4 =	sshll.u32 s28, $0x1;
	[dreg:$0x2] =	wrdreg s2  }
0xa9: {  	[dreg:$0x3] =	wrdreg s4  }
0xaa: {  	[dreg:$0x4] =	wrdreg $0xC0  }
0xab: {  	_ =	task [dreg:s6], $0x5FFFF  }
0xac: {  	[dreg:$0x1] =	wrdreg $0xFFFFFFFF  }
0xad: {  	[dreg:$0x0] =	wrdreg $0x60  }
0xae: {  	[dreg:$0x2] =	wrdreg s24  }
0xaf: {  	[dreg:$0x3] =	wrdreg $0xA4000  }
0xb0: {  	[dreg:$0x4] =	wrdreg $0x9  }
0xb1: {  	_ =	task.clear_ibuf [dreg:s6], $0x5FFFF;
	_ =	strace $0x9000004C  }
0xb2: {  	s29 =	simm.s32 $0x9;
	_ =	strace $0x8000004E  }
0xb3: {  	_ =	swait.ge [sflag:s29], $0x1  }
0xb4: {  	[sflag:s29] =	ssyncadd.s32 $0xFFFFFFFF  }
0xb5: {  	_ =	strace $0x9000004E  }
0xb6: {  	_ =	sfence  }
0xb7: {  	s30 =	sld [smem:$0x0];
	_ =	sdelay $0x2  }
0xb8: {  	s31 =	sshll.u32 s1, $0xD;
	s1 =	sshrl.u32 s1, $0x2  }
0xb9: {  	s3 =	sand.u32 $0x4000, s31;
	s1 =	sadd.s32 s1, s30  }
0xba: {  	s0 =	sor.u32 s3, s0;
	s1 =	sshll.u32 s1, $0x11  }
0xbb: {  	s0 =	sor.u32 s1, s0  }
0xbc: {  	s0 =	sadd.s32 $0x8F2B, s0  }
0xbd: {  	[sflag:s0] =	ssyncadd.remote.s32 $0x1  }
0xbe: {  	_ =	sfence.sel $0xFFFF  }
0xbf: {  	[dreg:$0x0] =	wrdreg $0xFFFFFFFF;
	(pc) =	sbr.abs _section_cstart, $3  }
0xc0: {  	[dreg:$0x1] =	wrdreg $0xFFFFFFFF  }
0xc1: {  	_ =	task.clear_ibuf [dreg:s6], $0x2FFFF;
	_ =	strace $0x9FFFFFFF  }
0xc2: {  	(tm) =	ssettm $0x7FFFFFFF  }
0xc3: {  	_ =	shalt  }
tec
execute0_lowered:
.L_overlay_start_1:
0x0: {  	(tag) =	ssettag $0x1  }
0x1: {  	s0 =	rddreg [dreg:$0x0]  }
0x2: {  	s1 =	rddreg [dreg:$0x1];
	s2 =	simm.s32 $0x0;
	s11 =	stileid.u32  }
0x3: {  	s10 =	srdreg.scid;
	s29 =	simm.s32 $0x400;
	s30 =	simm.s32 $0x200  }
0x4: {  	s31 =	simm.s32 $0xA0;
	[smem:$0x7FF] =	sst s2;
	s3 =	smul.u32 $0x2700, s11  }
0x5: {  	s4 =	sadd.s32 $0xAD600, s0;
	s5 =	sadd.s32 $0x8E200, s0;
	s12 =	smul.u32 $0x7D00, s11  }
0x6: {  	s6 =	sadd.s32 $0xBD000, s0;
	s7 =	sadd.s32 $0x9DC00, s0;
	s15 =	smul.u32 $0x280, s11  }
0x7: {  	s8 =	sadd.s32 $0x66000, s0;
	s9 =	sadd.s32 $0x3EE00, s0;
	s17 =	smul.u32 $0x4E000, s11  }
0x8: {  	s10 =	sand.u32 $0x1, s10;
	s18 =	sadd.s32 $0x168E00, s0;
	s24 =	smul.u32 $0x7D0, s11  }
0x9: {  	s19 =	sadd.s32 $0x190000, s0;
	s26 =	smul.u32 $0xFA0, s11;
	p1 =	sne.s32 s11, $0xF  }
0xa: {  	p2 =	seq.s32 s11, $0xF;
	_ =	strace $0x8000004D;
	[dreg:$0x3] =	wrdreg s18  }
0xb: {  	s14 =	ssub.s32 $0x2, s10;
	p0 =	seq.s32 s10, $0x1;
	[dreg:$0x4] =	wrdreg s19  }
0xc: {  	s13 =	sadd.s32 s3, s0;
	s16 =	sshrl.u32 s14, $0x1;
	s12 =	sand.u32 $0x7F800, s12  }
0xd: {  	s28 =	sand.u32 $0x380, s15;
	s15 =	sshrl.u32 s17, $0x2;
	s0 =	sadd.s32 $0x3EC00, s0  }
0xe: {  	s23 =	sadd.s32 s18, s3;
	s3 =	sadd.s32 s19, s3;
	[dreg:$0x7] =	wrdreg s0  }
0xf: {  	s24 =	sadd.s32 $0x10, s24;
	s16 =	ssub.s32 s14, s16;
	[dreg:$0xa] =	wrdreg s23  }
0x10: {  	s14 =	sor.u32 s28, s12;
	s10 =	sadd.s32 s15, s1;
	[dreg:$0xd] =	wrdreg s3  }
0x11: {  	s17 =	sadd.s32 $0x17C00, s13;
	[dreg:$0x5] =	wrdreg s10;
	s20 =	sshrl.u32 s14, $0x3  }
0x12: {  	s28 =	sshll.u32 s11, $0x6;
	[dreg:$0x6] =	wrdreg s17;
	s21 =	sadd.s32 s4, s20  }
.Ltmp0:
0x13: {  	s22 =	sadd.s32 s5, s20;
	[dreg:$0x8] =	wrdreg s21;
	(pc) =	sbr.rel .LBB2_1-.Ltmp0, $4  }
0x14: {  	s0 =	simm.s32 $0x1;
	s25 =	sadd.s32 s6, s20;
	[dreg:$0x9] =	wrdreg s22  }
0x15: {  	s3 =	simm.s32 $0x4;
	s10 =	sadd.s32 s7, s20;
	[dreg:$0xb] =	wrdreg s25  }
0x16: {  	s14 =	sadd.s32 $0x138000, s1;
	s23 =	sor.u32 $0x1C03, s28;
	[dreg:$0xc] =	wrdreg s10  }
0x17: {  	s22 =	smax.u32 s16, $0x1;
	s25 =	sadd.s32 $0x20, s26;
	s26 =	simm.s32 $0x3  }
.LBB2_8:
0x18: {  	s10 =	sadd.s32 $0x27000, s10;
	s11 =	sshrl.u32 s14, $0x3  }
0x19: {  	[hbm:s10], [sflag:s23] =	dma.local [spmem:s11], $0x100  }
0x1a: {  	_ =	swait.ge [sflag:s26], $0x100  }
0x1b: {  	[sflag:s26] =	ssyncset.done $0x0  }
0x1c: {  	[sflag:s26] =	ssyncadd.s32 $0xFFFFFF00  }
.LBB2_9:
0x1d: {  	s2 =	sadd.s32 $0x1, s2  }
0x1e: {  	p3 =	sne.s32 s2, s22  }
.Ltmp1:
0x1f: {  	_ = 	snop;
	(pc) =	sbr.rel @!p3 .LBB2_10-.Ltmp1, $1  }
0x20: {  	_ =	sdelay $0x3  }
.LBB2_1:
0x21: {  	s10 =	rddreg [dreg:$0x5]  }
.Ltmp2:
0x22: {  	s28 =	rddreg [dreg:$0x6];
	s16 =	sshrl.u32 s10, $0x3;
	(pc) =	sbr.rel @!p0 .LBB2_2-.Ltmp2, $4  }
0x23: {  	[spmem:s16], [sflag:s23] =	dma.local [hbm:s28], $0x2700  }
0x24: {  	_ =	swait.ge [sflag:s26], $0x2700  }
0x25: {  	[sflag:s26] =	ssyncset.done $0x0  }
0x26: {  	s10 =	sshrl.u32 @!p1 s14, $0x3;
	[sflag:s26] =	ssyncadd.s32 $0xFFFFD900  }
0x27: {  	s11 =	rddreg [dreg:$0x7]  }
0x28: {  	[spmem:s10], [sflag:s23] =	dma.local @!p1 [hbm:s11], $0x100  }
0x29: {  	s10 =	simm.s32 @!p1 $0x3  }
0x2a: {  	_ =	swait.ge @!p1 [sflag:s10], $0x100  }
0x2b: {  	[sflag:s10] =	ssyncset.done @!p1 $0x0  }
0x2c: {  	[sflag:s10] =	ssyncadd.s32 @!p1 $0xFFFFFF00  }
0x2d: {  	[bflag:$0x0] =	sbarrier.arrive $0xFFFF  }
0x2e: {  	s19 =	simm.s32 $0x0;
	s12 =	simm.s32 $0x80;
	s20 =	rddreg [dreg:$0xb]  }
0x2f: {  	[tilespmem:s19], [sflag:$0x3] =	stream.strided.gather [hbm4b:s20+s12], $0x100, s29, s12, $0x38;
	[tilespmem:$0x1DC80] =	vst v63  }
0x30: {  	_ =	swait.ge [sflag:s26], $0x100  }
0x31: {  	[sflag:s26] =	ssyncset.done $0x0  }
0x32: {  	s10 =	sand.u32 $0x1, s19;
	s21 =	rddreg [dreg:$0xc];
	[sflag:s26] =	ssyncadd.s32 $0xFFFFFF00  }
0x33: {  	[tilespmem:s30], [sflag:$0x3] =	stream.strided.gather [hbm4b:s21+s12], $0x100, s29, s12, $0x38;
	[tilespmem:$0x1DC80] =	vst v63  }
0x34: {  	p3 =	seq.s32 s10, $0x1;
	_ =	swait.ge [sflag:s26], $0x100  }
0x35: {  	s10 =	sand.u32 @p3 $0x3FF00, s25;
	s11 =	sand.u32 @p3 $0x70, s24;
	[sflag:s26] =	ssyncset.done $0x0  }
0x36: {  	s13 =	simm.s32 @p3 $0x80;
	s10 =	sor.u32 @p3 s11, s10;
	[sflag:s26] =	ssyncadd.s32 $0xFFFFFF00  }
0x37: {  	[tilespmem:s29], [sflag:$0x1] =	stream.indirect.gather [hbm4b:s9+s31], $0x80, s19, s31, $0xb8;
	[tilespmem:$0x1DC80] =	vst v63  }
0x38: {  	s15 =	simm.s32 @p3 $0x400;
	s11 =	simm.s32 @p3 $0x0;
	s12 =	sadd.s32 @p3 s6, s10  }
0x39: {  	[tilespmem:s11], [sflag:$0x2] =	stream.strided.gather @p3 [hbm4b:s12+s13], $0x100, s15, s13, $0x38;
	[tilespmem:$0x1DC80] =	vst v63  }
0x3a: {  	s17 =	simm.s32 @p3 $0x1;
	s10 =	sadd.s32 @p3 s7, s10;
	s12 =	simm.s32 @p3 $0x200  }
0x3b: {  	[tilespmem:s12], [sflag:$0x2] =	stream.strided.gather @p3 [hbm4b:s10+s13], $0x100, s15, s13, $0x38;
	[tilespmem:$0x1DC80] =	vst v63  }
0x3c: {  	_ =	swait.ge @p3 [sflag:s17], $0x5000  }
0x3d: {  	[sflag:s17] =	ssyncset.done @p3 $0x0  }
0x3e: {  	s10 =	simm.s32 @p3 $0x2;
	[sflag:s17] =	ssyncadd.s32 @p3 $0xFFFFB000  }
0x3f: {  	_ =	swait.ge @p3 [sflag:s10], $0x100  }
0x40: {  	[sflag:s10] =	ssyncset.done @p3 $0x0  }
0x41: {  	[sflag:s10] =	ssyncadd.s32 @p3 $0xFFFFFF00  }
0x42: {  	_ =	swait.ge @p3 [sflag:s10], $0x100  }
0x43: {  	s12 =	sand.u32 @!p3 $0x3FF00, s25;
	s13 =	sand.u32 @!p3 $0x70, s24;
	[sflag:s10] =	ssyncset.done @p3 $0x0  }
0x44: {  	s12 =	sor.u32 @!p3 s13, s12;
	[sflag:s10] =	ssyncadd.s32 @p3 $0xFFFFFF00;
	s10 =	simm.s32 @p3 $0xA0  }
0x45: {  	[tilespmem:s15], [sflag:$0x1] =	stream.indirect.gather @p3 [hbm4b:s9+s10], $0x80, s11, s10, $0xb8;
	[tilespmem:$0x1DC80] =	vst v63  }
0x46: {  	s13 =	simm.s32 @p3 $0x300;
	s11 =	sadd.s32 @!p3 s6, s12;
	s15 =	simm.s32 @p3 $0x5400  }
0x47: {  	[spmem:s1] =	stream.indirect.scatter.add.f32 @p3 [tilespmem:s15], [sflag:$0x3], $0x80, s13, s10, $0xb8;
	[tilespmem:$0x1DC80] =	vst v63  }
0x48: {  	s10 =	simm.s32 @!p3 $0x80;
	s13 =	simm.s32 @!p3 $0x400;
	s15 =	simm.s32 @!p3 $0x100  }
0x49: {  	[tilespmem:s15], [sflag:$0x2] =	stream.strided.gather @!p3 [hbm4b:s11+s10], $0x100, s13, s10, $0x38;
	[tilespmem:$0x1DC80] =	vst v63  }
0x4a: {  	s17 =	simm.s32 @!p3 $0x1;
	s11 =	sadd.s32 @!p3 s7, s12;
	s12 =	simm.s32 @!p3 $0x300  }
0x4b: {  	[tilespmem:s12], [sflag:$0x2] =	stream.strided.gather @!p3 [hbm4b:s11+s10], $0x100, s13, s10, $0x38;
	[tilespmem:$0x1DC80] =	vst v63  }
0x4c: {  	_ =	swait.ge @!p3 [sflag:s17], $0x5000  }
0x4d: {  	[sflag:s17] =	ssyncset.done @!p3 $0x0  }
0x4e: {  	s10 =	simm.s32 @!p3 $0x2;
	[sflag:s17] =	ssyncadd.s32 @!p3 $0xFFFFB000  }
0x4f: {  	_ =	swait.ge @!p3 [sflag:s10], $0x100  }
0x50: {  	[sflag:s10] =	ssyncset.done @!p3 $0x0  }
0x51: {  	[sflag:s10] =	ssyncadd.s32 @!p3 $0xFFFFFF00  }
0x52: {  	s28 =	simm.s32 $0x1;
	s20 =	simm.s32 @!p3 $0x4;
	_ =	swait.ge @!p3 [sflag:s10], $0x100  }
0x53: {  	s18 =	sadd.s32 $0x10, s24;
	s20 =	simm.s32 @p3 $0x3;
	[sflag:s10] =	ssyncset.done @!p3 $0x0  }
0x54: {  	s12 =	simm.s32 @!p3 $0x5400;
	[sflag:s10] =	ssyncadd.s32 @!p3 $0xFFFFFF00;
	s10 =	simm.s32 @!p3 $0xA0  }
0x55: {  	[tilespmem:s12], [sflag:$0x1] =	stream.indirect.gather @!p3 [hbm4b:s9+s10], $0x80, s15, s10, $0xb8;
	[tilespmem:$0x1DC80] =	vst v63  }
0x56: {  	s19 =	simm.s32 $0x2;
	s11 =	sand.u32 $0x1, s28;
	s12 =	simm.s32 @!p3 $0x200  }
0x57: {  	[spmem:s1] =	stream.indirect.scatter.add.f32 @!p3 [tilespmem:s13], [sflag:$0x4], $0x80, s12, s10, $0xb8;
	[tilespmem:$0x1DC80] =	vst v63  }
0x58: {  	s17 =	sadd.s32 $0x20, s25;
	p3 =	seq.s32 s11, $0x1;
	_ =	swait.ge [sflag:s20], $0x5000  }
0x59: {  	s21 =	sand.u32 @p3 $0x3FF00, s17;
	s10 =	sand.u32 @p3 $0x70, s18;
	[sflag:s20] =	ssyncset.done $0x0  }
.LBB2_6:
0x5a: {  	s10 =	sor.u32 @p3 s10, s21  }
0x5b: {  	s11 =	simm.s32 @p3 $0x0;
	[sflag:s20] =	ssyncadd.s32 $0xFFFFB000;
	s21 =	smov.u32 s19  }
0x5c: {  	s13 =	simm.s32 @p3 $0x80;
	s15 =	simm.s32 @p3 $0x400;
	s12 =	sadd.s32 @p3 s6, s10  }
0x5d: {  	[tilespmem:s11], [sflag:$0x2] =	stream.strided.gather @p3 [hbm4b:s12+s13], $0x100, s15, s13, $0x38;
	[tilespmem:$0x1DC80] =	vst v63  }
0x5e: {  	s28 =	simm.s32 @p3 $0x1;
	s10 =	sadd.s32 @p3 s7, s10;
	s12 =	simm.s32 @p3 $0x200  }
0x5f: {  	[tilespmem:s12], [sflag:$0x2] =	stream.strided.gather @p3 [hbm4b:s10+s13], $0x100, s15, s13, $0x38;
	[tilespmem:$0x1DC80] =	vst v63  }
0x60: {  	s10 =	sand.u32 @!p3 $0x3FF00, s17;
	s12 =	sand.u32 @!p3 $0x70, s18;
	_ =	swait.ge @p3 [sflag:s28], $0x5000  }
0x61: {  	s20 =	simm.s32 @!p3 $0x4;
	s10 =	sor.u32 @!p3 s12, s10;
	[sflag:s28] =	ssyncset.done @p3 $0x0  }
0x62: {  	s12 =	simm.s32 @p3 $0x2;
	s13 =	sadd.s32 @!p3 s6, s10;
	[sflag:s28] =	ssyncadd.s32 @p3 $0xFFFFB000  }
0x63: {  	s19 =	sadd.s32 $0x1, s19;
	s10 =	sadd.s32 @!p3 s7, s10;
	_ =	swait.ge @p3 [sflag:s12], $0x100  }
0x64: {  	p4 =	sne.s32 s19, $0x7C;
	[sflag:s12] =	ssyncset.done @p3 $0x0  }
0x65: {  	[sflag:s12] =	ssyncadd.s32 @p3 $0xFFFFFF00  }
0x66: {  	_ =	swait.ge @p3 [sflag:s12], $0x100  }
0x67: {  	[sflag:s12] =	ssyncset.done @p3 $0x0  }
0x68: {  	[sflag:s12] =	ssyncadd.s32 @p3 $0xFFFFFF00;
	s12 =	simm.s32 @p3 $0xA0  }
0x69: {  	[tilespmem:s15], [sflag:$0x1] =	stream.indirect.gather @p3 [hbm4b:s9+s12], $0x80, s11, s12, $0xb8;
	[tilespmem:$0x1DC80] =	vst v63  }
0x6a: {  	s11 =	simm.s32 @p3 $0x300;
	s15 =	simm.s32 @p3 $0x5400  }
0x6b: {  	[spmem:s1] =	stream.indirect.scatter.add.f32 @p3 [tilespmem:s15], [sflag:$0x3], $0x80, s11, s12, $0xb8;
	[tilespmem:$0x1DC80] =	vst v63  }
0x6c: {  	s11 =	simm.s32 @!p3 $0x80;
	s12 =	simm.s32 @!p3 $0x400;
	s15 =	simm.s32 @!p3 $0x100  }
0x6d: {  	[tilespmem:s15], [sflag:$0x2] =	stream.strided.gather @!p3 [hbm4b:s13+s11], $0x100, s12, s11, $0x38;
	[tilespmem:$0x1DC80] =	vst v63  }
0x6e: {  	s28 =	simm.s32 @!p3 $0x1;
	s13 =	simm.s32 @!p3 $0x300  }
0x6f: {  	[tilespmem:s13], [sflag:$0x2] =	stream.strided.gather @!p3 [hbm4b:s10+s11], $0x100, s12, s11, $0x38;
	[tilespmem:$0x1DC80] =	vst v63  }
0x70: {  	_ =	swait.ge @!p3 [sflag:s28], $0x5000  }
0x71: {  	[sflag:s28] =	ssyncset.done @!p3 $0x0  }
0x72: {  	s10 =	simm.s32 @!p3 $0x2;
	[sflag:s28] =	ssyncadd.s32 @!p3 $0xFFFFB000  }
0x73: {  	_ =	swait.ge @!p3 [sflag:s10], $0x100  }
0x74: {  	[sflag:s10] =	ssyncset.done @!p3 $0x0  }
0x75: {  	[sflag:s10] =	ssyncadd.s32 @!p3 $0xFFFFFF00  }
0x76: {  	_ =	swait.ge @!p3 [sflag:s10], $0x100  }
0x77: {  	s17 =	sadd.s32 $0x20, s17;
	[sflag:s10] =	ssyncset.done @!p3 $0x0  }
0x78: {  	s11 =	simm.s32 @!p3 $0x5400;
	[sflag:s10] =	ssyncadd.s32 @!p3 $0xFFFFFF00;
	s10 =	simm.s32 @!p3 $0xA0  }
0x79: {  	[tilespmem:s11], [sflag:$0x1] =	stream.indirect.gather @!p3 [hbm4b:s9+s10], $0x80, s15, s10, $0xb8;
	[tilespmem:$0x1DC80] =	vst v63  }
.Ltmp3:
0x7a: {  	_ = 	snop;
	(pc) =	sbr.rel @p4 .LBB2_6-.Ltmp3, $4  }
0x7b: {  	s20 =	simm.s32 @p3 $0x3;
	s13 =	simm.s32 @!p3 $0x200;
	s11 =	sand.u32 $0x1, s21  }
0x7c: {  	[spmem:s1] =	stream.indirect.scatter.add.f32 @!p3 [tilespmem:s12], [sflag:$0x4], $0x80, s13, s10, $0xb8;
	[tilespmem:$0x1DC80] =	vst v63  }
0x7d: {  	s18 =	sadd.s32 $0x10, s18;
	p3 =	seq.s32 s11, $0x1;
	_ =	swait.ge [sflag:s20], $0x5000  }
0x7e: {  	s21 =	sand.u32 @p3 $0x3FF00, s17;
	s10 =	sand.u32 @p3 $0x70, s18;
	[sflag:s20] =	ssyncset.done $0x0  }
0x7f: {  	s10 =	sor.u32 @p3 s10, s21;
	s11 =	simm.s32 @p3 $0x0;
	[sflag:s20] =	ssyncadd.s32 $0xFFFFB000  }
0x80: {  	s13 =	simm.s32 @p3 $0x80;
	s15 =	simm.s32 @p3 $0x400;
	s12 =	sadd.s32 @p3 s6, s10  }
0x81: {  	[tilespmem:s11], [sflag:$0x2] =	stream.strided.gather @p3 [hbm4b:s12+s13], $0x100, s15, s13, $0x38;
	[tilespmem:$0x1DC80] =	vst v63  }
0x82: {  	s19 =	simm.s32 @p3 $0x1;
	s10 =	sadd.s32 @p3 s7, s10;
	s12 =	simm.s32 @p3 $0x200  }
0x83: {  	[tilespmem:s12], [sflag:$0x2] =	stream.strided.gather @p3 [hbm4b:s10+s13], $0x100, s15, s13, $0x38;
	[tilespmem:$0x1DC80] =	vst v63  }
0x84: {  	_ =	swait.ge @p3 [sflag:s19], $0x5000  }
0x85: {  	[sflag:s19] =	ssyncset.done @p3 $0x0  }
0x86: {  	s10 =	simm.s32 @p3 $0x2;
	[sflag:s19] =	ssyncadd.s32 @p3 $0xFFFFB000  }
0x87: {  	_ =	swait.ge @p3 [sflag:s10], $0x100  }
0x88: {  	[sflag:s10] =	ssyncset.done @p3 $0x0  }
0x89: {  	[sflag:s10] =	ssyncadd.s32 @p3 $0xFFFFFF00  }
0x8a: {  	_ =	swait.ge @p3 [sflag:s10], $0x100  }
0x8b: {  	s12 =	sand.u32 @!p3 $0x3FF00, s17;
	s13 =	sand.u32 @!p3 $0x70, s18;
	[sflag:s10] =	ssyncset.done @p3 $0x0  }
0x8c: {  	s12 =	sor.u32 @!p3 s13, s12;
	[sflag:s10] =	ssyncadd.s32 @p3 $0xFFFFFF00;
	s10 =	simm.s32 @p3 $0xA0  }
0x8d: {  	[tilespmem:s15], [sflag:$0x1] =	stream.indirect.gather @p3 [hbm4b:s9+s10], $0x80, s11, s10, $0xb8;
	[tilespmem:$0x1DC80] =	vst v63  }
0x8e: {  	s13 =	simm.s32 @p3 $0x300;
	s11 =	sadd.s32 @!p3 s6, s12;
	s15 =	simm.s32 @p3 $0x5400  }
0x8f: {  	[spmem:s1] =	stream.indirect.scatter.add.f32 @p3 [tilespmem:s15], [sflag:$0x3], $0x80, s13, s10, $0xb8;
	[tilespmem:$0x1DC80] =	vst v63  }
0x90: {  	s10 =	simm.s32 @!p3 $0x80;
	s13 =	simm.s32 @!p3 $0x400;
	s15 =	simm.s32 @!p3 $0x100  }
0x91: {  	[tilespmem:s15], [sflag:$0x2] =	stream.strided.gather @!p3 [hbm4b:s11+s10], $0x100, s13, s10, $0x38;
	[tilespmem:$0x1DC80] =	vst v63  }
0x92: {  	s17 =	simm.s32 @!p3 $0x1;
	s11 =	sadd.s32 @!p3 s7, s12;
	s12 =	simm.s32 @!p3 $0x300  }
0x93: {  	[tilespmem:s12], [sflag:$0x2] =	stream.strided.gather @!p3 [hbm4b:s11+s10], $0x100, s13, s10, $0x38;
	[tilespmem:$0x1DC80] =	vst v63  }
0x94: {  	_ =	swait.ge @!p3 [sflag:s17], $0x5000  }
0x95: {  	[sflag:s17] =	ssyncset.done @!p3 $0x0  }
0x96: {  	s10 =	simm.s32 @!p3 $0x2;
	[sflag:s17] =	ssyncadd.s32 @!p3 $0xFFFFB000  }
0x97: {  	_ =	swait.ge @!p3 [sflag:s10], $0x100  }
0x98: {  	[sflag:s10] =	ssyncset.done @!p3 $0x0  }
0x99: {  	[sflag:s10] =	ssyncadd.s32 @!p3 $0xFFFFFF00  }
0x9a: {  	_ =	swait.ge @!p3 [sflag:s10], $0x100  }
0x9b: {  	s11 =	simm.s32 @!p3 $0x4;
	[sflag:s10] =	ssyncset.done @!p3 $0x0  }
0x9c: {  	s12 =	simm.s32 @!p3 $0x5400;
	[sflag:s10] =	ssyncadd.s32 @!p3 $0xFFFFFF00;
	s10 =	simm.s32 @!p3 $0xA0  }
0x9d: {  	[tilespmem:s12], [sflag:$0x1] =	stream.indirect.gather @!p3 [hbm4b:s9+s10], $0x80, s15, s10, $0xb8;
	[tilespmem:$0x1DC80] =	vst v63  }
0x9e: {  	s11 =	simm.s32 @p3 $0x3;
	s12 =	simm.s32 @!p3 $0x200  }
0x9f: {  	[spmem:s1] =	stream.indirect.scatter.add.f32 @!p3 [tilespmem:s13], [sflag:$0x4], $0x80, s12, s10, $0xb8;
	[tilespmem:$0x1DC80] =	vst v63  }
0xa0: {  	_ =	swait.ge [sflag:s11], $0x5000  }
0xa1: {  	[sflag:s11] =	ssyncset.done $0x0  }
0xa2: {  	[sflag:s11] =	ssyncadd.s32 $0xFFFFB000  }
0xa3: {  	_ =	swait.ge [sflag:s0], $0x5000  }
0xa4: {  	[sflag:s0] =	ssyncset.done $0x0  }
0xa5: {  	[sflag:s0] =	ssyncadd.s32 $0xFFFFB000  }
0xa6: {  	[spmem:s1] =	stream.indirect.scatter.add.f32 [tilespmem:s29], [sflag:$0x4], $0x80, s30, s31, $0xb8;
	[tilespmem:$0x1DC80] =	vst v63  }
0xa7: {  	_ =	swait.ge [sflag:s3], $0x5000  }
0xa8: {  	[sflag:s3] =	ssyncset.done $0x0  }
0xa9: {  	[sflag:s3] =	ssyncadd.s32 $0xFFFFB000  }
0xaa: {  	[bflag:$0x0] =	sbarrier.arrive $0xFFFF  }
0xab: {  	s28 =	rddreg [dreg:$0xd]  }
0xac: {  	[hbm:s28], [sflag:s23] =	dma.local [spmem:s16], $0x2700  }
.Ltmp4:
0xad: {  	_ = 	snop;
	(pc) =	sbr.rel @p1 .LBB2_9-.Ltmp4, $4  }
.Ltmp5:
0xae: {  	_ = 	snop;
	(pc) =	sbr.rel @!p1 .LBB2_8-.Ltmp5, $4  }
0xaf: {  	_ =	swait.ge [sflag:s26], $0x2700  }
0xb0: {  	[sflag:s26] =	ssyncset.done $0x0  }
0xb1: {  	s10 =	rddreg [dreg:$0x4];
	[sflag:s26] =	ssyncadd.s32 $0xFFFFD900  }
0xb2: {  	_ = 	snop  }
.LBB2_2:
0xb3: {  	s11 =	rddreg [dreg:$0x7]  }
0xb4: {  	[spmem:s10], [sflag:s23] =	dma.local @!p1 [hbm:s11], $0x100  }
0xb5: {  	s10 =	simm.s32 @!p1 $0x3  }
0xb6: {  	_ =	swait.ge @!p1 [sflag:s10], $0x100  }
0xb7: {  	[sflag:s10] =	ssyncset.done @!p1 $0x0  }
0xb8: {  	[sflag:s10] =	ssyncadd.s32 @!p1 $0xFFFFFF00  }
0xb9: {  	[bflag:$0x0] =	sbarrier.arrive $0xFFFF  }
0xba: {  	s21 =	simm.s32 $0x0;
	s12 =	simm.s32 $0x80;
	s28 =	rddreg [dreg:$0x8]  }
0xbb: {  	[tilespmem:s21], [sflag:$0x3] =	stream.strided.gather [hbm4b:s28+s12], $0x100, s29, s12, $0x38;
	[tilespmem:$0x1DC80] =	vst v63  }
0xbc: {  	_ =	swait.ge [sflag:s26], $0x100  }
0xbd: {  	[sflag:s26] =	ssyncset.done $0x0  }
0xbe: {  	s10 =	sand.u32 $0x1, s21;
	s13 =	rddreg [dreg:$0x9];
	[sflag:s26] =	ssyncadd.s32 $0xFFFFFF00  }
0xbf: {  	[tilespmem:s30], [sflag:$0x3] =	stream.strided.gather [hbm4b:s13+s12], $0x100, s29, s12, $0x38;
	[tilespmem:$0x1DC80] =	vst v63  }
0xc0: {  	p3 =	seq.s32 s10, $0x1;
	_ =	swait.ge [sflag:s26], $0x100  }
0xc1: {  	s10 =	sand.u32 @p3 $0x3FF00, s25;
	s17 =	sand.u32 @p3 $0x70, s24;
	[sflag:s26] =	ssyncset.done $0x0  }
0xc2: {  	s19 =	simm.s32 @p3 $0x80;
	s10 =	sor.u32 @p3 s17, s10;
	[sflag:s26] =	ssyncadd.s32 $0xFFFFFF00  }
0xc3: {  	[tilespmem:s29], [sflag:$0x1] =	stream.indirect.gather [hbm4b:s8+s31], $0x80, s21, s31, $0xb8;
	[tilespmem:$0x1DC80] =	vst v63  }
0xc4: {  	s20 =	simm.s32 @p3 $0x400;
	s17 =	simm.s32 @p3 $0x0;
	s18 =	sadd.s32 @p3 s4, s10  }
0xc5: {  	[tilespmem:s17], [sflag:$0x2] =	stream.strided.gather @p3 [hbm4b:s18+s19], $0x100, s20, s19, $0x38;
	[tilespmem:$0x1DC80] =	vst v63  }
0xc6: {  	s10 =	sadd.s32 @p3 s5, s10;
	s21 =	simm.s32 @p3 $0x1;
	s18 =	simm.s32 @p3 $0x200  }
0xc7: {  	[tilespmem:s18], [sflag:$0x2] =	stream.strided.gather @p3 [hbm4b:s10+s19], $0x100, s20, s19, $0x38;
	[tilespmem:$0x1DC80] =	vst v63  }
0xc8: {  	_ =	swait.ge @p3 [sflag:s21], $0x5000  }
0xc9: {  	[sflag:s21] =	ssyncset.done @p3 $0x0  }
0xca: {  	s10 =	simm.s32 @p3 $0x2;
	[sflag:s21] =	ssyncadd.s32 @p3 $0xFFFFB000  }
0xcb: {  	_ =	swait.ge @p3 [sflag:s10], $0x100  }
0xcc: {  	[sflag:s10] =	ssyncset.done @p3 $0x0  }
0xcd: {  	[sflag:s10] =	ssyncadd.s32 @p3 $0xFFFFFF00  }
0xce: {  	_ =	swait.ge @p3 [sflag:s10], $0x100  }
0xcf: {  	s11 =	simm.s32 @!p3 $0x100;
	s18 =	sand.u32 @!p3 $0x3FF00, s25;
	[sflag:s10] =	ssyncset.done @p3 $0x0  }
0xd0: {  	s19 =	sand.u32 @!p3 $0x70, s24;
	[sflag:s10] =	ssyncadd.s32 @p3 $0xFFFFFF00;
	s10 =	simm.s32 @p3 $0xA0  }
0xd1: {  	[tilespmem:s20], [sflag:$0x1] =	stream.indirect.gather @p3 [hbm4b:s8+s10], $0x80, s17, s10, $0xb8;
	[tilespmem:$0x1DC80] =	vst v63  }
0xd2: {  	s18 =	sor.u32 @!p3 s19, s18;
	s19 =	simm.s32 @p3 $0x300;
	s20 =	simm.s32 @p3 $0x5400  }
0xd3: {  	[spmem:s1] =	stream.indirect.scatter.add.f32 @p3 [tilespmem:s20], [sflag:$0x3], $0x80, s19, s10, $0xb8;
	[tilespmem:$0x1DC80] =	vst v63  }
0xd4: {  	s21 =	simm.s32 @!p3 $0x400;
	s17 =	sadd.s32 @!p3 s4, s18;
	s10 =	simm.s32 @!p3 $0x80  }
0xd5: {  	[tilespmem:s11], [sflag:$0x2] =	stream.strided.gather @!p3 [hbm4b:s17+s10], $0x100, s21, s10, $0x38;
	[tilespmem:$0x1DC80] =	vst v63  }
0xd6: {  	s19 =	simm.s32 @!p3 $0x1;
	s17 =	sadd.s32 @!p3 s5, s18;
	s18 =	simm.s32 @!p3 $0x300  }
0xd7: {  	[tilespmem:s18], [sflag:$0x2] =	stream.strided.gather @!p3 [hbm4b:s17+s10], $0x100, s21, s10, $0x38;
	[tilespmem:$0x1DC80] =	vst v63  }
0xd8: {  	_ =	swait.ge @!p3 [sflag:s19], $0x5000  }
0xd9: {  	[sflag:s19] =	ssyncset.done @!p3 $0x0  }
0xda: {  	s10 =	simm.s32 @!p3 $0x2;
	[sflag:s19] =	ssyncadd.s32 @!p3 $0xFFFFB000  }
0xdb: {  	_ =	swait.ge @!p3 [sflag:s10], $0x100  }
0xdc: {  	[sflag:s10] =	ssyncset.done @!p3 $0x0  }
0xdd: {  	s15 =	simm.s32 $0x1;
	[sflag:s10] =	ssyncadd.s32 @!p3 $0xFFFFFF00  }
0xde: {  	s28 =	sand.u32 $0x1, s15;
	_ =	swait.ge @!p3 [sflag:s10], $0x100  }
0xdf: {  	s12 =	simm.s32 @!p3 $0x5400;
	s20 =	simm.s32 @!p3 $0x4;
	[sflag:s10] =	ssyncset.done @!p3 $0x0  }
0xe0: {  	s20 =	simm.s32 @p3 $0x3;
	[sflag:s10] =	ssyncadd.s32 @!p3 $0xFFFFFF00;
	s10 =	simm.s32 @!p3 $0xA0  }
0xe1: {  	[tilespmem:s12], [sflag:$0x1] =	stream.indirect.gather @!p3 [hbm4b:s8+s10], $0x80, s11, s10, $0xb8;
	[tilespmem:$0x1DC80] =	vst v63  }
0xe2: {  	s17 =	sadd.s32 $0x20, s25;
	s18 =	sadd.s32 $0x10, s24;
	s12 =	simm.s32 @!p3 $0x200  }
0xe3: {  	[spmem:s1] =	stream.indirect.scatter.add.f32 @!p3 [tilespmem:s21], [sflag:$0x4], $0x80, s12, s10, $0xb8;
	[tilespmem:$0x1DC80] =	vst v63  }
0xe4: {  	s19 =	simm.s32 $0x2;
	p3 =	seq.s32 s28, $0x1;
	_ =	swait.ge [sflag:s20], $0x5000  }
0xe5: {  	s21 =	sand.u32 @p3 $0x3FF00, s17;
	s10 =	sand.u32 @p3 $0x70, s18;
	[sflag:s20] =	ssyncset.done $0x0  }
.LBB2_3:
0xe6: {  	s10 =	sor.u32 @p3 s10, s21  }
0xe7: {  	s11 =	simm.s32 @p3 $0x0;
	[sflag:s20] =	ssyncadd.s32 $0xFFFFB000;
	s21 =	smov.u32 s19  }
0xe8: {  	s20 =	simm.s32 @p3 $0x80;
	s13 =	simm.s32 @p3 $0x400;
	s12 =	sadd.s32 @p3 s4, s10  }
0xe9: {  	[tilespmem:s11], [sflag:$0x2] =	stream.strided.gather @p3 [hbm4b:s12+s20], $0x100, s13, s20, $0x38;
	[tilespmem:$0x1DC80] =	vst v63  }
0xea: {  	s15 =	simm.s32 @p3 $0x1;
	s10 =	sadd.s32 @p3 s5, s10;
	s12 =	simm.s32 @p3 $0x200  }
0xeb: {  	[tilespmem:s12], [sflag:$0x2] =	stream.strided.gather @p3 [hbm4b:s10+s20], $0x100, s13, s20, $0x38;
	[tilespmem:$0x1DC80] =	vst v63  }
0xec: {  	s10 =	sand.u32 @!p3 $0x3FF00, s17;
	s12 =	sand.u32 @!p3 $0x70, s18;
	_ =	swait.ge @p3 [sflag:s15], $0x5000  }
0xed: {  	s20 =	simm.s32 @!p3 $0x4;
	s10 =	sor.u32 @!p3 s12, s10;
	[sflag:s15] =	ssyncset.done @p3 $0x0  }
0xee: {  	s12 =	simm.s32 @p3 $0x2;
	[sflag:s15] =	ssyncadd.s32 @p3 $0xFFFFB000;
	s15 =	sadd.s32 @!p3 s4, s10  }
0xef: {  	s19 =	sadd.s32 $0x1, s19;
	s10 =	sadd.s32 @!p3 s5, s10;
	_ =	swait.ge @p3 [sflag:s12], $0x100  }
0xf0: {  	p4 =	sne.s32 s19, $0x7C;
	[sflag:s12] =	ssyncset.done @p3 $0x0  }
0xf1: {  	[sflag:s12] =	ssyncadd.s32 @p3 $0xFFFFFF00  }
0xf2: {  	_ =	swait.ge @p3 [sflag:s12], $0x100  }
0xf3: {  	[sflag:s12] =	ssyncset.done @p3 $0x0  }
0xf4: {  	[sflag:s12] =	ssyncadd.s32 @p3 $0xFFFFFF00;
	s12 =	simm.s32 @p3 $0xA0  }
0xf5: {  	[tilespmem:s13], [sflag:$0x1] =	stream.indirect.gather @p3 [hbm4b:s8+s12], $0x80, s11, s12, $0xb8;
	[tilespmem:$0x1DC80] =	vst v63  }
0xf6: {  	s11 =	simm.s32 @p3 $0x300;
	s13 =	simm.s32 @p3 $0x5400  }
0xf7: {  	[spmem:s1] =	stream.indirect.scatter.add.f32 @p3 [tilespmem:s13], [sflag:$0x3], $0x80, s11, s12, $0xb8;
	[tilespmem:$0x1DC80] =	vst v63  }
0xf8: {  	s11 =	simm.s32 @!p3 $0x80;
	s12 =	simm.s32 @!p3 $0x400;
	s13 =	simm.s32 @!p3 $0x100  }
0xf9: {  	[tilespmem:s13], [sflag:$0x2] =	stream.strided.gather @!p3 [hbm4b:s15+s11], $0x100, s12, s11, $0x38;
	[tilespmem:$0x1DC80] =	vst v63  }
0xfa: {  	s28 =	simm.s32 @!p3 $0x1;
	s15 =	simm.s32 @!p3 $0x300  }
0xfb: {  	[tilespmem:s15], [sflag:$0x2] =	stream.strided.gather @!p3 [hbm4b:s10+s11], $0x100, s12, s11, $0x38;
	[tilespmem:$0x1DC80] =	vst v63  }
0xfc: {  	_ =	swait.ge @!p3 [sflag:s28], $0x5000  }
0xfd: {  	[sflag:s28] =	ssyncset.done @!p3 $0x0  }
0xfe: {  	s10 =	simm.s32 @!p3 $0x2;
	[sflag:s28] =	ssyncadd.s32 @!p3 $0xFFFFB000  }
0xff: {  	_ =	swait.ge @!p3 [sflag:s10], $0x100  }
0x100: {  	[sflag:s10] =	ssyncset.done @!p3 $0x0  }
0x101: {  	[sflag:s10] =	ssyncadd.s32 @!p3 $0xFFFFFF00  }
0x102: {  	_ =	swait.ge @!p3 [sflag:s10], $0x100  }
0x103: {  	s17 =	sadd.s32 $0x20, s17;
	[sflag:s10] =	ssyncset.done @!p3 $0x0  }
0x104: {  	s11 =	simm.s32 @!p3 $0x5400;
	[sflag:s10] =	ssyncadd.s32 @!p3 $0xFFFFFF00;
	s10 =	simm.s32 @!p3 $0xA0  }
0x105: {  	[tilespmem:s11], [sflag:$0x1] =	stream.indirect.gather @!p3 [hbm4b:s8+s10], $0x80, s13, s10, $0xb8;
	[tilespmem:$0x1DC80] =	vst v63  }
.Ltmp6:
0x106: {  	_ = 	snop;
	(pc) =	sbr.rel @p4 .LBB2_3-.Ltmp6, $4  }
0x107: {  	s20 =	simm.s32 @p3 $0x3;
	s11 =	sand.u32 $0x1, s21;
	s13 =	simm.s32 @!p3 $0x200  }
0x108: {  	[spmem:s1] =	stream.indirect.scatter.add.f32 @!p3 [tilespmem:s12], [sflag:$0x4], $0x80, s13, s10, $0xb8;
	[tilespmem:$0x1DC80] =	vst v63  }
0x109: {  	s18 =	sadd.s32 $0x10, s18;
	p3 =	seq.s32 s11, $0x1;
	_ =	swait.ge [sflag:s20], $0x5000  }
0x10a: {  	s21 =	sand.u32 @p3 $0x3FF00, s17;
	s10 =	sand.u32 @p3 $0x70, s18;
	[sflag:s20] =	ssyncset.done $0x0  }
0x10b: {  	s10 =	sor.u32 @p3 s10, s21;
	s11 =	simm.s32 @p3 $0x0;
	[sflag:s20] =	ssyncadd.s32 $0xFFFFB000  }
0x10c: {  	s13 =	simm.s32 @p3 $0x80;
	s15 =	simm.s32 @p3 $0x400;
	s12 =	sadd.s32 @p3 s4, s10  }
0x10d: {  	[tilespmem:s11], [sflag:$0x2] =	stream.strided.gather @p3 [hbm4b:s12+s13], $0x100, s15, s13, $0x38;
	[tilespmem:$0x1DC80] =	vst v63  }
0x10e: {  	s19 =	simm.s32 @p3 $0x1;
	s10 =	sadd.s32 @p3 s5, s10;
	s12 =	simm.s32 @p3 $0x200  }
0x10f: {  	[tilespmem:s12], [sflag:$0x2] =	stream.strided.gather @p3 [hbm4b:s10+s13], $0x100, s15, s13, $0x38;
	[tilespmem:$0x1DC80] =	vst v63  }
0x110: {  	_ =	swait.ge @p3 [sflag:s19], $0x5000  }
0x111: {  	[sflag:s19] =	ssyncset.done @p3 $0x0  }
0x112: {  	s10 =	simm.s32 @p3 $0x2;
	[sflag:s19] =	ssyncadd.s32 @p3 $0xFFFFB000  }
0x113: {  	_ =	swait.ge @p3 [sflag:s10], $0x100  }
0x114: {  	[sflag:s10] =	ssyncset.done @p3 $0x0  }
0x115: {  	[sflag:s10] =	ssyncadd.s32 @p3 $0xFFFFFF00  }
0x116: {  	_ =	swait.ge @p3 [sflag:s10], $0x100  }
0x117: {  	s12 =	sand.u32 @!p3 $0x3FF00, s17;
	s13 =	sand.u32 @!p3 $0x70, s18;
	[sflag:s10] =	ssyncset.done @p3 $0x0  }
0x118: {  	s12 =	sor.u32 @!p3 s13, s12;
	[sflag:s10] =	ssyncadd.s32 @p3 $0xFFFFFF00;
	s10 =	simm.s32 @p3 $0xA0  }
0x119: {  	[tilespmem:s15], [sflag:$0x1] =	stream.indirect.gather @p3 [hbm4b:s8+s10], $0x80, s11, s10, $0xb8;
	[tilespmem:$0x1DC80] =	vst v63  }
0x11a: {  	s13 =	simm.s32 @p3 $0x300;
	s11 =	sadd.s32 @!p3 s4, s12;
	s15 =	simm.s32 @p3 $0x5400  }
0x11b: {  	[spmem:s1] =	stream.indirect.scatter.add.f32 @p3 [tilespmem:s15], [sflag:$0x3], $0x80, s13, s10, $0xb8;
	[tilespmem:$0x1DC80] =	vst v63  }
0x11c: {  	s10 =	simm.s32 @!p3 $0x80;
	s13 =	simm.s32 @!p3 $0x400;
	s15 =	simm.s32 @!p3 $0x100  }
0x11d: {  	[tilespmem:s15], [sflag:$0x2] =	stream.strided.gather @!p3 [hbm4b:s11+s10], $0x100, s13, s10, $0x38;
	[tilespmem:$0x1DC80] =	vst v63  }
0x11e: {  	s17 =	simm.s32 @!p3 $0x1;
	s11 =	sadd.s32 @!p3 s5, s12;
	s12 =	simm.s32 @!p3 $0x300  }
0x11f: {  	[tilespmem:s12], [sflag:$0x2] =	stream.strided.gather @!p3 [hbm4b:s11+s10], $0x100, s13, s10, $0x38;
	[tilespmem:$0x1DC80] =	vst v63  }
0x120: {  	_ =	swait.ge @!p3 [sflag:s17], $0x5000  }
0x121: {  	[sflag:s17] =	ssyncset.done @!p3 $0x0  }
0x122: {  	s10 =	simm.s32 @!p3 $0x2;
	[sflag:s17] =	ssyncadd.s32 @!p3 $0xFFFFB000  }
0x123: {  	_ =	swait.ge @!p3 [sflag:s10], $0x100  }
0x124: {  	[sflag:s10] =	ssyncset.done @!p3 $0x0  }
0x125: {  	[sflag:s10] =	ssyncadd.s32 @!p3 $0xFFFFFF00  }
0x126: {  	_ =	swait.ge @!p3 [sflag:s10], $0x100  }
0x127: {  	s11 =	simm.s32 @!p3 $0x4;
	[sflag:s10] =	ssyncset.done @!p3 $0x0  }
0x128: {  	s12 =	simm.s32 @!p3 $0x5400;
	[sflag:s10] =	ssyncadd.s32 @!p3 $0xFFFFFF00;
	s10 =	simm.s32 @!p3 $0xA0  }
0x129: {  	[tilespmem:s12], [sflag:$0x1] =	stream.indirect.gather @!p3 [hbm4b:s8+s10], $0x80, s15, s10, $0xb8;
	[tilespmem:$0x1DC80] =	vst v63  }
0x12a: {  	s11 =	simm.s32 @p3 $0x3;
	s12 =	simm.s32 @!p3 $0x200  }
0x12b: {  	[spmem:s1] =	stream.indirect.scatter.add.f32 @!p3 [tilespmem:s13], [sflag:$0x4], $0x80, s12, s10, $0xb8;
	[tilespmem:$0x1DC80] =	vst v63  }
0x12c: {  	_ =	swait.ge [sflag:s11], $0x5000  }
0x12d: {  	[sflag:s11] =	ssyncset.done $0x0  }
0x12e: {  	[sflag:s11] =	ssyncadd.s32 $0xFFFFB000  }
0x12f: {  	_ =	swait.ge [sflag:s0], $0x5000  }
0x130: {  	[sflag:s0] =	ssyncset.done $0x0  }
0x131: {  	[sflag:s0] =	ssyncadd.s32 $0xFFFFB000  }
0x132: {  	[spmem:s1] =	stream.indirect.scatter.add.f32 [tilespmem:s29], [sflag:$0x4], $0x80, s30, s31, $0xb8;
	[tilespmem:$0x1DC80] =	vst v63  }
0x133: {  	_ =	swait.ge [sflag:s3], $0x5000  }
0x134: {  	[sflag:s3] =	ssyncset.done $0x0  }
0x135: {  	[sflag:s3] =	ssyncadd.s32 $0xFFFFB000  }
0x136: {  	[bflag:$0x0] =	sbarrier.arrive $0xFFFF  }
0x137: {  	s28 =	rddreg [dreg:$0xa]  }
0x138: {  	[hbm:s28], [sflag:s23] =	dma.local [spmem:s16], $0x2700  }
.Ltmp7:
0x139: {  	_ = 	snop;
	(pc) =	sbr.rel @p2 .LBB2_8-.Ltmp7, $4  }
.Ltmp8:
0x13a: {  	_ = 	snop;
	(pc) =	sbr.rel @!p2 .LBB2_9-.Ltmp8, $4  }
0x13b: {  	_ =	swait.ge [sflag:s26], $0x2700  }
0x13c: {  	[sflag:s26] =	ssyncset.done $0x0  }
0x13d: {  	s10 =	rddreg [dreg:$0x3];
	[sflag:s26] =	ssyncadd.s32 $0xFFFFD900  }
0x13e: {  	_ = 	snop  }
.LBB2_10:
0x13f: {  	_ =	sfence.sel $0x180000  }
0x140: {  	[bflag:$0x0] =	sbarrier.arrive $0xFFFF  }
0x141: {  	_ =	strace $0x9000004D  }
0x142: {  	s0 =	stileid.u32;
	[bflag:$0x2] =	sbarrier.arrive $0xFFFF  }
0x143: {  	p0 =	sne.s32 s0, $0x0;
	s0 =	rddreg [dreg:$0x2]  }
0x144: {  	s0 =	sadd.s32 @!p0 $0x100000, s0  }
0x145: {  	[sflag:s0] =	ssyncadd.tile.s32 @!p0 $0x1;
	_ =	shalt  }
.Lfunc_end2:
_tile_overlayer_lowered:
.L_overlay_start_2:
0x146: {  	(tag) =	ssettag $0x2  }
0x147: {  	s0 =	rddreg [dreg:$0x0];
	s2 =	stileid.u32  }
0x148: {  	s1 =	rddreg [dreg:$0x1];
	p0 =	sne.s32 s2, $0x0  }
0x149: {  	s3 =	rddreg [dreg:$0x2];
	[bflag:$0x3] =	sbarrier.arrive $0xFFFF;
	s2 =	simm.s32 @!p0 $0x1C03  }
0x14a: {  	[timem:s3], [sflag:s2] =	dma.local @!p0 [hbm:s0], s1  }
0x14b: {  	s0 =	simm.s32 @!p0 $0x3  }
0x14c: {  	_ =	swait.ge @!p0 [sflag:s0], s1  }
0x14d: {  	s1 =	ssub.s32 @!p0 $0x0, s1;
	[sflag:s0] =	ssyncset.done @!p0 $0x0  }
0x14e: {  	[sflag:s0] =	ssyncadd.s32 @!p0 s1  }
0x14f: {  	[bflag:$0x3] =	sbarrier.arrive $0xFFFF  }
0x150: {  	_ =	shalt  }

// kernel: kernel.19.cloned.1.call-start
scs
__scs_entry_jumppad:
0x0: {  	(pc) =	sbr.rel $0x88, $3  }
0x1: {  	(tag) =	ssettag $0x0;
	lr =	simm.s32 $0x1  }
0x2: {  	[smem:$0x3F95] =	sst lr;
	_ =	strace $0xD0000000  }
0x3: {  	_ = 	snop  }
0x4: {  	_ = 	snop  }
0x5: {  	_ = 	snop  }
0x6: {  	_ = 	snop  }
0x7: {  	_ = 	snop  }
__scs_overlays_trampoline_lowered:
0x8: {  	[smem:$0x3FA4] =	sst s0  }
0x9: {  	[smem:$0x3FA5] =	sst s1  }
0xa: {  	[smem:$0x3FA6] =	sst s2  }
0xb: {  	[smem:$0x3FA7] =	sst s3  }
0xc: {  	[smem:$0x3FA8] =	sst s4  }
0xd: {  	[smem:$0x3FA9] =	sst s5  }
0xe: {  	[smem:$0x3FAA] =	sst s6  }
0xf: {  	[smem:$0x3FAB] =	sst s7  }
0x10: {  	[smem:$0x3FAC] =	sst s8  }
0x11: {  	[smem:$0x3FAD] =	sst s9;
	s0 =	simm.s32 @!p0 $0x0  }
0x12: {  	s1 =	sld [smem:$0x3F93];
	s0 =	simm.s32 @p0 $0x1  }
0x13: {  	[smem:$0x3FAE] =	sst s0;
	s0 =	simm.s32 @!p1 $0x0  }
0x14: {  	s2 =	sld [smem:$0x3F92];
	s0 =	simm.s32 @p1 $0x1  }
0x15: {  	[smem:$0x3FAF] =	sst s0;
	s0 =	simm.s32 @!p2 $0x0  }
0x16: {  	s3 =	sld [smem:$0x3FDB];
	s0 =	simm.s32 @p2 $0x1  }
0x17: {  	s4 =	simm.s32 $0x1BF5;
	[smem:$0x3FB1] =	sst s0  }
0x18: {  	s0 =	sld [smem:$0x3F94];
	_ =	swait.ge [sflag:s4], $0x0  }
0x19: {  	s7 =	sld [smem:$0x3F95]  }
0x1a: {  	s8 =	sadd.s32 $0xFFFFE003, lr  }
0x1b: {  	s9 =	sadd.s32 $0xFFFFFEF7, lr;
	s5 =	simm.s32 $0xFFFFFFFF;
	p2 =	slt.u32 s8, $0xFFFFF086  }
0x1c: {  	p1 =	slt.u32 s9, $0xF7A;
	s5 =	simm.s32 @!p2 $0x0  }
0x1d: {  	s5 =	simm.s32 @p1 $0x1;
	p0 =	seq.s32 s7, s2  }
0x1e: {  	s7 =	smul.u32 @!p0 $0xF7A, s2;
	p2 =	seq.s32 @!p0 s5, $0x0  }
0x1f: {  	s9 =	smul.u32 $0xF7A, s1;
	s8 =	simm.s32 @!p0 $0x1BF5;
	p2 =	por !p2, p0  }
0x20: {  	[sflag:s8] =	ssyncset.s32 @!p0 $0xFFFFF086;
	s6 =	sadd.s32 @!p0 s3, s7;
	s7 =	simm.s32 @!p0 $0x108  }
0x21: {  	s3 =	sadd.s32 s3, s9;
	s6 =	sadd.s32 @!p0 $0x88, s6;
	s7 =	simm.s32 @p2 $0x1082  }
0x22: {  	[simem:s7], [sflag:s8] =	dma.local @!p0 [hbm:s6], $0xF7A  }
0x23: {  	s9 =	sor.u32 $0xD0000000, s2;
	s6 =	simm.s32 $0x108;
	_ =	swait.ge @!p0 [sflag:s8], $0x0  }
0x24: {  	s3 =	sadd.s32 $0x88, s3;
	s6 =	simm.s32 @!p1 $0x1082;
	[sflag:s4] =	ssyncset.s32 $0xFFFFF086  }
0x25: {  	[simem:s6], [sflag:s4] =	dma.local [hbm:s3], $0xF7A  }
0x26: {  	[smem:$0x3F95] =	sst s1;
	(tag) =	ssettag s2;
	_ =	strace s9  }
0x27: {  	s1 =	sld [smem:$0x3FA5]  }
0x28: {  	s2 =	sld [smem:$0x3FA6]  }
0x29: {  	s4 =	sld [smem:$0x3FA8]  }
0x2a: {  	p0 =	seq.s32 s5, $0x0;
	s5 =	sld [smem:$0x3FA9]  }
0x2b: {  	s6 =	sld [smem:$0x3FAA]  }
0x2c: {  	s7 =	sld [smem:$0x3FAB]  }
0x2d: {  	s3 =	simm.s32 $0x108;
	s8 =	sld [smem:$0x3FAC]  }
0x2e: {  	s3 =	simm.s32 @!p0 $0x1082;
	s9 =	sld [smem:$0x3FAD]  }
0x2f: {  	lr =	sadd.s32 s0, s3;
	s0 =	sld [smem:$0x3FA4]  }
0x30: {  	s3 =	sld [smem:$0x3FA7]  }
0x31: {  	[smem:$0x3FB0] =	sst s10  }
0x32: {  	s10 =	sld [smem:$0x3FAE];
	_ =	sdelay $0x3  }
0x33: {  	p0 =	seq.s32 s10, $0x1;
	s10 =	sld [smem:$0x3FB0];
	_ =	sdelay $0x3  }
0x34: {  	[smem:$0x3FB0] =	sst s10  }
0x35: {  	s10 =	sld [smem:$0x3FAF];
	_ =	sdelay $0x3  }
0x36: {  	p1 =	seq.s32 s10, $0x1;
	s10 =	sld [smem:$0x3FB0];
	_ =	sdelay $0x3  }
0x37: {  	[smem:$0x3FB0] =	sst s10  }
0x38: {  	s10 =	sld [smem:$0x3FB1]  }
0x39: {  	_ = 	snop;
	(pc) =	sbr.ind lr, $3  }
0x3a: {  	_ = 	snop  }
0x3b: {  	_ = 	snop  }
0x3c: {  	p2 =	seq.s32 s10, $0x1;
	s10 =	sld [smem:$0x3FB0]  }
0x3d: {  	_ =	shalt  }
0x3e: {  	_ =	shalt  }
0x3f: {  	_ =	shalt  }
0x40: {  	_ =	shalt  }
0x41: {  	_ =	shalt  }
0x42: {  	_ =	shalt  }
0x43: {  	_ =	shalt  }
0x44: {  	_ =	shalt  }
0x45: {  	_ =	shalt  }
0x46: {  	_ =	shalt  }
0x47: {  	_ =	shalt  }
0x48: {  	_ =	shalt  }
0x49: {  	_ =	shalt  }
0x4a: {  	_ =	shalt  }
0x4b: {  	_ =	shalt  }
0x4c: {  	_ =	shalt  }
0x4d: {  	_ =	shalt  }
0x4e: {  	_ =	shalt  }
0x4f: {  	_ =	shalt  }
0x50: {  	_ =	shalt  }
0x51: {  	_ =	shalt  }
0x52: {  	_ =	shalt  }
0x53: {  	_ =	shalt  }
0x54: {  	_ =	shalt  }
0x55: {  	_ =	shalt  }
0x56: {  	_ =	shalt  }
0x57: {  	_ =	shalt  }
0x58: {  	_ =	shalt  }
0x59: {  	_ =	shalt  }
0x5a: {  	_ =	shalt  }
0x5b: {  	_ =	shalt  }
0x5c: {  	_ =	shalt  }
0x5d: {  	_ =	shalt  }
0x5e: {  	_ =	shalt  }
0x5f: {  	_ =	shalt  }
0x60: {  	_ =	shalt  }
0x61: {  	_ =	shalt  }
0x62: {  	_ =	shalt  }
0x63: {  	_ =	shalt  }
0x64: {  	_ =	shalt  }
0x65: {  	_ =	shalt  }
0x66: {  	_ =	shalt  }
0x67: {  	_ =	shalt  }
0x68: {  	_ =	shalt  }
0x69: {  	_ =	shalt  }
0x6a: {  	_ =	shalt  }
0x6b: {  	_ =	shalt  }
0x6c: {  	_ =	shalt  }
0x6d: {  	_ =	shalt  }
0x6e: {  	_ =	shalt  }
0x6f: {  	_ =	shalt  }
0x70: {  	_ =	shalt  }
0x71: {  	_ =	shalt  }
0x72: {  	_ =	shalt  }
0x73: {  	_ =	shalt  }
0x74: {  	_ =	shalt  }
0x75: {  	_ =	shalt  }
0x76: {  	_ =	shalt  }
0x77: {  	_ =	shalt  }
0x78: {  	_ =	shalt  }
0x79: {  	_ =	shalt  }
0x7a: {  	_ =	shalt  }
0x7b: {  	_ =	shalt  }
0x7c: {  	_ =	shalt  }
0x7d: {  	_ =	shalt  }
0x7e: {  	_ =	shalt  }
0x7f: {  	_ =	shalt  }
0x80: {  	_ =	shalt  }
0x81: {  	_ =	shalt  }
0x82: {  	_ =	shalt  }
0x83: {  	_ =	shalt  }
0x84: {  	_ =	shalt  }
0x85: {  	_ =	shalt  }
0x86: {  	_ =	shalt  }
0x87: {  	_ =	shalt  }
.Lfunc_end0:
.L_simem_size_0:
called_computation.3_lowered:
.L_overlay_start_0:
0x88: {  	s2 =	sld [smem:$0x3FD9]  }
0x89: {  	s3 =	sld [smem:$0x3FFE];
	_ =	sdelay $0x1  }
0x8a: {  	s1 =	srdreg.scid  }
0x8b: {  	s0 =	sand.u32 $0x1, s1  }
0x8c: {  	s16 =	sshll.u32 s0, $0xA;
	s2 =	sadd.s32 s3, s2  }
0x8d: {  	s2 =	sadd.s32 s2, s16  }
0x8e: {  	[smem:$0x3FBC] =	sst s2  }
0x8f: {  	_ = 	snop  }
0x90: {  	(tm) =	ssettm $0x1  }
0x91: {  	s17 =	sld [smem:$0x3FFB];
	_ =	sdelay $0x3  }
0x92: {  	_ =	strace s17  }
0x93: {  	s2 =	sld [smem:$0x3FFC];
	_ =	sdelay $0x3  }
0x94: {  	_ =	strace s2  }
0x95: {  	s2 =	sld [smem:$0x3FFD];
	_ =	sdelay $0x3  }
0x96: {  	_ =	strace s2  }
0x97: {  	_ =	strace $0x8FFFFFFF  }
0x98: {  	s18 =	sld [smem:$0x3FDB];
	_ =	sdelay $0x1  }
0x99: {  	s19 =	simm.s32 $_scs_section_size  }
0x9a: {  	s4 =	simm.s32 $_size__tile_overlayer_lowered;
	s5 =	simm.s32 $_tile_overlayer_lowered  }
0x9b: {  	s22 =	simm.s32 $0x1BFF;
	s21 =	sshll.u32 s5, $0x1;
	s2 =	sadd.s32 s19, s18  }
0x9c: {  	s6 =	simm.s32 $0x0;
	s20 =	sshll.u32 s4, $0x1;
	s4 =	sadd.s32 s21, s2  }
0x9d: {  	[timem:s6], [sflag:s22] =	dma.local [hbm:s4], s20  }
0x9e: {  	_ =	swait.ge [sflag:s22], s20  }
0x9f: {  	s3 =	ssub.s32 $0x0, s20;
	[sflag:s22] =	ssyncset.done $0x0  }
0xa0: {  	[sflag:s22] =	ssyncadd.s32 s3;
	_ =	sdelay $0x1  }
0xa1: {  	s23 =	simm.s32 $0x1B8B  }
0xa2: {  	_ =	swait.ge [sflag:s23], $0x1  }
0xa3: {  	[sflag:s23] =	ssyncset.done $0x0  }
0xa4: {  	s25 =	simm.s32 $0x1B8E;
	s24 =	sld [smem:$0x3FFE];
	[sflag:s23] =	ssyncadd.s32 $0xFFFFFFFF  }
0xa5: {  	s26 =	simm.s32 $execute0_lowered;
	[smem:$0x3FD2] =	sst s25  }
0xa6: {  	s4 =	sshll.u32 s26, $0x1;
	_ =	strace $0x8000004F;
	[dreg:$0x1] =	wrdreg $0xFFFFFFFF  }
0xa7: {  	s28 =	simm.s32 $_size_execute0_lowered;
	s2 =	sadd.s32 s2, s4;
	[dreg:$0x0] =	wrdreg $0x0  }
0xa8: {  	s4 =	sshll.u32 s28, $0x1;
	[dreg:$0x2] =	wrdreg s2  }
0xa9: {  	[dreg:$0x3] =	wrdreg s4  }
0xaa: {  	[dreg:$0x4] =	wrdreg $0xC0  }
0xab: {  	_ =	task [dreg:s6], $0x5FFFF  }
0xac: {  	[dreg:$0x1] =	wrdreg $0xFFFFFFFF  }
0xad: {  	[dreg:$0x0] =	wrdreg $0x60  }
0xae: {  	[dreg:$0x2] =	wrdreg s24  }
0xaf: {  	[dreg:$0x3] =	wrdreg $0xA4000  }
0xb0: {  	[dreg:$0x4] =	wrdreg $0x9  }
0xb1: {  	_ =	task.clear_ibuf [dreg:s6], $0x5FFFF;
	_ =	strace $0x9000004F  }
0xb2: {  	s29 =	simm.s32 $0x9;
	_ =	strace $0x80000051  }
0xb3: {  	_ =	swait.ge [sflag:s29], $0x1  }
0xb4: {  	[sflag:s29] =	ssyncadd.s32 $0xFFFFFFFF  }
0xb5: {  	_ =	strace $0x90000051  }
0xb6: {  	_ =	sfence  }
0xb7: {  	s30 =	sld [smem:$0x0];
	_ =	sdelay $0x2  }
0xb8: {  	s31 =	sshll.u32 s1, $0xD;
	s1 =	sshrl.u32 s1, $0x2  }
0xb9: {  	s3 =	sand.u32 $0x4000, s31;
	s1 =	sadd.s32 s1, s30  }
0xba: {  	s0 =	sor.u32 s3, s0;
	s1 =	sshll.u32 s1, $0x11  }
0xbb: {  	s0 =	sor.u32 s1, s0  }
0xbc: {  	s0 =	sadd.s32 $0x8F2B, s0  }
0xbd: {  	[sflag:s0] =	ssyncadd.remote.s32 $0x1  }
0xbe: {  	_ =	sfence.sel $0xFFFF  }
0xbf: {  	[dreg:$0x0] =	wrdreg $0xFFFFFFFF;
	(pc) =	sbr.abs _section_cstart, $3  }
0xc0: {  	[dreg:$0x1] =	wrdreg $0xFFFFFFFF  }
0xc1: {  	_ =	task.clear_ibuf [dreg:s6], $0x2FFFF;
	_ =	strace $0x9FFFFFFF  }
0xc2: {  	(tm) =	ssettm $0x7FFFFFFF  }
0xc3: {  	_ =	shalt  }
tec
execute0_lowered:
.L_overlay_start_1:
0x0: {  	(tag) =	ssettag $0x1  }
0x1: {  	s0 =	rddreg [dreg:$0x0]  }
0x2: {  	s1 =	rddreg [dreg:$0x1];
	s2 =	simm.s32 $0x0;
	s11 =	stileid.u32  }
0x3: {  	s10 =	srdreg.scid;
	s29 =	simm.s32 $0x400;
	s30 =	simm.s32 $0x200  }
0x4: {  	s31 =	simm.s32 $0xA0;
	[smem:$0x7FF] =	sst s2;
	s3 =	smul.u32 $0x2700, s11  }
0x5: {  	s4 =	sadd.s32 $0xAD600, s0;
	s5 =	sadd.s32 $0x8E200, s0;
	s12 =	smul.u32 $0x7D00, s11  }
0x6: {  	s6 =	sadd.s32 $0xBD000, s0;
	s7 =	sadd.s32 $0x9DC00, s0;
	s15 =	smul.u32 $0x280, s11  }
0x7: {  	s8 =	sadd.s32 $0x3EE00, s0;
	s9 =	sadd.s32 $0xCCA00, s0;
	s17 =	smul.u32 $0x4E000, s11  }
0x8: {  	s10 =	sand.u32 $0x1, s10;
	s18 =	sadd.s32 $0x66000, s0;
	s24 =	smul.u32 $0x7D0, s11  }
0x9: {  	s19 =	sadd.s32 $0x168E00, s0;
	s26 =	smul.u32 $0xFA0, s11;
	p1 =	sne.s32 s11, $0xF  }
0xa: {  	p2 =	seq.s32 s11, $0xF;
	_ =	strace $0x80000050;
	[dreg:$0x3] =	wrdreg s18  }
0xb: {  	s14 =	ssub.s32 $0x2, s10;
	p0 =	seq.s32 s10, $0x1;
	[dreg:$0x4] =	wrdreg s19  }
0xc: {  	s13 =	sadd.s32 s3, s0;
	s16 =	sshrl.u32 s14, $0x1;
	s12 =	sand.u32 $0x7F800, s12  }
0xd: {  	s28 =	sand.u32 $0x380, s15;
	s15 =	sshrl.u32 s17, $0x2;
	s0 =	sadd.s32 $0x3EC00, s0  }
0xe: {  	s23 =	sadd.s32 s18, s3;
	s3 =	sadd.s32 s19, s3;
	[dreg:$0x7] =	wrdreg s0  }
0xf: {  	s24 =	sadd.s32 $0x10, s24;
	s16 =	ssub.s32 s14, s16;
	[dreg:$0xa] =	wrdreg s23  }
0x10: {  	s14 =	sor.u32 s28, s12;
	s10 =	sadd.s32 s15, s1;
	[dreg:$0xd] =	wrdreg s3  }
0x11: {  	s17 =	sadd.s32 $0x17C00, s13;
	[dreg:$0x5] =	wrdreg s10;
	s20 =	sshrl.u32 s14, $0x3  }
0x12: {  	s28 =	sshll.u32 s11, $0x6;
	[dreg:$0x6] =	wrdreg s17;
	s21 =	sadd.s32 s4, s20  }
.Ltmp0:
0x13: {  	s22 =	sadd.s32 s5, s20;
	[dreg:$0x8] =	wrdreg s21;
	(pc) =	sbr.rel .LBB2_1-.Ltmp0, $4  }
0x14: {  	s0 =	simm.s32 $0x1;
	s25 =	sadd.s32 s6, s20;
	[dreg:$0x9] =	wrdreg s22  }
0x15: {  	s3 =	simm.s32 $0x4;
	s10 =	sadd.s32 s7, s20;
	[dreg:$0xb] =	wrdreg s25  }
0x16: {  	s14 =	sadd.s32 $0x138000, s1;
	s23 =	sor.u32 $0x1C03, s28;
	[dreg:$0xc] =	wrdreg s10  }
0x17: {  	s22 =	smax.u32 s16, $0x1;
	s25 =	sadd.s32 $0x20, s26;
	s26 =	simm.s32 $0x3  }
.LBB2_8:
0x18: {  	s10 =	sadd.s32 $0x27000, s10;
	s11 =	sshrl.u32 s14, $0x3  }
0x19: {  	[hbm:s10], [sflag:s23] =	dma.local [spmem:s11], $0x100  }
0x1a: {  	_ =	swait.ge [sflag:s26], $0x100  }
0x1b: {  	[sflag:s26] =	ssyncset.done $0x0  }
0x1c: {  	[sflag:s26] =	ssyncadd.s32 $0xFFFFFF00  }
.LBB2_9:
0x1d: {  	s2 =	sadd.s32 $0x1, s2  }
0x1e: {  	p3 =	sne.s32 s2, s22  }
.Ltmp1:
0x1f: {  	_ = 	snop;
	(pc) =	sbr.rel @!p3 .LBB2_10-.Ltmp1, $1  }
0x20: {  	_ =	sdelay $0x3  }
.LBB2_1:
0x21: {  	s10 =	rddreg [dreg:$0x5]  }
.Ltmp2:
0x22: {  	s28 =	rddreg [dreg:$0x6];
	s16 =	sshrl.u32 s10, $0x3;
	(pc) =	sbr.rel @!p0 .LBB2_2-.Ltmp2, $4  }
0x23: {  	[spmem:s16], [sflag:s23] =	dma.local [hbm:s28], $0x2700  }
0x24: {  	_ =	swait.ge [sflag:s26], $0x2700  }
0x25: {  	[sflag:s26] =	ssyncset.done $0x0  }
0x26: {  	s10 =	sshrl.u32 @!p1 s14, $0x3;
	[sflag:s26] =	ssyncadd.s32 $0xFFFFD900  }
0x27: {  	s11 =	rddreg [dreg:$0x7]  }
0x28: {  	[spmem:s10], [sflag:s23] =	dma.local @!p1 [hbm:s11], $0x100  }
0x29: {  	s10 =	simm.s32 @!p1 $0x3  }
0x2a: {  	_ =	swait.ge @!p1 [sflag:s10], $0x100  }
0x2b: {  	[sflag:s10] =	ssyncset.done @!p1 $0x0  }
0x2c: {  	[sflag:s10] =	ssyncadd.s32 @!p1 $0xFFFFFF00  }
0x2d: {  	[bflag:$0x0] =	sbarrier.arrive $0xFFFF  }
0x2e: {  	s19 =	simm.s32 $0x0;
	s12 =	simm.s32 $0x80;
	s20 =	rddreg [dreg:$0xb]  }
0x2f: {  	[tilespmem:s19], [sflag:$0x3] =	stream.strided.gather [hbm4b:s20+s12], $0x100, s29, s12, $0x38;
	[tilespmem:$0x1DC80] =	vst v63  }
0x30: {  	_ =	swait.ge [sflag:s26], $0x100  }
0x31: {  	[sflag:s26] =	ssyncset.done $0x0  }
0x32: {  	s10 =	sand.u32 $0x1, s19;
	s21 =	rddreg [dreg:$0xc];
	[sflag:s26] =	ssyncadd.s32 $0xFFFFFF00  }
0x33: {  	[tilespmem:s30], [sflag:$0x3] =	stream.strided.gather [hbm4b:s21+s12], $0x100, s29, s12, $0x38;
	[tilespmem:$0x1DC80] =	vst v63  }
0x34: {  	p3 =	seq.s32 s10, $0x1;
	_ =	swait.ge [sflag:s26], $0x100  }
0x35: {  	s10 =	sand.u32 @p3 $0x3FF00, s25;
	s11 =	sand.u32 @p3 $0x70, s24;
	[sflag:s26] =	ssyncset.done $0x0  }
0x36: {  	s13 =	simm.s32 @p3 $0x80;
	s10 =	sor.u32 @p3 s11, s10;
	[sflag:s26] =	ssyncadd.s32 $0xFFFFFF00  }
0x37: {  	[tilespmem:s29], [sflag:$0x1] =	stream.indirect.gather [hbm4b:s9+s31], $0x80, s19, s31, $0xb8;
	[tilespmem:$0x1DC80] =	vst v63  }
0x38: {  	s15 =	simm.s32 @p3 $0x400;
	s11 =	simm.s32 @p3 $0x0;
	s12 =	sadd.s32 @p3 s6, s10  }
0x39: {  	[tilespmem:s11], [sflag:$0x2] =	stream.strided.gather @p3 [hbm4b:s12+s13], $0x100, s15, s13, $0x38;
	[tilespmem:$0x1DC80] =	vst v63  }
0x3a: {  	s17 =	simm.s32 @p3 $0x1;
	s10 =	sadd.s32 @p3 s7, s10;
	s12 =	simm.s32 @p3 $0x200  }
0x3b: {  	[tilespmem:s12], [sflag:$0x2] =	stream.strided.gather @p3 [hbm4b:s10+s13], $0x100, s15, s13, $0x38;
	[tilespmem:$0x1DC80] =	vst v63  }
0x3c: {  	_ =	swait.ge @p3 [sflag:s17], $0x5000  }
0x3d: {  	[sflag:s17] =	ssyncset.done @p3 $0x0  }
0x3e: {  	s10 =	simm.s32 @p3 $0x2;
	[sflag:s17] =	ssyncadd.s32 @p3 $0xFFFFB000  }
0x3f: {  	_ =	swait.ge @p3 [sflag:s10], $0x100  }
0x40: {  	[sflag:s10] =	ssyncset.done @p3 $0x0  }
0x41: {  	[sflag:s10] =	ssyncadd.s32 @p3 $0xFFFFFF00  }
0x42: {  	_ =	swait.ge @p3 [sflag:s10], $0x100  }
0x43: {  	s12 =	sand.u32 @!p3 $0x3FF00, s25;
	s13 =	sand.u32 @!p3 $0x70, s24;
	[sflag:s10] =	ssyncset.done @p3 $0x0  }
0x44: {  	s12 =	sor.u32 @!p3 s13, s12;
	[sflag:s10] =	ssyncadd.s32 @p3 $0xFFFFFF00;
	s10 =	simm.s32 @p3 $0xA0  }
0x45: {  	[tilespmem:s15], [sflag:$0x1] =	stream.indirect.gather @p3 [hbm4b:s9+s10], $0x80, s11, s10, $0xb8;
	[tilespmem:$0x1DC80] =	vst v63  }
0x46: {  	s13 =	simm.s32 @p3 $0x300;
	s11 =	sadd.s32 @!p3 s6, s12;
	s15 =	simm.s32 @p3 $0x5400  }
0x47: {  	[spmem:s1] =	stream.indirect.scatter.add.f32 @p3 [tilespmem:s15], [sflag:$0x3], $0x80, s13, s10, $0xb8;
	[tilespmem:$0x1DC80] =	vst v63  }
0x48: {  	s10 =	simm.s32 @!p3 $0x80;
	s13 =	simm.s32 @!p3 $0x400;
	s15 =	simm.s32 @!p3 $0x100  }
0x49: {  	[tilespmem:s15], [sflag:$0x2] =	stream.strided.gather @!p3 [hbm4b:s11+s10], $0x100, s13, s10, $0x38;
	[tilespmem:$0x1DC80] =	vst v63  }
0x4a: {  	s17 =	simm.s32 @!p3 $0x1;
	s11 =	sadd.s32 @!p3 s7, s12;
	s12 =	simm.s32 @!p3 $0x300  }
0x4b: {  	[tilespmem:s12], [sflag:$0x2] =	stream.strided.gather @!p3 [hbm4b:s11+s10], $0x100, s13, s10, $0x38;
	[tilespmem:$0x1DC80] =	vst v63  }
0x4c: {  	_ =	swait.ge @!p3 [sflag:s17], $0x5000  }
0x4d: {  	[sflag:s17] =	ssyncset.done @!p3 $0x0  }
0x4e: {  	s10 =	simm.s32 @!p3 $0x2;
	[sflag:s17] =	ssyncadd.s32 @!p3 $0xFFFFB000  }
0x4f: {  	_ =	swait.ge @!p3 [sflag:s10], $0x100  }
0x50: {  	[sflag:s10] =	ssyncset.done @!p3 $0x0  }
0x51: {  	[sflag:s10] =	ssyncadd.s32 @!p3 $0xFFFFFF00  }
0x52: {  	s28 =	simm.s32 $0x1;
	s20 =	simm.s32 @!p3 $0x4;
	_ =	swait.ge @!p3 [sflag:s10], $0x100  }
0x53: {  	s18 =	sadd.s32 $0x10, s24;
	s20 =	simm.s32 @p3 $0x3;
	[sflag:s10] =	ssyncset.done @!p3 $0x0  }
0x54: {  	s12 =	simm.s32 @!p3 $0x5400;
	[sflag:s10] =	ssyncadd.s32 @!p3 $0xFFFFFF00;
	s10 =	simm.s32 @!p3 $0xA0  }
0x55: {  	[tilespmem:s12], [sflag:$0x1] =	stream.indirect.gather @!p3 [hbm4b:s9+s10], $0x80, s15, s10, $0xb8;
	[tilespmem:$0x1DC80] =	vst v63  }
0x56: {  	s19 =	simm.s32 $0x2;
	s11 =	sand.u32 $0x1, s28;
	s12 =	simm.s32 @!p3 $0x200  }
0x57: {  	[spmem:s1] =	stream.indirect.scatter.add.f32 @!p3 [tilespmem:s13], [sflag:$0x4], $0x80, s12, s10, $0xb8;
	[tilespmem:$0x1DC80] =	vst v63  }
0x58: {  	s17 =	sadd.s32 $0x20, s25;
	p3 =	seq.s32 s11, $0x1;
	_ =	swait.ge [sflag:s20], $0x5000  }
0x59: {  	s21 =	sand.u32 @p3 $0x3FF00, s17;
	s10 =	sand.u32 @p3 $0x70, s18;
	[sflag:s20] =	ssyncset.done $0x0  }
.LBB2_6:
0x5a: {  	s10 =	sor.u32 @p3 s10, s21  }
0x5b: {  	s11 =	simm.s32 @p3 $0x0;
	[sflag:s20] =	ssyncadd.s32 $0xFFFFB000;
	s21 =	smov.u32 s19  }
0x5c: {  	s13 =	simm.s32 @p3 $0x80;
	s15 =	simm.s32 @p3 $0x400;
	s12 =	sadd.s32 @p3 s6, s10  }
0x5d: {  	[tilespmem:s11], [sflag:$0x2] =	stream.strided.gather @p3 [hbm4b:s12+s13], $0x100, s15, s13, $0x38;
	[tilespmem:$0x1DC80] =	vst v63  }
0x5e: {  	s28 =	simm.s32 @p3 $0x1;
	s10 =	sadd.s32 @p3 s7, s10;
	s12 =	simm.s32 @p3 $0x200  }
0x5f: {  	[tilespmem:s12], [sflag:$0x2] =	stream.strided.gather @p3 [hbm4b:s10+s13], $0x100, s15, s13, $0x38;
	[tilespmem:$0x1DC80] =	vst v63  }
0x60: {  	s10 =	sand.u32 @!p3 $0x3FF00, s17;
	s12 =	sand.u32 @!p3 $0x70, s18;
	_ =	swait.ge @p3 [sflag:s28], $0x5000  }
0x61: {  	s20 =	simm.s32 @!p3 $0x4;
	s10 =	sor.u32 @!p3 s12, s10;
	[sflag:s28] =	ssyncset.done @p3 $0x0  }
0x62: {  	s12 =	simm.s32 @p3 $0x2;
	s13 =	sadd.s32 @!p3 s6, s10;
	[sflag:s28] =	ssyncadd.s32 @p3 $0xFFFFB000  }
0x63: {  	s19 =	sadd.s32 $0x1, s19;
	s10 =	sadd.s32 @!p3 s7, s10;
	_ =	swait.ge @p3 [sflag:s12], $0x100  }
0x64: {  	p4 =	sne.s32 s19, $0x7C;
	[sflag:s12] =	ssyncset.done @p3 $0x0  }
0x65: {  	[sflag:s12] =	ssyncadd.s32 @p3 $0xFFFFFF00  }
0x66: {  	_ =	swait.ge @p3 [sflag:s12], $0x100  }
0x67: {  	[sflag:s12] =	ssyncset.done @p3 $0x0  }
0x68: {  	[sflag:s12] =	ssyncadd.s32 @p3 $0xFFFFFF00;
	s12 =	simm.s32 @p3 $0xA0  }
0x69: {  	[tilespmem:s15], [sflag:$0x1] =	stream.indirect.gather @p3 [hbm4b:s9+s12], $0x80, s11, s12, $0xb8;
	[tilespmem:$0x1DC80] =	vst v63  }
0x6a: {  	s11 =	simm.s32 @p3 $0x300;
	s15 =	simm.s32 @p3 $0x5400  }
0x6b: {  	[spmem:s1] =	stream.indirect.scatter.add.f32 @p3 [tilespmem:s15], [sflag:$0x3], $0x80, s11, s12, $0xb8;
	[tilespmem:$0x1DC80] =	vst v63  }
0x6c: {  	s11 =	simm.s32 @!p3 $0x80;
	s12 =	simm.s32 @!p3 $0x400;
	s15 =	simm.s32 @!p3 $0x100  }
0x6d: {  	[tilespmem:s15], [sflag:$0x2] =	stream.strided.gather @!p3 [hbm4b:s13+s11], $0x100, s12, s11, $0x38;
	[tilespmem:$0x1DC80] =	vst v63  }
0x6e: {  	s28 =	simm.s32 @!p3 $0x1;
	s13 =	simm.s32 @!p3 $0x300  }
0x6f: {  	[tilespmem:s13], [sflag:$0x2] =	stream.strided.gather @!p3 [hbm4b:s10+s11], $0x100, s12, s11, $0x38;
	[tilespmem:$0x1DC80] =	vst v63  }
0x70: {  	_ =	swait.ge @!p3 [sflag:s28], $0x5000  }
0x71: {  	[sflag:s28] =	ssyncset.done @!p3 $0x0  }
0x72: {  	s10 =	simm.s32 @!p3 $0x2;
	[sflag:s28] =	ssyncadd.s32 @!p3 $0xFFFFB000  }
0x73: {  	_ =	swait.ge @!p3 [sflag:s10], $0x100  }
0x74: {  	[sflag:s10] =	ssyncset.done @!p3 $0x0  }
0x75: {  	[sflag:s10] =	ssyncadd.s32 @!p3 $0xFFFFFF00  }
0x76: {  	_ =	swait.ge @!p3 [sflag:s10], $0x100  }
0x77: {  	s17 =	sadd.s32 $0x20, s17;
	[sflag:s10] =	ssyncset.done @!p3 $0x0  }
0x78: {  	s11 =	simm.s32 @!p3 $0x5400;
	[sflag:s10] =	ssyncadd.s32 @!p3 $0xFFFFFF00;
	s10 =	simm.s32 @!p3 $0xA0  }
0x79: {  	[tilespmem:s11], [sflag:$0x1] =	stream.indirect.gather @!p3 [hbm4b:s9+s10], $0x80, s15, s10, $0xb8;
	[tilespmem:$0x1DC80] =	vst v63  }
.Ltmp3:
0x7a: {  	_ = 	snop;
	(pc) =	sbr.rel @p4 .LBB2_6-.Ltmp3, $4  }
0x7b: {  	s20 =	simm.s32 @p3 $0x3;
	s13 =	simm.s32 @!p3 $0x200;
	s11 =	sand.u32 $0x1, s21  }
0x7c: {  	[spmem:s1] =	stream.indirect.scatter.add.f32 @!p3 [tilespmem:s12], [sflag:$0x4], $0x80, s13, s10, $0xb8;
	[tilespmem:$0x1DC80] =	vst v63  }
0x7d: {  	s18 =	sadd.s32 $0x10, s18;
	p3 =	seq.s32 s11, $0x1;
	_ =	swait.ge [sflag:s20], $0x5000  }
0x7e: {  	s21 =	sand.u32 @p3 $0x3FF00, s17;
	s10 =	sand.u32 @p3 $0x70, s18;
	[sflag:s20] =	ssyncset.done $0x0  }
0x7f: {  	s10 =	sor.u32 @p3 s10, s21;
	s11 =	simm.s32 @p3 $0x0;
	[sflag:s20] =	ssyncadd.s32 $0xFFFFB000  }
0x80: {  	s13 =	simm.s32 @p3 $0x80;
	s15 =	simm.s32 @p3 $0x400;
	s12 =	sadd.s32 @p3 s6, s10  }
0x81: {  	[tilespmem:s11], [sflag:$0x2] =	stream.strided.gather @p3 [hbm4b:s12+s13], $0x100, s15, s13, $0x38;
	[tilespmem:$0x1DC80] =	vst v63  }
0x82: {  	s19 =	simm.s32 @p3 $0x1;
	s10 =	sadd.s32 @p3 s7, s10;
	s12 =	simm.s32 @p3 $0x200  }
0x83: {  	[tilespmem:s12], [sflag:$0x2] =	stream.strided.gather @p3 [hbm4b:s10+s13], $0x100, s15, s13, $0x38;
	[tilespmem:$0x1DC80] =	vst v63  }
0x84: {  	_ =	swait.ge @p3 [sflag:s19], $0x5000  }
0x85: {  	[sflag:s19] =	ssyncset.done @p3 $0x0  }
0x86: {  	s10 =	simm.s32 @p3 $0x2;
	[sflag:s19] =	ssyncadd.s32 @p3 $0xFFFFB000  }
0x87: {  	_ =	swait.ge @p3 [sflag:s10], $0x100  }
0x88: {  	[sflag:s10] =	ssyncset.done @p3 $0x0  }
0x89: {  	[sflag:s10] =	ssyncadd.s32 @p3 $0xFFFFFF00  }
0x8a: {  	_ =	swait.ge @p3 [sflag:s10], $0x100  }
0x8b: {  	s12 =	sand.u32 @!p3 $0x3FF00, s17;
	s13 =	sand.u32 @!p3 $0x70, s18;
	[sflag:s10] =	ssyncset.done @p3 $0x0  }
0x8c: {  	s12 =	sor.u32 @!p3 s13, s12;
	[sflag:s10] =	ssyncadd.s32 @p3 $0xFFFFFF00;
	s10 =	simm.s32 @p3 $0xA0  }
0x8d: {  	[tilespmem:s15], [sflag:$0x1] =	stream.indirect.gather @p3 [hbm4b:s9+s10], $0x80, s11, s10, $0xb8;
	[tilespmem:$0x1DC80] =	vst v63  }
0x8e: {  	s13 =	simm.s32 @p3 $0x300;
	s11 =	sadd.s32 @!p3 s6, s12;
	s15 =	simm.s32 @p3 $0x5400  }
0x8f: {  	[spmem:s1] =	stream.indirect.scatter.add.f32 @p3 [tilespmem:s15], [sflag:$0x3], $0x80, s13, s10, $0xb8;
	[tilespmem:$0x1DC80] =	vst v63  }
0x90: {  	s10 =	simm.s32 @!p3 $0x80;
	s13 =	simm.s32 @!p3 $0x400;
	s15 =	simm.s32 @!p3 $0x100  }
0x91: {  	[tilespmem:s15], [sflag:$0x2] =	stream.strided.gather @!p3 [hbm4b:s11+s10], $0x100, s13, s10, $0x38;
	[tilespmem:$0x1DC80] =	vst v63  }
0x92: {  	s17 =	simm.s32 @!p3 $0x1;
	s11 =	sadd.s32 @!p3 s7, s12;
	s12 =	simm.s32 @!p3 $0x300  }
0x93: {  	[tilespmem:s12], [sflag:$0x2] =	stream.strided.gather @!p3 [hbm4b:s11+s10], $0x100, s13, s10, $0x38;
	[tilespmem:$0x1DC80] =	vst v63  }
0x94: {  	_ =	swait.ge @!p3 [sflag:s17], $0x5000  }
0x95: {  	[sflag:s17] =	ssyncset.done @!p3 $0x0  }
0x96: {  	s10 =	simm.s32 @!p3 $0x2;
	[sflag:s17] =	ssyncadd.s32 @!p3 $0xFFFFB000  }
0x97: {  	_ =	swait.ge @!p3 [sflag:s10], $0x100  }
0x98: {  	[sflag:s10] =	ssyncset.done @!p3 $0x0  }
0x99: {  	[sflag:s10] =	ssyncadd.s32 @!p3 $0xFFFFFF00  }
0x9a: {  	_ =	swait.ge @!p3 [sflag:s10], $0x100  }
0x9b: {  	s11 =	simm.s32 @!p3 $0x4;
	[sflag:s10] =	ssyncset.done @!p3 $0x0  }
0x9c: {  	s12 =	simm.s32 @!p3 $0x5400;
	[sflag:s10] =	ssyncadd.s32 @!p3 $0xFFFFFF00;
	s10 =	simm.s32 @!p3 $0xA0  }
0x9d: {  	[tilespmem:s12], [sflag:$0x1] =	stream.indirect.gather @!p3 [hbm4b:s9+s10], $0x80, s15, s10, $0xb8;
	[tilespmem:$0x1DC80] =	vst v63  }
0x9e: {  	s11 =	simm.s32 @p3 $0x3;
	s12 =	simm.s32 @!p3 $0x200  }
0x9f: {  	[spmem:s1] =	stream.indirect.scatter.add.f32 @!p3 [tilespmem:s13], [sflag:$0x4], $0x80, s12, s10, $0xb8;
	[tilespmem:$0x1DC80] =	vst v63  }
0xa0: {  	_ =	swait.ge [sflag:s11], $0x5000  }
0xa1: {  	[sflag:s11] =	ssyncset.done $0x0  }
0xa2: {  	[sflag:s11] =	ssyncadd.s32 $0xFFFFB000  }
0xa3: {  	_ =	swait.ge [sflag:s0], $0x5000  }
0xa4: {  	[sflag:s0] =	ssyncset.done $0x0  }
0xa5: {  	[sflag:s0] =	ssyncadd.s32 $0xFFFFB000  }
0xa6: {  	[spmem:s1] =	stream.indirect.scatter.add.f32 [tilespmem:s29], [sflag:$0x4], $0x80, s30, s31, $0xb8;
	[tilespmem:$0x1DC80] =	vst v63  }
0xa7: {  	_ =	swait.ge [sflag:s3], $0x5000  }
0xa8: {  	[sflag:s3] =	ssyncset.done $0x0  }
0xa9: {  	[sflag:s3] =	ssyncadd.s32 $0xFFFFB000  }
0xaa: {  	[bflag:$0x0] =	sbarrier.arrive $0xFFFF  }
0xab: {  	s28 =	rddreg [dreg:$0xd]  }
0xac: {  	[hbm:s28], [sflag:s23] =	dma.local [spmem:s16], $0x2700  }
.Ltmp4:
0xad: {  	_ = 	snop;
	(pc) =	sbr.rel @p1 .LBB2_9-.Ltmp4, $4  }
.Ltmp5:
0xae: {  	_ = 	snop;
	(pc) =	sbr.rel @!p1 .LBB2_8-.Ltmp5, $4  }
0xaf: {  	_ =	swait.ge [sflag:s26], $0x2700  }
0xb0: {  	[sflag:s26] =	ssyncset.done $0x0  }
0xb1: {  	s10 =	rddreg [dreg:$0x4];
	[sflag:s26] =	ssyncadd.s32 $0xFFFFD900  }
0xb2: {  	_ = 	snop  }
.LBB2_2:
0xb3: {  	s11 =	rddreg [dreg:$0x7]  }
0xb4: {  	[spmem:s10], [sflag:s23] =	dma.local @!p1 [hbm:s11], $0x100  }
0xb5: {  	s10 =	simm.s32 @!p1 $0x3  }
0xb6: {  	_ =	swait.ge @!p1 [sflag:s10], $0x100  }
0xb7: {  	[sflag:s10] =	ssyncset.done @!p1 $0x0  }
0xb8: {  	[sflag:s10] =	ssyncadd.s32 @!p1 $0xFFFFFF00  }
0xb9: {  	[bflag:$0x0] =	sbarrier.arrive $0xFFFF  }
0xba: {  	s21 =	simm.s32 $0x0;
	s12 =	simm.s32 $0x80;
	s28 =	rddreg [dreg:$0x8]  }
0xbb: {  	[tilespmem:s21], [sflag:$0x3] =	stream.strided.gather [hbm4b:s28+s12], $0x100, s29, s12, $0x38;
	[tilespmem:$0x1DC80] =	vst v63  }
0xbc: {  	_ =	swait.ge [sflag:s26], $0x100  }
0xbd: {  	[sflag:s26] =	ssyncset.done $0x0  }
0xbe: {  	s10 =	sand.u32 $0x1, s21;
	s13 =	rddreg [dreg:$0x9];
	[sflag:s26] =	ssyncadd.s32 $0xFFFFFF00  }
0xbf: {  	[tilespmem:s30], [sflag:$0x3] =	stream.strided.gather [hbm4b:s13+s12], $0x100, s29, s12, $0x38;
	[tilespmem:$0x1DC80] =	vst v63  }
0xc0: {  	p3 =	seq.s32 s10, $0x1;
	_ =	swait.ge [sflag:s26], $0x100  }
0xc1: {  	s10 =	sand.u32 @p3 $0x3FF00, s25;
	s17 =	sand.u32 @p3 $0x70, s24;
	[sflag:s26] =	ssyncset.done $0x0  }
0xc2: {  	s19 =	simm.s32 @p3 $0x80;
	s10 =	sor.u32 @p3 s17, s10;
	[sflag:s26] =	ssyncadd.s32 $0xFFFFFF00  }
0xc3: {  	[tilespmem:s29], [sflag:$0x1] =	stream.indirect.gather [hbm4b:s8+s31], $0x80, s21, s31, $0xb8;
	[tilespmem:$0x1DC80] =	vst v63  }
0xc4: {  	s20 =	simm.s32 @p3 $0x400;
	s17 =	simm.s32 @p3 $0x0;
	s18 =	sadd.s32 @p3 s4, s10  }
0xc5: {  	[tilespmem:s17], [sflag:$0x2] =	stream.strided.gather @p3 [hbm4b:s18+s19], $0x100, s20, s19, $0x38;
	[tilespmem:$0x1DC80] =	vst v63  }
0xc6: {  	s10 =	sadd.s32 @p3 s5, s10;
	s21 =	simm.s32 @p3 $0x1;
	s18 =	simm.s32 @p3 $0x200  }
0xc7: {  	[tilespmem:s18], [sflag:$0x2] =	stream.strided.gather @p3 [hbm4b:s10+s19], $0x100, s20, s19, $0x38;
	[tilespmem:$0x1DC80] =	vst v63  }
0xc8: {  	_ =	swait.ge @p3 [sflag:s21], $0x5000  }
0xc9: {  	[sflag:s21] =	ssyncset.done @p3 $0x0  }
0xca: {  	s10 =	simm.s32 @p3 $0x2;
	[sflag:s21] =	ssyncadd.s32 @p3 $0xFFFFB000  }
0xcb: {  	_ =	swait.ge @p3 [sflag:s10], $0x100  }
0xcc: {  	[sflag:s10] =	ssyncset.done @p3 $0x0  }
0xcd: {  	[sflag:s10] =	ssyncadd.s32 @p3 $0xFFFFFF00  }
0xce: {  	_ =	swait.ge @p3 [sflag:s10], $0x100  }
0xcf: {  	s11 =	simm.s32 @!p3 $0x100;
	s18 =	sand.u32 @!p3 $0x3FF00, s25;
	[sflag:s10] =	ssyncset.done @p3 $0x0  }
0xd0: {  	s19 =	sand.u32 @!p3 $0x70, s24;
	[sflag:s10] =	ssyncadd.s32 @p3 $0xFFFFFF00;
	s10 =	simm.s32 @p3 $0xA0  }
0xd1: {  	[tilespmem:s20], [sflag:$0x1] =	stream.indirect.gather @p3 [hbm4b:s8+s10], $0x80, s17, s10, $0xb8;
	[tilespmem:$0x1DC80] =	vst v63  }
0xd2: {  	s18 =	sor.u32 @!p3 s19, s18;
	s19 =	simm.s32 @p3 $0x300;
	s20 =	simm.s32 @p3 $0x5400  }
0xd3: {  	[spmem:s1] =	stream.indirect.scatter.add.f32 @p3 [tilespmem:s20], [sflag:$0x3], $0x80, s19, s10, $0xb8;
	[tilespmem:$0x1DC80] =	vst v63  }
0xd4: {  	s21 =	simm.s32 @!p3 $0x400;
	s17 =	sadd.s32 @!p3 s4, s18;
	s10 =	simm.s32 @!p3 $0x80  }
0xd5: {  	[tilespmem:s11], [sflag:$0x2] =	stream.strided.gather @!p3 [hbm4b:s17+s10], $0x100, s21, s10, $0x38;
	[tilespmem:$0x1DC80] =	vst v63  }
0xd6: {  	s19 =	simm.s32 @!p3 $0x1;
	s17 =	sadd.s32 @!p3 s5, s18;
	s18 =	simm.s32 @!p3 $0x300  }
0xd7: {  	[tilespmem:s18], [sflag:$0x2] =	stream.strided.gather @!p3 [hbm4b:s17+s10], $0x100, s21, s10, $0x38;
	[tilespmem:$0x1DC80] =	vst v63  }
0xd8: {  	_ =	swait.ge @!p3 [sflag:s19], $0x5000  }
0xd9: {  	[sflag:s19] =	ssyncset.done @!p3 $0x0  }
0xda: {  	s10 =	simm.s32 @!p3 $0x2;
	[sflag:s19] =	ssyncadd.s32 @!p3 $0xFFFFB000  }
0xdb: {  	_ =	swait.ge @!p3 [sflag:s10], $0x100  }
0xdc: {  	[sflag:s10] =	ssyncset.done @!p3 $0x0  }
0xdd: {  	s15 =	simm.s32 $0x1;
	[sflag:s10] =	ssyncadd.s32 @!p3 $0xFFFFFF00  }
0xde: {  	s28 =	sand.u32 $0x1, s15;
	_ =	swait.ge @!p3 [sflag:s10], $0x100  }
0xdf: {  	s12 =	simm.s32 @!p3 $0x5400;
	s20 =	simm.s32 @!p3 $0x4;
	[sflag:s10] =	ssyncset.done @!p3 $0x0  }
0xe0: {  	s20 =	simm.s32 @p3 $0x3;
	[sflag:s10] =	ssyncadd.s32 @!p3 $0xFFFFFF00;
	s10 =	simm.s32 @!p3 $0xA0  }
0xe1: {  	[tilespmem:s12], [sflag:$0x1] =	stream.indirect.gather @!p3 [hbm4b:s8+s10], $0x80, s11, s10, $0xb8;
	[tilespmem:$0x1DC80] =	vst v63  }
0xe2: {  	s17 =	sadd.s32 $0x20, s25;
	s18 =	sadd.s32 $0x10, s24;
	s12 =	simm.s32 @!p3 $0x200  }
0xe3: {  	[spmem:s1] =	stream.indirect.scatter.add.f32 @!p3 [tilespmem:s21], [sflag:$0x4], $0x80, s12, s10, $0xb8;
	[tilespmem:$0x1DC80] =	vst v63  }
0xe4: {  	s19 =	simm.s32 $0x2;
	p3 =	seq.s32 s28, $0x1;
	_ =	swait.ge [sflag:s20], $0x5000  }
0xe5: {  	s21 =	sand.u32 @p3 $0x3FF00, s17;
	s10 =	sand.u32 @p3 $0x70, s18;
	[sflag:s20] =	ssyncset.done $0x0  }
.LBB2_3:
0xe6: {  	s10 =	sor.u32 @p3 s10, s21  }
0xe7: {  	s11 =	simm.s32 @p3 $0x0;
	[sflag:s20] =	ssyncadd.s32 $0xFFFFB000;
	s21 =	smov.u32 s19  }
0xe8: {  	s20 =	simm.s32 @p3 $0x80;
	s13 =	simm.s32 @p3 $0x400;
	s12 =	sadd.s32 @p3 s4, s10  }
0xe9: {  	[tilespmem:s11], [sflag:$0x2] =	stream.strided.gather @p3 [hbm4b:s12+s20], $0x100, s13, s20, $0x38;
	[tilespmem:$0x1DC80] =	vst v63  }
0xea: {  	s15 =	simm.s32 @p3 $0x1;
	s10 =	sadd.s32 @p3 s5, s10;
	s12 =	simm.s32 @p3 $0x200  }
0xeb: {  	[tilespmem:s12], [sflag:$0x2] =	stream.strided.gather @p3 [hbm4b:s10+s20], $0x100, s13, s20, $0x38;
	[tilespmem:$0x1DC80] =	vst v63  }
0xec: {  	s10 =	sand.u32 @!p3 $0x3FF00, s17;
	s12 =	sand.u32 @!p3 $0x70, s18;
	_ =	swait.ge @p3 [sflag:s15], $0x5000  }
0xed: {  	s20 =	simm.s32 @!p3 $0x4;
	s10 =	sor.u32 @!p3 s12, s10;
	[sflag:s15] =	ssyncset.done @p3 $0x0  }
0xee: {  	s12 =	simm.s32 @p3 $0x2;
	[sflag:s15] =	ssyncadd.s32 @p3 $0xFFFFB000;
	s15 =	sadd.s32 @!p3 s4, s10  }
0xef: {  	s19 =	sadd.s32 $0x1, s19;
	s10 =	sadd.s32 @!p3 s5, s10;
	_ =	swait.ge @p3 [sflag:s12], $0x100  }
0xf0: {  	p4 =	sne.s32 s19, $0x7C;
	[sflag:s12] =	ssyncset.done @p3 $0x0  }
0xf1: {  	[sflag:s12] =	ssyncadd.s32 @p3 $0xFFFFFF00  }
0xf2: {  	_ =	swait.ge @p3 [sflag:s12], $0x100  }
0xf3: {  	[sflag:s12] =	ssyncset.done @p3 $0x0  }
0xf4: {  	[sflag:s12] =	ssyncadd.s32 @p3 $0xFFFFFF00;
	s12 =	simm.s32 @p3 $0xA0  }
0xf5: {  	[tilespmem:s13], [sflag:$0x1] =	stream.indirect.gather @p3 [hbm4b:s8+s12], $0x80, s11, s12, $0xb8;
	[tilespmem:$0x1DC80] =	vst v63  }
0xf6: {  	s11 =	simm.s32 @p3 $0x300;
	s13 =	simm.s32 @p3 $0x5400  }
0xf7: {  	[spmem:s1] =	stream.indirect.scatter.add.f32 @p3 [tilespmem:s13], [sflag:$0x3], $0x80, s11, s12, $0xb8;
	[tilespmem:$0x1DC80] =	vst v63  }
0xf8: {  	s11 =	simm.s32 @!p3 $0x80;
	s12 =	simm.s32 @!p3 $0x400;
	s13 =	simm.s32 @!p3 $0x100  }
0xf9: {  	[tilespmem:s13], [sflag:$0x2] =	stream.strided.gather @!p3 [hbm4b:s15+s11], $0x100, s12, s11, $0x38;
	[tilespmem:$0x1DC80] =	vst v63  }
0xfa: {  	s28 =	simm.s32 @!p3 $0x1;
	s15 =	simm.s32 @!p3 $0x300  }
0xfb: {  	[tilespmem:s15], [sflag:$0x2] =	stream.strided.gather @!p3 [hbm4b:s10+s11], $0x100, s12, s11, $0x38;
	[tilespmem:$0x1DC80] =	vst v63  }
0xfc: {  	_ =	swait.ge @!p3 [sflag:s28], $0x5000  }
0xfd: {  	[sflag:s28] =	ssyncset.done @!p3 $0x0  }
0xfe: {  	s10 =	simm.s32 @!p3 $0x2;
	[sflag:s28] =	ssyncadd.s32 @!p3 $0xFFFFB000  }
0xff: {  	_ =	swait.ge @!p3 [sflag:s10], $0x100  }
0x100: {  	[sflag:s10] =	ssyncset.done @!p3 $0x0  }
0x101: {  	[sflag:s10] =	ssyncadd.s32 @!p3 $0xFFFFFF00  }
0x102: {  	_ =	swait.ge @!p3 [sflag:s10], $0x100  }
0x103: {  	s17 =	sadd.s32 $0x20, s17;
	[sflag:s10] =	ssyncset.done @!p3 $0x0  }
0x104: {  	s11 =	simm.s32 @!p3 $0x5400;
	[sflag:s10] =	ssyncadd.s32 @!p3 $0xFFFFFF00;
	s10 =	simm.s32 @!p3 $0xA0  }
0x105: {  	[tilespmem:s11], [sflag:$0x1] =	stream.indirect.gather @!p3 [hbm4b:s8+s10], $0x80, s13, s10, $0xb8;
	[tilespmem:$0x1DC80] =	vst v63  }
.Ltmp6:
0x106: {  	_ = 	snop;
	(pc) =	sbr.rel @p4 .LBB2_3-.Ltmp6, $4  }
0x107: {  	s20 =	simm.s32 @p3 $0x3;
	s11 =	sand.u32 $0x1, s21;
	s13 =	simm.s32 @!p3 $0x200  }
0x108: {  	[spmem:s1] =	stream.indirect.scatter.add.f32 @!p3 [tilespmem:s12], [sflag:$0x4], $0x80, s13, s10, $0xb8;
	[tilespmem:$0x1DC80] =	vst v63  }
0x109: {  	s18 =	sadd.s32 $0x10, s18;
	p3 =	seq.s32 s11, $0x1;
	_ =	swait.ge [sflag:s20], $0x5000  }
0x10a: {  	s21 =	sand.u32 @p3 $0x3FF00, s17;
	s10 =	sand.u32 @p3 $0x70, s18;
	[sflag:s20] =	ssyncset.done $0x0  }
0x10b: {  	s10 =	sor.u32 @p3 s10, s21;
	s11 =	simm.s32 @p3 $0x0;
	[sflag:s20] =	ssyncadd.s32 $0xFFFFB000  }
0x10c: {  	s13 =	simm.s32 @p3 $0x80;
	s15 =	simm.s32 @p3 $0x400;
	s12 =	sadd.s32 @p3 s4, s10  }
0x10d: {  	[tilespmem:s11], [sflag:$0x2] =	stream.strided.gather @p3 [hbm4b:s12+s13], $0x100, s15, s13, $0x38;
	[tilespmem:$0x1DC80] =	vst v63  }
0x10e: {  	s19 =	simm.s32 @p3 $0x1;
	s10 =	sadd.s32 @p3 s5, s10;
	s12 =	simm.s32 @p3 $0x200  }
0x10f: {  	[tilespmem:s12], [sflag:$0x2] =	stream.strided.gather @p3 [hbm4b:s10+s13], $0x100, s15, s13, $0x38;
	[tilespmem:$0x1DC80] =	vst v63  }
0x110: {  	_ =	swait.ge @p3 [sflag:s19], $0x5000  }
0x111: {  	[sflag:s19] =	ssyncset.done @p3 $0x0  }
0x112: {  	s10 =	simm.s32 @p3 $0x2;
	[sflag:s19] =	ssyncadd.s32 @p3 $0xFFFFB000  }
0x113: {  	_ =	swait.ge @p3 [sflag:s10], $0x100  }
0x114: {  	[sflag:s10] =	ssyncset.done @p3 $0x0  }
0x115: {  	[sflag:s10] =	ssyncadd.s32 @p3 $0xFFFFFF00  }
0x116: {  	_ =	swait.ge @p3 [sflag:s10], $0x100  }
0x117: {  	s12 =	sand.u32 @!p3 $0x3FF00, s17;
	s13 =	sand.u32 @!p3 $0x70, s18;
	[sflag:s10] =	ssyncset.done @p3 $0x0  }
0x118: {  	s12 =	sor.u32 @!p3 s13, s12;
	[sflag:s10] =	ssyncadd.s32 @p3 $0xFFFFFF00;
	s10 =	simm.s32 @p3 $0xA0  }
0x119: {  	[tilespmem:s15], [sflag:$0x1] =	stream.indirect.gather @p3 [hbm4b:s8+s10], $0x80, s11, s10, $0xb8;
	[tilespmem:$0x1DC80] =	vst v63  }
0x11a: {  	s13 =	simm.s32 @p3 $0x300;
	s11 =	sadd.s32 @!p3 s4, s12;
	s15 =	simm.s32 @p3 $0x5400  }
0x11b: {  	[spmem:s1] =	stream.indirect.scatter.add.f32 @p3 [tilespmem:s15], [sflag:$0x3], $0x80, s13, s10, $0xb8;
	[tilespmem:$0x1DC80] =	vst v63  }
0x11c: {  	s10 =	simm.s32 @!p3 $0x80;
	s13 =	simm.s32 @!p3 $0x400;
	s15 =	simm.s32 @!p3 $0x100  }
0x11d: {  	[tilespmem:s15], [sflag:$0x2] =	stream.strided.gather @!p3 [hbm4b:s11+s10], $0x100, s13, s10, $0x38;
	[tilespmem:$0x1DC80] =	vst v63  }
0x11e: {  	s17 =	simm.s32 @!p3 $0x1;
	s11 =	sadd.s32 @!p3 s5, s12;
	s12 =	simm.s32 @!p3 $0x300  }
0x11f: {  	[tilespmem:s12], [sflag:$0x2] =	stream.strided.gather @!p3 [hbm4b:s11+s10], $0x100, s13, s10, $0x38;
	[tilespmem:$0x1DC80] =	vst v63  }
0x120: {  	_ =	swait.ge @!p3 [sflag:s17], $0x5000  }
0x121: {  	[sflag:s17] =	ssyncset.done @!p3 $0x0  }
0x122: {  	s10 =	simm.s32 @!p3 $0x2;
	[sflag:s17] =	ssyncadd.s32 @!p3 $0xFFFFB000  }
0x123: {  	_ =	swait.ge @!p3 [sflag:s10], $0x100  }
0x124: {  	[sflag:s10] =	ssyncset.done @!p3 $0x0  }
0x125: {  	[sflag:s10] =	ssyncadd.s32 @!p3 $0xFFFFFF00  }
0x126: {  	_ =	swait.ge @!p3 [sflag:s10], $0x100  }
0x127: {  	s11 =	simm.s32 @!p3 $0x4;
	[sflag:s10] =	ssyncset.done @!p3 $0x0  }
0x128: {  	s12 =	simm.s32 @!p3 $0x5400;
	[sflag:s10] =	ssyncadd.s32 @!p3 $0xFFFFFF00;
	s10 =	simm.s32 @!p3 $0xA0  }
0x129: {  	[tilespmem:s12], [sflag:$0x1] =	stream.indirect.gather @!p3 [hbm4b:s8+s10], $0x80, s15, s10, $0xb8;
	[tilespmem:$0x1DC80] =	vst v63  }
0x12a: {  	s11 =	simm.s32 @p3 $0x3;
	s12 =	simm.s32 @!p3 $0x200  }
0x12b: {  	[spmem:s1] =	stream.indirect.scatter.add.f32 @!p3 [tilespmem:s13], [sflag:$0x4], $0x80, s12, s10, $0xb8;
	[tilespmem:$0x1DC80] =	vst v63  }
0x12c: {  	_ =	swait.ge [sflag:s11], $0x5000  }
0x12d: {  	[sflag:s11] =	ssyncset.done $0x0  }
0x12e: {  	[sflag:s11] =	ssyncadd.s32 $0xFFFFB000  }
0x12f: {  	_ =	swait.ge [sflag:s0], $0x5000  }
0x130: {  	[sflag:s0] =	ssyncset.done $0x0  }
0x131: {  	[sflag:s0] =	ssyncadd.s32 $0xFFFFB000  }
0x132: {  	[spmem:s1] =	stream.indirect.scatter.add.f32 [tilespmem:s29], [sflag:$0x4], $0x80, s30, s31, $0xb8;
	[tilespmem:$0x1DC80] =	vst v63  }
0x133: {  	_ =	swait.ge [sflag:s3], $0x5000  }
0x134: {  	[sflag:s3] =	ssyncset.done $0x0  }
0x135: {  	[sflag:s3] =	ssyncadd.s32 $0xFFFFB000  }
0x136: {  	[bflag:$0x0] =	sbarrier.arrive $0xFFFF  }
0x137: {  	s28 =	rddreg [dreg:$0xa]  }
0x138: {  	[hbm:s28], [sflag:s23] =	dma.local [spmem:s16], $0x2700  }
.Ltmp7:
0x139: {  	_ = 	snop;
	(pc) =	sbr.rel @p2 .LBB2_8-.Ltmp7, $4  }
.Ltmp8:
0x13a: {  	_ = 	snop;
	(pc) =	sbr.rel @!p2 .LBB2_9-.Ltmp8, $4  }
0x13b: {  	_ =	swait.ge [sflag:s26], $0x2700  }
0x13c: {  	[sflag:s26] =	ssyncset.done $0x0  }
0x13d: {  	s10 =	rddreg [dreg:$0x3];
	[sflag:s26] =	ssyncadd.s32 $0xFFFFD900  }
0x13e: {  	_ = 	snop  }
.LBB2_10:
0x13f: {  	_ =	sfence.sel $0x180000  }
0x140: {  	[bflag:$0x0] =	sbarrier.arrive $0xFFFF  }
0x141: {  	_ =	strace $0x90000050  }
0x142: {  	s0 =	stileid.u32;
	[bflag:$0x2] =	sbarrier.arrive $0xFFFF  }
0x143: {  	p0 =	sne.s32 s0, $0x0;
	s0 =	rddreg [dreg:$0x2]  }
0x144: {  	s0 =	sadd.s32 @!p0 $0x100000, s0  }
0x145: {  	[sflag:s0] =	ssyncadd.tile.s32 @!p0 $0x1;
	_ =	shalt  }
.Lfunc_end2:
_tile_overlayer_lowered:
.L_overlay_start_2:
0x146: {  	(tag) =	ssettag $0x2  }
0x147: {  	s0 =	rddreg [dreg:$0x0];
	s2 =	stileid.u32  }
0x148: {  	s1 =	rddreg [dreg:$0x1];
	p0 =	sne.s32 s2, $0x0  }
0x149: {  	s3 =	rddreg [dreg:$0x2];
	[bflag:$0x3] =	sbarrier.arrive $0xFFFF;
	s2 =	simm.s32 @!p0 $0x1C03  }
0x14a: {  	[timem:s3], [sflag:s2] =	dma.local @!p0 [hbm:s0], s1  }
0x14b: {  	s0 =	simm.s32 @!p0 $0x3  }
0x14c: {  	_ =	swait.ge @!p0 [sflag:s0], s1  }
0x14d: {  	s1 =	ssub.s32 @!p0 $0x0, s1;
	[sflag:s0] =	ssyncset.done @!p0 $0x0  }
0x14e: {  	[sflag:s0] =	ssyncadd.s32 @!p0 s1  }
0x14f: {  	[bflag:$0x3] =	sbarrier.arrive $0xFFFF  }
0x150: {  	_ =	shalt  }

</sc_bundles>
